<compile_context>
chip_gen: v7x
topology: tpu7x:2x2x1
jax: 0.10.2.dev20260603
libtpu: 0.0.44.dev20260713+nightly
codegen_flags: <defaults>
</compile_context>

<pallas_src>
import functools

import jax
import jax.numpy as jnp
from jax import lax
from jax.experimental import pallas as pl
from jax.experimental.pallas import tpu as pltpu
from jax.experimental.pallas import tpu_sc as plsc

_NUM_CORES = 2
_NUM_SUBCORES = 16
_NUM_WORKERS = _NUM_CORES * _NUM_SUBCORES
_CHUNK = 512
_LANE = 128
_SUB = 8


@functools.lru_cache(maxsize=None)
def _make_gather(n_b, n_t, d):
    n = n_b * n_t
    per_w = n // _NUM_WORKERS
    n_chunks = per_w // _CHUNK
    assert n_chunks % 2 == 0
    assert n_b % _LANE == 0 and d % _SUB == 0 and _CHUNK % _LANE == 0
    n_fb = d // _SUB
    tile_words = _SUB * _LANE
    units = _CHUNK // _LANE
    mesh = plsc.VectorSubcoreMesh(
        core_axis_name="c",
        subcore_axis_name="s",
        num_cores=_NUM_CORES,
        num_subcores=_NUM_SUBCORES,
    )

    @functools.partial(
        pl.kernel,
        mesh=mesh,
        compiler_params=pltpu.CompilerParams(
            use_tc_tiling_on_sc=False, needs_layout_passes=False),
        out_type=jax.ShapeDtypeStruct((n * d,), jnp.float32),
        scratch_types=[
            pltpu.VMEM((per_w,), jnp.int32),
            pltpu.VMEM((2, _CHUNK, d), jnp.float32),
            pltpu.VMEM((2, _CHUNK * d), jnp.float32),
            pltpu.SemaphoreType.DMA,
            pltpu.SemaphoreType.DMA,
            pltpu.SemaphoreType.DMA,
            pltpu.SemaphoreType.DMA,
        ],
    )
    def gather_kernel(idx_hbm, table_hbm, out_hbm, idx_v, rows_v, tile_v,
                      g0, g1, w0, w1):
        gsem = (g0, g1)
        wsem = (w0, w1)
        wid = lax.axis_index("s") * _NUM_CORES + lax.axis_index("c")
        base = wid * per_w

        pltpu.sync_copy(idx_hbm.at[pl.ds(pl.multiple_of(base, 8), per_w)], idx_v)

        io = lax.iota(jnp.int32, 16)
        blk = units * tile_words

        def issue_gather(c, s):
            pltpu.async_copy(
                table_hbm.at[idx_v.at[pl.ds(c * _CHUNK, _CHUNK)]],
                rows_v.at[s], gsem[s])

        def wait_gather(s):
            pltpu.make_async_copy(
                table_hbm.at[idx_v.at[pl.ds(0, _CHUNK)]], rows_v.at[s], gsem[s]
            ).wait()

        def transpose(s):
            rows_s = rows_v.at[s]
            tile_s = tile_v.at[s]

            @plsc.parallel_loop(0, d, unroll=4)
            def body(f):
                idx_c = f + io * 0
                wbase = (f // _SUB) * blk + (f % _SUB) * _LANE
                for u in range(units):
                    for grp in range(_LANE // 16):
                        idx_r = (u * _LANE + grp * 16) + io
                        v = plsc.load_gather(rows_s, [idx_r, idx_c])
                        woff = wbase + u * tile_words + grp * 16
                        tile_s[pl.ds(pl.multiple_of(woff, 16), 16)] = v

        def issue_write(c, s):
            j0 = base + c * _CHUNK
            t = j0 // n_b
            bb0 = (j0 % n_b) // _LANE
            blk = units * tile_words
            for fb in range(n_fb):
                dst = pl.multiple_of(((t * n_fb + fb) * (n_b // _LANE) + bb0)
                                     * tile_words, 8)
                pltpu.async_copy(
                    tile_v.at[s].at[pl.ds(fb * blk, blk)],
                    out_hbm.at[pl.ds(dst, blk)], wsem[s])

        def wait_write(s):
            pltpu.make_async_copy(
                tile_v.at[s], out_hbm.at[pl.ds(0, _CHUNK * d)], wsem[s]).wait()

        issue_gather(0, 0)

        def body(i, carry):
            for s in (0, 1):
                c = 2 * i + s
                wait_gather(s)
                @pl.when(c + 1 < n_chunks)
                def _():
                    issue_gather(c + 1, 1 - s)
                @pl.when(c >= 2)
                def _():
                    wait_write(s)
                transpose(s)
                issue_write(c, s)
            return carry

        lax.fori_loop(0, n_chunks // 2, body, 0)
        wait_write(0)
        wait_write(1)

    return gather_kernel


def kernel(X, weight):
    n_b, n_t = X.shape
    d = weight.shape[1]
    idx_t = jnp.swapaxes(X, 0, 1).reshape(-1)
    out1d = _make_gather(n_b, n_t, d)(idx_t, weight)
    arr5 = out1d.reshape(n_t, d // _SUB, n_b // _LANE, _SUB, _LANE)
    return arr5.transpose(2, 4, 0, 1, 3).reshape(n_b, n_t, d)

# --- scband reference (transcript-rebuilt; emitter-appended) ---
"""Pipeline reference for scband-word-embedding-44848048504953 (READ-ONLY COPY).

The authoritative reference and input builder live on the scoring server;
editing this copy changes nothing except your own understanding.
"""

import jax, jax.numpy as jnp
import numpy as np

NUM_EMBEDDINGS = 1000000
EMBEDDING_DIM = 32

def setup_inputs(seed: int = 0) -> dict:
    key = jax.random.key(seed)
    k1, k2 = jax.random.split(key)
    X = jax.random.randint(k1, (4096, 200), 0, NUM_EMBEDDINGS, dtype=jnp.int64 if jax.config.jax_enable_x64 else jnp.int32).astype(jnp.int32)
    weight = jax.random.normal(k2, (NUM_EMBEDDINGS, EMBEDDING_DIM), dtype=jnp.float32)
    # padding_idx=0: row 0 of the embedding table is zeroed (nn.Embedding padding_idx semantics)
    weight = weight.at[0].set(0.0)
    return {"X": X, "weight": weight}

def reference(X, weight):
    # Faithful translation of nn.Embedding(num_embeddings, embedding_dim, padding_idx=0)(X)
    # padding_idx only affects init (row zeroed) and grad; forward is a plain gather.
    return jnp.take(weight, X, axis=0)

if __name__ == "__main__":
    import jax
    _d = setup_inputs()
    print(jax.jit(kernel)(*tuple(_d.values())))

</pallas_src>

<mosaic_0001>
#map = affine_map<(d0, d1) -> (0)>
#map1 = affine_map<(d0, d1) -> (0, 0)>
module attributes {stable_mosaic.version = 14 : i64} {
  func.func @gather_kernel(%arg0: i32, %arg1: i32, %arg2: memref<819200xi32, #tpu.memory_space<hbm>>, %arg3: memref<1000000x32xf32, #tpu.memory_space<hbm>>, %arg4: memref<26214400xf32, #tpu.memory_space<hbm>>, %arg5: memref<25600xi32, #tpu.memory_space<vmem>>, %arg6: memref<2x512x32xf32, #tpu.memory_space<vmem>>, %arg7: memref<2x16384xf32, #tpu.memory_space<vmem>>, %arg8: memref<!tpu.dma_semaphore, #tpu.memory_space<semaphore_mem>>, %arg9: memref<!tpu.dma_semaphore, #tpu.memory_space<semaphore_mem>>, %arg10: memref<!tpu.dma_semaphore, #tpu.memory_space<semaphore_mem>>, %arg11: memref<!tpu.dma_semaphore, #tpu.memory_space<semaphore_mem>>) attributes {dimension_semantics = [#tpu.dimension_semantics<core_parallel>, #tpu.dimension_semantics<subcore_parallel>], iteration_bounds = array<i64: 2, 16>, scalar_prefetch = 0 : i64, scratch_operands = 7 : i64, tpu.core_type = #tpu.core_type<sc_vector_subcore>, window_params = [{transform_indices = #map}, {transform_indices = #map1}, {transform_indices = #map}]} {
    %mul3A = arith.constant 2 : i32
    %mul3A_0 = arith.muli %arg1, %mul3A : i32
    %add3A = arith.addi %mul3A_0, %arg0 : i32
    %mul3A_1 = arith.constant 25600 : i32
    %mul3A_2 = arith.muli %add3A, %mul3A_1 : i32
    %multiple_of3A = tpu.assume_multiple %mul3A_2, 8 : i32
    "tpu.region"() ({
      %run_scoped3A = tpu.sem_alloc : memref<!tpu.dma_semaphore, #tpu.memory_space<semaphore_mem>>
      %dma_start3A_38 = tpu.memref_slice %arg2[%multiple_of3A] : memref<819200xi32, #tpu.memory_space<hbm>> -> memref<25600xi32, #tpu.memory_space<hbm>>
      %dma_start3A_39 = tpu.memref_slice %arg2[%multiple_of3A] : memref<819200xi32, #tpu.memory_space<hbm>> -> memref<25600xi32, #tpu.memory_space<hbm>>
      tpu.enqueue_dma source(%dma_start3A_39 : memref<25600xi32, #tpu.memory_space<hbm>>) target(%arg5 : memref<25600xi32, #tpu.memory_space<vmem>>) target_semaphore(%run_scoped3A : memref<!tpu.dma_semaphore, #tpu.memory_space<semaphore_mem>>)
      %dma_wait3A_40 = tpu.memref_slice %arg2[%multiple_of3A] : memref<819200xi32, #tpu.memory_space<hbm>> -> memref<25600xi32, #tpu.memory_space<hbm>>
      %dma_wait3A_41 = tpu.memref_slice %arg2[%multiple_of3A] : memref<819200xi32, #tpu.memory_space<hbm>> -> memref<25600xi32, #tpu.memory_space<hbm>>
      tpu.wait_dma2 semaphore(%run_scoped3A : memref<!tpu.dma_semaphore, #tpu.memory_space<semaphore_mem>>) src(%dma_wait3A_41 : memref<25600xi32, #tpu.memory_space<hbm>>) dst(%arg5 : memref<25600xi32, #tpu.memory_space<vmem>>)
      tpu.yield
    }) : () -> ()
    %iota3A = tpu.iota {dimensions = array<i32: 0>} : vector<16xi32>
    %dma_start3A = arith.constant 0 : i32
    %dma_start3A_3 = arith.constant 0 : i32
    %dma_start3A_4 = arith.constant 0 : i32
    %dma_start3A_5 = tpu.memref_slice %arg6[%dma_start3A, %dma_start3A_3, %dma_start3A_4] : memref<2x512x32xf32, #tpu.memory_space<vmem>> -> memref<1x512x32xf32, #tpu.memory_space<vmem>>
    %dma_start3A_6 = tpu.memref_squeeze %dma_start3A_5 : memref<1x512x32xf32, #tpu.memory_space<vmem>> -> memref<512x32xf32, #tpu.memory_space<vmem>>
    %dma_start3A_7 = arith.constant 0 : i32
    %dma_start3A_8 = tpu.memref_slice %arg5[%dma_start3A_7] : memref<25600xi32, #tpu.memory_space<vmem>> -> memref<512xi32, #tpu.memory_space<vmem>>
    %dma_start3A_9 = arith.constant 0 : i32
    %dma_start3A_10 = arith.constant 0 : i32
    %dma_start3A_11 = tpu.memref_slice %arg3[%dma_start3A_9, %dma_start3A_10] : memref<1000000x32xf32, #tpu.memory_space<hbm>> -> memref<1000000x32xf32, #tpu.memory_space<hbm>>
    tpu.enqueue_indirect_dma source(%dma_start3A_11 : memref<1000000x32xf32, #tpu.memory_space<hbm>>) target(%dma_start3A_6 : memref<512x32xf32, #tpu.memory_space<vmem>>) offsets(%dma_start3A_8 : memref<512xi32, #tpu.memory_space<vmem>>) semaphore(%arg8 : memref<!tpu.dma_semaphore, #tpu.memory_space<semaphore_mem>>)
    %scan3A = arith.constant 0 : i32
    %scan3A_12 = arith.constant 0 : i32
    %scan3A_13 = arith.constant 25 : i32
    %scan3A_14 = arith.addi %scan3A_12, %scan3A_13 : i32
    %scan3A_15 = arith.constant 1 : i32
    scf.for %scan3A_38 = %scan3A_12 to %scan3A_14 step %scan3A_15  : i32 {
      %mul3A_39 = arith.constant 2 : i32
      %mul3A_40 = arith.muli %mul3A_39, %scan3A_38 : i32
      %add3A_41 = arith.constant 0 : i32
      %add3A_42 = arith.addi %mul3A_40, %add3A_41 : i32
      %dma_wait3A_43 = arith.constant 0 : i32
      %dma_wait3A_44 = arith.constant 0 : i32
      %dma_wait3A_45 = arith.constant 0 : i32
      %dma_wait3A_46 = tpu.memref_slice %arg6[%dma_wait3A_43, %dma_wait3A_44, %dma_wait3A_45] : memref<2x512x32xf32, #tpu.memory_space<vmem>> -> memref<1x512x32xf32, #tpu.memory_space<vmem>>
      %dma_wait3A_47 = tpu.memref_squeeze %dma_wait3A_46 : memref<1x512x32xf32, #tpu.memory_space<vmem>> -> memref<512x32xf32, #tpu.memory_space<vmem>>
      %dma_wait3A_48 = arith.constant 0 : i32
      %dma_wait3A_49 = tpu.memref_slice %arg5[%dma_wait3A_48] : memref<25600xi32, #tpu.memory_space<vmem>> -> memref<512xi32, #tpu.memory_space<vmem>>
      %dma_wait3A_50 = arith.constant 0 : i32
      %dma_wait3A_51 = arith.constant 0 : i32
      %dma_wait3A_52 = tpu.memref_slice %arg3[%dma_wait3A_50, %dma_wait3A_51] : memref<1000000x32xf32, #tpu.memory_space<hbm>> -> memref<1000000x32xf32, #tpu.memory_space<hbm>>
      tpu.wait_indirect_dma semaphore(%arg8 : memref<!tpu.dma_semaphore, #tpu.memory_space<semaphore_mem>>) src(%dma_wait3A_52 : memref<1000000x32xf32, #tpu.memory_space<hbm>>) dst(%dma_wait3A_47 : memref<512x32xf32, #tpu.memory_space<vmem>>)
      %add3A_53 = arith.constant 1 : i32
      %add3A_54 = arith.addi %add3A_42, %add3A_53 : i32
      %lt3A = arith.constant 50 : i32
      %lt3A_55 = arith.cmpi slt, %add3A_54, %lt3A : i32
      %convert_element_type3A = arith.extui %lt3A_55 : i1 to i32
      %cond3A = arith.constant 0 : i32
      %cond3A_56 = arith.cmpi ne, %convert_element_type3A, %cond3A : i32
      scf.if %cond3A_56 {
        %add3A_405 = arith.constant 1 : i32
        %add3A_406 = arith.addi %add3A_42, %add3A_405 : i32
        %mul3A_407 = arith.constant 512 : i32
        %mul3A_408 = arith.muli %add3A_406, %mul3A_407 : i32
        %dma_start3A_409 = arith.constant 1 : i32
        %dma_start3A_410 = arith.constant 0 : i32
        %dma_start3A_411 = arith.constant 0 : i32
        %dma_start3A_412 = tpu.memref_slice %arg6[%dma_start3A_409, %dma_start3A_410, %dma_start3A_411] : memref<2x512x32xf32, #tpu.memory_space<vmem>> -> memref<1x512x32xf32, #tpu.memory_space<vmem>>
        %dma_start3A_413 = tpu.memref_squeeze %dma_start3A_412 : memref<1x512x32xf32, #tpu.memory_space<vmem>> -> memref<512x32xf32, #tpu.memory_space<vmem>>
        %dma_start3A_414 = tpu.memref_slice %arg5[%mul3A_408] : memref<25600xi32, #tpu.memory_space<vmem>> -> memref<512xi32, #tpu.memory_space<vmem>>
        %dma_start3A_415 = arith.constant 0 : i32
        %dma_start3A_416 = arith.constant 0 : i32
        %dma_start3A_417 = tpu.memref_slice %arg3[%dma_start3A_415, %dma_start3A_416] : memref<1000000x32xf32, #tpu.memory_space<hbm>> -> memref<1000000x32xf32, #tpu.memory_space<hbm>>
        tpu.enqueue_indirect_dma source(%dma_start3A_417 : memref<1000000x32xf32, #tpu.memory_space<hbm>>) target(%dma_start3A_413 : memref<512x32xf32, #tpu.memory_space<vmem>>) offsets(%dma_start3A_414 : memref<512xi32, #tpu.memory_space<vmem>>) semaphore(%arg9 : memref<!tpu.dma_semaphore, #tpu.memory_space<semaphore_mem>>)
      } else {
      }
      %ge3A = arith.constant 2 : i32
      %ge3A_57 = arith.cmpi sge, %add3A_42, %ge3A : i32
      %convert_element_type3A_58 = arith.extui %ge3A_57 : i1 to i32
      %cond3A_59 = arith.constant 0 : i32
      %cond3A_60 = arith.cmpi ne, %convert_element_type3A_58, %cond3A_59 : i32
      scf.if %cond3A_60 {
        %dma_wait3A_405 = arith.constant 0 : i32
        %dma_wait3A_406 = arith.constant 0 : i32
        %dma_wait3A_407 = tpu.memref_slice %arg7[%dma_wait3A_405, %dma_wait3A_406] : memref<2x16384xf32, #tpu.memory_space<vmem>> -> memref<1x16384xf32, #tpu.memory_space<vmem>>
        %dma_wait3A_408 = tpu.memref_squeeze %dma_wait3A_407 : memref<1x16384xf32, #tpu.memory_space<vmem>> -> memref<16384xf32, #tpu.memory_space<vmem>>
        %dma_wait3A_409 = arith.constant 0 : i32
        %dma_wait3A_410 = tpu.memref_slice %arg4[%dma_wait3A_409] : memref<26214400xf32, #tpu.memory_space<hbm>> -> memref<16384xf32, #tpu.memory_space<hbm>>
        %dma_wait3A_411 = arith.constant 0 : i32
        %dma_wait3A_412 = tpu.memref_slice %arg4[%dma_wait3A_411] : memref<26214400xf32, #tpu.memory_space<hbm>> -> memref<16384xf32, #tpu.memory_space<hbm>>
        %dma_wait3A_413 = arith.constant 0 : i32
        %dma_wait3A_414 = tpu.memref_slice %arg7[%dma_wait3A_405, %dma_wait3A_413] : memref<2x16384xf32, #tpu.memory_space<vmem>> -> memref<1x16384xf32, #tpu.memory_space<vmem>>
        %dma_wait3A_415 = tpu.memref_squeeze %dma_wait3A_414 : memref<1x16384xf32, #tpu.memory_space<vmem>> -> memref<16384xf32, #tpu.memory_space<vmem>>
        tpu.wait_dma2 semaphore(%arg10 : memref<!tpu.dma_semaphore, #tpu.memory_space<semaphore_mem>>) src(%dma_wait3A_415 : memref<16384xf32, #tpu.memory_space<vmem>>) dst(%dma_wait3A_412 : memref<16384xf32, #tpu.memory_space<hbm>>)
      } else {
      }
      %parallel_loop3A = arith.constant 0 : i32
      %parallel_loop3A_61 = arith.constant 32 : i32
      %parallel_loop3A_62 = arith.constant 1 : i32
      %parallel_loop3A_63 = arith.constant 0 : i32
      %parallel_loop3A_64 = arith.constant 0 : i32
      scf.for %parallel_loop3A_405 = %parallel_loop3A to %parallel_loop3A_61 step %parallel_loop3A_62  : i32 {
        %parallel_loop3A_406 = arith.constant 0 : i32
        %parallel_loop3A_407 = vector.broadcast %parallel_loop3A_406 : i32 to vector<16xi32>
        %parallel_loop3A_408 = arith.muli %iota3A, %parallel_loop3A_407 : vector<16xi32>
        %parallel_loop3A_409 = vector.broadcast %parallel_loop3A_405 : i32 to vector<16xi32>
        %parallel_loop3A_410 = arith.addi %parallel_loop3A_409, %parallel_loop3A_408 : vector<16xi32>
        %parallel_loop3A_411 = arith.constant 8 : i32
        %parallel_loop3A_412 = arith.divsi %parallel_loop3A_405, %parallel_loop3A_411 : i32
        %parallel_loop3A_413 = arith.constant 0 : i32
        %parallel_loop3A_414 = arith.cmpi sgt, %parallel_loop3A_405, %parallel_loop3A_413 : i32
        %parallel_loop3A_415 = arith.extui %parallel_loop3A_414 : i1 to i32
        %parallel_loop3A_416 = arith.constant 0 : i32
        %parallel_loop3A_417 = arith.cmpi slt, %parallel_loop3A_405, %parallel_loop3A_416 : i32
        %parallel_loop3A_418 = arith.extui %parallel_loop3A_417 : i1 to i32
        %parallel_loop3A_419 = arith.subi %parallel_loop3A_415, %parallel_loop3A_418 : i32
        %parallel_loop3A_420 = arith.constant 0 : i32
        %parallel_loop3A_421 = arith.cmpi sgt, %parallel_loop3A_411, %parallel_loop3A_420 : i32
        %parallel_loop3A_422 = arith.extui %parallel_loop3A_421 : i1 to i32
        %parallel_loop3A_423 = arith.constant 0 : i32
        %parallel_loop3A_424 = arith.cmpi slt, %parallel_loop3A_411, %parallel_loop3A_423 : i32
        %parallel_loop3A_425 = arith.extui %parallel_loop3A_424 : i1 to i32
        %parallel_loop3A_426 = arith.subi %parallel_loop3A_422, %parallel_loop3A_425 : i32
        %parallel_loop3A_427 = arith.cmpi ne, %parallel_loop3A_419, %parallel_loop3A_426 : i32
        %parallel_loop3A_428 = arith.remsi %parallel_loop3A_405, %parallel_loop3A_411 : i32
        %parallel_loop3A_429 = arith.constant 0 : i32
        %parallel_loop3A_430 = arith.cmpi ne, %parallel_loop3A_428, %parallel_loop3A_429 : i32
        %parallel_loop3A_431 = arith.andi %parallel_loop3A_427, %parallel_loop3A_430 : i1
        %parallel_loop3A_432 = arith.constant 1 : i32
        %parallel_loop3A_433 = arith.subi %parallel_loop3A_412, %parallel_loop3A_432 : i32
        %parallel_loop3A_434 = arith.select %parallel_loop3A_431, %parallel_loop3A_433, %parallel_loop3A_412 : i32
        %parallel_loop3A_435 = arith.constant 4096 : i32
        %parallel_loop3A_436 = arith.muli %parallel_loop3A_434, %parallel_loop3A_435 : i32
        %parallel_loop3A_437 = arith.constant 8 : i32
        %parallel_loop3A_438 = arith.constant 0 : i32
        %parallel_loop3A_439 = arith.cmpi eq, %parallel_loop3A_437, %parallel_loop3A_438 : i32
        %parallel_loop3A_440 = arith.constant 1 : i32
        %parallel_loop3A_441 = arith.select %parallel_loop3A_439, %parallel_loop3A_440, %parallel_loop3A_437 : i32
        %parallel_loop3A_442 = arith.remsi %parallel_loop3A_405, %parallel_loop3A_441 : i32
        %parallel_loop3A_443 = arith.constant 0 : i32
        %parallel_loop3A_444 = arith.cmpi ne, %parallel_loop3A_442, %parallel_loop3A_443 : i32
        %parallel_loop3A_445 = arith.constant 0 : i32
        %parallel_loop3A_446 = arith.cmpi slt, %parallel_loop3A_442, %parallel_loop3A_445 : i32
        %parallel_loop3A_447 = arith.constant 0 : i32
        %parallel_loop3A_448 = arith.cmpi slt, %parallel_loop3A_441, %parallel_loop3A_447 : i32
        %parallel_loop3A_449 = arith.xori %parallel_loop3A_446, %parallel_loop3A_448 : i1
        %parallel_loop3A_450 = arith.andi %parallel_loop3A_449, %parallel_loop3A_444 : i1
        %parallel_loop3A_451 = arith.addi %parallel_loop3A_442, %parallel_loop3A_441 : i32
        %parallel_loop3A_452 = arith.select %parallel_loop3A_450, %parallel_loop3A_451, %parallel_loop3A_442 : i32
        %parallel_loop3A_453 = arith.constant 128 : i32
        %parallel_loop3A_454 = arith.muli %parallel_loop3A_452, %parallel_loop3A_453 : i32
        %parallel_loop3A_455 = arith.addi %parallel_loop3A_436, %parallel_loop3A_454 : i32
        %parallel_loop3A_456 = arith.constant 0 : i32
        %parallel_loop3A_457 = vector.broadcast %parallel_loop3A_456 : i32 to vector<16xi32>
        %parallel_loop3A_458 = arith.addi %parallel_loop3A_457, %iota3A : vector<16xi32>
        %parallel_loop3A_459 = arith.constant 0 : i32
        %parallel_loop3A_460 = arith.constant 0 : i32
        %parallel_loop3A_461 = tpu.memref_slice %arg6[%parallel_loop3A_63, %parallel_loop3A_459, %parallel_loop3A_460] : memref<2x512x32xf32, #tpu.memory_space<vmem>> -> memref<1x512x32xf32, #tpu.memory_space<vmem>>
        %parallel_loop3A_462 = tpu.memref_squeeze %parallel_loop3A_461 : memref<1x512x32xf32, #tpu.memory_space<vmem>> -> memref<512x32xf32, #tpu.memory_space<vmem>>
        %parallel_loop3A_463 = tpu.vector_load_idx %parallel_loop3A_462[%parallel_loop3A_458, %parallel_loop3A_410] : memref<512x32xf32, #tpu.memory_space<vmem>>[vector<16xi32>, vector<16xi32>], vector<16xf32>,
        %parallel_loop3A_464 = arith.constant 0 : i32
        %parallel_loop3A_465 = arith.addi %parallel_loop3A_455, %parallel_loop3A_464 : i32
        %parallel_loop3A_466 = arith.constant 0 : i32
        %parallel_loop3A_467 = arith.addi %parallel_loop3A_465, %parallel_loop3A_466 : i32
        %parallel_loop3A_468 = tpu.assume_multiple %parallel_loop3A_467, 16 : i32
        %parallel_loop3A_469 = arith.constant 0 : i32
        %parallel_loop3A_470 = tpu.memref_slice %arg7[%parallel_loop3A_64, %parallel_loop3A_469] : memref<2x16384xf32, #tpu.memory_space<vmem>> -> memref<1x16384xf32, #tpu.memory_space<vmem>>
        %parallel_loop3A_471 = tpu.memref_squeeze %parallel_loop3A_470 : memref<1x16384xf32, #tpu.memory_space<vmem>> -> memref<16384xf32, #tpu.memory_space<vmem>>
        %parallel_loop3A_472 = arith.index_cast %parallel_loop3A_468 : i32 to index
        %parallel_loop3A_473 = tpu.vector_load %parallel_loop3A_471[%parallel_loop3A_472] {strides = array<i32>} : memref<16384xf32, #tpu.memory_space<vmem>>, vector<16xf32>,
        tpu.vector_store %parallel_loop3A_471[%parallel_loop3A_472], %parallel_loop3A_463 {strides = array<i32>} : memref<16384xf32, #tpu.memory_space<vmem>>, vector<16xf32>,
        %parallel_loop3A_474 = arith.constant 16 : i32
        %parallel_loop3A_475 = vector.broadcast %parallel_loop3A_474 : i32 to vector<16xi32>
        %parallel_loop3A_476 = arith.addi %parallel_loop3A_475, %iota3A : vector<16xi32>
        %parallel_loop3A_477 = arith.constant 0 : i32
        %parallel_loop3A_478 = arith.constant 0 : i32
        %parallel_loop3A_479 = tpu.memref_slice %arg6[%parallel_loop3A_63, %parallel_loop3A_477, %parallel_loop3A_478] : memref<2x512x32xf32, #tpu.memory_space<vmem>> -> memref<1x512x32xf32, #tpu.memory_space<vmem>>
        %parallel_loop3A_480 = tpu.memref_squeeze %parallel_loop3A_479 : memref<1x512x32xf32, #tpu.memory_space<vmem>> -> memref<512x32xf32, #tpu.memory_space<vmem>>
        %parallel_loop3A_481 = tpu.vector_load_idx %parallel_loop3A_480[%parallel_loop3A_476, %parallel_loop3A_410] : memref<512x32xf32, #tpu.memory_space<vmem>>[vector<16xi32>, vector<16xi32>], vector<16xf32>,
        %parallel_loop3A_482 = arith.constant 0 : i32
        %parallel_loop3A_483 = arith.addi %parallel_loop3A_455, %parallel_loop3A_482 : i32
        %parallel_loop3A_484 = arith.constant 16 : i32
        %parallel_loop3A_485 = arith.addi %parallel_loop3A_483, %parallel_loop3A_484 : i32
        %parallel_loop3A_486 = tpu.assume_multiple %parallel_loop3A_485, 16 : i32
        %parallel_loop3A_487 = arith.constant 0 : i32
        %parallel_loop3A_488 = tpu.memref_slice %arg7[%parallel_loop3A_64, %parallel_loop3A_487] : memref<2x16384xf32, #tpu.memory_space<vmem>> -> memref<1x16384xf32, #tpu.memory_space<vmem>>
        %parallel_loop3A_489 = tpu.memref_squeeze %parallel_loop3A_488 : memref<1x16384xf32, #tpu.memory_space<vmem>> -> memref<16384xf32, #tpu.memory_space<vmem>>
        %parallel_loop3A_490 = arith.index_cast %parallel_loop3A_486 : i32 to index
        %parallel_loop3A_491 = tpu.vector_load %parallel_loop3A_489[%parallel_loop3A_490] {strides = array<i32>} : memref<16384xf32, #tpu.memory_space<vmem>>, vector<16xf32>,
        tpu.vector_store %parallel_loop3A_489[%parallel_loop3A_490], %parallel_loop3A_481 {strides = array<i32>} : memref<16384xf32, #tpu.memory_space<vmem>>, vector<16xf32>,
        %parallel_loop3A_492 = arith.constant 32 : i32
        %parallel_loop3A_493 = vector.broadcast %parallel_loop3A_492 : i32 to vector<16xi32>
        %parallel_loop3A_494 = arith.addi %parallel_loop3A_493, %iota3A : vector<16xi32>
        %parallel_loop3A_495 = arith.constant 0 : i32
        %parallel_loop3A_496 = arith.constant 0 : i32
        %parallel_loop3A_497 = tpu.memref_slice %arg6[%parallel_loop3A_63, %parallel_loop3A_495, %parallel_loop3A_496] : memref<2x512x32xf32, #tpu.memory_space<vmem>> -> memref<1x512x32xf32, #tpu.memory_space<vmem>>
        %parallel_loop3A_498 = tpu.memref_squeeze %parallel_loop3A_497 : memref<1x512x32xf32, #tpu.memory_space<vmem>> -> memref<512x32xf32, #tpu.memory_space<vmem>>
        %parallel_loop3A_499 = tpu.vector_load_idx %parallel_loop3A_498[%parallel_loop3A_494, %parallel_loop3A_410] : memref<512x32xf32, #tpu.memory_space<vmem>>[vector<16xi32>, vector<16xi32>], vector<16xf32>,
        %parallel_loop3A_500 = arith.constant 0 : i32
        %parallel_loop3A_501 = arith.addi %parallel_loop3A_455, %parallel_loop3A_500 : i32
        %parallel_loop3A_502 = arith.constant 32 : i32
        %parallel_loop3A_503 = arith.addi %parallel_loop3A_501, %parallel_loop3A_502 : i32
        %parallel_loop3A_504 = tpu.assume_multiple %parallel_loop3A_503, 16 : i32
        %parallel_loop3A_505 = arith.constant 0 : i32
        %parallel_loop3A_506 = tpu.memref_slice %arg7[%parallel_loop3A_64, %parallel_loop3A_505] : memref<2x16384xf32, #tpu.memory_space<vmem>> -> memref<1x16384xf32, #tpu.memory_space<vmem>>
        %parallel_loop3A_507 = tpu.memref_squeeze %parallel_loop3A_506 : memref<1x16384xf32, #tpu.memory_space<vmem>> -> memref<16384xf32, #tpu.memory_space<vmem>>
        %parallel_loop3A_508 = arith.index_cast %parallel_loop3A_504 : i32 to index
        %parallel_loop3A_509 = tpu.vector_load %parallel_loop3A_507[%parallel_loop3A_508] {strides = array<i32>} : memref<16384xf32, #tpu.memory_space<vmem>>, vector<16xf32>,
        tpu.vector_store %parallel_loop3A_507[%parallel_loop3A_508], %parallel_loop3A_499 {strides = array<i32>} : memref<16384xf32, #tpu.memory_space<vmem>>, vector<16xf32>,
        %parallel_loop3A_510 = arith.constant 48 : i32
        %parallel_loop3A_511 = vector.broadcast %parallel_loop3A_510 : i32 to vector<16xi32>
        %parallel_loop3A_512 = arith.addi %parallel_loop3A_511, %iota3A : vector<16xi32>
        %parallel_loop3A_513 = arith.constant 0 : i32
        %parallel_loop3A_514 = arith.constant 0 : i32
        %parallel_loop3A_515 = tpu.memref_slice %arg6[%parallel_loop3A_63, %parallel_loop3A_513, %parallel_loop3A_514] : memref<2x512x32xf32, #tpu.memory_space<vmem>> -> memref<1x512x32xf32, #tpu.memory_space<vmem>>
        %parallel_loop3A_516 = tpu.memref_squeeze %parallel_loop3A_515 : memref<1x512x32xf32, #tpu.memory_space<vmem>> -> memref<512x32xf32, #tpu.memory_space<vmem>>
        %parallel_loop3A_517 = tpu.vector_load_idx %parallel_loop3A_516[%parallel_loop3A_512, %parallel_loop3A_410] : memref<512x32xf32, #tpu.memory_space<vmem>>[vector<16xi32>, vector<16xi32>], vector<16xf32>,
        %parallel_loop3A_518 = arith.constant 0 : i32
        %parallel_loop3A_519 = arith.addi %parallel_loop3A_455, %parallel_loop3A_518 : i32
        %parallel_loop3A_520 = arith.constant 48 : i32
        %parallel_loop3A_521 = arith.addi %parallel_loop3A_519, %parallel_loop3A_520 : i32
        %parallel_loop3A_522 = tpu.assume_multiple %parallel_loop3A_521, 16 : i32
        %parallel_loop3A_523 = arith.constant 0 : i32
        %parallel_loop3A_524 = tpu.memref_slice %arg7[%parallel_loop3A_64, %parallel_loop3A_523] : memref<2x16384xf32, #tpu.memory_space<vmem>> -> memref<1x16384xf32, #tpu.memory_space<vmem>>
        %parallel_loop3A_525 = tpu.memref_squeeze %parallel_loop3A_524 : memref<1x16384xf32, #tpu.memory_space<vmem>> -> memref<16384xf32, #tpu.memory_space<vmem>>
        %parallel_loop3A_526 = arith.index_cast %parallel_loop3A_522 : i32 to index
        %parallel_loop3A_527 = tpu.vector_load %parallel_loop3A_525[%parallel_loop3A_526] {strides = array<i32>} : memref<16384xf32, #tpu.memory_space<vmem>>, vector<16xf32>,
        tpu.vector_store %parallel_loop3A_525[%parallel_loop3A_526], %parallel_loop3A_517 {strides = array<i32>} : memref<16384xf32, #tpu.memory_space<vmem>>, vector<16xf32>,
        %parallel_loop3A_528 = arith.constant 64 : i32
        %parallel_loop3A_529 = vector.broadcast %parallel_loop3A_528 : i32 to vector<16xi32>
        %parallel_loop3A_530 = arith.addi %parallel_loop3A_529, %iota3A : vector<16xi32>
        %parallel_loop3A_531 = arith.constant 0 : i32
        %parallel_loop3A_532 = arith.constant 0 : i32
        %parallel_loop3A_533 = tpu.memref_slice %arg6[%parallel_loop3A_63, %parallel_loop3A_531, %parallel_loop3A_532] : memref<2x512x32xf32, #tpu.memory_space<vmem>> -> memref<1x512x32xf32, #tpu.memory_space<vmem>>
        %parallel_loop3A_534 = tpu.memref_squeeze %parallel_loop3A_533 : memref<1x512x32xf32, #tpu.memory_space<vmem>> -> memref<512x32xf32, #tpu.memory_space<vmem>>
        %parallel_loop3A_535 = tpu.vector_load_idx %parallel_loop3A_534[%parallel_loop3A_530, %parallel_loop3A_410] : memref<512x32xf32, #tpu.memory_space<vmem>>[vector<16xi32>, vector<16xi32>], vector<16xf32>,
        %parallel_loop3A_536 = arith.constant 0 : i32
        %parallel_loop3A_537 = arith.addi %parallel_loop3A_455, %parallel_loop3A_536 : i32
        %parallel_loop3A_538 = arith.constant 64 : i32
        %parallel_loop3A_539 = arith.addi %parallel_loop3A_537, %parallel_loop3A_538 : i32
        %parallel_loop3A_540 = tpu.assume_multiple %parallel_loop3A_539, 16 : i32
        %parallel_loop3A_541 = arith.constant 0 : i32
        %parallel_loop3A_542 = tpu.memref_slice %arg7[%parallel_loop3A_64, %parallel_loop3A_541] : memref<2x16384xf32, #tpu.memory_space<vmem>> -> memref<1x16384xf32, #tpu.memory_space<vmem>>
        %parallel_loop3A_543 = tpu.memref_squeeze %parallel_loop3A_542 : memref<1x16384xf32, #tpu.memory_space<vmem>> -> memref<16384xf32, #tpu.memory_space<vmem>>
        %parallel_loop3A_544 = arith.index_cast %parallel_loop3A_540 : i32 to index
        %parallel_loop3A_545 = tpu.vector_load %parallel_loop3A_543[%parallel_loop3A_544] {strides = array<i32>} : memref<16384xf32, #tpu.memory_space<vmem>>, vector<16xf32>,
        tpu.vector_store %parallel_loop3A_543[%parallel_loop3A_544], %parallel_loop3A_535 {strides = array<i32>} : memref<16384xf32, #tpu.memory_space<vmem>>, vector<16xf32>,
        %parallel_loop3A_546 = arith.constant 80 : i32
        %parallel_loop3A_547 = vector.broadcast %parallel_loop3A_546 : i32 to vector<16xi32>
        %parallel_loop3A_548 = arith.addi %parallel_loop3A_547, %iota3A : vector<16xi32>
        %parallel_loop3A_549 = arith.constant 0 : i32
        %parallel_loop3A_550 = arith.constant 0 : i32
        %parallel_loop3A_551 = tpu.memref_slice %arg6[%parallel_loop3A_63, %parallel_loop3A_549, %parallel_loop3A_550] : memref<2x512x32xf32, #tpu.memory_space<vmem>> -> memref<1x512x32xf32, #tpu.memory_space<vmem>>
        %parallel_loop3A_552 = tpu.memref_squeeze %parallel_loop3A_551 : memref<1x512x32xf32, #tpu.memory_space<vmem>> -> memref<512x32xf32, #tpu.memory_space<vmem>>
        %parallel_loop3A_553 = tpu.vector_load_idx %parallel_loop3A_552[%parallel_loop3A_548, %parallel_loop3A_410] : memref<512x32xf32, #tpu.memory_space<vmem>>[vector<16xi32>, vector<16xi32>], vector<16xf32>,
        %parallel_loop3A_554 = arith.constant 0 : i32
        %parallel_loop3A_555 = arith.addi %parallel_loop3A_455, %parallel_loop3A_554 : i32
        %parallel_loop3A_556 = arith.constant 80 : i32
        %parallel_loop3A_557 = arith.addi %parallel_loop3A_555, %parallel_loop3A_556 : i32
        %parallel_loop3A_558 = tpu.assume_multiple %parallel_loop3A_557, 16 : i32
        %parallel_loop3A_559 = arith.constant 0 : i32
        %parallel_loop3A_560 = tpu.memref_slice %arg7[%parallel_loop3A_64, %parallel_loop3A_559] : memref<2x16384xf32, #tpu.memory_space<vmem>> -> memref<1x16384xf32, #tpu.memory_space<vmem>>
        %parallel_loop3A_561 = tpu.memref_squeeze %parallel_loop3A_560 : memref<1x16384xf32, #tpu.memory_space<vmem>> -> memref<16384xf32, #tpu.memory_space<vmem>>
        %parallel_loop3A_562 = arith.index_cast %parallel_loop3A_558 : i32 to index
        %parallel_loop3A_563 = tpu.vector_load %parallel_loop3A_561[%parallel_loop3A_562] {strides = array<i32>} : memref<16384xf32, #tpu.memory_space<vmem>>, vector<16xf32>,
        tpu.vector_store %parallel_loop3A_561[%parallel_loop3A_562], %parallel_loop3A_553 {strides = array<i32>} : memref<16384xf32, #tpu.memory_space<vmem>>, vector<16xf32>,
        %parallel_loop3A_564 = arith.constant 96 : i32
        %parallel_loop3A_565 = vector.broadcast %parallel_loop3A_564 : i32 to vector<16xi32>
        %parallel_loop3A_566 = arith.addi %parallel_loop3A_565, %iota3A : vector<16xi32>
        %parallel_loop3A_567 = arith.constant 0 : i32
        %parallel_loop3A_568 = arith.constant 0 : i32
        %parallel_loop3A_569 = tpu.memref_slice %arg6[%parallel_loop3A_63, %parallel_loop3A_567, %parallel_loop3A_568] : memref<2x512x32xf32, #tpu.memory_space<vmem>> -> memref<1x512x32xf32, #tpu.memory_space<vmem>>
        %parallel_loop3A_570 = tpu.memref_squeeze %parallel_loop3A_569 : memref<1x512x32xf32, #tpu.memory_space<vmem>> -> memref<512x32xf32, #tpu.memory_space<vmem>>
        %parallel_loop3A_571 = tpu.vector_load_idx %parallel_loop3A_570[%parallel_loop3A_566, %parallel_loop3A_410] : memref<512x32xf32, #tpu.memory_space<vmem>>[vector<16xi32>, vector<16xi32>], vector<16xf32>,
        %parallel_loop3A_572 = arith.constant 0 : i32
        %parallel_loop3A_573 = arith.addi %parallel_loop3A_455, %parallel_loop3A_572 : i32
        %parallel_loop3A_574 = arith.constant 96 : i32
        %parallel_loop3A_575 = arith.addi %parallel_loop3A_573, %parallel_loop3A_574 : i32
        %parallel_loop3A_576 = tpu.assume_multiple %parallel_loop3A_575, 16 : i32
        %parallel_loop3A_577 = arith.constant 0 : i32
        %parallel_loop3A_578 = tpu.memref_slice %arg7[%parallel_loop3A_64, %parallel_loop3A_577] : memref<2x16384xf32, #tpu.memory_space<vmem>> -> memref<1x16384xf32, #tpu.memory_space<vmem>>
        %parallel_loop3A_579 = tpu.memref_squeeze %parallel_loop3A_578 : memref<1x16384xf32, #tpu.memory_space<vmem>> -> memref<16384xf32, #tpu.memory_space<vmem>>
        %parallel_loop3A_580 = arith.index_cast %parallel_loop3A_576 : i32 to index
        %parallel_loop3A_581 = tpu.vector_load %parallel_loop3A_579[%parallel_loop3A_580] {strides = array<i32>} : memref<16384xf32, #tpu.memory_space<vmem>>, vector<16xf32>,
        tpu.vector_store %parallel_loop3A_579[%parallel_loop3A_580], %parallel_loop3A_571 {strides = array<i32>} : memref<16384xf32, #tpu.memory_space<vmem>>, vector<16xf32>,
        %parallel_loop3A_582 = arith.constant 112 : i32
        %parallel_loop3A_583 = vector.broadcast %parallel_loop3A_582 : i32 to vector<16xi32>
        %parallel_loop3A_584 = arith.addi %parallel_loop3A_583, %iota3A : vector<16xi32>
        %parallel_loop3A_585 = arith.constant 0 : i32
        %parallel_loop3A_586 = arith.constant 0 : i32
        %parallel_loop3A_587 = tpu.memref_slice %arg6[%parallel_loop3A_63, %parallel_loop3A_585, %parallel_loop3A_586] : memref<2x512x32xf32, #tpu.memory_space<vmem>> -> memref<1x512x32xf32, #tpu.memory_space<vmem>>
        %parallel_loop3A_588 = tpu.memref_squeeze %parallel_loop3A_587 : memref<1x512x32xf32, #tpu.memory_space<vmem>> -> memref<512x32xf32, #tpu.memory_space<vmem>>
        %parallel_loop3A_589 = tpu.vector_load_idx %parallel_loop3A_588[%parallel_loop3A_584, %parallel_loop3A_410] : memref<512x32xf32, #tpu.memory_space<vmem>>[vector<16xi32>, vector<16xi32>], vector<16xf32>,
        %parallel_loop3A_590 = arith.constant 0 : i32
        %parallel_loop3A_591 = arith.addi %parallel_loop3A_455, %parallel_loop3A_590 : i32
        %parallel_loop3A_592 = arith.constant 112 : i32
        %parallel_loop3A_593 = arith.addi %parallel_loop3A_591, %parallel_loop3A_592 : i32
        %parallel_loop3A_594 = tpu.assume_multiple %parallel_loop3A_593, 16 : i32
        %parallel_loop3A_595 = arith.constant 0 : i32
        %parallel_loop3A_596 = tpu.memref_slice %arg7[%parallel_loop3A_64, %parallel_loop3A_595] : memref<2x16384xf32, #tpu.memory_space<vmem>> -> memref<1x16384xf32, #tpu.memory_space<vmem>>
        %parallel_loop3A_597 = tpu.memref_squeeze %parallel_loop3A_596 : memref<1x16384xf32, #tpu.memory_space<vmem>> -> memref<16384xf32, #tpu.memory_space<vmem>>
        %parallel_loop3A_598 = arith.index_cast %parallel_loop3A_594 : i32 to index
        %parallel_loop3A_599 = tpu.vector_load %parallel_loop3A_597[%parallel_loop3A_598] {strides = array<i32>} : memref<16384xf32, #tpu.memory_space<vmem>>, vector<16xf32>,
        tpu.vector_store %parallel_loop3A_597[%parallel_loop3A_598], %parallel_loop3A_589 {strides = array<i32>} : memref<16384xf32, #tpu.memory_space<vmem>>, vector<16xf32>,
        %parallel_loop3A_600 = arith.constant 128 : i32
        %parallel_loop3A_601 = vector.broadcast %parallel_loop3A_600 : i32 to vector<16xi32>
        %parallel_loop3A_602 = arith.addi %parallel_loop3A_601, %iota3A : vector<16xi32>
        %parallel_loop3A_603 = arith.constant 0 : i32
        %parallel_loop3A_604 = arith.constant 0 : i32
        %parallel_loop3A_605 = tpu.memref_slice %arg6[%parallel_loop3A_63, %parallel_loop3A_603, %parallel_loop3A_604] : memref<2x512x32xf32, #tpu.memory_space<vmem>> -> memref<1x512x32xf32, #tpu.memory_space<vmem>>
        %parallel_loop3A_606 = tpu.memref_squeeze %parallel_loop3A_605 : memref<1x512x32xf32, #tpu.memory_space<vmem>> -> memref<512x32xf32, #tpu.memory_space<vmem>>
        %parallel_loop3A_607 = tpu.vector_load_idx %parallel_loop3A_606[%parallel_loop3A_602, %parallel_loop3A_410] : memref<512x32xf32, #tpu.memory_space<vmem>>[vector<16xi32>, vector<16xi32>], vector<16xf32>,
        %parallel_loop3A_608 = arith.constant 1024 : i32
        %parallel_loop3A_609 = arith.addi %parallel_loop3A_455, %parallel_loop3A_608 : i32
        %parallel_loop3A_610 = arith.constant 0 : i32
        %parallel_loop3A_611 = arith.addi %parallel_loop3A_609, %parallel_loop3A_610 : i32
        %parallel_loop3A_612 = tpu.assume_multiple %parallel_loop3A_611, 16 : i32
        %parallel_loop3A_613 = arith.constant 0 : i32
        %parallel_loop3A_614 = tpu.memref_slice %arg7[%parallel_loop3A_64, %parallel_loop3A_613] : memref<2x16384xf32, #tpu.memory_space<vmem>> -> memref<1x16384xf32, #tpu.memory_space<vmem>>
        %parallel_loop3A_615 = tpu.memref_squeeze %parallel_loop3A_614 : memref<1x16384xf32, #tpu.memory_space<vmem>> -> memref<16384xf32, #tpu.memory_space<vmem>>
        %parallel_loop3A_616 = arith.index_cast %parallel_loop3A_612 : i32 to index
        %parallel_loop3A_617 = tpu.vector_load %parallel_loop3A_615[%parallel_loop3A_616] {strides = array<i32>} : memref<16384xf32, #tpu.memory_space<vmem>>, vector<16xf32>,
        tpu.vector_store %parallel_loop3A_615[%parallel_loop3A_616], %parallel_loop3A_607 {strides = array<i32>} : memref<16384xf32, #tpu.memory_space<vmem>>, vector<16xf32>,
        %parallel_loop3A_618 = arith.constant 144 : i32
        %parallel_loop3A_619 = vector.broadcast %parallel_loop3A_618 : i32 to vector<16xi32>
        %parallel_loop3A_620 = arith.addi %parallel_loop3A_619, %iota3A : vector<16xi32>
        %parallel_loop3A_621 = arith.constant 0 : i32
        %parallel_loop3A_622 = arith.constant 0 : i32
        %parallel_loop3A_623 = tpu.memref_slice %arg6[%parallel_loop3A_63, %parallel_loop3A_621, %parallel_loop3A_622] : memref<2x512x32xf32, #tpu.memory_space<vmem>> -> memref<1x512x32xf32, #tpu.memory_space<vmem>>
        %parallel_loop3A_624 = tpu.memref_squeeze %parallel_loop3A_623 : memref<1x512x32xf32, #tpu.memory_space<vmem>> -> memref<512x32xf32, #tpu.memory_space<vmem>>
        %parallel_loop3A_625 = tpu.vector_load_idx %parallel_loop3A_624[%parallel_loop3A_620, %parallel_loop3A_410] : memref<512x32xf32, #tpu.memory_space<vmem>>[vector<16xi32>, vector<16xi32>], vector<16xf32>,
        %parallel_loop3A_626 = arith.constant 1024 : i32
        %parallel_loop3A_627 = arith.addi %parallel_loop3A_455, %parallel_loop3A_626 : i32
        %parallel_loop3A_628 = arith.constant 16 : i32
        %parallel_loop3A_629 = arith.addi %parallel_loop3A_627, %parallel_loop3A_628 : i32
        %parallel_loop3A_630 = tpu.assume_multiple %parallel_loop3A_629, 16 : i32
        %parallel_loop3A_631 = arith.constant 0 : i32
        %parallel_loop3A_632 = tpu.memref_slice %arg7[%parallel_loop3A_64, %parallel_loop3A_631] : memref<2x16384xf32, #tpu.memory_space<vmem>> -> memref<1x16384xf32, #tpu.memory_space<vmem>>
        %parallel_loop3A_633 = tpu.memref_squeeze %parallel_loop3A_632 : memref<1x16384xf32, #tpu.memory_space<vmem>> -> memref<16384xf32, #tpu.memory_space<vmem>>
        %parallel_loop3A_634 = arith.index_cast %parallel_loop3A_630 : i32 to index
        %parallel_loop3A_635 = tpu.vector_load %parallel_loop3A_633[%parallel_loop3A_634] {strides = array<i32>} : memref<16384xf32, #tpu.memory_space<vmem>>, vector<16xf32>,
        tpu.vector_store %parallel_loop3A_633[%parallel_loop3A_634], %parallel_loop3A_625 {strides = array<i32>} : memref<16384xf32, #tpu.memory_space<vmem>>, vector<16xf32>,
        %parallel_loop3A_636 = arith.constant 160 : i32
        %parallel_loop3A_637 = vector.broadcast %parallel_loop3A_636 : i32 to vector<16xi32>
        %parallel_loop3A_638 = arith.addi %parallel_loop3A_637, %iota3A : vector<16xi32>
        %parallel_loop3A_639 = arith.constant 0 : i32
        %parallel_loop3A_640 = arith.constant 0 : i32
        %parallel_loop3A_641 = tpu.memref_slice %arg6[%parallel_loop3A_63, %parallel_loop3A_639, %parallel_loop3A_640] : memref<2x512x32xf32, #tpu.memory_space<vmem>> -> memref<1x512x32xf32, #tpu.memory_space<vmem>>
        %parallel_loop3A_642 = tpu.memref_squeeze %parallel_loop3A_641 : memref<1x512x32xf32, #tpu.memory_space<vmem>> -> memref<512x32xf32, #tpu.memory_space<vmem>>
        %parallel_loop3A_643 = tpu.vector_load_idx %parallel_loop3A_642[%parallel_loop3A_638, %parallel_loop3A_410] : memref<512x32xf32, #tpu.memory_space<vmem>>[vector<16xi32>, vector<16xi32>], vector<16xf32>,
        %parallel_loop3A_644 = arith.constant 1024 : i32
        %parallel_loop3A_645 = arith.addi %parallel_loop3A_455, %parallel_loop3A_644 : i32
        %parallel_loop3A_646 = arith.constant 32 : i32
        %parallel_loop3A_647 = arith.addi %parallel_loop3A_645, %parallel_loop3A_646 : i32
        %parallel_loop3A_648 = tpu.assume_multiple %parallel_loop3A_647, 16 : i32
        %parallel_loop3A_649 = arith.constant 0 : i32
        %parallel_loop3A_650 = tpu.memref_slice %arg7[%parallel_loop3A_64, %parallel_loop3A_649] : memref<2x16384xf32, #tpu.memory_space<vmem>> -> memref<1x16384xf32, #tpu.memory_space<vmem>>
        %parallel_loop3A_651 = tpu.memref_squeeze %parallel_loop3A_650 : memref<1x16384xf32, #tpu.memory_space<vmem>> -> memref<16384xf32, #tpu.memory_space<vmem>>
        %parallel_loop3A_652 = arith.index_cast %parallel_loop3A_648 : i32 to index
        %parallel_loop3A_653 = tpu.vector_load %parallel_loop3A_651[%parallel_loop3A_652] {strides = array<i32>} : memref<16384xf32, #tpu.memory_space<vmem>>, vector<16xf32>,
        tpu.vector_store %parallel_loop3A_651[%parallel_loop3A_652], %parallel_loop3A_643 {strides = array<i32>} : memref<16384xf32, #tpu.memory_space<vmem>>, vector<16xf32>,
        %parallel_loop3A_654 = arith.constant 176 : i32
        %parallel_loop3A_655 = vector.broadcast %parallel_loop3A_654 : i32 to vector<16xi32>
        %parallel_loop3A_656 = arith.addi %parallel_loop3A_655, %iota3A : vector<16xi32>
        %parallel_loop3A_657 = arith.constant 0 : i32
        %parallel_loop3A_658 = arith.constant 0 : i32
        %parallel_loop3A_659 = tpu.memref_slice %arg6[%parallel_loop3A_63, %parallel_loop3A_657, %parallel_loop3A_658] : memref<2x512x32xf32, #tpu.memory_space<vmem>> -> memref<1x512x32xf32, #tpu.memory_space<vmem>>
        %parallel_loop3A_660 = tpu.memref_squeeze %parallel_loop3A_659 : memref<1x512x32xf32, #tpu.memory_space<vmem>> -> memref<512x32xf32, #tpu.memory_space<vmem>>
        %parallel_loop3A_661 = tpu.vector_load_idx %parallel_loop3A_660[%parallel_loop3A_656, %parallel_loop3A_410] : memref<512x32xf32, #tpu.memory_space<vmem>>[vector<16xi32>, vector<16xi32>], vector<16xf32>,
        %parallel_loop3A_662 = arith.constant 1024 : i32
        %parallel_loop3A_663 = arith.addi %parallel_loop3A_455, %parallel_loop3A_662 : i32
        %parallel_loop3A_664 = arith.constant 48 : i32
        %parallel_loop3A_665 = arith.addi %parallel_loop3A_663, %parallel_loop3A_664 : i32
        %parallel_loop3A_666 = tpu.assume_multiple %parallel_loop3A_665, 16 : i32
        %parallel_loop3A_667 = arith.constant 0 : i32
        %parallel_loop3A_668 = tpu.memref_slice %arg7[%parallel_loop3A_64, %parallel_loop3A_667] : memref<2x16384xf32, #tpu.memory_space<vmem>> -> memref<1x16384xf32, #tpu.memory_space<vmem>>
        %parallel_loop3A_669 = tpu.memref_squeeze %parallel_loop3A_668 : memref<1x16384xf32, #tpu.memory_space<vmem>> -> memref<16384xf32, #tpu.memory_space<vmem>>
        %parallel_loop3A_670 = arith.index_cast %parallel_loop3A_666 : i32 to index
        %parallel_loop3A_671 = tpu.vector_load %parallel_loop3A_669[%parallel_loop3A_670] {strides = array<i32>} : memref<16384xf32, #tpu.memory_space<vmem>>, vector<16xf32>,
        tpu.vector_store %parallel_loop3A_669[%parallel_loop3A_670], %parallel_loop3A_661 {strides = array<i32>} : memref<16384xf32, #tpu.memory_space<vmem>>, vector<16xf32>,
        %parallel_loop3A_672 = arith.constant 192 : i32
        %parallel_loop3A_673 = vector.broadcast %parallel_loop3A_672 : i32 to vector<16xi32>
        %parallel_loop3A_674 = arith.addi %parallel_loop3A_673, %iota3A : vector<16xi32>
        %parallel_loop3A_675 = arith.constant 0 : i32
        %parallel_loop3A_676 = arith.constant 0 : i32
        %parallel_loop3A_677 = tpu.memref_slice %arg6[%parallel_loop3A_63, %parallel_loop3A_675, %parallel_loop3A_676] : memref<2x512x32xf32, #tpu.memory_space<vmem>> -> memref<1x512x32xf32, #tpu.memory_space<vmem>>
        %parallel_loop3A_678 = tpu.memref_squeeze %parallel_loop3A_677 : memref<1x512x32xf32, #tpu.memory_space<vmem>> -> memref<512x32xf32, #tpu.memory_space<vmem>>
        %parallel_loop3A_679 = tpu.vector_load_idx %parallel_loop3A_678[%parallel_loop3A_674, %parallel_loop3A_410] : memref<512x32xf32, #tpu.memory_space<vmem>>[vector<16xi32>, vector<16xi32>], vector<16xf32>,
        %parallel_loop3A_680 = arith.constant 1024 : i32
        %parallel_loop3A_681 = arith.addi %parallel_loop3A_455, %parallel_loop3A_680 : i32
        %parallel_loop3A_682 = arith.constant 64 : i32
        %parallel_loop3A_683 = arith.addi %parallel_loop3A_681, %parallel_loop3A_682 : i32
        %parallel_loop3A_684 = tpu.assume_multiple %parallel_loop3A_683, 16 : i32
        %parallel_loop3A_685 = arith.constant 0 : i32
        %parallel_loop3A_686 = tpu.memref_slice %arg7[%parallel_loop3A_64, %parallel_loop3A_685] : memref<2x16384xf32, #tpu.memory_space<vmem>> -> memref<1x16384xf32, #tpu.memory_space<vmem>>
        %parallel_loop3A_687 = tpu.memref_squeeze %parallel_loop3A_686 : memref<1x16384xf32, #tpu.memory_space<vmem>> -> memref<16384xf32, #tpu.memory_space<vmem>>
        %parallel_loop3A_688 = arith.index_cast %parallel_loop3A_684 : i32 to index
        %parallel_loop3A_689 = tpu.vector_load %parallel_loop3A_687[%parallel_loop3A_688] {strides = array<i32>} : memref<16384xf32, #tpu.memory_space<vmem>>, vector<16xf32>,
        tpu.vector_store %parallel_loop3A_687[%parallel_loop3A_688], %parallel_loop3A_679 {strides = array<i32>} : memref<16384xf32, #tpu.memory_space<vmem>>, vector<16xf32>,
        %parallel_loop3A_690 = arith.constant 208 : i32
        %parallel_loop3A_691 = vector.broadcast %parallel_loop3A_690 : i32 to vector<16xi32>
        %parallel_loop3A_692 = arith.addi %parallel_loop3A_691, %iota3A : vector<16xi32>
        %parallel_loop3A_693 = arith.constant 0 : i32
        %parallel_loop3A_694 = arith.constant 0 : i32
        %parallel_loop3A_695 = tpu.memref_slice %arg6[%parallel_loop3A_63, %parallel_loop3A_693, %parallel_loop3A_694] : memref<2x512x32xf32, #tpu.memory_space<vmem>> -> memref<1x512x32xf32, #tpu.memory_space<vmem>>
        %parallel_loop3A_696 = tpu.memref_squeeze %parallel_loop3A_695 : memref<1x512x32xf32, #tpu.memory_space<vmem>> -> memref<512x32xf32, #tpu.memory_space<vmem>>
        %parallel_loop3A_697 = tpu.vector_load_idx %parallel_loop3A_696[%parallel_loop3A_692, %parallel_loop3A_410] : memref<512x32xf32, #tpu.memory_space<vmem>>[vector<16xi32>, vector<16xi32>], vector<16xf32>,
        %parallel_loop3A_698 = arith.constant 1024 : i32
        %parallel_loop3A_699 = arith.addi %parallel_loop3A_455, %parallel_loop3A_698 : i32
        %parallel_loop3A_700 = arith.constant 80 : i32
        %parallel_loop3A_701 = arith.addi %parallel_loop3A_699, %parallel_loop3A_700 : i32
        %parallel_loop3A_702 = tpu.assume_multiple %parallel_loop3A_701, 16 : i32
        %parallel_loop3A_703 = arith.constant 0 : i32
        %parallel_loop3A_704 = tpu.memref_slice %arg7[%parallel_loop3A_64, %parallel_loop3A_703] : memref<2x16384xf32, #tpu.memory_space<vmem>> -> memref<1x16384xf32, #tpu.memory_space<vmem>>
        %parallel_loop3A_705 = tpu.memref_squeeze %parallel_loop3A_704 : memref<1x16384xf32, #tpu.memory_space<vmem>> -> memref<16384xf32, #tpu.memory_space<vmem>>
        %parallel_loop3A_706 = arith.index_cast %parallel_loop3A_702 : i32 to index
        %parallel_loop3A_707 = tpu.vector_load %parallel_loop3A_705[%parallel_loop3A_706] {strides = array<i32>} : memref<16384xf32, #tpu.memory_space<vmem>>, vector<16xf32>,
        tpu.vector_store %parallel_loop3A_705[%parallel_loop3A_706], %parallel_loop3A_697 {strides = array<i32>} : memref<16384xf32, #tpu.memory_space<vmem>>, vector<16xf32>,
        %parallel_loop3A_708 = arith.constant 224 : i32
        %parallel_loop3A_709 = vector.broadcast %parallel_loop3A_708 : i32 to vector<16xi32>
        %parallel_loop3A_710 = arith.addi %parallel_loop3A_709, %iota3A : vector<16xi32>
        %parallel_loop3A_711 = arith.constant 0 : i32
        %parallel_loop3A_712 = arith.constant 0 : i32
        %parallel_loop3A_713 = tpu.memref_slice %arg6[%parallel_loop3A_63, %parallel_loop3A_711, %parallel_loop3A_712] : memref<2x512x32xf32, #tpu.memory_space<vmem>> -> memref<1x512x32xf32, #tpu.memory_space<vmem>>
        %parallel_loop3A_714 = tpu.memref_squeeze %parallel_loop3A_713 : memref<1x512x32xf32, #tpu.memory_space<vmem>> -> memref<512x32xf32, #tpu.memory_space<vmem>>
        %parallel_loop3A_715 = tpu.vector_load_idx %parallel_loop3A_714[%parallel_loop3A_710, %parallel_loop3A_410] : memref<512x32xf32, #tpu.memory_space<vmem>>[vector<16xi32>, vector<16xi32>], vector<16xf32>,
        %parallel_loop3A_716 = arith.constant 1024 : i32
        %parallel_loop3A_717 = arith.addi %parallel_loop3A_455, %parallel_loop3A_716 : i32
        %parallel_loop3A_718 = arith.constant 96 : i32
        %parallel_loop3A_719 = arith.addi %parallel_loop3A_717, %parallel_loop3A_718 : i32
        %parallel_loop3A_720 = tpu.assume_multiple %parallel_loop3A_719, 16 : i32
        %parallel_loop3A_721 = arith.constant 0 : i32
        %parallel_loop3A_722 = tpu.memref_slice %arg7[%parallel_loop3A_64, %parallel_loop3A_721] : memref<2x16384xf32, #tpu.memory_space<vmem>> -> memref<1x16384xf32, #tpu.memory_space<vmem>>
        %parallel_loop3A_723 = tpu.memref_squeeze %parallel_loop3A_722 : memref<1x16384xf32, #tpu.memory_space<vmem>> -> memref<16384xf32, #tpu.memory_space<vmem>>
        %parallel_loop3A_724 = arith.index_cast %parallel_loop3A_720 : i32 to index
        %parallel_loop3A_725 = tpu.vector_load %parallel_loop3A_723[%parallel_loop3A_724] {strides = array<i32>} : memref<16384xf32, #tpu.memory_space<vmem>>, vector<16xf32>,
        tpu.vector_store %parallel_loop3A_723[%parallel_loop3A_724], %parallel_loop3A_715 {strides = array<i32>} : memref<16384xf32, #tpu.memory_space<vmem>>, vector<16xf32>,
        %parallel_loop3A_726 = arith.constant 240 : i32
        %parallel_loop3A_727 = vector.broadcast %parallel_loop3A_726 : i32 to vector<16xi32>
        %parallel_loop3A_728 = arith.addi %parallel_loop3A_727, %iota3A : vector<16xi32>
        %parallel_loop3A_729 = arith.constant 0 : i32
        %parallel_loop3A_730 = arith.constant 0 : i32
        %parallel_loop3A_731 = tpu.memref_slice %arg6[%parallel_loop3A_63, %parallel_loop3A_729, %parallel_loop3A_730] : memref<2x512x32xf32, #tpu.memory_space<vmem>> -> memref<1x512x32xf32, #tpu.memory_space<vmem>>
        %parallel_loop3A_732 = tpu.memref_squeeze %parallel_loop3A_731 : memref<1x512x32xf32, #tpu.memory_space<vmem>> -> memref<512x32xf32, #tpu.memory_space<vmem>>
        %parallel_loop3A_733 = tpu.vector_load_idx %parallel_loop3A_732[%parallel_loop3A_728, %parallel_loop3A_410] : memref<512x32xf32, #tpu.memory_space<vmem>>[vector<16xi32>, vector<16xi32>], vector<16xf32>,
        %parallel_loop3A_734 = arith.constant 1024 : i32
        %parallel_loop3A_735 = arith.addi %parallel_loop3A_455, %parallel_loop3A_734 : i32
        %parallel_loop3A_736 = arith.constant 112 : i32
        %parallel_loop3A_737 = arith.addi %parallel_loop3A_735, %parallel_loop3A_736 : i32
        %parallel_loop3A_738 = tpu.assume_multiple %parallel_loop3A_737, 16 : i32
        %parallel_loop3A_739 = arith.constant 0 : i32
        %parallel_loop3A_740 = tpu.memref_slice %arg7[%parallel_loop3A_64, %parallel_loop3A_739] : memref<2x16384xf32, #tpu.memory_space<vmem>> -> memref<1x16384xf32, #tpu.memory_space<vmem>>
        %parallel_loop3A_741 = tpu.memref_squeeze %parallel_loop3A_740 : memref<1x16384xf32, #tpu.memory_space<vmem>> -> memref<16384xf32, #tpu.memory_space<vmem>>
        %parallel_loop3A_742 = arith.index_cast %parallel_loop3A_738 : i32 to index
        %parallel_loop3A_743 = tpu.vector_load %parallel_loop3A_741[%parallel_loop3A_742] {strides = array<i32>} : memref<16384xf32, #tpu.memory_space<vmem>>, vector<16xf32>,
        tpu.vector_store %parallel_loop3A_741[%parallel_loop3A_742], %parallel_loop3A_733 {strides = array<i32>} : memref<16384xf32, #tpu.memory_space<vmem>>, vector<16xf32>,
        %parallel_loop3A_744 = arith.constant 256 : i32
        %parallel_loop3A_745 = vector.broadcast %parallel_loop3A_744 : i32 to vector<16xi32>
        %parallel_loop3A_746 = arith.addi %parallel_loop3A_745, %iota3A : vector<16xi32>
        %parallel_loop3A_747 = arith.constant 0 : i32
        %parallel_loop3A_748 = arith.constant 0 : i32
        %parallel_loop3A_749 = tpu.memref_slice %arg6[%parallel_loop3A_63, %parallel_loop3A_747, %parallel_loop3A_748] : memref<2x512x32xf32, #tpu.memory_space<vmem>> -> memref<1x512x32xf32, #tpu.memory_space<vmem>>
        %parallel_loop3A_750 = tpu.memref_squeeze %parallel_loop3A_749 : memref<1x512x32xf32, #tpu.memory_space<vmem>> -> memref<512x32xf32, #tpu.memory_space<vmem>>
        %parallel_loop3A_751 = tpu.vector_load_idx %parallel_loop3A_750[%parallel_loop3A_746, %parallel_loop3A_410] : memref<512x32xf32, #tpu.memory_space<vmem>>[vector<16xi32>, vector<16xi32>], vector<16xf32>,
        %parallel_loop3A_752 = arith.constant 2048 : i32
        %parallel_loop3A_753 = arith.addi %parallel_loop3A_455, %parallel_loop3A_752 : i32
        %parallel_loop3A_754 = arith.constant 0 : i32
        %parallel_loop3A_755 = arith.addi %parallel_loop3A_753, %parallel_loop3A_754 : i32
        %parallel_loop3A_756 = tpu.assume_multiple %parallel_loop3A_755, 16 : i32
        %parallel_loop3A_757 = arith.constant 0 : i32
        %parallel_loop3A_758 = tpu.memref_slice %arg7[%parallel_loop3A_64, %parallel_loop3A_757] : memref<2x16384xf32, #tpu.memory_space<vmem>> -> memref<1x16384xf32, #tpu.memory_space<vmem>>
        %parallel_loop3A_759 = tpu.memref_squeeze %parallel_loop3A_758 : memref<1x16384xf32, #tpu.memory_space<vmem>> -> memref<16384xf32, #tpu.memory_space<vmem>>
        %parallel_loop3A_760 = arith.index_cast %parallel_loop3A_756 : i32 to index
        %parallel_loop3A_761 = tpu.vector_load %parallel_loop3A_759[%parallel_loop3A_760] {strides = array<i32>} : memref<16384xf32, #tpu.memory_space<vmem>>, vector<16xf32>,
        tpu.vector_store %parallel_loop3A_759[%parallel_loop3A_760], %parallel_loop3A_751 {strides = array<i32>} : memref<16384xf32, #tpu.memory_space<vmem>>, vector<16xf32>,
        %parallel_loop3A_762 = arith.constant 272 : i32
        %parallel_loop3A_763 = vector.broadcast %parallel_loop3A_762 : i32 to vector<16xi32>
        %parallel_loop3A_764 = arith.addi %parallel_loop3A_763, %iota3A : vector<16xi32>
        %parallel_loop3A_765 = arith.constant 0 : i32
        %parallel_loop3A_766 = arith.constant 0 : i32
        %parallel_loop3A_767 = tpu.memref_slice %arg6[%parallel_loop3A_63, %parallel_loop3A_765, %parallel_loop3A_766] : memref<2x512x32xf32, #tpu.memory_space<vmem>> -> memref<1x512x32xf32, #tpu.memory_space<vmem>>
        %parallel_loop3A_768 = tpu.memref_squeeze %parallel_loop3A_767 : memref<1x512x32xf32, #tpu.memory_space<vmem>> -> memref<512x32xf32, #tpu.memory_space<vmem>>
        %parallel_loop3A_769 = tpu.vector_load_idx %parallel_loop3A_768[%parallel_loop3A_764, %parallel_loop3A_410] : memref<512x32xf32, #tpu.memory_space<vmem>>[vector<16xi32>, vector<16xi32>], vector<16xf32>,
        %parallel_loop3A_770 = arith.constant 2048 : i32
        %parallel_loop3A_771 = arith.addi %parallel_loop3A_455, %parallel_loop3A_770 : i32
        %parallel_loop3A_772 = arith.constant 16 : i32
        %parallel_loop3A_773 = arith.addi %parallel_loop3A_771, %parallel_loop3A_772 : i32
        %parallel_loop3A_774 = tpu.assume_multiple %parallel_loop3A_773, 16 : i32
        %parallel_loop3A_775 = arith.constant 0 : i32
        %parallel_loop3A_776 = tpu.memref_slice %arg7[%parallel_loop3A_64, %parallel_loop3A_775] : memref<2x16384xf32, #tpu.memory_space<vmem>> -> memref<1x16384xf32, #tpu.memory_space<vmem>>
        %parallel_loop3A_777 = tpu.memref_squeeze %parallel_loop3A_776 : memref<1x16384xf32, #tpu.memory_space<vmem>> -> memref<16384xf32, #tpu.memory_space<vmem>>
        %parallel_loop3A_778 = arith.index_cast %parallel_loop3A_774 : i32 to index
        %parallel_loop3A_779 = tpu.vector_load %parallel_loop3A_777[%parallel_loop3A_778] {strides = array<i32>} : memref<16384xf32, #tpu.memory_space<vmem>>, vector<16xf32>,
        tpu.vector_store %parallel_loop3A_777[%parallel_loop3A_778], %parallel_loop3A_769 {strides = array<i32>} : memref<16384xf32, #tpu.memory_space<vmem>>, vector<16xf32>,
        %parallel_loop3A_780 = arith.constant 288 : i32
        %parallel_loop3A_781 = vector.broadcast %parallel_loop3A_780 : i32 to vector<16xi32>
        %parallel_loop3A_782 = arith.addi %parallel_loop3A_781, %iota3A : vector<16xi32>
        %parallel_loop3A_783 = arith.constant 0 : i32
        %parallel_loop3A_784 = arith.constant 0 : i32
        %parallel_loop3A_785 = tpu.memref_slice %arg6[%parallel_loop3A_63, %parallel_loop3A_783, %parallel_loop3A_784] : memref<2x512x32xf32, #tpu.memory_space<vmem>> -> memref<1x512x32xf32, #tpu.memory_space<vmem>>
        %parallel_loop3A_786 = tpu.memref_squeeze %parallel_loop3A_785 : memref<1x512x32xf32, #tpu.memory_space<vmem>> -> memref<512x32xf32, #tpu.memory_space<vmem>>
        %parallel_loop3A_787 = tpu.vector_load_idx %parallel_loop3A_786[%parallel_loop3A_782, %parallel_loop3A_410] : memref<512x32xf32, #tpu.memory_space<vmem>>[vector<16xi32>, vector<16xi32>], vector<16xf32>,
        %parallel_loop3A_788 = arith.constant 2048 : i32
        %parallel_loop3A_789 = arith.addi %parallel_loop3A_455, %parallel_loop3A_788 : i32
        %parallel_loop3A_790 = arith.constant 32 : i32
        %parallel_loop3A_791 = arith.addi %parallel_loop3A_789, %parallel_loop3A_790 : i32
        %parallel_loop3A_792 = tpu.assume_multiple %parallel_loop3A_791, 16 : i32
        %parallel_loop3A_793 = arith.constant 0 : i32
        %parallel_loop3A_794 = tpu.memref_slice %arg7[%parallel_loop3A_64, %parallel_loop3A_793] : memref<2x16384xf32, #tpu.memory_space<vmem>> -> memref<1x16384xf32, #tpu.memory_space<vmem>>
        %parallel_loop3A_795 = tpu.memref_squeeze %parallel_loop3A_794 : memref<1x16384xf32, #tpu.memory_space<vmem>> -> memref<16384xf32, #tpu.memory_space<vmem>>
        %parallel_loop3A_796 = arith.index_cast %parallel_loop3A_792 : i32 to index
        %parallel_loop3A_797 = tpu.vector_load %parallel_loop3A_795[%parallel_loop3A_796] {strides = array<i32>} : memref<16384xf32, #tpu.memory_space<vmem>>, vector<16xf32>,
        tpu.vector_store %parallel_loop3A_795[%parallel_loop3A_796], %parallel_loop3A_787 {strides = array<i32>} : memref<16384xf32, #tpu.memory_space<vmem>>, vector<16xf32>,
        %parallel_loop3A_798 = arith.constant 304 : i32
        %parallel_loop3A_799 = vector.broadcast %parallel_loop3A_798 : i32 to vector<16xi32>
        %parallel_loop3A_800 = arith.addi %parallel_loop3A_799, %iota3A : vector<16xi32>
        %parallel_loop3A_801 = arith.constant 0 : i32
        %parallel_loop3A_802 = arith.constant 0 : i32
        %parallel_loop3A_803 = tpu.memref_slice %arg6[%parallel_loop3A_63, %parallel_loop3A_801, %parallel_loop3A_802] : memref<2x512x32xf32, #tpu.memory_space<vmem>> -> memref<1x512x32xf32, #tpu.memory_space<vmem>>
        %parallel_loop3A_804 = tpu.memref_squeeze %parallel_loop3A_803 : memref<1x512x32xf32, #tpu.memory_space<vmem>> -> memref<512x32xf32, #tpu.memory_space<vmem>>
        %parallel_loop3A_805 = tpu.vector_load_idx %parallel_loop3A_804[%parallel_loop3A_800, %parallel_loop3A_410] : memref<512x32xf32, #tpu.memory_space<vmem>>[vector<16xi32>, vector<16xi32>], vector<16xf32>,
        %parallel_loop3A_806 = arith.constant 2048 : i32
        %parallel_loop3A_807 = arith.addi %parallel_loop3A_455, %parallel_loop3A_806 : i32
        %parallel_loop3A_808 = arith.constant 48 : i32
        %parallel_loop3A_809 = arith.addi %parallel_loop3A_807, %parallel_loop3A_808 : i32
        %parallel_loop3A_810 = tpu.assume_multiple %parallel_loop3A_809, 16 : i32
        %parallel_loop3A_811 = arith.constant 0 : i32
        %parallel_loop3A_812 = tpu.memref_slice %arg7[%parallel_loop3A_64, %parallel_loop3A_811] : memref<2x16384xf32, #tpu.memory_space<vmem>> -> memref<1x16384xf32, #tpu.memory_space<vmem>>
        %parallel_loop3A_813 = tpu.memref_squeeze %parallel_loop3A_812 : memref<1x16384xf32, #tpu.memory_space<vmem>> -> memref<16384xf32, #tpu.memory_space<vmem>>
        %parallel_loop3A_814 = arith.index_cast %parallel_loop3A_810 : i32 to index
        %parallel_loop3A_815 = tpu.vector_load %parallel_loop3A_813[%parallel_loop3A_814] {strides = array<i32>} : memref<16384xf32, #tpu.memory_space<vmem>>, vector<16xf32>,
        tpu.vector_store %parallel_loop3A_813[%parallel_loop3A_814], %parallel_loop3A_805 {strides = array<i32>} : memref<16384xf32, #tpu.memory_space<vmem>>, vector<16xf32>,
        %parallel_loop3A_816 = arith.constant 320 : i32
        %parallel_loop3A_817 = vector.broadcast %parallel_loop3A_816 : i32 to vector<16xi32>
        %parallel_loop3A_818 = arith.addi %parallel_loop3A_817, %iota3A : vector<16xi32>
        %parallel_loop3A_819 = arith.constant 0 : i32
        %parallel_loop3A_820 = arith.constant 0 : i32
        %parallel_loop3A_821 = tpu.memref_slice %arg6[%parallel_loop3A_63, %parallel_loop3A_819, %parallel_loop3A_820] : memref<2x512x32xf32, #tpu.memory_space<vmem>> -> memref<1x512x32xf32, #tpu.memory_space<vmem>>
        %parallel_loop3A_822 = tpu.memref_squeeze %parallel_loop3A_821 : memref<1x512x32xf32, #tpu.memory_space<vmem>> -> memref<512x32xf32, #tpu.memory_space<vmem>>
        %parallel_loop3A_823 = tpu.vector_load_idx %parallel_loop3A_822[%parallel_loop3A_818, %parallel_loop3A_410] : memref<512x32xf32, #tpu.memory_space<vmem>>[vector<16xi32>, vector<16xi32>], vector<16xf32>,
        %parallel_loop3A_824 = arith.constant 2048 : i32
        %parallel_loop3A_825 = arith.addi %parallel_loop3A_455, %parallel_loop3A_824 : i32
        %parallel_loop3A_826 = arith.constant 64 : i32
        %parallel_loop3A_827 = arith.addi %parallel_loop3A_825, %parallel_loop3A_826 : i32
        %parallel_loop3A_828 = tpu.assume_multiple %parallel_loop3A_827, 16 : i32
        %parallel_loop3A_829 = arith.constant 0 : i32
        %parallel_loop3A_830 = tpu.memref_slice %arg7[%parallel_loop3A_64, %parallel_loop3A_829] : memref<2x16384xf32, #tpu.memory_space<vmem>> -> memref<1x16384xf32, #tpu.memory_space<vmem>>
        %parallel_loop3A_831 = tpu.memref_squeeze %parallel_loop3A_830 : memref<1x16384xf32, #tpu.memory_space<vmem>> -> memref<16384xf32, #tpu.memory_space<vmem>>
        %parallel_loop3A_832 = arith.index_cast %parallel_loop3A_828 : i32 to index
        %parallel_loop3A_833 = tpu.vector_load %parallel_loop3A_831[%parallel_loop3A_832] {strides = array<i32>} : memref<16384xf32, #tpu.memory_space<vmem>>, vector<16xf32>,
        tpu.vector_store %parallel_loop3A_831[%parallel_loop3A_832], %parallel_loop3A_823 {strides = array<i32>} : memref<16384xf32, #tpu.memory_space<vmem>>, vector<16xf32>,
        %parallel_loop3A_834 = arith.constant 336 : i32
        %parallel_loop3A_835 = vector.broadcast %parallel_loop3A_834 : i32 to vector<16xi32>
        %parallel_loop3A_836 = arith.addi %parallel_loop3A_835, %iota3A : vector<16xi32>
        %parallel_loop3A_837 = arith.constant 0 : i32
        %parallel_loop3A_838 = arith.constant 0 : i32
        %parallel_loop3A_839 = tpu.memref_slice %arg6[%parallel_loop3A_63, %parallel_loop3A_837, %parallel_loop3A_838] : memref<2x512x32xf32, #tpu.memory_space<vmem>> -> memref<1x512x32xf32, #tpu.memory_space<vmem>>
        %parallel_loop3A_840 = tpu.memref_squeeze %parallel_loop3A_839 : memref<1x512x32xf32, #tpu.memory_space<vmem>> -> memref<512x32xf32, #tpu.memory_space<vmem>>
        %parallel_loop3A_841 = tpu.vector_load_idx %parallel_loop3A_840[%parallel_loop3A_836, %parallel_loop3A_410] : memref<512x32xf32, #tpu.memory_space<vmem>>[vector<16xi32>, vector<16xi32>], vector<16xf32>,
        %parallel_loop3A_842 = arith.constant 2048 : i32
        %parallel_loop3A_843 = arith.addi %parallel_loop3A_455, %parallel_loop3A_842 : i32
        %parallel_loop3A_844 = arith.constant 80 : i32
        %parallel_loop3A_845 = arith.addi %parallel_loop3A_843, %parallel_loop3A_844 : i32
        %parallel_loop3A_846 = tpu.assume_multiple %parallel_loop3A_845, 16 : i32
        %parallel_loop3A_847 = arith.constant 0 : i32
        %parallel_loop3A_848 = tpu.memref_slice %arg7[%parallel_loop3A_64, %parallel_loop3A_847] : memref<2x16384xf32, #tpu.memory_space<vmem>> -> memref<1x16384xf32, #tpu.memory_space<vmem>>
        %parallel_loop3A_849 = tpu.memref_squeeze %parallel_loop3A_848 : memref<1x16384xf32, #tpu.memory_space<vmem>> -> memref<16384xf32, #tpu.memory_space<vmem>>
        %parallel_loop3A_850 = arith.index_cast %parallel_loop3A_846 : i32 to index
        %parallel_loop3A_851 = tpu.vector_load %parallel_loop3A_849[%parallel_loop3A_850] {strides = array<i32>} : memref<16384xf32, #tpu.memory_space<vmem>>, vector<16xf32>,
        tpu.vector_store %parallel_loop3A_849[%parallel_loop3A_850], %parallel_loop3A_841 {strides = array<i32>} : memref<16384xf32, #tpu.memory_space<vmem>>, vector<16xf32>,
        %parallel_loop3A_852 = arith.constant 352 : i32
        %parallel_loop3A_853 = vector.broadcast %parallel_loop3A_852 : i32 to vector<16xi32>
        %parallel_loop3A_854 = arith.addi %parallel_loop3A_853, %iota3A : vector<16xi32>
        %parallel_loop3A_855 = arith.constant 0 : i32
        %parallel_loop3A_856 = arith.constant 0 : i32
        %parallel_loop3A_857 = tpu.memref_slice %arg6[%parallel_loop3A_63, %parallel_loop3A_855, %parallel_loop3A_856] : memref<2x512x32xf32, #tpu.memory_space<vmem>> -> memref<1x512x32xf32, #tpu.memory_space<vmem>>
        %parallel_loop3A_858 = tpu.memref_squeeze %parallel_loop3A_857 : memref<1x512x32xf32, #tpu.memory_space<vmem>> -> memref<512x32xf32, #tpu.memory_space<vmem>>
        %parallel_loop3A_859 = tpu.vector_load_idx %parallel_loop3A_858[%parallel_loop3A_854, %parallel_loop3A_410] : memref<512x32xf32, #tpu.memory_space<vmem>>[vector<16xi32>, vector<16xi32>], vector<16xf32>,
        %parallel_loop3A_860 = arith.constant 2048 : i32
        %parallel_loop3A_861 = arith.addi %parallel_loop3A_455, %parallel_loop3A_860 : i32
        %parallel_loop3A_862 = arith.constant 96 : i32
        %parallel_loop3A_863 = arith.addi %parallel_loop3A_861, %parallel_loop3A_862 : i32
        %parallel_loop3A_864 = tpu.assume_multiple %parallel_loop3A_863, 16 : i32
        %parallel_loop3A_865 = arith.constant 0 : i32
        %parallel_loop3A_866 = tpu.memref_slice %arg7[%parallel_loop3A_64, %parallel_loop3A_865] : memref<2x16384xf32, #tpu.memory_space<vmem>> -> memref<1x16384xf32, #tpu.memory_space<vmem>>
        %parallel_loop3A_867 = tpu.memref_squeeze %parallel_loop3A_866 : memref<1x16384xf32, #tpu.memory_space<vmem>> -> memref<16384xf32, #tpu.memory_space<vmem>>
        %parallel_loop3A_868 = arith.index_cast %parallel_loop3A_864 : i32 to index
        %parallel_loop3A_869 = tpu.vector_load %parallel_loop3A_867[%parallel_loop3A_868] {strides = array<i32>} : memref<16384xf32, #tpu.memory_space<vmem>>, vector<16xf32>,
        tpu.vector_store %parallel_loop3A_867[%parallel_loop3A_868], %parallel_loop3A_859 {strides = array<i32>} : memref<16384xf32, #tpu.memory_space<vmem>>, vector<16xf32>,
        %parallel_loop3A_870 = arith.constant 368 : i32
        %parallel_loop3A_871 = vector.broadcast %parallel_loop3A_870 : i32 to vector<16xi32>
        %parallel_loop3A_872 = arith.addi %parallel_loop3A_871, %iota3A : vector<16xi32>
        %parallel_loop3A_873 = arith.constant 0 : i32
        %parallel_loop3A_874 = arith.constant 0 : i32
        %parallel_loop3A_875 = tpu.memref_slice %arg6[%parallel_loop3A_63, %parallel_loop3A_873, %parallel_loop3A_874] : memref<2x512x32xf32, #tpu.memory_space<vmem>> -> memref<1x512x32xf32, #tpu.memory_space<vmem>>
        %parallel_loop3A_876 = tpu.memref_squeeze %parallel_loop3A_875 : memref<1x512x32xf32, #tpu.memory_space<vmem>> -> memref<512x32xf32, #tpu.memory_space<vmem>>
        %parallel_loop3A_877 = tpu.vector_load_idx %parallel_loop3A_876[%parallel_loop3A_872, %parallel_loop3A_410] : memref<512x32xf32, #tpu.memory_space<vmem>>[vector<16xi32>, vector<16xi32>], vector<16xf32>,
        %parallel_loop3A_878 = arith.constant 2048 : i32
        %parallel_loop3A_879 = arith.addi %parallel_loop3A_455, %parallel_loop3A_878 : i32
        %parallel_loop3A_880 = arith.constant 112 : i32
        %parallel_loop3A_881 = arith.addi %parallel_loop3A_879, %parallel_loop3A_880 : i32
        %parallel_loop3A_882 = tpu.assume_multiple %parallel_loop3A_881, 16 : i32
        %parallel_loop3A_883 = arith.constant 0 : i32
        %parallel_loop3A_884 = tpu.memref_slice %arg7[%parallel_loop3A_64, %parallel_loop3A_883] : memref<2x16384xf32, #tpu.memory_space<vmem>> -> memref<1x16384xf32, #tpu.memory_space<vmem>>
        %parallel_loop3A_885 = tpu.memref_squeeze %parallel_loop3A_884 : memref<1x16384xf32, #tpu.memory_space<vmem>> -> memref<16384xf32, #tpu.memory_space<vmem>>
        %parallel_loop3A_886 = arith.index_cast %parallel_loop3A_882 : i32 to index
        %parallel_loop3A_887 = tpu.vector_load %parallel_loop3A_885[%parallel_loop3A_886] {strides = array<i32>} : memref<16384xf32, #tpu.memory_space<vmem>>, vector<16xf32>,
        tpu.vector_store %parallel_loop3A_885[%parallel_loop3A_886], %parallel_loop3A_877 {strides = array<i32>} : memref<16384xf32, #tpu.memory_space<vmem>>, vector<16xf32>,
        %parallel_loop3A_888 = arith.constant 384 : i32
        %parallel_loop3A_889 = vector.broadcast %parallel_loop3A_888 : i32 to vector<16xi32>
        %parallel_loop3A_890 = arith.addi %parallel_loop3A_889, %iota3A : vector<16xi32>
        %parallel_loop3A_891 = arith.constant 0 : i32
        %parallel_loop3A_892 = arith.constant 0 : i32
        %parallel_loop3A_893 = tpu.memref_slice %arg6[%parallel_loop3A_63, %parallel_loop3A_891, %parallel_loop3A_892] : memref<2x512x32xf32, #tpu.memory_space<vmem>> -> memref<1x512x32xf32, #tpu.memory_space<vmem>>
        %parallel_loop3A_894 = tpu.memref_squeeze %parallel_loop3A_893 : memref<1x512x32xf32, #tpu.memory_space<vmem>> -> memref<512x32xf32, #tpu.memory_space<vmem>>
        %parallel_loop3A_895 = tpu.vector_load_idx %parallel_loop3A_894[%parallel_loop3A_890, %parallel_loop3A_410] : memref<512x32xf32, #tpu.memory_space<vmem>>[vector<16xi32>, vector<16xi32>], vector<16xf32>,
        %parallel_loop3A_896 = arith.constant 3072 : i32
        %parallel_loop3A_897 = arith.addi %parallel_loop3A_455, %parallel_loop3A_896 : i32
        %parallel_loop3A_898 = arith.constant 0 : i32
        %parallel_loop3A_899 = arith.addi %parallel_loop3A_897, %parallel_loop3A_898 : i32
        %parallel_loop3A_900 = tpu.assume_multiple %parallel_loop3A_899, 16 : i32
        %parallel_loop3A_901 = arith.constant 0 : i32
        %parallel_loop3A_902 = tpu.memref_slice %arg7[%parallel_loop3A_64, %parallel_loop3A_901] : memref<2x16384xf32, #tpu.memory_space<vmem>> -> memref<1x16384xf32, #tpu.memory_space<vmem>>
        %parallel_loop3A_903 = tpu.memref_squeeze %parallel_loop3A_902 : memref<1x16384xf32, #tpu.memory_space<vmem>> -> memref<16384xf32, #tpu.memory_space<vmem>>
        %parallel_loop3A_904 = arith.index_cast %parallel_loop3A_900 : i32 to index
        %parallel_loop3A_905 = tpu.vector_load %parallel_loop3A_903[%parallel_loop3A_904] {strides = array<i32>} : memref<16384xf32, #tpu.memory_space<vmem>>, vector<16xf32>,
        tpu.vector_store %parallel_loop3A_903[%parallel_loop3A_904], %parallel_loop3A_895 {strides = array<i32>} : memref<16384xf32, #tpu.memory_space<vmem>>, vector<16xf32>,
        %parallel_loop3A_906 = arith.constant 400 : i32
        %parallel_loop3A_907 = vector.broadcast %parallel_loop3A_906 : i32 to vector<16xi32>
        %parallel_loop3A_908 = arith.addi %parallel_loop3A_907, %iota3A : vector<16xi32>
        %parallel_loop3A_909 = arith.constant 0 : i32
        %parallel_loop3A_910 = arith.constant 0 : i32
        %parallel_loop3A_911 = tpu.memref_slice %arg6[%parallel_loop3A_63, %parallel_loop3A_909, %parallel_loop3A_910] : memref<2x512x32xf32, #tpu.memory_space<vmem>> -> memref<1x512x32xf32, #tpu.memory_space<vmem>>
        %parallel_loop3A_912 = tpu.memref_squeeze %parallel_loop3A_911 : memref<1x512x32xf32, #tpu.memory_space<vmem>> -> memref<512x32xf32, #tpu.memory_space<vmem>>
        %parallel_loop3A_913 = tpu.vector_load_idx %parallel_loop3A_912[%parallel_loop3A_908, %parallel_loop3A_410] : memref<512x32xf32, #tpu.memory_space<vmem>>[vector<16xi32>, vector<16xi32>], vector<16xf32>,
        %parallel_loop3A_914 = arith.constant 3072 : i32
        %parallel_loop3A_915 = arith.addi %parallel_loop3A_455, %parallel_loop3A_914 : i32
        %parallel_loop3A_916 = arith.constant 16 : i32
        %parallel_loop3A_917 = arith.addi %parallel_loop3A_915, %parallel_loop3A_916 : i32
        %parallel_loop3A_918 = tpu.assume_multiple %parallel_loop3A_917, 16 : i32
        %parallel_loop3A_919 = arith.constant 0 : i32
        %parallel_loop3A_920 = tpu.memref_slice %arg7[%parallel_loop3A_64, %parallel_loop3A_919] : memref<2x16384xf32, #tpu.memory_space<vmem>> -> memref<1x16384xf32, #tpu.memory_space<vmem>>
        %parallel_loop3A_921 = tpu.memref_squeeze %parallel_loop3A_920 : memref<1x16384xf32, #tpu.memory_space<vmem>> -> memref<16384xf32, #tpu.memory_space<vmem>>
        %parallel_loop3A_922 = arith.index_cast %parallel_loop3A_918 : i32 to index
        %parallel_loop3A_923 = tpu.vector_load %parallel_loop3A_921[%parallel_loop3A_922] {strides = array<i32>} : memref<16384xf32, #tpu.memory_space<vmem>>, vector<16xf32>,
        tpu.vector_store %parallel_loop3A_921[%parallel_loop3A_922], %parallel_loop3A_913 {strides = array<i32>} : memref<16384xf32, #tpu.memory_space<vmem>>, vector<16xf32>,
        %parallel_loop3A_924 = arith.constant 416 : i32
        %parallel_loop3A_925 = vector.broadcast %parallel_loop3A_924 : i32 to vector<16xi32>
        %parallel_loop3A_926 = arith.addi %parallel_loop3A_925, %iota3A : vector<16xi32>
        %parallel_loop3A_927 = arith.constant 0 : i32
        %parallel_loop3A_928 = arith.constant 0 : i32
        %parallel_loop3A_929 = tpu.memref_slice %arg6[%parallel_loop3A_63, %parallel_loop3A_927, %parallel_loop3A_928] : memref<2x512x32xf32, #tpu.memory_space<vmem>> -> memref<1x512x32xf32, #tpu.memory_space<vmem>>
        %parallel_loop3A_930 = tpu.memref_squeeze %parallel_loop3A_929 : memref<1x512x32xf32, #tpu.memory_space<vmem>> -> memref<512x32xf32, #tpu.memory_space<vmem>>
        %parallel_loop3A_931 = tpu.vector_load_idx %parallel_loop3A_930[%parallel_loop3A_926, %parallel_loop3A_410] : memref<512x32xf32, #tpu.memory_space<vmem>>[vector<16xi32>, vector<16xi32>], vector<16xf32>,
        %parallel_loop3A_932 = arith.constant 3072 : i32
        %parallel_loop3A_933 = arith.addi %parallel_loop3A_455, %parallel_loop3A_932 : i32
        %parallel_loop3A_934 = arith.constant 32 : i32
        %parallel_loop3A_935 = arith.addi %parallel_loop3A_933, %parallel_loop3A_934 : i32
        %parallel_loop3A_936 = tpu.assume_multiple %parallel_loop3A_935, 16 : i32
        %parallel_loop3A_937 = arith.constant 0 : i32
        %parallel_loop3A_938 = tpu.memref_slice %arg7[%parallel_loop3A_64, %parallel_loop3A_937] : memref<2x16384xf32, #tpu.memory_space<vmem>> -> memref<1x16384xf32, #tpu.memory_space<vmem>>
        %parallel_loop3A_939 = tpu.memref_squeeze %parallel_loop3A_938 : memref<1x16384xf32, #tpu.memory_space<vmem>> -> memref<16384xf32, #tpu.memory_space<vmem>>
        %parallel_loop3A_940 = arith.index_cast %parallel_loop3A_936 : i32 to index
        %parallel_loop3A_941 = tpu.vector_load %parallel_loop3A_939[%parallel_loop3A_940] {strides = array<i32>} : memref<16384xf32, #tpu.memory_space<vmem>>, vector<16xf32>,
        tpu.vector_store %parallel_loop3A_939[%parallel_loop3A_940], %parallel_loop3A_931 {strides = array<i32>} : memref<16384xf32, #tpu.memory_space<vmem>>, vector<16xf32>,
        %parallel_loop3A_942 = arith.constant 432 : i32
        %parallel_loop3A_943 = vector.broadcast %parallel_loop3A_942 : i32 to vector<16xi32>
        %parallel_loop3A_944 = arith.addi %parallel_loop3A_943, %iota3A : vector<16xi32>
        %parallel_loop3A_945 = arith.constant 0 : i32
        %parallel_loop3A_946 = arith.constant 0 : i32
        %parallel_loop3A_947 = tpu.memref_slice %arg6[%parallel_loop3A_63, %parallel_loop3A_945, %parallel_loop3A_946] : memref<2x512x32xf32, #tpu.memory_space<vmem>> -> memref<1x512x32xf32, #tpu.memory_space<vmem>>
        %parallel_loop3A_948 = tpu.memref_squeeze %parallel_loop3A_947 : memref<1x512x32xf32, #tpu.memory_space<vmem>> -> memref<512x32xf32, #tpu.memory_space<vmem>>
        %parallel_loop3A_949 = tpu.vector_load_idx %parallel_loop3A_948[%parallel_loop3A_944, %parallel_loop3A_410] : memref<512x32xf32, #tpu.memory_space<vmem>>[vector<16xi32>, vector<16xi32>], vector<16xf32>,
        %parallel_loop3A_950 = arith.constant 3072 : i32
        %parallel_loop3A_951 = arith.addi %parallel_loop3A_455, %parallel_loop3A_950 : i32
        %parallel_loop3A_952 = arith.constant 48 : i32
        %parallel_loop3A_953 = arith.addi %parallel_loop3A_951, %parallel_loop3A_952 : i32
        %parallel_loop3A_954 = tpu.assume_multiple %parallel_loop3A_953, 16 : i32
        %parallel_loop3A_955 = arith.constant 0 : i32
        %parallel_loop3A_956 = tpu.memref_slice %arg7[%parallel_loop3A_64, %parallel_loop3A_955] : memref<2x16384xf32, #tpu.memory_space<vmem>> -> memref<1x16384xf32, #tpu.memory_space<vmem>>
        %parallel_loop3A_957 = tpu.memref_squeeze %parallel_loop3A_956 : memref<1x16384xf32, #tpu.memory_space<vmem>> -> memref<16384xf32, #tpu.memory_space<vmem>>
        %parallel_loop3A_958 = arith.index_cast %parallel_loop3A_954 : i32 to index
        %parallel_loop3A_959 = tpu.vector_load %parallel_loop3A_957[%parallel_loop3A_958] {strides = array<i32>} : memref<16384xf32, #tpu.memory_space<vmem>>, vector<16xf32>,
        tpu.vector_store %parallel_loop3A_957[%parallel_loop3A_958], %parallel_loop3A_949 {strides = array<i32>} : memref<16384xf32, #tpu.memory_space<vmem>>, vector<16xf32>,
        %parallel_loop3A_960 = arith.constant 448 : i32
        %parallel_loop3A_961 = vector.broadcast %parallel_loop3A_960 : i32 to vector<16xi32>
        %parallel_loop3A_962 = arith.addi %parallel_loop3A_961, %iota3A : vector<16xi32>
        %parallel_loop3A_963 = arith.constant 0 : i32
        %parallel_loop3A_964 = arith.constant 0 : i32
        %parallel_loop3A_965 = tpu.memref_slice %arg6[%parallel_loop3A_63, %parallel_loop3A_963, %parallel_loop3A_964] : memref<2x512x32xf32, #tpu.memory_space<vmem>> -> memref<1x512x32xf32, #tpu.memory_space<vmem>>
        %parallel_loop3A_966 = tpu.memref_squeeze %parallel_loop3A_965 : memref<1x512x32xf32, #tpu.memory_space<vmem>> -> memref<512x32xf32, #tpu.memory_space<vmem>>
        %parallel_loop3A_967 = tpu.vector_load_idx %parallel_loop3A_966[%parallel_loop3A_962, %parallel_loop3A_410] : memref<512x32xf32, #tpu.memory_space<vmem>>[vector<16xi32>, vector<16xi32>], vector<16xf32>,
        %parallel_loop3A_968 = arith.constant 3072 : i32
        %parallel_loop3A_969 = arith.addi %parallel_loop3A_455, %parallel_loop3A_968 : i32
        %parallel_loop3A_970 = arith.constant 64 : i32
        %parallel_loop3A_971 = arith.addi %parallel_loop3A_969, %parallel_loop3A_970 : i32
        %parallel_loop3A_972 = tpu.assume_multiple %parallel_loop3A_971, 16 : i32
        %parallel_loop3A_973 = arith.constant 0 : i32
        %parallel_loop3A_974 = tpu.memref_slice %arg7[%parallel_loop3A_64, %parallel_loop3A_973] : memref<2x16384xf32, #tpu.memory_space<vmem>> -> memref<1x16384xf32, #tpu.memory_space<vmem>>
        %parallel_loop3A_975 = tpu.memref_squeeze %parallel_loop3A_974 : memref<1x16384xf32, #tpu.memory_space<vmem>> -> memref<16384xf32, #tpu.memory_space<vmem>>
        %parallel_loop3A_976 = arith.index_cast %parallel_loop3A_972 : i32 to index
        %parallel_loop3A_977 = tpu.vector_load %parallel_loop3A_975[%parallel_loop3A_976] {strides = array<i32>} : memref<16384xf32, #tpu.memory_space<vmem>>, vector<16xf32>,
        tpu.vector_store %parallel_loop3A_975[%parallel_loop3A_976], %parallel_loop3A_967 {strides = array<i32>} : memref<16384xf32, #tpu.memory_space<vmem>>, vector<16xf32>,
        %parallel_loop3A_978 = arith.constant 464 : i32
        %parallel_loop3A_979 = vector.broadcast %parallel_loop3A_978 : i32 to vector<16xi32>
        %parallel_loop3A_980 = arith.addi %parallel_loop3A_979, %iota3A : vector<16xi32>
        %parallel_loop3A_981 = arith.constant 0 : i32
        %parallel_loop3A_982 = arith.constant 0 : i32
        %parallel_loop3A_983 = tpu.memref_slice %arg6[%parallel_loop3A_63, %parallel_loop3A_981, %parallel_loop3A_982] : memref<2x512x32xf32, #tpu.memory_space<vmem>> -> memref<1x512x32xf32, #tpu.memory_space<vmem>>
        %parallel_loop3A_984 = tpu.memref_squeeze %parallel_loop3A_983 : memref<1x512x32xf32, #tpu.memory_space<vmem>> -> memref<512x32xf32, #tpu.memory_space<vmem>>
        %parallel_loop3A_985 = tpu.vector_load_idx %parallel_loop3A_984[%parallel_loop3A_980, %parallel_loop3A_410] : memref<512x32xf32, #tpu.memory_space<vmem>>[vector<16xi32>, vector<16xi32>], vector<16xf32>,
        %parallel_loop3A_986 = arith.constant 3072 : i32
        %parallel_loop3A_987 = arith.addi %parallel_loop3A_455, %parallel_loop3A_986 : i32
        %parallel_loop3A_988 = arith.constant 80 : i32
        %parallel_loop3A_989 = arith.addi %parallel_loop3A_987, %parallel_loop3A_988 : i32
        %parallel_loop3A_990 = tpu.assume_multiple %parallel_loop3A_989, 16 : i32
        %parallel_loop3A_991 = arith.constant 0 : i32
        %parallel_loop3A_992 = tpu.memref_slice %arg7[%parallel_loop3A_64, %parallel_loop3A_991] : memref<2x16384xf32, #tpu.memory_space<vmem>> -> memref<1x16384xf32, #tpu.memory_space<vmem>>
        %parallel_loop3A_993 = tpu.memref_squeeze %parallel_loop3A_992 : memref<1x16384xf32, #tpu.memory_space<vmem>> -> memref<16384xf32, #tpu.memory_space<vmem>>
        %parallel_loop3A_994 = arith.index_cast %parallel_loop3A_990 : i32 to index
        %parallel_loop3A_995 = tpu.vector_load %parallel_loop3A_993[%parallel_loop3A_994] {strides = array<i32>} : memref<16384xf32, #tpu.memory_space<vmem>>, vector<16xf32>,
        tpu.vector_store %parallel_loop3A_993[%parallel_loop3A_994], %parallel_loop3A_985 {strides = array<i32>} : memref<16384xf32, #tpu.memory_space<vmem>>, vector<16xf32>,
        %parallel_loop3A_996 = arith.constant 480 : i32
        %parallel_loop3A_997 = vector.broadcast %parallel_loop3A_996 : i32 to vector<16xi32>
        %parallel_loop3A_998 = arith.addi %parallel_loop3A_997, %iota3A : vector<16xi32>
        %parallel_loop3A_999 = arith.constant 0 : i32
        %parallel_loop3A_1000 = arith.constant 0 : i32
        %parallel_loop3A_1001 = tpu.memref_slice %arg6[%parallel_loop3A_63, %parallel_loop3A_999, %parallel_loop3A_1000] : memref<2x512x32xf32, #tpu.memory_space<vmem>> -> memref<1x512x32xf32, #tpu.memory_space<vmem>>
        %parallel_loop3A_1002 = tpu.memref_squeeze %parallel_loop3A_1001 : memref<1x512x32xf32, #tpu.memory_space<vmem>> -> memref<512x32xf32, #tpu.memory_space<vmem>>
        %parallel_loop3A_1003 = tpu.vector_load_idx %parallel_loop3A_1002[%parallel_loop3A_998, %parallel_loop3A_410] : memref<512x32xf32, #tpu.memory_space<vmem>>[vector<16xi32>, vector<16xi32>], vector<16xf32>,
        %parallel_loop3A_1004 = arith.constant 3072 : i32
        %parallel_loop3A_1005 = arith.addi %parallel_loop3A_455, %parallel_loop3A_1004 : i32
        %parallel_loop3A_1006 = arith.constant 96 : i32
        %parallel_loop3A_1007 = arith.addi %parallel_loop3A_1005, %parallel_loop3A_1006 : i32
        %parallel_loop3A_1008 = tpu.assume_multiple %parallel_loop3A_1007, 16 : i32
        %parallel_loop3A_1009 = arith.constant 0 : i32
        %parallel_loop3A_1010 = tpu.memref_slice %arg7[%parallel_loop3A_64, %parallel_loop3A_1009] : memref<2x16384xf32, #tpu.memory_space<vmem>> -> memref<1x16384xf32, #tpu.memory_space<vmem>>
        %parallel_loop3A_1011 = tpu.memref_squeeze %parallel_loop3A_1010 : memref<1x16384xf32, #tpu.memory_space<vmem>> -> memref<16384xf32, #tpu.memory_space<vmem>>
        %parallel_loop3A_1012 = arith.index_cast %parallel_loop3A_1008 : i32 to index
        %parallel_loop3A_1013 = tpu.vector_load %parallel_loop3A_1011[%parallel_loop3A_1012] {strides = array<i32>} : memref<16384xf32, #tpu.memory_space<vmem>>, vector<16xf32>,
        tpu.vector_store %parallel_loop3A_1011[%parallel_loop3A_1012], %parallel_loop3A_1003 {strides = array<i32>} : memref<16384xf32, #tpu.memory_space<vmem>>, vector<16xf32>,
        %parallel_loop3A_1014 = arith.constant 496 : i32
        %parallel_loop3A_1015 = vector.broadcast %parallel_loop3A_1014 : i32 to vector<16xi32>
        %parallel_loop3A_1016 = arith.addi %parallel_loop3A_1015, %iota3A : vector<16xi32>
        %parallel_loop3A_1017 = arith.constant 0 : i32
        %parallel_loop3A_1018 = arith.constant 0 : i32
        %parallel_loop3A_1019 = tpu.memref_slice %arg6[%parallel_loop3A_63, %parallel_loop3A_1017, %parallel_loop3A_1018] : memref<2x512x32xf32, #tpu.memory_space<vmem>> -> memref<1x512x32xf32, #tpu.memory_space<vmem>>
        %parallel_loop3A_1020 = tpu.memref_squeeze %parallel_loop3A_1019 : memref<1x512x32xf32, #tpu.memory_space<vmem>> -> memref<512x32xf32, #tpu.memory_space<vmem>>
        %parallel_loop3A_1021 = tpu.vector_load_idx %parallel_loop3A_1020[%parallel_loop3A_1016, %parallel_loop3A_410] : memref<512x32xf32, #tpu.memory_space<vmem>>[vector<16xi32>, vector<16xi32>], vector<16xf32>,
        %parallel_loop3A_1022 = arith.constant 3072 : i32
        %parallel_loop3A_1023 = arith.addi %parallel_loop3A_455, %parallel_loop3A_1022 : i32
        %parallel_loop3A_1024 = arith.constant 112 : i32
        %parallel_loop3A_1025 = arith.addi %parallel_loop3A_1023, %parallel_loop3A_1024 : i32
        %parallel_loop3A_1026 = tpu.assume_multiple %parallel_loop3A_1025, 16 : i32
        %parallel_loop3A_1027 = arith.constant 0 : i32
        %parallel_loop3A_1028 = tpu.memref_slice %arg7[%parallel_loop3A_64, %parallel_loop3A_1027] : memref<2x16384xf32, #tpu.memory_space<vmem>> -> memref<1x16384xf32, #tpu.memory_space<vmem>>
        %parallel_loop3A_1029 = tpu.memref_squeeze %parallel_loop3A_1028 : memref<1x16384xf32, #tpu.memory_space<vmem>> -> memref<16384xf32, #tpu.memory_space<vmem>>
        %parallel_loop3A_1030 = arith.index_cast %parallel_loop3A_1026 : i32 to index
        %parallel_loop3A_1031 = tpu.vector_load %parallel_loop3A_1029[%parallel_loop3A_1030] {strides = array<i32>} : memref<16384xf32, #tpu.memory_space<vmem>>, vector<16xf32>,
        tpu.vector_store %parallel_loop3A_1029[%parallel_loop3A_1030], %parallel_loop3A_1021 {strides = array<i32>} : memref<16384xf32, #tpu.memory_space<vmem>>, vector<16xf32>,
      } {sc.loop_unroll_factor = 4 : i64, sc.parallel_access}
      %mul3A_65 = arith.constant 512 : i32
      %mul3A_66 = arith.muli %add3A_42, %mul3A_65 : i32
      %add3A_67 = arith.addi %mul3A_2, %mul3A_66 : i32
      %jit3A = arith.constant 4096 : i32
      %div3A = arith.divsi %add3A_67, %jit3A : i32
      %sign3A = arith.constant 0 : i32
      %sign3A_68 = arith.cmpi sgt, %add3A_67, %sign3A : i32
      %sign3A_69 = arith.extui %sign3A_68 : i1 to i32
      %sign3A_70 = arith.constant 0 : i32
      %sign3A_71 = arith.cmpi slt, %add3A_67, %sign3A_70 : i32
      %sign3A_72 = arith.extui %sign3A_71 : i1 to i32
      %sign3A_73 = arith.subi %sign3A_69, %sign3A_72 : i32
      %sign3A_74 = arith.constant 0 : i32
      %sign3A_75 = arith.cmpi sgt, %jit3A, %sign3A_74 : i32
      %sign3A_76 = arith.extui %sign3A_75 : i1 to i32
      %sign3A_77 = arith.constant 0 : i32
      %sign3A_78 = arith.cmpi slt, %jit3A, %sign3A_77 : i32
      %sign3A_79 = arith.extui %sign3A_78 : i1 to i32
      %sign3A_80 = arith.subi %sign3A_76, %sign3A_79 : i32
      %ne3A = arith.cmpi ne, %sign3A_73, %sign3A_80 : i32
      %rem3A = arith.remsi %add3A_67, %jit3A : i32
      %ne3A_81 = arith.constant 0 : i32
      %ne3A_82 = arith.cmpi ne, %rem3A, %ne3A_81 : i32
      %and3A = arith.andi %ne3A, %ne3A_82 : i1
      %sub3A = arith.constant 1 : i32
      %sub3A_83 = arith.subi %div3A, %sub3A : i32
      %select_n3A = arith.select %and3A, %sub3A_83, %div3A : i32
      %jit3A_84 = arith.constant 4096 : i32
      %eq3A = arith.constant 0 : i32
      %eq3A_85 = arith.cmpi eq, %jit3A_84, %eq3A : i32
      %jit3A_86 = arith.constant 1 : i32
      %select_n3A_87 = arith.select %eq3A_85, %jit3A_86, %jit3A_84 : i32
      %rem3A_88 = arith.remsi %add3A_67, %select_n3A_87 : i32
      %ne3A_89 = arith.constant 0 : i32
      %ne3A_90 = arith.cmpi ne, %rem3A_88, %ne3A_89 : i32
      %lt3A_91 = arith.constant 0 : i32
      %lt3A_92 = arith.cmpi slt, %rem3A_88, %lt3A_91 : i32
      %lt3A_93 = arith.constant 0 : i32
      %lt3A_94 = arith.cmpi slt, %select_n3A_87, %lt3A_93 : i32
      %ne3A_95 = arith.xori %lt3A_92, %lt3A_94 : i1
      %and3A_96 = arith.andi %ne3A_95, %ne3A_90 : i1
      %add3A_97 = arith.addi %rem3A_88, %select_n3A_87 : i32
      %select_n3A_98 = arith.select %and3A_96, %add3A_97, %rem3A_88 : i32
      %jit3A_99 = arith.constant 128 : i32
      %div3A_100 = arith.divsi %select_n3A_98, %jit3A_99 : i32
      %sign3A_101 = arith.constant 0 : i32
      %sign3A_102 = arith.cmpi sgt, %select_n3A_98, %sign3A_101 : i32
      %sign3A_103 = arith.extui %sign3A_102 : i1 to i32
      %sign3A_104 = arith.constant 0 : i32
      %sign3A_105 = arith.cmpi slt, %select_n3A_98, %sign3A_104 : i32
      %sign3A_106 = arith.extui %sign3A_105 : i1 to i32
      %sign3A_107 = arith.subi %sign3A_103, %sign3A_106 : i32
      %sign3A_108 = arith.constant 0 : i32
      %sign3A_109 = arith.cmpi sgt, %jit3A_99, %sign3A_108 : i32
      %sign3A_110 = arith.extui %sign3A_109 : i1 to i32
      %sign3A_111 = arith.constant 0 : i32
      %sign3A_112 = arith.cmpi slt, %jit3A_99, %sign3A_111 : i32
      %sign3A_113 = arith.extui %sign3A_112 : i1 to i32
      %sign3A_114 = arith.subi %sign3A_110, %sign3A_113 : i32
      %ne3A_115 = arith.cmpi ne, %sign3A_107, %sign3A_114 : i32
      %rem3A_116 = arith.remsi %select_n3A_98, %jit3A_99 : i32
      %ne3A_117 = arith.constant 0 : i32
      %ne3A_118 = arith.cmpi ne, %rem3A_116, %ne3A_117 : i32
      %and3A_119 = arith.andi %ne3A_115, %ne3A_118 : i1
      %sub3A_120 = arith.constant 1 : i32
      %sub3A_121 = arith.subi %div3A_100, %sub3A_120 : i32
      %select_n3A_122 = arith.select %and3A_119, %sub3A_121, %div3A_100 : i32
      %mul3A_123 = arith.constant 4 : i32
      %mul3A_124 = arith.muli %select_n3A, %mul3A_123 : i32
      %add3A_125 = arith.constant 0 : i32
      %add3A_126 = arith.addi %mul3A_124, %add3A_125 : i32
      %mul3A_127 = arith.constant 32 : i32
      %mul3A_128 = arith.muli %add3A_126, %mul3A_127 : i32
      %add3A_129 = arith.addi %mul3A_128, %select_n3A_122 : i32
      %mul3A_130 = arith.constant 1024 : i32
      %mul3A_131 = arith.muli %add3A_129, %mul3A_130 : i32
      %multiple_of3A_132 = tpu.assume_multiple %mul3A_131, 8 : i32
      %dma_start3A_133 = arith.constant 0 : i32
      %dma_start3A_134 = arith.constant 0 : i32
      %dma_start3A_135 = tpu.memref_slice %arg7[%dma_start3A_133, %dma_start3A_134] : memref<2x16384xf32, #tpu.memory_space<vmem>> -> memref<1x16384xf32, #tpu.memory_space<vmem>>
      %dma_start3A_136 = tpu.memref_squeeze %dma_start3A_135 : memref<1x16384xf32, #tpu.memory_space<vmem>> -> memref<16384xf32, #tpu.memory_space<vmem>>
      %dma_start3A_137 = arith.constant 0 : i32
      %dma_start3A_138 = tpu.memref_slice %dma_start3A_136[%dma_start3A_137] : memref<16384xf32, #tpu.memory_space<vmem>> -> memref<4096xf32, #tpu.memory_space<vmem>>
      %dma_start3A_139 = tpu.memref_slice %arg4[%multiple_of3A_132] : memref<26214400xf32, #tpu.memory_space<hbm>> -> memref<4096xf32, #tpu.memory_space<hbm>>
      %dma_start3A_140 = tpu.memref_slice %arg4[%multiple_of3A_132] : memref<26214400xf32, #tpu.memory_space<hbm>> -> memref<4096xf32, #tpu.memory_space<hbm>>
      %dma_start3A_141 = arith.constant 0 : i32
      %dma_start3A_142 = tpu.memref_slice %arg7[%dma_start3A_133, %dma_start3A_141] : memref<2x16384xf32, #tpu.memory_space<vmem>> -> memref<1x16384xf32, #tpu.memory_space<vmem>>
      %dma_start3A_143 = tpu.memref_squeeze %dma_start3A_142 : memref<1x16384xf32, #tpu.memory_space<vmem>> -> memref<16384xf32, #tpu.memory_space<vmem>>
      %dma_start3A_144 = arith.constant 0 : i32
      %dma_start3A_145 = tpu.memref_slice %dma_start3A_143[%dma_start3A_144] : memref<16384xf32, #tpu.memory_space<vmem>> -> memref<4096xf32, #tpu.memory_space<vmem>>
      tpu.enqueue_dma source(%dma_start3A_145 : memref<4096xf32, #tpu.memory_space<vmem>>) target(%dma_start3A_140 : memref<4096xf32, #tpu.memory_space<hbm>>) target_semaphore(%arg10 : memref<!tpu.dma_semaphore, #tpu.memory_space<semaphore_mem>>)
      %mul3A_146 = arith.constant 4 : i32
      %mul3A_147 = arith.muli %select_n3A, %mul3A_146 : i32
      %add3A_148 = arith.constant 1 : i32
      %add3A_149 = arith.addi %mul3A_147, %add3A_148 : i32
      %mul3A_150 = arith.constant 32 : i32
      %mul3A_151 = arith.muli %add3A_149, %mul3A_150 : i32
      %add3A_152 = arith.addi %mul3A_151, %select_n3A_122 : i32
      %mul3A_153 = arith.constant 1024 : i32
      %mul3A_154 = arith.muli %add3A_152, %mul3A_153 : i32
      %multiple_of3A_155 = tpu.assume_multiple %mul3A_154, 8 : i32
      %dma_start3A_156 = arith.constant 0 : i32
      %dma_start3A_157 = arith.constant 0 : i32
      %dma_start3A_158 = tpu.memref_slice %arg7[%dma_start3A_156, %dma_start3A_157] : memref<2x16384xf32, #tpu.memory_space<vmem>> -> memref<1x16384xf32, #tpu.memory_space<vmem>>
      %dma_start3A_159 = tpu.memref_squeeze %dma_start3A_158 : memref<1x16384xf32, #tpu.memory_space<vmem>> -> memref<16384xf32, #tpu.memory_space<vmem>>
      %dma_start3A_160 = arith.constant 4096 : i32
      %dma_start3A_161 = tpu.memref_slice %dma_start3A_159[%dma_start3A_160] : memref<16384xf32, #tpu.memory_space<vmem>> -> memref<4096xf32, #tpu.memory_space<vmem>>
      %dma_start3A_162 = tpu.memref_slice %arg4[%multiple_of3A_155] : memref<26214400xf32, #tpu.memory_space<hbm>> -> memref<4096xf32, #tpu.memory_space<hbm>>
      %dma_start3A_163 = tpu.memref_slice %arg4[%multiple_of3A_155] : memref<26214400xf32, #tpu.memory_space<hbm>> -> memref<4096xf32, #tpu.memory_space<hbm>>
      %dma_start3A_164 = arith.constant 0 : i32
      %dma_start3A_165 = tpu.memref_slice %arg7[%dma_start3A_156, %dma_start3A_164] : memref<2x16384xf32, #tpu.memory_space<vmem>> -> memref<1x16384xf32, #tpu.memory_space<vmem>>
      %dma_start3A_166 = tpu.memref_squeeze %dma_start3A_165 : memref<1x16384xf32, #tpu.memory_space<vmem>> -> memref<16384xf32, #tpu.memory_space<vmem>>
      %dma_start3A_167 = arith.constant 4096 : i32
      %dma_start3A_168 = tpu.memref_slice %dma_start3A_166[%dma_start3A_167] : memref<16384xf32, #tpu.memory_space<vmem>> -> memref<4096xf32, #tpu.memory_space<vmem>>
      tpu.enqueue_dma source(%dma_start3A_168 : memref<4096xf32, #tpu.memory_space<vmem>>) target(%dma_start3A_163 : memref<4096xf32, #tpu.memory_space<hbm>>) target_semaphore(%arg10 : memref<!tpu.dma_semaphore, #tpu.memory_space<semaphore_mem>>)
      %mul3A_169 = arith.constant 4 : i32
      %mul3A_170 = arith.muli %select_n3A, %mul3A_169 : i32
      %add3A_171 = arith.constant 2 : i32
      %add3A_172 = arith.addi %mul3A_170, %add3A_171 : i32
      %mul3A_173 = arith.constant 32 : i32
      %mul3A_174 = arith.muli %add3A_172, %mul3A_173 : i32
      %add3A_175 = arith.addi %mul3A_174, %select_n3A_122 : i32
      %mul3A_176 = arith.constant 1024 : i32
      %mul3A_177 = arith.muli %add3A_175, %mul3A_176 : i32
      %multiple_of3A_178 = tpu.assume_multiple %mul3A_177, 8 : i32
      %dma_start3A_179 = arith.constant 0 : i32
      %dma_start3A_180 = arith.constant 0 : i32
      %dma_start3A_181 = tpu.memref_slice %arg7[%dma_start3A_179, %dma_start3A_180] : memref<2x16384xf32, #tpu.memory_space<vmem>> -> memref<1x16384xf32, #tpu.memory_space<vmem>>
      %dma_start3A_182 = tpu.memref_squeeze %dma_start3A_181 : memref<1x16384xf32, #tpu.memory_space<vmem>> -> memref<16384xf32, #tpu.memory_space<vmem>>
      %dma_start3A_183 = arith.constant 8192 : i32
      %dma_start3A_184 = tpu.memref_slice %dma_start3A_182[%dma_start3A_183] : memref<16384xf32, #tpu.memory_space<vmem>> -> memref<4096xf32, #tpu.memory_space<vmem>>
      %dma_start3A_185 = tpu.memref_slice %arg4[%multiple_of3A_178] : memref<26214400xf32, #tpu.memory_space<hbm>> -> memref<4096xf32, #tpu.memory_space<hbm>>
      %dma_start3A_186 = tpu.memref_slice %arg4[%multiple_of3A_178] : memref<26214400xf32, #tpu.memory_space<hbm>> -> memref<4096xf32, #tpu.memory_space<hbm>>
      %dma_start3A_187 = arith.constant 0 : i32
      %dma_start3A_188 = tpu.memref_slice %arg7[%dma_start3A_179, %dma_start3A_187] : memref<2x16384xf32, #tpu.memory_space<vmem>> -> memref<1x16384xf32, #tpu.memory_space<vmem>>
      %dma_start3A_189 = tpu.memref_squeeze %dma_start3A_188 : memref<1x16384xf32, #tpu.memory_space<vmem>> -> memref<16384xf32, #tpu.memory_space<vmem>>
      %dma_start3A_190 = arith.constant 8192 : i32
      %dma_start3A_191 = tpu.memref_slice %dma_start3A_189[%dma_start3A_190] : memref<16384xf32, #tpu.memory_space<vmem>> -> memref<4096xf32, #tpu.memory_space<vmem>>
      tpu.enqueue_dma source(%dma_start3A_191 : memref<4096xf32, #tpu.memory_space<vmem>>) target(%dma_start3A_186 : memref<4096xf32, #tpu.memory_space<hbm>>) target_semaphore(%arg10 : memref<!tpu.dma_semaphore, #tpu.memory_space<semaphore_mem>>)
      %mul3A_192 = arith.constant 4 : i32
      %mul3A_193 = arith.muli %select_n3A, %mul3A_192 : i32
      %add3A_194 = arith.constant 3 : i32
      %add3A_195 = arith.addi %mul3A_193, %add3A_194 : i32
      %mul3A_196 = arith.constant 32 : i32
      %mul3A_197 = arith.muli %add3A_195, %mul3A_196 : i32
      %add3A_198 = arith.addi %mul3A_197, %select_n3A_122 : i32
      %mul3A_199 = arith.constant 1024 : i32
      %mul3A_200 = arith.muli %add3A_198, %mul3A_199 : i32
      %multiple_of3A_201 = tpu.assume_multiple %mul3A_200, 8 : i32
      %dma_start3A_202 = arith.constant 0 : i32
      %dma_start3A_203 = arith.constant 0 : i32
      %dma_start3A_204 = tpu.memref_slice %arg7[%dma_start3A_202, %dma_start3A_203] : memref<2x16384xf32, #tpu.memory_space<vmem>> -> memref<1x16384xf32, #tpu.memory_space<vmem>>
      %dma_start3A_205 = tpu.memref_squeeze %dma_start3A_204 : memref<1x16384xf32, #tpu.memory_space<vmem>> -> memref<16384xf32, #tpu.memory_space<vmem>>
      %dma_start3A_206 = arith.constant 12288 : i32
      %dma_start3A_207 = tpu.memref_slice %dma_start3A_205[%dma_start3A_206] : memref<16384xf32, #tpu.memory_space<vmem>> -> memref<4096xf32, #tpu.memory_space<vmem>>
      %dma_start3A_208 = tpu.memref_slice %arg4[%multiple_of3A_201] : memref<26214400xf32, #tpu.memory_space<hbm>> -> memref<4096xf32, #tpu.memory_space<hbm>>
      %dma_start3A_209 = tpu.memref_slice %arg4[%multiple_of3A_201] : memref<26214400xf32, #tpu.memory_space<hbm>> -> memref<4096xf32, #tpu.memory_space<hbm>>
      %dma_start3A_210 = arith.constant 0 : i32
      %dma_start3A_211 = tpu.memref_slice %arg7[%dma_start3A_202, %dma_start3A_210] : memref<2x16384xf32, #tpu.memory_space<vmem>> -> memref<1x16384xf32, #tpu.memory_space<vmem>>
      %dma_start3A_212 = tpu.memref_squeeze %dma_start3A_211 : memref<1x16384xf32, #tpu.memory_space<vmem>> -> memref<16384xf32, #tpu.memory_space<vmem>>
      %dma_start3A_213 = arith.constant 12288 : i32
      %dma_start3A_214 = tpu.memref_slice %dma_start3A_212[%dma_start3A_213] : memref<16384xf32, #tpu.memory_space<vmem>> -> memref<4096xf32, #tpu.memory_space<vmem>>
      tpu.enqueue_dma source(%dma_start3A_214 : memref<4096xf32, #tpu.memory_space<vmem>>) target(%dma_start3A_209 : memref<4096xf32, #tpu.memory_space<hbm>>) target_semaphore(%arg10 : memref<!tpu.dma_semaphore, #tpu.memory_space<semaphore_mem>>)
      %mul3A_215 = arith.constant 2 : i32
      %mul3A_216 = arith.muli %mul3A_215, %scan3A_38 : i32
      %add3A_217 = arith.constant 1 : i32
      %add3A_218 = arith.addi %mul3A_216, %add3A_217 : i32
      %dma_wait3A_219 = arith.constant 1 : i32
      %dma_wait3A_220 = arith.constant 0 : i32
      %dma_wait3A_221 = arith.constant 0 : i32
      %dma_wait3A_222 = tpu.memref_slice %arg6[%dma_wait3A_219, %dma_wait3A_220, %dma_wait3A_221] : memref<2x512x32xf32, #tpu.memory_space<vmem>> -> memref<1x512x32xf32, #tpu.memory_space<vmem>>
      %dma_wait3A_223 = tpu.memref_squeeze %dma_wait3A_222 : memref<1x512x32xf32, #tpu.memory_space<vmem>> -> memref<512x32xf32, #tpu.memory_space<vmem>>
      %dma_wait3A_224 = arith.constant 0 : i32
      %dma_wait3A_225 = tpu.memref_slice %arg5[%dma_wait3A_224] : memref<25600xi32, #tpu.memory_space<vmem>> -> memref<512xi32, #tpu.memory_space<vmem>>
      %dma_wait3A_226 = arith.constant 0 : i32
      %dma_wait3A_227 = arith.constant 0 : i32
      %dma_wait3A_228 = tpu.memref_slice %arg3[%dma_wait3A_226, %dma_wait3A_227] : memref<1000000x32xf32, #tpu.memory_space<hbm>> -> memref<1000000x32xf32, #tpu.memory_space<hbm>>
      tpu.wait_indirect_dma semaphore(%arg9 : memref<!tpu.dma_semaphore, #tpu.memory_space<semaphore_mem>>) src(%dma_wait3A_228 : memref<1000000x32xf32, #tpu.memory_space<hbm>>) dst(%dma_wait3A_223 : memref<512x32xf32, #tpu.memory_space<vmem>>)
      %add3A_229 = arith.constant 1 : i32
      %add3A_230 = arith.addi %add3A_218, %add3A_229 : i32
      %lt3A_231 = arith.constant 50 : i32
      %lt3A_232 = arith.cmpi slt, %add3A_230, %lt3A_231 : i32
      %convert_element_type3A_233 = arith.extui %lt3A_232 : i1 to i32
      %cond3A_234 = arith.constant 0 : i32
      %cond3A_235 = arith.cmpi ne, %convert_element_type3A_233, %cond3A_234 : i32
      scf.if %cond3A_235 {
        %add3A_405 = arith.constant 1 : i32
        %add3A_406 = arith.addi %add3A_218, %add3A_405 : i32
        %mul3A_407 = arith.constant 512 : i32
        %mul3A_408 = arith.muli %add3A_406, %mul3A_407 : i32
        %dma_start3A_409 = arith.constant 0 : i32
        %dma_start3A_410 = arith.constant 0 : i32
        %dma_start3A_411 = arith.constant 0 : i32
        %dma_start3A_412 = tpu.memref_slice %arg6[%dma_start3A_409, %dma_start3A_410, %dma_start3A_411] : memref<2x512x32xf32, #tpu.memory_space<vmem>> -> memref<1x512x32xf32, #tpu.memory_space<vmem>>
        %dma_start3A_413 = tpu.memref_squeeze %dma_start3A_412 : memref<1x512x32xf32, #tpu.memory_space<vmem>> -> memref<512x32xf32, #tpu.memory_space<vmem>>
        %dma_start3A_414 = tpu.memref_slice %arg5[%mul3A_408] : memref<25600xi32, #tpu.memory_space<vmem>> -> memref<512xi32, #tpu.memory_space<vmem>>
        %dma_start3A_415 = arith.constant 0 : i32
        %dma_start3A_416 = arith.constant 0 : i32
        %dma_start3A_417 = tpu.memref_slice %arg3[%dma_start3A_415, %dma_start3A_416] : memref<1000000x32xf32, #tpu.memory_space<hbm>> -> memref<1000000x32xf32, #tpu.memory_space<hbm>>
        tpu.enqueue_indirect_dma source(%dma_start3A_417 : memref<1000000x32xf32, #tpu.memory_space<hbm>>) target(%dma_start3A_413 : memref<512x32xf32, #tpu.memory_space<vmem>>) offsets(%dma_start3A_414 : memref<512xi32, #tpu.memory_space<vmem>>) semaphore(%arg8 : memref<!tpu.dma_semaphore, #tpu.memory_space<semaphore_mem>>)
      } else {
      }
      %ge3A_236 = arith.constant 2 : i32
      %ge3A_237 = arith.cmpi sge, %add3A_218, %ge3A_236 : i32
      %convert_element_type3A_238 = arith.extui %ge3A_237 : i1 to i32
      %cond3A_239 = arith.constant 0 : i32
      %cond3A_240 = arith.cmpi ne, %convert_element_type3A_238, %cond3A_239 : i32
      scf.if %cond3A_240 {
        %dma_wait3A_405 = arith.constant 1 : i32
        %dma_wait3A_406 = arith.constant 0 : i32
        %dma_wait3A_407 = tpu.memref_slice %arg7[%dma_wait3A_405, %dma_wait3A_406] : memref<2x16384xf32, #tpu.memory_space<vmem>> -> memref<1x16384xf32, #tpu.memory_space<vmem>>
        %dma_wait3A_408 = tpu.memref_squeeze %dma_wait3A_407 : memref<1x16384xf32, #tpu.memory_space<vmem>> -> memref<16384xf32, #tpu.memory_space<vmem>>
        %dma_wait3A_409 = arith.constant 0 : i32
        %dma_wait3A_410 = tpu.memref_slice %arg4[%dma_wait3A_409] : memref<26214400xf32, #tpu.memory_space<hbm>> -> memref<16384xf32, #tpu.memory_space<hbm>>
        %dma_wait3A_411 = arith.constant 0 : i32
        %dma_wait3A_412 = tpu.memref_slice %arg4[%dma_wait3A_411] : memref<26214400xf32, #tpu.memory_space<hbm>> -> memref<16384xf32, #tpu.memory_space<hbm>>
        %dma_wait3A_413 = arith.constant 0 : i32
        %dma_wait3A_414 = tpu.memref_slice %arg7[%dma_wait3A_405, %dma_wait3A_413] : memref<2x16384xf32, #tpu.memory_space<vmem>> -> memref<1x16384xf32, #tpu.memory_space<vmem>>
        %dma_wait3A_415 = tpu.memref_squeeze %dma_wait3A_414 : memref<1x16384xf32, #tpu.memory_space<vmem>> -> memref<16384xf32, #tpu.memory_space<vmem>>
        tpu.wait_dma2 semaphore(%arg11 : memref<!tpu.dma_semaphore, #tpu.memory_space<semaphore_mem>>) src(%dma_wait3A_415 : memref<16384xf32, #tpu.memory_space<vmem>>) dst(%dma_wait3A_412 : memref<16384xf32, #tpu.memory_space<hbm>>)
      } else {
      }
      %parallel_loop3A_241 = arith.constant 0 : i32
      %parallel_loop3A_242 = arith.constant 32 : i32
      %parallel_loop3A_243 = arith.constant 1 : i32
      %parallel_loop3A_244 = arith.constant 1 : i32
      %parallel_loop3A_245 = arith.constant 1 : i32
      scf.for %parallel_loop3A_405 = %parallel_loop3A_241 to %parallel_loop3A_242 step %parallel_loop3A_243  : i32 {
        %parallel_loop3A_406 = arith.constant 0 : i32
        %parallel_loop3A_407 = vector.broadcast %parallel_loop3A_406 : i32 to vector<16xi32>
        %parallel_loop3A_408 = arith.muli %iota3A, %parallel_loop3A_407 : vector<16xi32>
        %parallel_loop3A_409 = vector.broadcast %parallel_loop3A_405 : i32 to vector<16xi32>
        %parallel_loop3A_410 = arith.addi %parallel_loop3A_409, %parallel_loop3A_408 : vector<16xi32>
        %parallel_loop3A_411 = arith.constant 8 : i32
        %parallel_loop3A_412 = arith.divsi %parallel_loop3A_405, %parallel_loop3A_411 : i32
        %parallel_loop3A_413 = arith.constant 0 : i32
        %parallel_loop3A_414 = arith.cmpi sgt, %parallel_loop3A_405, %parallel_loop3A_413 : i32
        %parallel_loop3A_415 = arith.extui %parallel_loop3A_414 : i1 to i32
        %parallel_loop3A_416 = arith.constant 0 : i32
        %parallel_loop3A_417 = arith.cmpi slt, %parallel_loop3A_405, %parallel_loop3A_416 : i32
        %parallel_loop3A_418 = arith.extui %parallel_loop3A_417 : i1 to i32
        %parallel_loop3A_419 = arith.subi %parallel_loop3A_415, %parallel_loop3A_418 : i32
        %parallel_loop3A_420 = arith.constant 0 : i32
        %parallel_loop3A_421 = arith.cmpi sgt, %parallel_loop3A_411, %parallel_loop3A_420 : i32
        %parallel_loop3A_422 = arith.extui %parallel_loop3A_421 : i1 to i32
        %parallel_loop3A_423 = arith.constant 0 : i32
        %parallel_loop3A_424 = arith.cmpi slt, %parallel_loop3A_411, %parallel_loop3A_423 : i32
        %parallel_loop3A_425 = arith.extui %parallel_loop3A_424 : i1 to i32
        %parallel_loop3A_426 = arith.subi %parallel_loop3A_422, %parallel_loop3A_425 : i32
        %parallel_loop3A_427 = arith.cmpi ne, %parallel_loop3A_419, %parallel_loop3A_426 : i32
        %parallel_loop3A_428 = arith.remsi %parallel_loop3A_405, %parallel_loop3A_411 : i32
        %parallel_loop3A_429 = arith.constant 0 : i32
        %parallel_loop3A_430 = arith.cmpi ne, %parallel_loop3A_428, %parallel_loop3A_429 : i32
        %parallel_loop3A_431 = arith.andi %parallel_loop3A_427, %parallel_loop3A_430 : i1
        %parallel_loop3A_432 = arith.constant 1 : i32
        %parallel_loop3A_433 = arith.subi %parallel_loop3A_412, %parallel_loop3A_432 : i32
        %parallel_loop3A_434 = arith.select %parallel_loop3A_431, %parallel_loop3A_433, %parallel_loop3A_412 : i32
        %parallel_loop3A_435 = arith.constant 4096 : i32
        %parallel_loop3A_436 = arith.muli %parallel_loop3A_434, %parallel_loop3A_435 : i32
        %parallel_loop3A_437 = arith.constant 8 : i32
        %parallel_loop3A_438 = arith.constant 0 : i32
        %parallel_loop3A_439 = arith.cmpi eq, %parallel_loop3A_437, %parallel_loop3A_438 : i32
        %parallel_loop3A_440 = arith.constant 1 : i32
        %parallel_loop3A_441 = arith.select %parallel_loop3A_439, %parallel_loop3A_440, %parallel_loop3A_437 : i32
        %parallel_loop3A_442 = arith.remsi %parallel_loop3A_405, %parallel_loop3A_441 : i32
        %parallel_loop3A_443 = arith.constant 0 : i32
        %parallel_loop3A_444 = arith.cmpi ne, %parallel_loop3A_442, %parallel_loop3A_443 : i32
        %parallel_loop3A_445 = arith.constant 0 : i32
        %parallel_loop3A_446 = arith.cmpi slt, %parallel_loop3A_442, %parallel_loop3A_445 : i32
        %parallel_loop3A_447 = arith.constant 0 : i32
        %parallel_loop3A_448 = arith.cmpi slt, %parallel_loop3A_441, %parallel_loop3A_447 : i32
        %parallel_loop3A_449 = arith.xori %parallel_loop3A_446, %parallel_loop3A_448 : i1
        %parallel_loop3A_450 = arith.andi %parallel_loop3A_449, %parallel_loop3A_444 : i1
        %parallel_loop3A_451 = arith.addi %parallel_loop3A_442, %parallel_loop3A_441 : i32
        %parallel_loop3A_452 = arith.select %parallel_loop3A_450, %parallel_loop3A_451, %parallel_loop3A_442 : i32
        %parallel_loop3A_453 = arith.constant 128 : i32
        %parallel_loop3A_454 = arith.muli %parallel_loop3A_452, %parallel_loop3A_453 : i32
        %parallel_loop3A_455 = arith.addi %parallel_loop3A_436, %parallel_loop3A_454 : i32
        %parallel_loop3A_456 = arith.constant 0 : i32
        %parallel_loop3A_457 = vector.broadcast %parallel_loop3A_456 : i32 to vector<16xi32>
        %parallel_loop3A_458 = arith.addi %parallel_loop3A_457, %iota3A : vector<16xi32>
        %parallel_loop3A_459 = arith.constant 0 : i32
        %parallel_loop3A_460 = arith.constant 0 : i32
        %parallel_loop3A_461 = tpu.memref_slice %arg6[%parallel_loop3A_244, %parallel_loop3A_459, %parallel_loop3A_460] : memref<2x512x32xf32, #tpu.memory_space<vmem>> -> memref<1x512x32xf32, #tpu.memory_space<vmem>>
        %parallel_loop3A_462 = tpu.memref_squeeze %parallel_loop3A_461 : memref<1x512x32xf32, #tpu.memory_space<vmem>> -> memref<512x32xf32, #tpu.memory_space<vmem>>
        %parallel_loop3A_463 = tpu.vector_load_idx %parallel_loop3A_462[%parallel_loop3A_458, %parallel_loop3A_410] : memref<512x32xf32, #tpu.memory_space<vmem>>[vector<16xi32>, vector<16xi32>], vector<16xf32>,
        %parallel_loop3A_464 = arith.constant 0 : i32
        %parallel_loop3A_465 = arith.addi %parallel_loop3A_455, %parallel_loop3A_464 : i32
        %parallel_loop3A_466 = arith.constant 0 : i32
        %parallel_loop3A_467 = arith.addi %parallel_loop3A_465, %parallel_loop3A_466 : i32
        %parallel_loop3A_468 = tpu.assume_multiple %parallel_loop3A_467, 16 : i32
        %parallel_loop3A_469 = arith.constant 0 : i32
        %parallel_loop3A_470 = tpu.memref_slice %arg7[%parallel_loop3A_245, %parallel_loop3A_469] : memref<2x16384xf32, #tpu.memory_space<vmem>> -> memref<1x16384xf32, #tpu.memory_space<vmem>>
        %parallel_loop3A_471 = tpu.memref_squeeze %parallel_loop3A_470 : memref<1x16384xf32, #tpu.memory_space<vmem>> -> memref<16384xf32, #tpu.memory_space<vmem>>
        %parallel_loop3A_472 = arith.index_cast %parallel_loop3A_468 : i32 to index
        %parallel_loop3A_473 = tpu.vector_load %parallel_loop3A_471[%parallel_loop3A_472] {strides = array<i32>} : memref<16384xf32, #tpu.memory_space<vmem>>, vector<16xf32>,
        tpu.vector_store %parallel_loop3A_471[%parallel_loop3A_472], %parallel_loop3A_463 {strides = array<i32>} : memref<16384xf32, #tpu.memory_space<vmem>>, vector<16xf32>,
        %parallel_loop3A_474 = arith.constant 16 : i32
        %parallel_loop3A_475 = vector.broadcast %parallel_loop3A_474 : i32 to vector<16xi32>
        %parallel_loop3A_476 = arith.addi %parallel_loop3A_475, %iota3A : vector<16xi32>
        %parallel_loop3A_477 = arith.constant 0 : i32
        %parallel_loop3A_478 = arith.constant 0 : i32
        %parallel_loop3A_479 = tpu.memref_slice %arg6[%parallel_loop3A_244, %parallel_loop3A_477, %parallel_loop3A_478] : memref<2x512x32xf32, #tpu.memory_space<vmem>> -> memref<1x512x32xf32, #tpu.memory_space<vmem>>
        %parallel_loop3A_480 = tpu.memref_squeeze %parallel_loop3A_479 : memref<1x512x32xf32, #tpu.memory_space<vmem>> -> memref<512x32xf32, #tpu.memory_space<vmem>>
        %parallel_loop3A_481 = tpu.vector_load_idx %parallel_loop3A_480[%parallel_loop3A_476, %parallel_loop3A_410] : memref<512x32xf32, #tpu.memory_space<vmem>>[vector<16xi32>, vector<16xi32>], vector<16xf32>,
        %parallel_loop3A_482 = arith.constant 0 : i32
        %parallel_loop3A_483 = arith.addi %parallel_loop3A_455, %parallel_loop3A_482 : i32
        %parallel_loop3A_484 = arith.constant 16 : i32
        %parallel_loop3A_485 = arith.addi %parallel_loop3A_483, %parallel_loop3A_484 : i32
        %parallel_loop3A_486 = tpu.assume_multiple %parallel_loop3A_485, 16 : i32
        %parallel_loop3A_487 = arith.constant 0 : i32
        %parallel_loop3A_488 = tpu.memref_slice %arg7[%parallel_loop3A_245, %parallel_loop3A_487] : memref<2x16384xf32, #tpu.memory_space<vmem>> -> memref<1x16384xf32, #tpu.memory_space<vmem>>
        %parallel_loop3A_489 = tpu.memref_squeeze %parallel_loop3A_488 : memref<1x16384xf32, #tpu.memory_space<vmem>> -> memref<16384xf32, #tpu.memory_space<vmem>>
        %parallel_loop3A_490 = arith.index_cast %parallel_loop3A_486 : i32 to index
        %parallel_loop3A_491 = tpu.vector_load %parallel_loop3A_489[%parallel_loop3A_490] {strides = array<i32>} : memref<16384xf32, #tpu.memory_space<vmem>>, vector<16xf32>,
        tpu.vector_store %parallel_loop3A_489[%parallel_loop3A_490], %parallel_loop3A_481 {strides = array<i32>} : memref<16384xf32, #tpu.memory_space<vmem>>, vector<16xf32>,
        %parallel_loop3A_492 = arith.constant 32 : i32
        %parallel_loop3A_493 = vector.broadcast %parallel_loop3A_492 : i32 to vector<16xi32>
        %parallel_loop3A_494 = arith.addi %parallel_loop3A_493, %iota3A : vector<16xi32>
        %parallel_loop3A_495 = arith.constant 0 : i32
        %parallel_loop3A_496 = arith.constant 0 : i32
        %parallel_loop3A_497 = tpu.memref_slice %arg6[%parallel_loop3A_244, %parallel_loop3A_495, %parallel_loop3A_496] : memref<2x512x32xf32, #tpu.memory_space<vmem>> -> memref<1x512x32xf32, #tpu.memory_space<vmem>>
        %parallel_loop3A_498 = tpu.memref_squeeze %parallel_loop3A_497 : memref<1x512x32xf32, #tpu.memory_space<vmem>> -> memref<512x32xf32, #tpu.memory_space<vmem>>
        %parallel_loop3A_499 = tpu.vector_load_idx %parallel_loop3A_498[%parallel_loop3A_494, %parallel_loop3A_410] : memref<512x32xf32, #tpu.memory_space<vmem>>[vector<16xi32>, vector<16xi32>], vector<16xf32>,
        %parallel_loop3A_500 = arith.constant 0 : i32
        %parallel_loop3A_501 = arith.addi %parallel_loop3A_455, %parallel_loop3A_500 : i32
        %parallel_loop3A_502 = arith.constant 32 : i32
        %parallel_loop3A_503 = arith.addi %parallel_loop3A_501, %parallel_loop3A_502 : i32
        %parallel_loop3A_504 = tpu.assume_multiple %parallel_loop3A_503, 16 : i32
        %parallel_loop3A_505 = arith.constant 0 : i32
        %parallel_loop3A_506 = tpu.memref_slice %arg7[%parallel_loop3A_245, %parallel_loop3A_505] : memref<2x16384xf32, #tpu.memory_space<vmem>> -> memref<1x16384xf32, #tpu.memory_space<vmem>>
        %parallel_loop3A_507 = tpu.memref_squeeze %parallel_loop3A_506 : memref<1x16384xf32, #tpu.memory_space<vmem>> -> memref<16384xf32, #tpu.memory_space<vmem>>
        %parallel_loop3A_508 = arith.index_cast %parallel_loop3A_504 : i32 to index
        %parallel_loop3A_509 = tpu.vector_load %parallel_loop3A_507[%parallel_loop3A_508] {strides = array<i32>} : memref<16384xf32, #tpu.memory_space<vmem>>, vector<16xf32>,
        tpu.vector_store %parallel_loop3A_507[%parallel_loop3A_508], %parallel_loop3A_499 {strides = array<i32>} : memref<16384xf32, #tpu.memory_space<vmem>>, vector<16xf32>,
        %parallel_loop3A_510 = arith.constant 48 : i32
        %parallel_loop3A_511 = vector.broadcast %parallel_loop3A_510 : i32 to vector<16xi32>
        %parallel_loop3A_512 = arith.addi %parallel_loop3A_511, %iota3A : vector<16xi32>
        %parallel_loop3A_513 = arith.constant 0 : i32
        %parallel_loop3A_514 = arith.constant 0 : i32
        %parallel_loop3A_515 = tpu.memref_slice %arg6[%parallel_loop3A_244, %parallel_loop3A_513, %parallel_loop3A_514] : memref<2x512x32xf32, #tpu.memory_space<vmem>> -> memref<1x512x32xf32, #tpu.memory_space<vmem>>
        %parallel_loop3A_516 = tpu.memref_squeeze %parallel_loop3A_515 : memref<1x512x32xf32, #tpu.memory_space<vmem>> -> memref<512x32xf32, #tpu.memory_space<vmem>>
        %parallel_loop3A_517 = tpu.vector_load_idx %parallel_loop3A_516[%parallel_loop3A_512, %parallel_loop3A_410] : memref<512x32xf32, #tpu.memory_space<vmem>>[vector<16xi32>, vector<16xi32>], vector<16xf32>,
        %parallel_loop3A_518 = arith.constant 0 : i32
        %parallel_loop3A_519 = arith.addi %parallel_loop3A_455, %parallel_loop3A_518 : i32
        %parallel_loop3A_520 = arith.constant 48 : i32
        %parallel_loop3A_521 = arith.addi %parallel_loop3A_519, %parallel_loop3A_520 : i32
        %parallel_loop3A_522 = tpu.assume_multiple %parallel_loop3A_521, 16 : i32
        %parallel_loop3A_523 = arith.constant 0 : i32
        %parallel_loop3A_524 = tpu.memref_slice %arg7[%parallel_loop3A_245, %parallel_loop3A_523] : memref<2x16384xf32, #tpu.memory_space<vmem>> -> memref<1x16384xf32, #tpu.memory_space<vmem>>
        %parallel_loop3A_525 = tpu.memref_squeeze %parallel_loop3A_524 : memref<1x16384xf32, #tpu.memory_space<vmem>> -> memref<16384xf32, #tpu.memory_space<vmem>>
        %parallel_loop3A_526 = arith.index_cast %parallel_loop3A_522 : i32 to index
        %parallel_loop3A_527 = tpu.vector_load %parallel_loop3A_525[%parallel_loop3A_526] {strides = array<i32>} : memref<16384xf32, #tpu.memory_space<vmem>>, vector<16xf32>,
        tpu.vector_store %parallel_loop3A_525[%parallel_loop3A_526], %parallel_loop3A_517 {strides = array<i32>} : memref<16384xf32, #tpu.memory_space<vmem>>, vector<16xf32>,
        %parallel_loop3A_528 = arith.constant 64 : i32
        %parallel_loop3A_529 = vector.broadcast %parallel_loop3A_528 : i32 to vector<16xi32>
        %parallel_loop3A_530 = arith.addi %parallel_loop3A_529, %iota3A : vector<16xi32>
        %parallel_loop3A_531 = arith.constant 0 : i32
        %parallel_loop3A_532 = arith.constant 0 : i32
        %parallel_loop3A_533 = tpu.memref_slice %arg6[%parallel_loop3A_244, %parallel_loop3A_531, %parallel_loop3A_532] : memref<2x512x32xf32, #tpu.memory_space<vmem>> -> memref<1x512x32xf32, #tpu.memory_space<vmem>>
        %parallel_loop3A_534 = tpu.memref_squeeze %parallel_loop3A_533 : memref<1x512x32xf32, #tpu.memory_space<vmem>> -> memref<512x32xf32, #tpu.memory_space<vmem>>
        %parallel_loop3A_535 = tpu.vector_load_idx %parallel_loop3A_534[%parallel_loop3A_530, %parallel_loop3A_410] : memref<512x32xf32, #tpu.memory_space<vmem>>[vector<16xi32>, vector<16xi32>], vector<16xf32>,
        %parallel_loop3A_536 = arith.constant 0 : i32
        %parallel_loop3A_537 = arith.addi %parallel_loop3A_455, %parallel_loop3A_536 : i32
        %parallel_loop3A_538 = arith.constant 64 : i32
        %parallel_loop3A_539 = arith.addi %parallel_loop3A_537, %parallel_loop3A_538 : i32
        %parallel_loop3A_540 = tpu.assume_multiple %parallel_loop3A_539, 16 : i32
        %parallel_loop3A_541 = arith.constant 0 : i32
        %parallel_loop3A_542 = tpu.memref_slice %arg7[%parallel_loop3A_245, %parallel_loop3A_541] : memref<2x16384xf32, #tpu.memory_space<vmem>> -> memref<1x16384xf32, #tpu.memory_space<vmem>>
        %parallel_loop3A_543 = tpu.memref_squeeze %parallel_loop3A_542 : memref<1x16384xf32, #tpu.memory_space<vmem>> -> memref<16384xf32, #tpu.memory_space<vmem>>
        %parallel_loop3A_544 = arith.index_cast %parallel_loop3A_540 : i32 to index
        %parallel_loop3A_545 = tpu.vector_load %parallel_loop3A_543[%parallel_loop3A_544] {strides = array<i32>} : memref<16384xf32, #tpu.memory_space<vmem>>, vector<16xf32>,
        tpu.vector_store %parallel_loop3A_543[%parallel_loop3A_544], %parallel_loop3A_535 {strides = array<i32>} : memref<16384xf32, #tpu.memory_space<vmem>>, vector<16xf32>,
        %parallel_loop3A_546 = arith.constant 80 : i32
        %parallel_loop3A_547 = vector.broadcast %parallel_loop3A_546 : i32 to vector<16xi32>
        %parallel_loop3A_548 = arith.addi %parallel_loop3A_547, %iota3A : vector<16xi32>
        %parallel_loop3A_549 = arith.constant 0 : i32
        %parallel_loop3A_550 = arith.constant 0 : i32
        %parallel_loop3A_551 = tpu.memref_slice %arg6[%parallel_loop3A_244, %parallel_loop3A_549, %parallel_loop3A_550] : memref<2x512x32xf32, #tpu.memory_space<vmem>> -> memref<1x512x32xf32, #tpu.memory_space<vmem>>
        %parallel_loop3A_552 = tpu.memref_squeeze %parallel_loop3A_551 : memref<1x512x32xf32, #tpu.memory_space<vmem>> -> memref<512x32xf32, #tpu.memory_space<vmem>>
        %parallel_loop3A_553 = tpu.vector_load_idx %parallel_loop3A_552[%parallel_loop3A_548, %parallel_loop3A_410] : memref<512x32xf32, #tpu.memory_space<vmem>>[vector<16xi32>, vector<16xi32>], vector<16xf32>,
        %parallel_loop3A_554 = arith.constant 0 : i32
        %parallel_loop3A_555 = arith.addi %parallel_loop3A_455, %parallel_loop3A_554 : i32
        %parallel_loop3A_556 = arith.constant 80 : i32
        %parallel_loop3A_557 = arith.addi %parallel_loop3A_555, %parallel_loop3A_556 : i32
        %parallel_loop3A_558 = tpu.assume_multiple %parallel_loop3A_557, 16 : i32
        %parallel_loop3A_559 = arith.constant 0 : i32
        %parallel_loop3A_560 = tpu.memref_slice %arg7[%parallel_loop3A_245, %parallel_loop3A_559] : memref<2x16384xf32, #tpu.memory_space<vmem>> -> memref<1x16384xf32, #tpu.memory_space<vmem>>
        %parallel_loop3A_561 = tpu.memref_squeeze %parallel_loop3A_560 : memref<1x16384xf32, #tpu.memory_space<vmem>> -> memref<16384xf32, #tpu.memory_space<vmem>>
        %parallel_loop3A_562 = arith.index_cast %parallel_loop3A_558 : i32 to index
        %parallel_loop3A_563 = tpu.vector_load %parallel_loop3A_561[%parallel_loop3A_562] {strides = array<i32>} : memref<16384xf32, #tpu.memory_space<vmem>>, vector<16xf32>,
        tpu.vector_store %parallel_loop3A_561[%parallel_loop3A_562], %parallel_loop3A_553 {strides = array<i32>} : memref<16384xf32, #tpu.memory_space<vmem>>, vector<16xf32>,
        %parallel_loop3A_564 = arith.constant 96 : i32
        %parallel_loop3A_565 = vector.broadcast %parallel_loop3A_564 : i32 to vector<16xi32>
        %parallel_loop3A_566 = arith.addi %parallel_loop3A_565, %iota3A : vector<16xi32>
        %parallel_loop3A_567 = arith.constant 0 : i32
        %parallel_loop3A_568 = arith.constant 0 : i32
        %parallel_loop3A_569 = tpu.memref_slice %arg6[%parallel_loop3A_244, %parallel_loop3A_567, %parallel_loop3A_568] : memref<2x512x32xf32, #tpu.memory_space<vmem>> -> memref<1x512x32xf32, #tpu.memory_space<vmem>>
        %parallel_loop3A_570 = tpu.memref_squeeze %parallel_loop3A_569 : memref<1x512x32xf32, #tpu.memory_space<vmem>> -> memref<512x32xf32, #tpu.memory_space<vmem>>
        %parallel_loop3A_571 = tpu.vector_load_idx %parallel_loop3A_570[%parallel_loop3A_566, %parallel_loop3A_410] : memref<512x32xf32, #tpu.memory_space<vmem>>[vector<16xi32>, vector<16xi32>], vector<16xf32>,
        %parallel_loop3A_572 = arith.constant 0 : i32
        %parallel_loop3A_573 = arith.addi %parallel_loop3A_455, %parallel_loop3A_572 : i32
        %parallel_loop3A_574 = arith.constant 96 : i32
        %parallel_loop3A_575 = arith.addi %parallel_loop3A_573, %parallel_loop3A_574 : i32
        %parallel_loop3A_576 = tpu.assume_multiple %parallel_loop3A_575, 16 : i32
        %parallel_loop3A_577 = arith.constant 0 : i32
        %parallel_loop3A_578 = tpu.memref_slice %arg7[%parallel_loop3A_245, %parallel_loop3A_577] : memref<2x16384xf32, #tpu.memory_space<vmem>> -> memref<1x16384xf32, #tpu.memory_space<vmem>>
        %parallel_loop3A_579 = tpu.memref_squeeze %parallel_loop3A_578 : memref<1x16384xf32, #tpu.memory_space<vmem>> -> memref<16384xf32, #tpu.memory_space<vmem>>
        %parallel_loop3A_580 = arith.index_cast %parallel_loop3A_576 : i32 to index
        %parallel_loop3A_581 = tpu.vector_load %parallel_loop3A_579[%parallel_loop3A_580] {strides = array<i32>} : memref<16384xf32, #tpu.memory_space<vmem>>, vector<16xf32>,
        tpu.vector_store %parallel_loop3A_579[%parallel_loop3A_580], %parallel_loop3A_571 {strides = array<i32>} : memref<16384xf32, #tpu.memory_space<vmem>>, vector<16xf32>,
        %parallel_loop3A_582 = arith.constant 112 : i32
        %parallel_loop3A_583 = vector.broadcast %parallel_loop3A_582 : i32 to vector<16xi32>
        %parallel_loop3A_584 = arith.addi %parallel_loop3A_583, %iota3A : vector<16xi32>
        %parallel_loop3A_585 = arith.constant 0 : i32
        %parallel_loop3A_586 = arith.constant 0 : i32
        %parallel_loop3A_587 = tpu.memref_slice %arg6[%parallel_loop3A_244, %parallel_loop3A_585, %parallel_loop3A_586] : memref<2x512x32xf32, #tpu.memory_space<vmem>> -> memref<1x512x32xf32, #tpu.memory_space<vmem>>
        %parallel_loop3A_588 = tpu.memref_squeeze %parallel_loop3A_587 : memref<1x512x32xf32, #tpu.memory_space<vmem>> -> memref<512x32xf32, #tpu.memory_space<vmem>>
        %parallel_loop3A_589 = tpu.vector_load_idx %parallel_loop3A_588[%parallel_loop3A_584, %parallel_loop3A_410] : memref<512x32xf32, #tpu.memory_space<vmem>>[vector<16xi32>, vector<16xi32>], vector<16xf32>,
        %parallel_loop3A_590 = arith.constant 0 : i32
        %parallel_loop3A_591 = arith.addi %parallel_loop3A_455, %parallel_loop3A_590 : i32
        %parallel_loop3A_592 = arith.constant 112 : i32
        %parallel_loop3A_593 = arith.addi %parallel_loop3A_591, %parallel_loop3A_592 : i32
        %parallel_loop3A_594 = tpu.assume_multiple %parallel_loop3A_593, 16 : i32
        %parallel_loop3A_595 = arith.constant 0 : i32
        %parallel_loop3A_596 = tpu.memref_slice %arg7[%parallel_loop3A_245, %parallel_loop3A_595] : memref<2x16384xf32, #tpu.memory_space<vmem>> -> memref<1x16384xf32, #tpu.memory_space<vmem>>
        %parallel_loop3A_597 = tpu.memref_squeeze %parallel_loop3A_596 : memref<1x16384xf32, #tpu.memory_space<vmem>> -> memref<16384xf32, #tpu.memory_space<vmem>>
        %parallel_loop3A_598 = arith.index_cast %parallel_loop3A_594 : i32 to index
        %parallel_loop3A_599 = tpu.vector_load %parallel_loop3A_597[%parallel_loop3A_598] {strides = array<i32>} : memref<16384xf32, #tpu.memory_space<vmem>>, vector<16xf32>,
        tpu.vector_store %parallel_loop3A_597[%parallel_loop3A_598], %parallel_loop3A_589 {strides = array<i32>} : memref<16384xf32, #tpu.memory_space<vmem>>, vector<16xf32>,
        %parallel_loop3A_600 = arith.constant 128 : i32
        %parallel_loop3A_601 = vector.broadcast %parallel_loop3A_600 : i32 to vector<16xi32>
        %parallel_loop3A_602 = arith.addi %parallel_loop3A_601, %iota3A : vector<16xi32>
        %parallel_loop3A_603 = arith.constant 0 : i32
        %parallel_loop3A_604 = arith.constant 0 : i32
        %parallel_loop3A_605 = tpu.memref_slice %arg6[%parallel_loop3A_244, %parallel_loop3A_603, %parallel_loop3A_604] : memref<2x512x32xf32, #tpu.memory_space<vmem>> -> memref<1x512x32xf32, #tpu.memory_space<vmem>>
        %parallel_loop3A_606 = tpu.memref_squeeze %parallel_loop3A_605 : memref<1x512x32xf32, #tpu.memory_space<vmem>> -> memref<512x32xf32, #tpu.memory_space<vmem>>
        %parallel_loop3A_607 = tpu.vector_load_idx %parallel_loop3A_606[%parallel_loop3A_602, %parallel_loop3A_410] : memref<512x32xf32, #tpu.memory_space<vmem>>[vector<16xi32>, vector<16xi32>], vector<16xf32>,
        %parallel_loop3A_608 = arith.constant 1024 : i32
        %parallel_loop3A_609 = arith.addi %parallel_loop3A_455, %parallel_loop3A_608 : i32
        %parallel_loop3A_610 = arith.constant 0 : i32
        %parallel_loop3A_611 = arith.addi %parallel_loop3A_609, %parallel_loop3A_610 : i32
        %parallel_loop3A_612 = tpu.assume_multiple %parallel_loop3A_611, 16 : i32
        %parallel_loop3A_613 = arith.constant 0 : i32
        %parallel_loop3A_614 = tpu.memref_slice %arg7[%parallel_loop3A_245, %parallel_loop3A_613] : memref<2x16384xf32, #tpu.memory_space<vmem>> -> memref<1x16384xf32, #tpu.memory_space<vmem>>
        %parallel_loop3A_615 = tpu.memref_squeeze %parallel_loop3A_614 : memref<1x16384xf32, #tpu.memory_space<vmem>> -> memref<16384xf32, #tpu.memory_space<vmem>>
        %parallel_loop3A_616 = arith.index_cast %parallel_loop3A_612 : i32 to index
        %parallel_loop3A_617 = tpu.vector_load %parallel_loop3A_615[%parallel_loop3A_616] {strides = array<i32>} : memref<16384xf32, #tpu.memory_space<vmem>>, vector<16xf32>,
        tpu.vector_store %parallel_loop3A_615[%parallel_loop3A_616], %parallel_loop3A_607 {strides = array<i32>} : memref<16384xf32, #tpu.memory_space<vmem>>, vector<16xf32>,
        %parallel_loop3A_618 = arith.constant 144 : i32
        %parallel_loop3A_619 = vector.broadcast %parallel_loop3A_618 : i32 to vector<16xi32>
        %parallel_loop3A_620 = arith.addi %parallel_loop3A_619, %iota3A : vector<16xi32>
        %parallel_loop3A_621 = arith.constant 0 : i32
        %parallel_loop3A_622 = arith.constant 0 : i32
        %parallel_loop3A_623 = tpu.memref_slice %arg6[%parallel_loop3A_244, %parallel_loop3A_621, %parallel_loop3A_622] : memref<2x512x32xf32, #tpu.memory_space<vmem>> -> memref<1x512x32xf32, #tpu.memory_space<vmem>>
        %parallel_loop3A_624 = tpu.memref_squeeze %parallel_loop3A_623 : memref<1x512x32xf32, #tpu.memory_space<vmem>> -> memref<512x32xf32, #tpu.memory_space<vmem>>
        %parallel_loop3A_625 = tpu.vector_load_idx %parallel_loop3A_624[%parallel_loop3A_620, %parallel_loop3A_410] : memref<512x32xf32, #tpu.memory_space<vmem>>[vector<16xi32>, vector<16xi32>], vector<16xf32>,
        %parallel_loop3A_626 = arith.constant 1024 : i32
        %parallel_loop3A_627 = arith.addi %parallel_loop3A_455, %parallel_loop3A_626 : i32
        %parallel_loop3A_628 = arith.constant 16 : i32
        %parallel_loop3A_629 = arith.addi %parallel_loop3A_627, %parallel_loop3A_628 : i32
        %parallel_loop3A_630 = tpu.assume_multiple %parallel_loop3A_629, 16 : i32
        %parallel_loop3A_631 = arith.constant 0 : i32
        %parallel_loop3A_632 = tpu.memref_slice %arg7[%parallel_loop3A_245, %parallel_loop3A_631] : memref<2x16384xf32, #tpu.memory_space<vmem>> -> memref<1x16384xf32, #tpu.memory_space<vmem>>
        %parallel_loop3A_633 = tpu.memref_squeeze %parallel_loop3A_632 : memref<1x16384xf32, #tpu.memory_space<vmem>> -> memref<16384xf32, #tpu.memory_space<vmem>>
        %parallel_loop3A_634 = arith.index_cast %parallel_loop3A_630 : i32 to index
        %parallel_loop3A_635 = tpu.vector_load %parallel_loop3A_633[%parallel_loop3A_634] {strides = array<i32>} : memref<16384xf32, #tpu.memory_space<vmem>>, vector<16xf32>,
        tpu.vector_store %parallel_loop3A_633[%parallel_loop3A_634], %parallel_loop3A_625 {strides = array<i32>} : memref<16384xf32, #tpu.memory_space<vmem>>, vector<16xf32>,
        %parallel_loop3A_636 = arith.constant 160 : i32
        %parallel_loop3A_637 = vector.broadcast %parallel_loop3A_636 : i32 to vector<16xi32>
        %parallel_loop3A_638 = arith.addi %parallel_loop3A_637, %iota3A : vector<16xi32>
        %parallel_loop3A_639 = arith.constant 0 : i32
        %parallel_loop3A_640 = arith.constant 0 : i32
        %parallel_loop3A_641 = tpu.memref_slice %arg6[%parallel_loop3A_244, %parallel_loop3A_639, %parallel_loop3A_640] : memref<2x512x32xf32, #tpu.memory_space<vmem>> -> memref<1x512x32xf32, #tpu.memory_space<vmem>>
        %parallel_loop3A_642 = tpu.memref_squeeze %parallel_loop3A_641 : memref<1x512x32xf32, #tpu.memory_space<vmem>> -> memref<512x32xf32, #tpu.memory_space<vmem>>
        %parallel_loop3A_643 = tpu.vector_load_idx %parallel_loop3A_642[%parallel_loop3A_638, %parallel_loop3A_410] : memref<512x32xf32, #tpu.memory_space<vmem>>[vector<16xi32>, vector<16xi32>], vector<16xf32>,
        %parallel_loop3A_644 = arith.constant 1024 : i32
        %parallel_loop3A_645 = arith.addi %parallel_loop3A_455, %parallel_loop3A_644 : i32
        %parallel_loop3A_646 = arith.constant 32 : i32
        %parallel_loop3A_647 = arith.addi %parallel_loop3A_645, %parallel_loop3A_646 : i32
        %parallel_loop3A_648 = tpu.assume_multiple %parallel_loop3A_647, 16 : i32
        %parallel_loop3A_649 = arith.constant 0 : i32
        %parallel_loop3A_650 = tpu.memref_slice %arg7[%parallel_loop3A_245, %parallel_loop3A_649] : memref<2x16384xf32, #tpu.memory_space<vmem>> -> memref<1x16384xf32, #tpu.memory_space<vmem>>
        %parallel_loop3A_651 = tpu.memref_squeeze %parallel_loop3A_650 : memref<1x16384xf32, #tpu.memory_space<vmem>> -> memref<16384xf32, #tpu.memory_space<vmem>>
        %parallel_loop3A_652 = arith.index_cast %parallel_loop3A_648 : i32 to index
        %parallel_loop3A_653 = tpu.vector_load %parallel_loop3A_651[%parallel_loop3A_652] {strides = array<i32>} : memref<16384xf32, #tpu.memory_space<vmem>>, vector<16xf32>,
        tpu.vector_store %parallel_loop3A_651[%parallel_loop3A_652], %parallel_loop3A_643 {strides = array<i32>} : memref<16384xf32, #tpu.memory_space<vmem>>, vector<16xf32>,
        %parallel_loop3A_654 = arith.constant 176 : i32
        %parallel_loop3A_655 = vector.broadcast %parallel_loop3A_654 : i32 to vector<16xi32>
        %parallel_loop3A_656 = arith.addi %parallel_loop3A_655, %iota3A : vector<16xi32>
        %parallel_loop3A_657 = arith.constant 0 : i32
        %parallel_loop3A_658 = arith.constant 0 : i32
        %parallel_loop3A_659 = tpu.memref_slice %arg6[%parallel_loop3A_244, %parallel_loop3A_657, %parallel_loop3A_658] : memref<2x512x32xf32, #tpu.memory_space<vmem>> -> memref<1x512x32xf32, #tpu.memory_space<vmem>>
        %parallel_loop3A_660 = tpu.memref_squeeze %parallel_loop3A_659 : memref<1x512x32xf32, #tpu.memory_space<vmem>> -> memref<512x32xf32, #tpu.memory_space<vmem>>
        %parallel_loop3A_661 = tpu.vector_load_idx %parallel_loop3A_660[%parallel_loop3A_656, %parallel_loop3A_410] : memref<512x32xf32, #tpu.memory_space<vmem>>[vector<16xi32>, vector<16xi32>], vector<16xf32>,
        %parallel_loop3A_662 = arith.constant 1024 : i32
        %parallel_loop3A_663 = arith.addi %parallel_loop3A_455, %parallel_loop3A_662 : i32
        %parallel_loop3A_664 = arith.constant 48 : i32
        %parallel_loop3A_665 = arith.addi %parallel_loop3A_663, %parallel_loop3A_664 : i32
        %parallel_loop3A_666 = tpu.assume_multiple %parallel_loop3A_665, 16 : i32
        %parallel_loop3A_667 = arith.constant 0 : i32
        %parallel_loop3A_668 = tpu.memref_slice %arg7[%parallel_loop3A_245, %parallel_loop3A_667] : memref<2x16384xf32, #tpu.memory_space<vmem>> -> memref<1x16384xf32, #tpu.memory_space<vmem>>
        %parallel_loop3A_669 = tpu.memref_squeeze %parallel_loop3A_668 : memref<1x16384xf32, #tpu.memory_space<vmem>> -> memref<16384xf32, #tpu.memory_space<vmem>>
        %parallel_loop3A_670 = arith.index_cast %parallel_loop3A_666 : i32 to index
        %parallel_loop3A_671 = tpu.vector_load %parallel_loop3A_669[%parallel_loop3A_670] {strides = array<i32>} : memref<16384xf32, #tpu.memory_space<vmem>>, vector<16xf32>,
        tpu.vector_store %parallel_loop3A_669[%parallel_loop3A_670], %parallel_loop3A_661 {strides = array<i32>} : memref<16384xf32, #tpu.memory_space<vmem>>, vector<16xf32>,
        %parallel_loop3A_672 = arith.constant 192 : i32
        %parallel_loop3A_673 = vector.broadcast %parallel_loop3A_672 : i32 to vector<16xi32>
        %parallel_loop3A_674 = arith.addi %parallel_loop3A_673, %iota3A : vector<16xi32>
        %parallel_loop3A_675 = arith.constant 0 : i32
        %parallel_loop3A_676 = arith.constant 0 : i32
        %parallel_loop3A_677 = tpu.memref_slice %arg6[%parallel_loop3A_244, %parallel_loop3A_675, %parallel_loop3A_676] : memref<2x512x32xf32, #tpu.memory_space<vmem>> -> memref<1x512x32xf32, #tpu.memory_space<vmem>>
        %parallel_loop3A_678 = tpu.memref_squeeze %parallel_loop3A_677 : memref<1x512x32xf32, #tpu.memory_space<vmem>> -> memref<512x32xf32, #tpu.memory_space<vmem>>
        %parallel_loop3A_679 = tpu.vector_load_idx %parallel_loop3A_678[%parallel_loop3A_674, %parallel_loop3A_410] : memref<512x32xf32, #tpu.memory_space<vmem>>[vector<16xi32>, vector<16xi32>], vector<16xf32>,
        %parallel_loop3A_680 = arith.constant 1024 : i32
        %parallel_loop3A_681 = arith.addi %parallel_loop3A_455, %parallel_loop3A_680 : i32
        %parallel_loop3A_682 = arith.constant 64 : i32
        %parallel_loop3A_683 = arith.addi %parallel_loop3A_681, %parallel_loop3A_682 : i32
        %parallel_loop3A_684 = tpu.assume_multiple %parallel_loop3A_683, 16 : i32
        %parallel_loop3A_685 = arith.constant 0 : i32
        %parallel_loop3A_686 = tpu.memref_slice %arg7[%parallel_loop3A_245, %parallel_loop3A_685] : memref<2x16384xf32, #tpu.memory_space<vmem>> -> memref<1x16384xf32, #tpu.memory_space<vmem>>
        %parallel_loop3A_687 = tpu.memref_squeeze %parallel_loop3A_686 : memref<1x16384xf32, #tpu.memory_space<vmem>> -> memref<16384xf32, #tpu.memory_space<vmem>>
        %parallel_loop3A_688 = arith.index_cast %parallel_loop3A_684 : i32 to index
        %parallel_loop3A_689 = tpu.vector_load %parallel_loop3A_687[%parallel_loop3A_688] {strides = array<i32>} : memref<16384xf32, #tpu.memory_space<vmem>>, vector<16xf32>,
        tpu.vector_store %parallel_loop3A_687[%parallel_loop3A_688], %parallel_loop3A_679 {strides = array<i32>} : memref<16384xf32, #tpu.memory_space<vmem>>, vector<16xf32>,
        %parallel_loop3A_690 = arith.constant 208 : i32
        %parallel_loop3A_691 = vector.broadcast %parallel_loop3A_690 : i32 to vector<16xi32>
        %parallel_loop3A_692 = arith.addi %parallel_loop3A_691, %iota3A : vector<16xi32>
        %parallel_loop3A_693 = arith.constant 0 : i32
        %parallel_loop3A_694 = arith.constant 0 : i32
        %parallel_loop3A_695 = tpu.memref_slice %arg6[%parallel_loop3A_244, %parallel_loop3A_693, %parallel_loop3A_694] : memref<2x512x32xf32, #tpu.memory_space<vmem>> -> memref<1x512x32xf32, #tpu.memory_space<vmem>>
        %parallel_loop3A_696 = tpu.memref_squeeze %parallel_loop3A_695 : memref<1x512x32xf32, #tpu.memory_space<vmem>> -> memref<512x32xf32, #tpu.memory_space<vmem>>
        %parallel_loop3A_697 = tpu.vector_load_idx %parallel_loop3A_696[%parallel_loop3A_692, %parallel_loop3A_410] : memref<512x32xf32, #tpu.memory_space<vmem>>[vector<16xi32>, vector<16xi32>], vector<16xf32>,
        %parallel_loop3A_698 = arith.constant 1024 : i32
        %parallel_loop3A_699 = arith.addi %parallel_loop3A_455, %parallel_loop3A_698 : i32
        %parallel_loop3A_700 = arith.constant 80 : i32
        %parallel_loop3A_701 = arith.addi %parallel_loop3A_699, %parallel_loop3A_700 : i32
        %parallel_loop3A_702 = tpu.assume_multiple %parallel_loop3A_701, 16 : i32
        %parallel_loop3A_703 = arith.constant 0 : i32
        %parallel_loop3A_704 = tpu.memref_slice %arg7[%parallel_loop3A_245, %parallel_loop3A_703] : memref<2x16384xf32, #tpu.memory_space<vmem>> -> memref<1x16384xf32, #tpu.memory_space<vmem>>
        %parallel_loop3A_705 = tpu.memref_squeeze %parallel_loop3A_704 : memref<1x16384xf32, #tpu.memory_space<vmem>> -> memref<16384xf32, #tpu.memory_space<vmem>>
        %parallel_loop3A_706 = arith.index_cast %parallel_loop3A_702 : i32 to index
        %parallel_loop3A_707 = tpu.vector_load %parallel_loop3A_705[%parallel_loop3A_706] {strides = array<i32>} : memref<16384xf32, #tpu.memory_space<vmem>>, vector<16xf32>,
        tpu.vector_store %parallel_loop3A_705[%parallel_loop3A_706], %parallel_loop3A_697 {strides = array<i32>} : memref<16384xf32, #tpu.memory_space<vmem>>, vector<16xf32>,
        %parallel_loop3A_708 = arith.constant 224 : i32
        %parallel_loop3A_709 = vector.broadcast %parallel_loop3A_708 : i32 to vector<16xi32>
        %parallel_loop3A_710 = arith.addi %parallel_loop3A_709, %iota3A : vector<16xi32>
        %parallel_loop3A_711 = arith.constant 0 : i32
        %parallel_loop3A_712 = arith.constant 0 : i32
        %parallel_loop3A_713 = tpu.memref_slice %arg6[%parallel_loop3A_244, %parallel_loop3A_711, %parallel_loop3A_712] : memref<2x512x32xf32, #tpu.memory_space<vmem>> -> memref<1x512x32xf32, #tpu.memory_space<vmem>>
        %parallel_loop3A_714 = tpu.memref_squeeze %parallel_loop3A_713 : memref<1x512x32xf32, #tpu.memory_space<vmem>> -> memref<512x32xf32, #tpu.memory_space<vmem>>
        %parallel_loop3A_715 = tpu.vector_load_idx %parallel_loop3A_714[%parallel_loop3A_710, %parallel_loop3A_410] : memref<512x32xf32, #tpu.memory_space<vmem>>[vector<16xi32>, vector<16xi32>], vector<16xf32>,
        %parallel_loop3A_716 = arith.constant 1024 : i32
        %parallel_loop3A_717 = arith.addi %parallel_loop3A_455, %parallel_loop3A_716 : i32
        %parallel_loop3A_718 = arith.constant 96 : i32
        %parallel_loop3A_719 = arith.addi %parallel_loop3A_717, %parallel_loop3A_718 : i32
        %parallel_loop3A_720 = tpu.assume_multiple %parallel_loop3A_719, 16 : i32
        %parallel_loop3A_721 = arith.constant 0 : i32
        %parallel_loop3A_722 = tpu.memref_slice %arg7[%parallel_loop3A_245, %parallel_loop3A_721] : memref<2x16384xf32, #tpu.memory_space<vmem>> -> memref<1x16384xf32, #tpu.memory_space<vmem>>
        %parallel_loop3A_723 = tpu.memref_squeeze %parallel_loop3A_722 : memref<1x16384xf32, #tpu.memory_space<vmem>> -> memref<16384xf32, #tpu.memory_space<vmem>>
        %parallel_loop3A_724 = arith.index_cast %parallel_loop3A_720 : i32 to index
        %parallel_loop3A_725 = tpu.vector_load %parallel_loop3A_723[%parallel_loop3A_724] {strides = array<i32>} : memref<16384xf32, #tpu.memory_space<vmem>>, vector<16xf32>,
        tpu.vector_store %parallel_loop3A_723[%parallel_loop3A_724], %parallel_loop3A_715 {strides = array<i32>} : memref<16384xf32, #tpu.memory_space<vmem>>, vector<16xf32>,
        %parallel_loop3A_726 = arith.constant 240 : i32
        %parallel_loop3A_727 = vector.broadcast %parallel_loop3A_726 : i32 to vector<16xi32>
        %parallel_loop3A_728 = arith.addi %parallel_loop3A_727, %iota3A : vector<16xi32>
        %parallel_loop3A_729 = arith.constant 0 : i32
        %parallel_loop3A_730 = arith.constant 0 : i32
        %parallel_loop3A_731 = tpu.memref_slice %arg6[%parallel_loop3A_244, %parallel_loop3A_729, %parallel_loop3A_730] : memref<2x512x32xf32, #tpu.memory_space<vmem>> -> memref<1x512x32xf32, #tpu.memory_space<vmem>>
        %parallel_loop3A_732 = tpu.memref_squeeze %parallel_loop3A_731 : memref<1x512x32xf32, #tpu.memory_space<vmem>> -> memref<512x32xf32, #tpu.memory_space<vmem>>
        %parallel_loop3A_733 = tpu.vector_load_idx %parallel_loop3A_732[%parallel_loop3A_728, %parallel_loop3A_410] : memref<512x32xf32, #tpu.memory_space<vmem>>[vector<16xi32>, vector<16xi32>], vector<16xf32>,
        %parallel_loop3A_734 = arith.constant 1024 : i32
        %parallel_loop3A_735 = arith.addi %parallel_loop3A_455, %parallel_loop3A_734 : i32
        %parallel_loop3A_736 = arith.constant 112 : i32
        %parallel_loop3A_737 = arith.addi %parallel_loop3A_735, %parallel_loop3A_736 : i32
        %parallel_loop3A_738 = tpu.assume_multiple %parallel_loop3A_737, 16 : i32
        %parallel_loop3A_739 = arith.constant 0 : i32
        %parallel_loop3A_740 = tpu.memref_slice %arg7[%parallel_loop3A_245, %parallel_loop3A_739] : memref<2x16384xf32, #tpu.memory_space<vmem>> -> memref<1x16384xf32, #tpu.memory_space<vmem>>
        %parallel_loop3A_741 = tpu.memref_squeeze %parallel_loop3A_740 : memref<1x16384xf32, #tpu.memory_space<vmem>> -> memref<16384xf32, #tpu.memory_space<vmem>>
        %parallel_loop3A_742 = arith.index_cast %parallel_loop3A_738 : i32 to index
        %parallel_loop3A_743 = tpu.vector_load %parallel_loop3A_741[%parallel_loop3A_742] {strides = array<i32>} : memref<16384xf32, #tpu.memory_space<vmem>>, vector<16xf32>,
        tpu.vector_store %parallel_loop3A_741[%parallel_loop3A_742], %parallel_loop3A_733 {strides = array<i32>} : memref<16384xf32, #tpu.memory_space<vmem>>, vector<16xf32>,
        %parallel_loop3A_744 = arith.constant 256 : i32
        %parallel_loop3A_745 = vector.broadcast %parallel_loop3A_744 : i32 to vector<16xi32>
        %parallel_loop3A_746 = arith.addi %parallel_loop3A_745, %iota3A : vector<16xi32>
        %parallel_loop3A_747 = arith.constant 0 : i32
        %parallel_loop3A_748 = arith.constant 0 : i32
        %parallel_loop3A_749 = tpu.memref_slice %arg6[%parallel_loop3A_244, %parallel_loop3A_747, %parallel_loop3A_748] : memref<2x512x32xf32, #tpu.memory_space<vmem>> -> memref<1x512x32xf32, #tpu.memory_space<vmem>>
        %parallel_loop3A_750 = tpu.memref_squeeze %parallel_loop3A_749 : memref<1x512x32xf32, #tpu.memory_space<vmem>> -> memref<512x32xf32, #tpu.memory_space<vmem>>
        %parallel_loop3A_751 = tpu.vector_load_idx %parallel_loop3A_750[%parallel_loop3A_746, %parallel_loop3A_410] : memref<512x32xf32, #tpu.memory_space<vmem>>[vector<16xi32>, vector<16xi32>], vector<16xf32>,
        %parallel_loop3A_752 = arith.constant 2048 : i32
        %parallel_loop3A_753 = arith.addi %parallel_loop3A_455, %parallel_loop3A_752 : i32
        %parallel_loop3A_754 = arith.constant 0 : i32
        %parallel_loop3A_755 = arith.addi %parallel_loop3A_753, %parallel_loop3A_754 : i32
        %parallel_loop3A_756 = tpu.assume_multiple %parallel_loop3A_755, 16 : i32
        %parallel_loop3A_757 = arith.constant 0 : i32
        %parallel_loop3A_758 = tpu.memref_slice %arg7[%parallel_loop3A_245, %parallel_loop3A_757] : memref<2x16384xf32, #tpu.memory_space<vmem>> -> memref<1x16384xf32, #tpu.memory_space<vmem>>
        %parallel_loop3A_759 = tpu.memref_squeeze %parallel_loop3A_758 : memref<1x16384xf32, #tpu.memory_space<vmem>> -> memref<16384xf32, #tpu.memory_space<vmem>>
        %parallel_loop3A_760 = arith.index_cast %parallel_loop3A_756 : i32 to index
        %parallel_loop3A_761 = tpu.vector_load %parallel_loop3A_759[%parallel_loop3A_760] {strides = array<i32>} : memref<16384xf32, #tpu.memory_space<vmem>>, vector<16xf32>,
        tpu.vector_store %parallel_loop3A_759[%parallel_loop3A_760], %parallel_loop3A_751 {strides = array<i32>} : memref<16384xf32, #tpu.memory_space<vmem>>, vector<16xf32>,
        %parallel_loop3A_762 = arith.constant 272 : i32
        %parallel_loop3A_763 = vector.broadcast %parallel_loop3A_762 : i32 to vector<16xi32>
        %parallel_loop3A_764 = arith.addi %parallel_loop3A_763, %iota3A : vector<16xi32>
        %parallel_loop3A_765 = arith.constant 0 : i32
        %parallel_loop3A_766 = arith.constant 0 : i32
        %parallel_loop3A_767 = tpu.memref_slice %arg6[%parallel_loop3A_244, %parallel_loop3A_765, %parallel_loop3A_766] : memref<2x512x32xf32, #tpu.memory_space<vmem>> -> memref<1x512x32xf32, #tpu.memory_space<vmem>>
        %parallel_loop3A_768 = tpu.memref_squeeze %parallel_loop3A_767 : memref<1x512x32xf32, #tpu.memory_space<vmem>> -> memref<512x32xf32, #tpu.memory_space<vmem>>
        %parallel_loop3A_769 = tpu.vector_load_idx %parallel_loop3A_768[%parallel_loop3A_764, %parallel_loop3A_410] : memref<512x32xf32, #tpu.memory_space<vmem>>[vector<16xi32>, vector<16xi32>], vector<16xf32>,
        %parallel_loop3A_770 = arith.constant 2048 : i32
        %parallel_loop3A_771 = arith.addi %parallel_loop3A_455, %parallel_loop3A_770 : i32
        %parallel_loop3A_772 = arith.constant 16 : i32
        %parallel_loop3A_773 = arith.addi %parallel_loop3A_771, %parallel_loop3A_772 : i32
        %parallel_loop3A_774 = tpu.assume_multiple %parallel_loop3A_773, 16 : i32
        %parallel_loop3A_775 = arith.constant 0 : i32
        %parallel_loop3A_776 = tpu.memref_slice %arg7[%parallel_loop3A_245, %parallel_loop3A_775] : memref<2x16384xf32, #tpu.memory_space<vmem>> -> memref<1x16384xf32, #tpu.memory_space<vmem>>
        %parallel_loop3A_777 = tpu.memref_squeeze %parallel_loop3A_776 : memref<1x16384xf32, #tpu.memory_space<vmem>> -> memref<16384xf32, #tpu.memory_space<vmem>>
        %parallel_loop3A_778 = arith.index_cast %parallel_loop3A_774 : i32 to index
        %parallel_loop3A_779 = tpu.vector_load %parallel_loop3A_777[%parallel_loop3A_778] {strides = array<i32>} : memref<16384xf32, #tpu.memory_space<vmem>>, vector<16xf32>,
        tpu.vector_store %parallel_loop3A_777[%parallel_loop3A_778], %parallel_loop3A_769 {strides = array<i32>} : memref<16384xf32, #tpu.memory_space<vmem>>, vector<16xf32>,
        %parallel_loop3A_780 = arith.constant 288 : i32
        %parallel_loop3A_781 = vector.broadcast %parallel_loop3A_780 : i32 to vector<16xi32>
        %parallel_loop3A_782 = arith.addi %parallel_loop3A_781, %iota3A : vector<16xi32>
        %parallel_loop3A_783 = arith.constant 0 : i32
        %parallel_loop3A_784 = arith.constant 0 : i32
        %parallel_loop3A_785 = tpu.memref_slice %arg6[%parallel_loop3A_244, %parallel_loop3A_783, %parallel_loop3A_784] : memref<2x512x32xf32, #tpu.memory_space<vmem>> -> memref<1x512x32xf32, #tpu.memory_space<vmem>>
        %parallel_loop3A_786 = tpu.memref_squeeze %parallel_loop3A_785 : memref<1x512x32xf32, #tpu.memory_space<vmem>> -> memref<512x32xf32, #tpu.memory_space<vmem>>
        %parallel_loop3A_787 = tpu.vector_load_idx %parallel_loop3A_786[%parallel_loop3A_782, %parallel_loop3A_410] : memref<512x32xf32, #tpu.memory_space<vmem>>[vector<16xi32>, vector<16xi32>], vector<16xf32>,
        %parallel_loop3A_788 = arith.constant 2048 : i32
        %parallel_loop3A_789 = arith.addi %parallel_loop3A_455, %parallel_loop3A_788 : i32
        %parallel_loop3A_790 = arith.constant 32 : i32
        %parallel_loop3A_791 = arith.addi %parallel_loop3A_789, %parallel_loop3A_790 : i32
        %parallel_loop3A_792 = tpu.assume_multiple %parallel_loop3A_791, 16 : i32
        %parallel_loop3A_793 = arith.constant 0 : i32
        %parallel_loop3A_794 = tpu.memref_slice %arg7[%parallel_loop3A_245, %parallel_loop3A_793] : memref<2x16384xf32, #tpu.memory_space<vmem>> -> memref<1x16384xf32, #tpu.memory_space<vmem>>
        %parallel_loop3A_795 = tpu.memref_squeeze %parallel_loop3A_794 : memref<1x16384xf32, #tpu.memory_space<vmem>> -> memref<16384xf32, #tpu.memory_space<vmem>>
        %parallel_loop3A_796 = arith.index_cast %parallel_loop3A_792 : i32 to index
        %parallel_loop3A_797 = tpu.vector_load %parallel_loop3A_795[%parallel_loop3A_796] {strides = array<i32>} : memref<16384xf32, #tpu.memory_space<vmem>>, vector<16xf32>,
        tpu.vector_store %parallel_loop3A_795[%parallel_loop3A_796], %parallel_loop3A_787 {strides = array<i32>} : memref<16384xf32, #tpu.memory_space<vmem>>, vector<16xf32>,
        %parallel_loop3A_798 = arith.constant 304 : i32
        %parallel_loop3A_799 = vector.broadcast %parallel_loop3A_798 : i32 to vector<16xi32>
        %parallel_loop3A_800 = arith.addi %parallel_loop3A_799, %iota3A : vector<16xi32>
        %parallel_loop3A_801 = arith.constant 0 : i32
        %parallel_loop3A_802 = arith.constant 0 : i32
        %parallel_loop3A_803 = tpu.memref_slice %arg6[%parallel_loop3A_244, %parallel_loop3A_801, %parallel_loop3A_802] : memref<2x512x32xf32, #tpu.memory_space<vmem>> -> memref<1x512x32xf32, #tpu.memory_space<vmem>>
        %parallel_loop3A_804 = tpu.memref_squeeze %parallel_loop3A_803 : memref<1x512x32xf32, #tpu.memory_space<vmem>> -> memref<512x32xf32, #tpu.memory_space<vmem>>
        %parallel_loop3A_805 = tpu.vector_load_idx %parallel_loop3A_804[%parallel_loop3A_800, %parallel_loop3A_410] : memref<512x32xf32, #tpu.memory_space<vmem>>[vector<16xi32>, vector<16xi32>], vector<16xf32>,
        %parallel_loop3A_806 = arith.constant 2048 : i32
        %parallel_loop3A_807 = arith.addi %parallel_loop3A_455, %parallel_loop3A_806 : i32
        %parallel_loop3A_808 = arith.constant 48 : i32
        %parallel_loop3A_809 = arith.addi %parallel_loop3A_807, %parallel_loop3A_808 : i32
        %parallel_loop3A_810 = tpu.assume_multiple %parallel_loop3A_809, 16 : i32
        %parallel_loop3A_811 = arith.constant 0 : i32
        %parallel_loop3A_812 = tpu.memref_slice %arg7[%parallel_loop3A_245, %parallel_loop3A_811] : memref<2x16384xf32, #tpu.memory_space<vmem>> -> memref<1x16384xf32, #tpu.memory_space<vmem>>
        %parallel_loop3A_813 = tpu.memref_squeeze %parallel_loop3A_812 : memref<1x16384xf32, #tpu.memory_space<vmem>> -> memref<16384xf32, #tpu.memory_space<vmem>>
        %parallel_loop3A_814 = arith.index_cast %parallel_loop3A_810 : i32 to index
        %parallel_loop3A_815 = tpu.vector_load %parallel_loop3A_813[%parallel_loop3A_814] {strides = array<i32>} : memref<16384xf32, #tpu.memory_space<vmem>>, vector<16xf32>,
        tpu.vector_store %parallel_loop3A_813[%parallel_loop3A_814], %parallel_loop3A_805 {strides = array<i32>} : memref<16384xf32, #tpu.memory_space<vmem>>, vector<16xf32>,
        %parallel_loop3A_816 = arith.constant 320 : i32
        %parallel_loop3A_817 = vector.broadcast %parallel_loop3A_816 : i32 to vector<16xi32>
        %parallel_loop3A_818 = arith.addi %parallel_loop3A_817, %iota3A : vector<16xi32>
        %parallel_loop3A_819 = arith.constant 0 : i32
        %parallel_loop3A_820 = arith.constant 0 : i32
        %parallel_loop3A_821 = tpu.memref_slice %arg6[%parallel_loop3A_244, %parallel_loop3A_819, %parallel_loop3A_820] : memref<2x512x32xf32, #tpu.memory_space<vmem>> -> memref<1x512x32xf32, #tpu.memory_space<vmem>>
        %parallel_loop3A_822 = tpu.memref_squeeze %parallel_loop3A_821 : memref<1x512x32xf32, #tpu.memory_space<vmem>> -> memref<512x32xf32, #tpu.memory_space<vmem>>
        %parallel_loop3A_823 = tpu.vector_load_idx %parallel_loop3A_822[%parallel_loop3A_818, %parallel_loop3A_410] : memref<512x32xf32, #tpu.memory_space<vmem>>[vector<16xi32>, vector<16xi32>], vector<16xf32>,
        %parallel_loop3A_824 = arith.constant 2048 : i32
        %parallel_loop3A_825 = arith.addi %parallel_loop3A_455, %parallel_loop3A_824 : i32
        %parallel_loop3A_826 = arith.constant 64 : i32
        %parallel_loop3A_827 = arith.addi %parallel_loop3A_825, %parallel_loop3A_826 : i32
        %parallel_loop3A_828 = tpu.assume_multiple %parallel_loop3A_827, 16 : i32
        %parallel_loop3A_829 = arith.constant 0 : i32
        %parallel_loop3A_830 = tpu.memref_slice %arg7[%parallel_loop3A_245, %parallel_loop3A_829] : memref<2x16384xf32, #tpu.memory_space<vmem>> -> memref<1x16384xf32, #tpu.memory_space<vmem>>
        %parallel_loop3A_831 = tpu.memref_squeeze %parallel_loop3A_830 : memref<1x16384xf32, #tpu.memory_space<vmem>> -> memref<16384xf32, #tpu.memory_space<vmem>>
        %parallel_loop3A_832 = arith.index_cast %parallel_loop3A_828 : i32 to index
        %parallel_loop3A_833 = tpu.vector_load %parallel_loop3A_831[%parallel_loop3A_832] {strides = array<i32>} : memref<16384xf32, #tpu.memory_space<vmem>>, vector<16xf32>,
        tpu.vector_store %parallel_loop3A_831[%parallel_loop3A_832], %parallel_loop3A_823 {strides = array<i32>} : memref<16384xf32, #tpu.memory_space<vmem>>, vector<16xf32>,
        %parallel_loop3A_834 = arith.constant 336 : i32
        %parallel_loop3A_835 = vector.broadcast %parallel_loop3A_834 : i32 to vector<16xi32>
        %parallel_loop3A_836 = arith.addi %parallel_loop3A_835, %iota3A : vector<16xi32>
        %parallel_loop3A_837 = arith.constant 0 : i32
        %parallel_loop3A_838 = arith.constant 0 : i32
        %parallel_loop3A_839 = tpu.memref_slice %arg6[%parallel_loop3A_244, %parallel_loop3A_837, %parallel_loop3A_838] : memref<2x512x32xf32, #tpu.memory_space<vmem>> -> memref<1x512x32xf32, #tpu.memory_space<vmem>>
        %parallel_loop3A_840 = tpu.memref_squeeze %parallel_loop3A_839 : memref<1x512x32xf32, #tpu.memory_space<vmem>> -> memref<512x32xf32, #tpu.memory_space<vmem>>
        %parallel_loop3A_841 = tpu.vector_load_idx %parallel_loop3A_840[%parallel_loop3A_836, %parallel_loop3A_410] : memref<512x32xf32, #tpu.memory_space<vmem>>[vector<16xi32>, vector<16xi32>], vector<16xf32>,
        %parallel_loop3A_842 = arith.constant 2048 : i32
        %parallel_loop3A_843 = arith.addi %parallel_loop3A_455, %parallel_loop3A_842 : i32
        %parallel_loop3A_844 = arith.constant 80 : i32
        %parallel_loop3A_845 = arith.addi %parallel_loop3A_843, %parallel_loop3A_844 : i32
        %parallel_loop3A_846 = tpu.assume_multiple %parallel_loop3A_845, 16 : i32
        %parallel_loop3A_847 = arith.constant 0 : i32
        %parallel_loop3A_848 = tpu.memref_slice %arg7[%parallel_loop3A_245, %parallel_loop3A_847] : memref<2x16384xf32, #tpu.memory_space<vmem>> -> memref<1x16384xf32, #tpu.memory_space<vmem>>
        %parallel_loop3A_849 = tpu.memref_squeeze %parallel_loop3A_848 : memref<1x16384xf32, #tpu.memory_space<vmem>> -> memref<16384xf32, #tpu.memory_space<vmem>>
        %parallel_loop3A_850 = arith.index_cast %parallel_loop3A_846 : i32 to index
        %parallel_loop3A_851 = tpu.vector_load %parallel_loop3A_849[%parallel_loop3A_850] {strides = array<i32>} : memref<16384xf32, #tpu.memory_space<vmem>>, vector<16xf32>,
        tpu.vector_store %parallel_loop3A_849[%parallel_loop3A_850], %parallel_loop3A_841 {strides = array<i32>} : memref<16384xf32, #tpu.memory_space<vmem>>, vector<16xf32>,
        %parallel_loop3A_852 = arith.constant 352 : i32
        %parallel_loop3A_853 = vector.broadcast %parallel_loop3A_852 : i32 to vector<16xi32>
        %parallel_loop3A_854 = arith.addi %parallel_loop3A_853, %iota3A : vector<16xi32>
        %parallel_loop3A_855 = arith.constant 0 : i32
        %parallel_loop3A_856 = arith.constant 0 : i32
        %parallel_loop3A_857 = tpu.memref_slice %arg6[%parallel_loop3A_244, %parallel_loop3A_855, %parallel_loop3A_856] : memref<2x512x32xf32, #tpu.memory_space<vmem>> -> memref<1x512x32xf32, #tpu.memory_space<vmem>>
        %parallel_loop3A_858 = tpu.memref_squeeze %parallel_loop3A_857 : memref<1x512x32xf32, #tpu.memory_space<vmem>> -> memref<512x32xf32, #tpu.memory_space<vmem>>
        %parallel_loop3A_859 = tpu.vector_load_idx %parallel_loop3A_858[%parallel_loop3A_854, %parallel_loop3A_410] : memref<512x32xf32, #tpu.memory_space<vmem>>[vector<16xi32>, vector<16xi32>], vector<16xf32>,
        %parallel_loop3A_860 = arith.constant 2048 : i32
        %parallel_loop3A_861 = arith.addi %parallel_loop3A_455, %parallel_loop3A_860 : i32
        %parallel_loop3A_862 = arith.constant 96 : i32
        %parallel_loop3A_863 = arith.addi %parallel_loop3A_861, %parallel_loop3A_862 : i32
        %parallel_loop3A_864 = tpu.assume_multiple %parallel_loop3A_863, 16 : i32
        %parallel_loop3A_865 = arith.constant 0 : i32
        %parallel_loop3A_866 = tpu.memref_slice %arg7[%parallel_loop3A_245, %parallel_loop3A_865] : memref<2x16384xf32, #tpu.memory_space<vmem>> -> memref<1x16384xf32, #tpu.memory_space<vmem>>
        %parallel_loop3A_867 = tpu.memref_squeeze %parallel_loop3A_866 : memref<1x16384xf32, #tpu.memory_space<vmem>> -> memref<16384xf32, #tpu.memory_space<vmem>>
        %parallel_loop3A_868 = arith.index_cast %parallel_loop3A_864 : i32 to index
        %parallel_loop3A_869 = tpu.vector_load %parallel_loop3A_867[%parallel_loop3A_868] {strides = array<i32>} : memref<16384xf32, #tpu.memory_space<vmem>>, vector<16xf32>,
        tpu.vector_store %parallel_loop3A_867[%parallel_loop3A_868], %parallel_loop3A_859 {strides = array<i32>} : memref<16384xf32, #tpu.memory_space<vmem>>, vector<16xf32>,
        %parallel_loop3A_870 = arith.constant 368 : i32
        %parallel_loop3A_871 = vector.broadcast %parallel_loop3A_870 : i32 to vector<16xi32>
        %parallel_loop3A_872 = arith.addi %parallel_loop3A_871, %iota3A : vector<16xi32>
        %parallel_loop3A_873 = arith.constant 0 : i32
        %parallel_loop3A_874 = arith.constant 0 : i32
        %parallel_loop3A_875 = tpu.memref_slice %arg6[%parallel_loop3A_244, %parallel_loop3A_873, %parallel_loop3A_874] : memref<2x512x32xf32, #tpu.memory_space<vmem>> -> memref<1x512x32xf32, #tpu.memory_space<vmem>>
        %parallel_loop3A_876 = tpu.memref_squeeze %parallel_loop3A_875 : memref<1x512x32xf32, #tpu.memory_space<vmem>> -> memref<512x32xf32, #tpu.memory_space<vmem>>
        %parallel_loop3A_877 = tpu.vector_load_idx %parallel_loop3A_876[%parallel_loop3A_872, %parallel_loop3A_410] : memref<512x32xf32, #tpu.memory_space<vmem>>[vector<16xi32>, vector<16xi32>], vector<16xf32>,
        %parallel_loop3A_878 = arith.constant 2048 : i32
        %parallel_loop3A_879 = arith.addi %parallel_loop3A_455, %parallel_loop3A_878 : i32
        %parallel_loop3A_880 = arith.constant 112 : i32
        %parallel_loop3A_881 = arith.addi %parallel_loop3A_879, %parallel_loop3A_880 : i32
        %parallel_loop3A_882 = tpu.assume_multiple %parallel_loop3A_881, 16 : i32
        %parallel_loop3A_883 = arith.constant 0 : i32
        %parallel_loop3A_884 = tpu.memref_slice %arg7[%parallel_loop3A_245, %parallel_loop3A_883] : memref<2x16384xf32, #tpu.memory_space<vmem>> -> memref<1x16384xf32, #tpu.memory_space<vmem>>
        %parallel_loop3A_885 = tpu.memref_squeeze %parallel_loop3A_884 : memref<1x16384xf32, #tpu.memory_space<vmem>> -> memref<16384xf32, #tpu.memory_space<vmem>>
        %parallel_loop3A_886 = arith.index_cast %parallel_loop3A_882 : i32 to index
        %parallel_loop3A_887 = tpu.vector_load %parallel_loop3A_885[%parallel_loop3A_886] {strides = array<i32>} : memref<16384xf32, #tpu.memory_space<vmem>>, vector<16xf32>,
        tpu.vector_store %parallel_loop3A_885[%parallel_loop3A_886], %parallel_loop3A_877 {strides = array<i32>} : memref<16384xf32, #tpu.memory_space<vmem>>, vector<16xf32>,
        %parallel_loop3A_888 = arith.constant 384 : i32
        %parallel_loop3A_889 = vector.broadcast %parallel_loop3A_888 : i32 to vector<16xi32>
        %parallel_loop3A_890 = arith.addi %parallel_loop3A_889, %iota3A : vector<16xi32>
        %parallel_loop3A_891 = arith.constant 0 : i32
        %parallel_loop3A_892 = arith.constant 0 : i32
        %parallel_loop3A_893 = tpu.memref_slice %arg6[%parallel_loop3A_244, %parallel_loop3A_891, %parallel_loop3A_892] : memref<2x512x32xf32, #tpu.memory_space<vmem>> -> memref<1x512x32xf32, #tpu.memory_space<vmem>>
        %parallel_loop3A_894 = tpu.memref_squeeze %parallel_loop3A_893 : memref<1x512x32xf32, #tpu.memory_space<vmem>> -> memref<512x32xf32, #tpu.memory_space<vmem>>
        %parallel_loop3A_895 = tpu.vector_load_idx %parallel_loop3A_894[%parallel_loop3A_890, %parallel_loop3A_410] : memref<512x32xf32, #tpu.memory_space<vmem>>[vector<16xi32>, vector<16xi32>], vector<16xf32>,
        %parallel_loop3A_896 = arith.constant 3072 : i32
        %parallel_loop3A_897 = arith.addi %parallel_loop3A_455, %parallel_loop3A_896 : i32
        %parallel_loop3A_898 = arith.constant 0 : i32
        %parallel_loop3A_899 = arith.addi %parallel_loop3A_897, %parallel_loop3A_898 : i32
        %parallel_loop3A_900 = tpu.assume_multiple %parallel_loop3A_899, 16 : i32
        %parallel_loop3A_901 = arith.constant 0 : i32
        %parallel_loop3A_902 = tpu.memref_slice %arg7[%parallel_loop3A_245, %parallel_loop3A_901] : memref<2x16384xf32, #tpu.memory_space<vmem>> -> memref<1x16384xf32, #tpu.memory_space<vmem>>
        %parallel_loop3A_903 = tpu.memref_squeeze %parallel_loop3A_902 : memref<1x16384xf32, #tpu.memory_space<vmem>> -> memref<16384xf32, #tpu.memory_space<vmem>>
        %parallel_loop3A_904 = arith.index_cast %parallel_loop3A_900 : i32 to index
        %parallel_loop3A_905 = tpu.vector_load %parallel_loop3A_903[%parallel_loop3A_904] {strides = array<i32>} : memref<16384xf32, #tpu.memory_space<vmem>>, vector<16xf32>,
        tpu.vector_store %parallel_loop3A_903[%parallel_loop3A_904], %parallel_loop3A_895 {strides = array<i32>} : memref<16384xf32, #tpu.memory_space<vmem>>, vector<16xf32>,
        %parallel_loop3A_906 = arith.constant 400 : i32
        %parallel_loop3A_907 = vector.broadcast %parallel_loop3A_906 : i32 to vector<16xi32>
        %parallel_loop3A_908 = arith.addi %parallel_loop3A_907, %iota3A : vector<16xi32>
        %parallel_loop3A_909 = arith.constant 0 : i32
        %parallel_loop3A_910 = arith.constant 0 : i32
        %parallel_loop3A_911 = tpu.memref_slice %arg6[%parallel_loop3A_244, %parallel_loop3A_909, %parallel_loop3A_910] : memref<2x512x32xf32, #tpu.memory_space<vmem>> -> memref<1x512x32xf32, #tpu.memory_space<vmem>>
        %parallel_loop3A_912 = tpu.memref_squeeze %parallel_loop3A_911 : memref<1x512x32xf32, #tpu.memory_space<vmem>> -> memref<512x32xf32, #tpu.memory_space<vmem>>
        %parallel_loop3A_913 = tpu.vector_load_idx %parallel_loop3A_912[%parallel_loop3A_908, %parallel_loop3A_410] : memref<512x32xf32, #tpu.memory_space<vmem>>[vector<16xi32>, vector<16xi32>], vector<16xf32>,
        %parallel_loop3A_914 = arith.constant 3072 : i32
        %parallel_loop3A_915 = arith.addi %parallel_loop3A_455, %parallel_loop3A_914 : i32
        %parallel_loop3A_916 = arith.constant 16 : i32
        %parallel_loop3A_917 = arith.addi %parallel_loop3A_915, %parallel_loop3A_916 : i32
        %parallel_loop3A_918 = tpu.assume_multiple %parallel_loop3A_917, 16 : i32
        %parallel_loop3A_919 = arith.constant 0 : i32
        %parallel_loop3A_920 = tpu.memref_slice %arg7[%parallel_loop3A_245, %parallel_loop3A_919] : memref<2x16384xf32, #tpu.memory_space<vmem>> -> memref<1x16384xf32, #tpu.memory_space<vmem>>
        %parallel_loop3A_921 = tpu.memref_squeeze %parallel_loop3A_920 : memref<1x16384xf32, #tpu.memory_space<vmem>> -> memref<16384xf32, #tpu.memory_space<vmem>>
        %parallel_loop3A_922 = arith.index_cast %parallel_loop3A_918 : i32 to index
        %parallel_loop3A_923 = tpu.vector_load %parallel_loop3A_921[%parallel_loop3A_922] {strides = array<i32>} : memref<16384xf32, #tpu.memory_space<vmem>>, vector<16xf32>,
        tpu.vector_store %parallel_loop3A_921[%parallel_loop3A_922], %parallel_loop3A_913 {strides = array<i32>} : memref<16384xf32, #tpu.memory_space<vmem>>, vector<16xf32>,
        %parallel_loop3A_924 = arith.constant 416 : i32
        %parallel_loop3A_925 = vector.broadcast %parallel_loop3A_924 : i32 to vector<16xi32>
        %parallel_loop3A_926 = arith.addi %parallel_loop3A_925, %iota3A : vector<16xi32>
        %parallel_loop3A_927 = arith.constant 0 : i32
        %parallel_loop3A_928 = arith.constant 0 : i32
        %parallel_loop3A_929 = tpu.memref_slice %arg6[%parallel_loop3A_244, %parallel_loop3A_927, %parallel_loop3A_928] : memref<2x512x32xf32, #tpu.memory_space<vmem>> -> memref<1x512x32xf32, #tpu.memory_space<vmem>>
        %parallel_loop3A_930 = tpu.memref_squeeze %parallel_loop3A_929 : memref<1x512x32xf32, #tpu.memory_space<vmem>> -> memref<512x32xf32, #tpu.memory_space<vmem>>
        %parallel_loop3A_931 = tpu.vector_load_idx %parallel_loop3A_930[%parallel_loop3A_926, %parallel_loop3A_410] : memref<512x32xf32, #tpu.memory_space<vmem>>[vector<16xi32>, vector<16xi32>], vector<16xf32>,
        %parallel_loop3A_932 = arith.constant 3072 : i32
        %parallel_loop3A_933 = arith.addi %parallel_loop3A_455, %parallel_loop3A_932 : i32
        %parallel_loop3A_934 = arith.constant 32 : i32
        %parallel_loop3A_935 = arith.addi %parallel_loop3A_933, %parallel_loop3A_934 : i32
        %parallel_loop3A_936 = tpu.assume_multiple %parallel_loop3A_935, 16 : i32
        %parallel_loop3A_937 = arith.constant 0 : i32
        %parallel_loop3A_938 = tpu.memref_slice %arg7[%parallel_loop3A_245, %parallel_loop3A_937] : memref<2x16384xf32, #tpu.memory_space<vmem>> -> memref<1x16384xf32, #tpu.memory_space<vmem>>
        %parallel_loop3A_939 = tpu.memref_squeeze %parallel_loop3A_938 : memref<1x16384xf32, #tpu.memory_space<vmem>> -> memref<16384xf32, #tpu.memory_space<vmem>>
        %parallel_loop3A_940 = arith.index_cast %parallel_loop3A_936 : i32 to index
        %parallel_loop3A_941 = tpu.vector_load %parallel_loop3A_939[%parallel_loop3A_940] {strides = array<i32>} : memref<16384xf32, #tpu.memory_space<vmem>>, vector<16xf32>,
        tpu.vector_store %parallel_loop3A_939[%parallel_loop3A_940], %parallel_loop3A_931 {strides = array<i32>} : memref<16384xf32, #tpu.memory_space<vmem>>, vector<16xf32>,
        %parallel_loop3A_942 = arith.constant 432 : i32
        %parallel_loop3A_943 = vector.broadcast %parallel_loop3A_942 : i32 to vector<16xi32>
        %parallel_loop3A_944 = arith.addi %parallel_loop3A_943, %iota3A : vector<16xi32>
        %parallel_loop3A_945 = arith.constant 0 : i32
        %parallel_loop3A_946 = arith.constant 0 : i32
        %parallel_loop3A_947 = tpu.memref_slice %arg6[%parallel_loop3A_244, %parallel_loop3A_945, %parallel_loop3A_946] : memref<2x512x32xf32, #tpu.memory_space<vmem>> -> memref<1x512x32xf32, #tpu.memory_space<vmem>>
        %parallel_loop3A_948 = tpu.memref_squeeze %parallel_loop3A_947 : memref<1x512x32xf32, #tpu.memory_space<vmem>> -> memref<512x32xf32, #tpu.memory_space<vmem>>
        %parallel_loop3A_949 = tpu.vector_load_idx %parallel_loop3A_948[%parallel_loop3A_944, %parallel_loop3A_410] : memref<512x32xf32, #tpu.memory_space<vmem>>[vector<16xi32>, vector<16xi32>], vector<16xf32>,
        %parallel_loop3A_950 = arith.constant 3072 : i32
        %parallel_loop3A_951 = arith.addi %parallel_loop3A_455, %parallel_loop3A_950 : i32
        %parallel_loop3A_952 = arith.constant 48 : i32
        %parallel_loop3A_953 = arith.addi %parallel_loop3A_951, %parallel_loop3A_952 : i32
        %parallel_loop3A_954 = tpu.assume_multiple %parallel_loop3A_953, 16 : i32
        %parallel_loop3A_955 = arith.constant 0 : i32
        %parallel_loop3A_956 = tpu.memref_slice %arg7[%parallel_loop3A_245, %parallel_loop3A_955] : memref<2x16384xf32, #tpu.memory_space<vmem>> -> memref<1x16384xf32, #tpu.memory_space<vmem>>
        %parallel_loop3A_957 = tpu.memref_squeeze %parallel_loop3A_956 : memref<1x16384xf32, #tpu.memory_space<vmem>> -> memref<16384xf32, #tpu.memory_space<vmem>>
        %parallel_loop3A_958 = arith.index_cast %parallel_loop3A_954 : i32 to index
        %parallel_loop3A_959 = tpu.vector_load %parallel_loop3A_957[%parallel_loop3A_958] {strides = array<i32>} : memref<16384xf32, #tpu.memory_space<vmem>>, vector<16xf32>,
        tpu.vector_store %parallel_loop3A_957[%parallel_loop3A_958], %parallel_loop3A_949 {strides = array<i32>} : memref<16384xf32, #tpu.memory_space<vmem>>, vector<16xf32>,
        %parallel_loop3A_960 = arith.constant 448 : i32
        %parallel_loop3A_961 = vector.broadcast %parallel_loop3A_960 : i32 to vector<16xi32>
        %parallel_loop3A_962 = arith.addi %parallel_loop3A_961, %iota3A : vector<16xi32>
        %parallel_loop3A_963 = arith.constant 0 : i32
        %parallel_loop3A_964 = arith.constant 0 : i32
        %parallel_loop3A_965 = tpu.memref_slice %arg6[%parallel_loop3A_244, %parallel_loop3A_963, %parallel_loop3A_964] : memref<2x512x32xf32, #tpu.memory_space<vmem>> -> memref<1x512x32xf32, #tpu.memory_space<vmem>>
        %parallel_loop3A_966 = tpu.memref_squeeze %parallel_loop3A_965 : memref<1x512x32xf32, #tpu.memory_space<vmem>> -> memref<512x32xf32, #tpu.memory_space<vmem>>
        %parallel_loop3A_967 = tpu.vector_load_idx %parallel_loop3A_966[%parallel_loop3A_962, %parallel_loop3A_410] : memref<512x32xf32, #tpu.memory_space<vmem>>[vector<16xi32>, vector<16xi32>], vector<16xf32>,
        %parallel_loop3A_968 = arith.constant 3072 : i32
        %parallel_loop3A_969 = arith.addi %parallel_loop3A_455, %parallel_loop3A_968 : i32
        %parallel_loop3A_970 = arith.constant 64 : i32
        %parallel_loop3A_971 = arith.addi %parallel_loop3A_969, %parallel_loop3A_970 : i32
        %parallel_loop3A_972 = tpu.assume_multiple %parallel_loop3A_971, 16 : i32
        %parallel_loop3A_973 = arith.constant 0 : i32
        %parallel_loop3A_974 = tpu.memref_slice %arg7[%parallel_loop3A_245, %parallel_loop3A_973] : memref<2x16384xf32, #tpu.memory_space<vmem>> -> memref<1x16384xf32, #tpu.memory_space<vmem>>
        %parallel_loop3A_975 = tpu.memref_squeeze %parallel_loop3A_974 : memref<1x16384xf32, #tpu.memory_space<vmem>> -> memref<16384xf32, #tpu.memory_space<vmem>>
        %parallel_loop3A_976 = arith.index_cast %parallel_loop3A_972 : i32 to index
        %parallel_loop3A_977 = tpu.vector_load %parallel_loop3A_975[%parallel_loop3A_976] {strides = array<i32>} : memref<16384xf32, #tpu.memory_space<vmem>>, vector<16xf32>,
        tpu.vector_store %parallel_loop3A_975[%parallel_loop3A_976], %parallel_loop3A_967 {strides = array<i32>} : memref<16384xf32, #tpu.memory_space<vmem>>, vector<16xf32>,
        %parallel_loop3A_978 = arith.constant 464 : i32
        %parallel_loop3A_979 = vector.broadcast %parallel_loop3A_978 : i32 to vector<16xi32>
        %parallel_loop3A_980 = arith.addi %parallel_loop3A_979, %iota3A : vector<16xi32>
        %parallel_loop3A_981 = arith.constant 0 : i32
        %parallel_loop3A_982 = arith.constant 0 : i32
        %parallel_loop3A_983 = tpu.memref_slice %arg6[%parallel_loop3A_244, %parallel_loop3A_981, %parallel_loop3A_982] : memref<2x512x32xf32, #tpu.memory_space<vmem>> -> memref<1x512x32xf32, #tpu.memory_space<vmem>>
        %parallel_loop3A_984 = tpu.memref_squeeze %parallel_loop3A_983 : memref<1x512x32xf32, #tpu.memory_space<vmem>> -> memref<512x32xf32, #tpu.memory_space<vmem>>
        %parallel_loop3A_985 = tpu.vector_load_idx %parallel_loop3A_984[%parallel_loop3A_980, %parallel_loop3A_410] : memref<512x32xf32, #tpu.memory_space<vmem>>[vector<16xi32>, vector<16xi32>], vector<16xf32>,
        %parallel_loop3A_986 = arith.constant 3072 : i32
        %parallel_loop3A_987 = arith.addi %parallel_loop3A_455, %parallel_loop3A_986 : i32
        %parallel_loop3A_988 = arith.constant 80 : i32
        %parallel_loop3A_989 = arith.addi %parallel_loop3A_987, %parallel_loop3A_988 : i32
        %parallel_loop3A_990 = tpu.assume_multiple %parallel_loop3A_989, 16 : i32
        %parallel_loop3A_991 = arith.constant 0 : i32
        %parallel_loop3A_992 = tpu.memref_slice %arg7[%parallel_loop3A_245, %parallel_loop3A_991] : memref<2x16384xf32, #tpu.memory_space<vmem>> -> memref<1x16384xf32, #tpu.memory_space<vmem>>
        %parallel_loop3A_993 = tpu.memref_squeeze %parallel_loop3A_992 : memref<1x16384xf32, #tpu.memory_space<vmem>> -> memref<16384xf32, #tpu.memory_space<vmem>>
        %parallel_loop3A_994 = arith.index_cast %parallel_loop3A_990 : i32 to index
        %parallel_loop3A_995 = tpu.vector_load %parallel_loop3A_993[%parallel_loop3A_994] {strides = array<i32>} : memref<16384xf32, #tpu.memory_space<vmem>>, vector<16xf32>,
        tpu.vector_store %parallel_loop3A_993[%parallel_loop3A_994], %parallel_loop3A_985 {strides = array<i32>} : memref<16384xf32, #tpu.memory_space<vmem>>, vector<16xf32>,
        %parallel_loop3A_996 = arith.constant 480 : i32
        %parallel_loop3A_997 = vector.broadcast %parallel_loop3A_996 : i32 to vector<16xi32>
        %parallel_loop3A_998 = arith.addi %parallel_loop3A_997, %iota3A : vector<16xi32>
        %parallel_loop3A_999 = arith.constant 0 : i32
        %parallel_loop3A_1000 = arith.constant 0 : i32
        %parallel_loop3A_1001 = tpu.memref_slice %arg6[%parallel_loop3A_244, %parallel_loop3A_999, %parallel_loop3A_1000] : memref<2x512x32xf32, #tpu.memory_space<vmem>> -> memref<1x512x32xf32, #tpu.memory_space<vmem>>
        %parallel_loop3A_1002 = tpu.memref_squeeze %parallel_loop3A_1001 : memref<1x512x32xf32, #tpu.memory_space<vmem>> -> memref<512x32xf32, #tpu.memory_space<vmem>>
        %parallel_loop3A_1003 = tpu.vector_load_idx %parallel_loop3A_1002[%parallel_loop3A_998, %parallel_loop3A_410] : memref<512x32xf32, #tpu.memory_space<vmem>>[vector<16xi32>, vector<16xi32>], vector<16xf32>,
        %parallel_loop3A_1004 = arith.constant 3072 : i32
        %parallel_loop3A_1005 = arith.addi %parallel_loop3A_455, %parallel_loop3A_1004 : i32
        %parallel_loop3A_1006 = arith.constant 96 : i32
        %parallel_loop3A_1007 = arith.addi %parallel_loop3A_1005, %parallel_loop3A_1006 : i32
        %parallel_loop3A_1008 = tpu.assume_multiple %parallel_loop3A_1007, 16 : i32
        %parallel_loop3A_1009 = arith.constant 0 : i32
        %parallel_loop3A_1010 = tpu.memref_slice %arg7[%parallel_loop3A_245, %parallel_loop3A_1009] : memref<2x16384xf32, #tpu.memory_space<vmem>> -> memref<1x16384xf32, #tpu.memory_space<vmem>>
        %parallel_loop3A_1011 = tpu.memref_squeeze %parallel_loop3A_1010 : memref<1x16384xf32, #tpu.memory_space<vmem>> -> memref<16384xf32, #tpu.memory_space<vmem>>
        %parallel_loop3A_1012 = arith.index_cast %parallel_loop3A_1008 : i32 to index
        %parallel_loop3A_1013 = tpu.vector_load %parallel_loop3A_1011[%parallel_loop3A_1012] {strides = array<i32>} : memref<16384xf32, #tpu.memory_space<vmem>>, vector<16xf32>,
        tpu.vector_store %parallel_loop3A_1011[%parallel_loop3A_1012], %parallel_loop3A_1003 {strides = array<i32>} : memref<16384xf32, #tpu.memory_space<vmem>>, vector<16xf32>,
        %parallel_loop3A_1014 = arith.constant 496 : i32
        %parallel_loop3A_1015 = vector.broadcast %parallel_loop3A_1014 : i32 to vector<16xi32>
        %parallel_loop3A_1016 = arith.addi %parallel_loop3A_1015, %iota3A : vector<16xi32>
        %parallel_loop3A_1017 = arith.constant 0 : i32
        %parallel_loop3A_1018 = arith.constant 0 : i32
        %parallel_loop3A_1019 = tpu.memref_slice %arg6[%parallel_loop3A_244, %parallel_loop3A_1017, %parallel_loop3A_1018] : memref<2x512x32xf32, #tpu.memory_space<vmem>> -> memref<1x512x32xf32, #tpu.memory_space<vmem>>
        %parallel_loop3A_1020 = tpu.memref_squeeze %parallel_loop3A_1019 : memref<1x512x32xf32, #tpu.memory_space<vmem>> -> memref<512x32xf32, #tpu.memory_space<vmem>>
        %parallel_loop3A_1021 = tpu.vector_load_idx %parallel_loop3A_1020[%parallel_loop3A_1016, %parallel_loop3A_410] : memref<512x32xf32, #tpu.memory_space<vmem>>[vector<16xi32>, vector<16xi32>], vector<16xf32>,
        %parallel_loop3A_1022 = arith.constant 3072 : i32
        %parallel_loop3A_1023 = arith.addi %parallel_loop3A_455, %parallel_loop3A_1022 : i32
        %parallel_loop3A_1024 = arith.constant 112 : i32
        %parallel_loop3A_1025 = arith.addi %parallel_loop3A_1023, %parallel_loop3A_1024 : i32
        %parallel_loop3A_1026 = tpu.assume_multiple %parallel_loop3A_1025, 16 : i32
        %parallel_loop3A_1027 = arith.constant 0 : i32
        %parallel_loop3A_1028 = tpu.memref_slice %arg7[%parallel_loop3A_245, %parallel_loop3A_1027] : memref<2x16384xf32, #tpu.memory_space<vmem>> -> memref<1x16384xf32, #tpu.memory_space<vmem>>
        %parallel_loop3A_1029 = tpu.memref_squeeze %parallel_loop3A_1028 : memref<1x16384xf32, #tpu.memory_space<vmem>> -> memref<16384xf32, #tpu.memory_space<vmem>>
        %parallel_loop3A_1030 = arith.index_cast %parallel_loop3A_1026 : i32 to index
        %parallel_loop3A_1031 = tpu.vector_load %parallel_loop3A_1029[%parallel_loop3A_1030] {strides = array<i32>} : memref<16384xf32, #tpu.memory_space<vmem>>, vector<16xf32>,
        tpu.vector_store %parallel_loop3A_1029[%parallel_loop3A_1030], %parallel_loop3A_1021 {strides = array<i32>} : memref<16384xf32, #tpu.memory_space<vmem>>, vector<16xf32>,
      } {sc.loop_unroll_factor = 4 : i64, sc.parallel_access}
      %mul3A_246 = arith.constant 512 : i32
      %mul3A_247 = arith.muli %add3A_218, %mul3A_246 : i32
      %add3A_248 = arith.addi %mul3A_2, %mul3A_247 : i32
      %jit3A_249 = arith.constant 4096 : i32
      %div3A_250 = arith.divsi %add3A_248, %jit3A_249 : i32
      %sign3A_251 = arith.constant 0 : i32
      %sign3A_252 = arith.cmpi sgt, %add3A_248, %sign3A_251 : i32
      %sign3A_253 = arith.extui %sign3A_252 : i1 to i32
      %sign3A_254 = arith.constant 0 : i32
      %sign3A_255 = arith.cmpi slt, %add3A_248, %sign3A_254 : i32
      %sign3A_256 = arith.extui %sign3A_255 : i1 to i32
      %sign3A_257 = arith.subi %sign3A_253, %sign3A_256 : i32
      %sign3A_258 = arith.constant 0 : i32
      %sign3A_259 = arith.cmpi sgt, %jit3A_249, %sign3A_258 : i32
      %sign3A_260 = arith.extui %sign3A_259 : i1 to i32
      %sign3A_261 = arith.constant 0 : i32
      %sign3A_262 = arith.cmpi slt, %jit3A_249, %sign3A_261 : i32
      %sign3A_263 = arith.extui %sign3A_262 : i1 to i32
      %sign3A_264 = arith.subi %sign3A_260, %sign3A_263 : i32
      %ne3A_265 = arith.cmpi ne, %sign3A_257, %sign3A_264 : i32
      %rem3A_266 = arith.remsi %add3A_248, %jit3A_249 : i32
      %ne3A_267 = arith.constant 0 : i32
      %ne3A_268 = arith.cmpi ne, %rem3A_266, %ne3A_267 : i32
      %and3A_269 = arith.andi %ne3A_265, %ne3A_268 : i1
      %sub3A_270 = arith.constant 1 : i32
      %sub3A_271 = arith.subi %div3A_250, %sub3A_270 : i32
      %select_n3A_272 = arith.select %and3A_269, %sub3A_271, %div3A_250 : i32
      %jit3A_273 = arith.constant 4096 : i32
      %eq3A_274 = arith.constant 0 : i32
      %eq3A_275 = arith.cmpi eq, %jit3A_273, %eq3A_274 : i32
      %jit3A_276 = arith.constant 1 : i32
      %select_n3A_277 = arith.select %eq3A_275, %jit3A_276, %jit3A_273 : i32
      %rem3A_278 = arith.remsi %add3A_248, %select_n3A_277 : i32
      %ne3A_279 = arith.constant 0 : i32
      %ne3A_280 = arith.cmpi ne, %rem3A_278, %ne3A_279 : i32
      %lt3A_281 = arith.constant 0 : i32
      %lt3A_282 = arith.cmpi slt, %rem3A_278, %lt3A_281 : i32
      %lt3A_283 = arith.constant 0 : i32
      %lt3A_284 = arith.cmpi slt, %select_n3A_277, %lt3A_283 : i32
      %ne3A_285 = arith.xori %lt3A_282, %lt3A_284 : i1
      %and3A_286 = arith.andi %ne3A_285, %ne3A_280 : i1
      %add3A_287 = arith.addi %rem3A_278, %select_n3A_277 : i32
      %select_n3A_288 = arith.select %and3A_286, %add3A_287, %rem3A_278 : i32
      %jit3A_289 = arith.constant 128 : i32
      %div3A_290 = arith.divsi %select_n3A_288, %jit3A_289 : i32
      %sign3A_291 = arith.constant 0 : i32
      %sign3A_292 = arith.cmpi sgt, %select_n3A_288, %sign3A_291 : i32
      %sign3A_293 = arith.extui %sign3A_292 : i1 to i32
      %sign3A_294 = arith.constant 0 : i32
      %sign3A_295 = arith.cmpi slt, %select_n3A_288, %sign3A_294 : i32
      %sign3A_296 = arith.extui %sign3A_295 : i1 to i32
      %sign3A_297 = arith.subi %sign3A_293, %sign3A_296 : i32
      %sign3A_298 = arith.constant 0 : i32
      %sign3A_299 = arith.cmpi sgt, %jit3A_289, %sign3A_298 : i32
      %sign3A_300 = arith.extui %sign3A_299 : i1 to i32
      %sign3A_301 = arith.constant 0 : i32
      %sign3A_302 = arith.cmpi slt, %jit3A_289, %sign3A_301 : i32
      %sign3A_303 = arith.extui %sign3A_302 : i1 to i32
      %sign3A_304 = arith.subi %sign3A_300, %sign3A_303 : i32
      %ne3A_305 = arith.cmpi ne, %sign3A_297, %sign3A_304 : i32
      %rem3A_306 = arith.remsi %select_n3A_288, %jit3A_289 : i32
      %ne3A_307 = arith.constant 0 : i32
      %ne3A_308 = arith.cmpi ne, %rem3A_306, %ne3A_307 : i32
      %and3A_309 = arith.andi %ne3A_305, %ne3A_308 : i1
      %sub3A_310 = arith.constant 1 : i32
      %sub3A_311 = arith.subi %div3A_290, %sub3A_310 : i32
      %select_n3A_312 = arith.select %and3A_309, %sub3A_311, %div3A_290 : i32
      %mul3A_313 = arith.constant 4 : i32
      %mul3A_314 = arith.muli %select_n3A_272, %mul3A_313 : i32
      %add3A_315 = arith.constant 0 : i32
      %add3A_316 = arith.addi %mul3A_314, %add3A_315 : i32
      %mul3A_317 = arith.constant 32 : i32
      %mul3A_318 = arith.muli %add3A_316, %mul3A_317 : i32
      %add3A_319 = arith.addi %mul3A_318, %select_n3A_312 : i32
      %mul3A_320 = arith.constant 1024 : i32
      %mul3A_321 = arith.muli %add3A_319, %mul3A_320 : i32
      %multiple_of3A_322 = tpu.assume_multiple %mul3A_321, 8 : i32
      %dma_start3A_323 = arith.constant 1 : i32
      %dma_start3A_324 = arith.constant 0 : i32
      %dma_start3A_325 = tpu.memref_slice %arg7[%dma_start3A_323, %dma_start3A_324] : memref<2x16384xf32, #tpu.memory_space<vmem>> -> memref<1x16384xf32, #tpu.memory_space<vmem>>
      %dma_start3A_326 = tpu.memref_squeeze %dma_start3A_325 : memref<1x16384xf32, #tpu.memory_space<vmem>> -> memref<16384xf32, #tpu.memory_space<vmem>>
      %dma_start3A_327 = arith.constant 0 : i32
      %dma_start3A_328 = tpu.memref_slice %dma_start3A_326[%dma_start3A_327] : memref<16384xf32, #tpu.memory_space<vmem>> -> memref<4096xf32, #tpu.memory_space<vmem>>
      %dma_start3A_329 = tpu.memref_slice %arg4[%multiple_of3A_322] : memref<26214400xf32, #tpu.memory_space<hbm>> -> memref<4096xf32, #tpu.memory_space<hbm>>
      %dma_start3A_330 = tpu.memref_slice %arg4[%multiple_of3A_322] : memref<26214400xf32, #tpu.memory_space<hbm>> -> memref<4096xf32, #tpu.memory_space<hbm>>
      %dma_start3A_331 = arith.constant 0 : i32
      %dma_start3A_332 = tpu.memref_slice %arg7[%dma_start3A_323, %dma_start3A_331] : memref<2x16384xf32, #tpu.memory_space<vmem>> -> memref<1x16384xf32, #tpu.memory_space<vmem>>
      %dma_start3A_333 = tpu.memref_squeeze %dma_start3A_332 : memref<1x16384xf32, #tpu.memory_space<vmem>> -> memref<16384xf32, #tpu.memory_space<vmem>>
      %dma_start3A_334 = arith.constant 0 : i32
      %dma_start3A_335 = tpu.memref_slice %dma_start3A_333[%dma_start3A_334] : memref<16384xf32, #tpu.memory_space<vmem>> -> memref<4096xf32, #tpu.memory_space<vmem>>
      tpu.enqueue_dma source(%dma_start3A_335 : memref<4096xf32, #tpu.memory_space<vmem>>) target(%dma_start3A_330 : memref<4096xf32, #tpu.memory_space<hbm>>) target_semaphore(%arg11 : memref<!tpu.dma_semaphore, #tpu.memory_space<semaphore_mem>>)
      %mul3A_336 = arith.constant 4 : i32
      %mul3A_337 = arith.muli %select_n3A_272, %mul3A_336 : i32
      %add3A_338 = arith.constant 1 : i32
      %add3A_339 = arith.addi %mul3A_337, %add3A_338 : i32
      %mul3A_340 = arith.constant 32 : i32
      %mul3A_341 = arith.muli %add3A_339, %mul3A_340 : i32
      %add3A_342 = arith.addi %mul3A_341, %select_n3A_312 : i32
      %mul3A_343 = arith.constant 1024 : i32
      %mul3A_344 = arith.muli %add3A_342, %mul3A_343 : i32
      %multiple_of3A_345 = tpu.assume_multiple %mul3A_344, 8 : i32
      %dma_start3A_346 = arith.constant 1 : i32
      %dma_start3A_347 = arith.constant 0 : i32
      %dma_start3A_348 = tpu.memref_slice %arg7[%dma_start3A_346, %dma_start3A_347] : memref<2x16384xf32, #tpu.memory_space<vmem>> -> memref<1x16384xf32, #tpu.memory_space<vmem>>
      %dma_start3A_349 = tpu.memref_squeeze %dma_start3A_348 : memref<1x16384xf32, #tpu.memory_space<vmem>> -> memref<16384xf32, #tpu.memory_space<vmem>>
      %dma_start3A_350 = arith.constant 4096 : i32
      %dma_start3A_351 = tpu.memref_slice %dma_start3A_349[%dma_start3A_350] : memref<16384xf32, #tpu.memory_space<vmem>> -> memref<4096xf32, #tpu.memory_space<vmem>>
      %dma_start3A_352 = tpu.memref_slice %arg4[%multiple_of3A_345] : memref<26214400xf32, #tpu.memory_space<hbm>> -> memref<4096xf32, #tpu.memory_space<hbm>>
      %dma_start3A_353 = tpu.memref_slice %arg4[%multiple_of3A_345] : memref<26214400xf32, #tpu.memory_space<hbm>> -> memref<4096xf32, #tpu.memory_space<hbm>>
      %dma_start3A_354 = arith.constant 0 : i32
      %dma_start3A_355 = tpu.memref_slice %arg7[%dma_start3A_346, %dma_start3A_354] : memref<2x16384xf32, #tpu.memory_space<vmem>> -> memref<1x16384xf32, #tpu.memory_space<vmem>>
      %dma_start3A_356 = tpu.memref_squeeze %dma_start3A_355 : memref<1x16384xf32, #tpu.memory_space<vmem>> -> memref<16384xf32, #tpu.memory_space<vmem>>
      %dma_start3A_357 = arith.constant 4096 : i32
      %dma_start3A_358 = tpu.memref_slice %dma_start3A_356[%dma_start3A_357] : memref<16384xf32, #tpu.memory_space<vmem>> -> memref<4096xf32, #tpu.memory_space<vmem>>
      tpu.enqueue_dma source(%dma_start3A_358 : memref<4096xf32, #tpu.memory_space<vmem>>) target(%dma_start3A_353 : memref<4096xf32, #tpu.memory_space<hbm>>) target_semaphore(%arg11 : memref<!tpu.dma_semaphore, #tpu.memory_space<semaphore_mem>>)
      %mul3A_359 = arith.constant 4 : i32
      %mul3A_360 = arith.muli %select_n3A_272, %mul3A_359 : i32
      %add3A_361 = arith.constant 2 : i32
      %add3A_362 = arith.addi %mul3A_360, %add3A_361 : i32
      %mul3A_363 = arith.constant 32 : i32
      %mul3A_364 = arith.muli %add3A_362, %mul3A_363 : i32
      %add3A_365 = arith.addi %mul3A_364, %select_n3A_312 : i32
      %mul3A_366 = arith.constant 1024 : i32
      %mul3A_367 = arith.muli %add3A_365, %mul3A_366 : i32
      %multiple_of3A_368 = tpu.assume_multiple %mul3A_367, 8 : i32
      %dma_start3A_369 = arith.constant 1 : i32
      %dma_start3A_370 = arith.constant 0 : i32
      %dma_start3A_371 = tpu.memref_slice %arg7[%dma_start3A_369, %dma_start3A_370] : memref<2x16384xf32, #tpu.memory_space<vmem>> -> memref<1x16384xf32, #tpu.memory_space<vmem>>
      %dma_start3A_372 = tpu.memref_squeeze %dma_start3A_371 : memref<1x16384xf32, #tpu.memory_space<vmem>> -> memref<16384xf32, #tpu.memory_space<vmem>>
      %dma_start3A_373 = arith.constant 8192 : i32
      %dma_start3A_374 = tpu.memref_slice %dma_start3A_372[%dma_start3A_373] : memref<16384xf32, #tpu.memory_space<vmem>> -> memref<4096xf32, #tpu.memory_space<vmem>>
      %dma_start3A_375 = tpu.memref_slice %arg4[%multiple_of3A_368] : memref<26214400xf32, #tpu.memory_space<hbm>> -> memref<4096xf32, #tpu.memory_space<hbm>>
      %dma_start3A_376 = tpu.memref_slice %arg4[%multiple_of3A_368] : memref<26214400xf32, #tpu.memory_space<hbm>> -> memref<4096xf32, #tpu.memory_space<hbm>>
      %dma_start3A_377 = arith.constant 0 : i32
      %dma_start3A_378 = tpu.memref_slice %arg7[%dma_start3A_369, %dma_start3A_377] : memref<2x16384xf32, #tpu.memory_space<vmem>> -> memref<1x16384xf32, #tpu.memory_space<vmem>>
      %dma_start3A_379 = tpu.memref_squeeze %dma_start3A_378 : memref<1x16384xf32, #tpu.memory_space<vmem>> -> memref<16384xf32, #tpu.memory_space<vmem>>
      %dma_start3A_380 = arith.constant 8192 : i32
      %dma_start3A_381 = tpu.memref_slice %dma_start3A_379[%dma_start3A_380] : memref<16384xf32, #tpu.memory_space<vmem>> -> memref<4096xf32, #tpu.memory_space<vmem>>
      tpu.enqueue_dma source(%dma_start3A_381 : memref<4096xf32, #tpu.memory_space<vmem>>) target(%dma_start3A_376 : memref<4096xf32, #tpu.memory_space<hbm>>) target_semaphore(%arg11 : memref<!tpu.dma_semaphore, #tpu.memory_space<semaphore_mem>>)
      %mul3A_382 = arith.constant 4 : i32
      %mul3A_383 = arith.muli %select_n3A_272, %mul3A_382 : i32
      %add3A_384 = arith.constant 3 : i32
      %add3A_385 = arith.addi %mul3A_383, %add3A_384 : i32
      %mul3A_386 = arith.constant 32 : i32
      %mul3A_387 = arith.muli %add3A_385, %mul3A_386 : i32
      %add3A_388 = arith.addi %mul3A_387, %select_n3A_312 : i32
      %mul3A_389 = arith.constant 1024 : i32
      %mul3A_390 = arith.muli %add3A_388, %mul3A_389 : i32
      %multiple_of3A_391 = tpu.assume_multiple %mul3A_390, 8 : i32
      %dma_start3A_392 = arith.constant 1 : i32
      %dma_start3A_393 = arith.constant 0 : i32
      %dma_start3A_394 = tpu.memref_slice %arg7[%dma_start3A_392, %dma_start3A_393] : memref<2x16384xf32, #tpu.memory_space<vmem>> -> memref<1x16384xf32, #tpu.memory_space<vmem>>
      %dma_start3A_395 = tpu.memref_squeeze %dma_start3A_394 : memref<1x16384xf32, #tpu.memory_space<vmem>> -> memref<16384xf32, #tpu.memory_space<vmem>>
      %dma_start3A_396 = arith.constant 12288 : i32
      %dma_start3A_397 = tpu.memref_slice %dma_start3A_395[%dma_start3A_396] : memref<16384xf32, #tpu.memory_space<vmem>> -> memref<4096xf32, #tpu.memory_space<vmem>>
      %dma_start3A_398 = tpu.memref_slice %arg4[%multiple_of3A_391] : memref<26214400xf32, #tpu.memory_space<hbm>> -> memref<4096xf32, #tpu.memory_space<hbm>>
      %dma_start3A_399 = tpu.memref_slice %arg4[%multiple_of3A_391] : memref<26214400xf32, #tpu.memory_space<hbm>> -> memref<4096xf32, #tpu.memory_space<hbm>>
      %dma_start3A_400 = arith.constant 0 : i32
      %dma_start3A_401 = tpu.memref_slice %arg7[%dma_start3A_392, %dma_start3A_400] : memref<2x16384xf32, #tpu.memory_space<vmem>> -> memref<1x16384xf32, #tpu.memory_space<vmem>>
      %dma_start3A_402 = tpu.memref_squeeze %dma_start3A_401 : memref<1x16384xf32, #tpu.memory_space<vmem>> -> memref<16384xf32, #tpu.memory_space<vmem>>
      %dma_start3A_403 = arith.constant 12288 : i32
      %dma_start3A_404 = tpu.memref_slice %dma_start3A_402[%dma_start3A_403] : memref<16384xf32, #tpu.memory_space<vmem>> -> memref<4096xf32, #tpu.memory_space<vmem>>
      tpu.enqueue_dma source(%dma_start3A_404 : memref<4096xf32, #tpu.memory_space<vmem>>) target(%dma_start3A_399 : memref<4096xf32, #tpu.memory_space<hbm>>) target_semaphore(%arg11 : memref<!tpu.dma_semaphore, #tpu.memory_space<semaphore_mem>>)
    }
    %scan3A_16 = arith.constant 25 : i32
    %dma_wait3A = arith.constant 0 : i32
    %dma_wait3A_17 = arith.constant 0 : i32
    %dma_wait3A_18 = tpu.memref_slice %arg7[%dma_wait3A, %dma_wait3A_17] : memref<2x16384xf32, #tpu.memory_space<vmem>> -> memref<1x16384xf32, #tpu.memory_space<vmem>>
    %dma_wait3A_19 = tpu.memref_squeeze %dma_wait3A_18 : memref<1x16384xf32, #tpu.memory_space<vmem>> -> memref<16384xf32, #tpu.memory_space<vmem>>
    %dma_wait3A_20 = arith.constant 0 : i32
    %dma_wait3A_21 = tpu.memref_slice %arg4[%dma_wait3A_20] : memref<26214400xf32, #tpu.memory_space<hbm>> -> memref<16384xf32, #tpu.memory_space<hbm>>
    %dma_wait3A_22 = arith.constant 0 : i32
    %dma_wait3A_23 = tpu.memref_slice %arg4[%dma_wait3A_22] : memref<26214400xf32, #tpu.memory_space<hbm>> -> memref<16384xf32, #tpu.memory_space<hbm>>
    %dma_wait3A_24 = arith.constant 0 : i32
    %dma_wait3A_25 = tpu.memref_slice %arg7[%dma_wait3A, %dma_wait3A_24] : memref<2x16384xf32, #tpu.memory_space<vmem>> -> memref<1x16384xf32, #tpu.memory_space<vmem>>
    %dma_wait3A_26 = tpu.memref_squeeze %dma_wait3A_25 : memref<1x16384xf32, #tpu.memory_space<vmem>> -> memref<16384xf32, #tpu.memory_space<vmem>>
    tpu.wait_dma2 semaphore(%arg10 : memref<!tpu.dma_semaphore, #tpu.memory_space<semaphore_mem>>) src(%dma_wait3A_26 : memref<16384xf32, #tpu.memory_space<vmem>>) dst(%dma_wait3A_23 : memref<16384xf32, #tpu.memory_space<hbm>>)
    %dma_wait3A_27 = arith.constant 1 : i32
    %dma_wait3A_28 = arith.constant 0 : i32
    %dma_wait3A_29 = tpu.memref_slice %arg7[%dma_wait3A_27, %dma_wait3A_28] : memref<2x16384xf32, #tpu.memory_space<vmem>> -> memref<1x16384xf32, #tpu.memory_space<vmem>>
    %dma_wait3A_30 = tpu.memref_squeeze %dma_wait3A_29 : memref<1x16384xf32, #tpu.memory_space<vmem>> -> memref<16384xf32, #tpu.memory_space<vmem>>
    %dma_wait3A_31 = arith.constant 0 : i32
    %dma_wait3A_32 = tpu.memref_slice %arg4[%dma_wait3A_31] : memref<26214400xf32, #tpu.memory_space<hbm>> -> memref<16384xf32, #tpu.memory_space<hbm>>
    %dma_wait3A_33 = arith.constant 0 : i32
    %dma_wait3A_34 = tpu.memref_slice %arg4[%dma_wait3A_33] : memref<26214400xf32, #tpu.memory_space<hbm>> -> memref<16384xf32, #tpu.memory_space<hbm>>
    %dma_wait3A_35 = arith.constant 0 : i32
    %dma_wait3A_36 = tpu.memref_slice %arg7[%dma_wait3A_27, %dma_wait3A_35] : memref<2x16384xf32, #tpu.memory_space<vmem>> -> memref<1x16384xf32, #tpu.memory_space<vmem>>
    %dma_wait3A_37 = tpu.memref_squeeze %dma_wait3A_36 : memref<1x16384xf32, #tpu.memory_space<vmem>> -> memref<16384xf32, #tpu.memory_space<vmem>>
    tpu.wait_dma2 semaphore(%arg11 : memref<!tpu.dma_semaphore, #tpu.memory_space<semaphore_mem>>) src(%dma_wait3A_37 : memref<16384xf32, #tpu.memory_space<vmem>>) dst(%dma_wait3A_34 : memref<16384xf32, #tpu.memory_space<hbm>>)
    return
  }
}

</mosaic_0001>

<sc_bundles>
// kernel: kernel.3.cloned.1.call-start
scs
__scs_entry_jumppad:
0x0: {  	(pc) =	sbr.rel $0x88, $3  }
0x1: {  	(tag) =	ssettag $0x0;
	lr =	simm.s32 $0x1  }
0x2: {  	[smem:$0x3F9F] =	sst lr;
	_ =	strace $0xD0000000  }
0x3: {  	_ = 	snop  }
0x4: {  	_ = 	snop  }
0x5: {  	_ = 	snop  }
0x6: {  	_ = 	snop  }
0x7: {  	_ = 	snop  }
__scs_overlays_trampoline_lowered:
0x8: {  	[smem:$0x3FAE] =	sst s0  }
0x9: {  	[smem:$0x3FAF] =	sst s1  }
0xa: {  	[smem:$0x3FB0] =	sst s2  }
0xb: {  	[smem:$0x3FB1] =	sst s3  }
0xc: {  	[smem:$0x3FB2] =	sst s4  }
0xd: {  	[smem:$0x3FB3] =	sst s5  }
0xe: {  	[smem:$0x3FB4] =	sst s6  }
0xf: {  	[smem:$0x3FB5] =	sst s7  }
0x10: {  	[smem:$0x3FB6] =	sst s8  }
0x11: {  	[smem:$0x3FB7] =	sst s9;
	s0 =	simm.s32 @!p0 $0x0  }
0x12: {  	s1 =	sld [smem:$0x3F9D];
	s0 =	simm.s32 @p0 $0x1  }
0x13: {  	[smem:$0x3FB8] =	sst s0;
	s0 =	simm.s32 @!p1 $0x0  }
0x14: {  	s2 =	sld [smem:$0x3F9C];
	s0 =	simm.s32 @p1 $0x1  }
0x15: {  	[smem:$0x3FB9] =	sst s0;
	s0 =	simm.s32 @!p2 $0x0  }
0x16: {  	s3 =	sld [smem:$0x3FDB];
	s0 =	simm.s32 @p2 $0x1  }
0x17: {  	s4 =	simm.s32 $0x1BF5;
	[smem:$0x3FBB] =	sst s0  }
0x18: {  	s0 =	sld [smem:$0x3F9E];
	_ =	swait.ge [sflag:s4], $0x0  }
0x19: {  	s7 =	sld [smem:$0x3F9F]  }
0x1a: {  	s8 =	sadd.s32 $0xFFFFE003, lr  }
0x1b: {  	s9 =	sadd.s32 $0xFFFFFEF7, lr;
	s5 =	simm.s32 $0xFFFFFFFF;
	p2 =	slt.u32 s8, $0xFFFFF086  }
0x1c: {  	p1 =	slt.u32 s9, $0xF7A;
	s5 =	simm.s32 @!p2 $0x0  }
0x1d: {  	s5 =	simm.s32 @p1 $0x1;
	p0 =	seq.s32 s7, s2  }
0x1e: {  	s7 =	smul.u32 @!p0 $0xF7A, s2;
	p2 =	seq.s32 @!p0 s5, $0x0  }
0x1f: {  	s9 =	smul.u32 $0xF7A, s1;
	s8 =	simm.s32 @!p0 $0x1BF5;
	p2 =	por !p2, p0  }
0x20: {  	[sflag:s8] =	ssyncset.s32 @!p0 $0xFFFFF086;
	s6 =	sadd.s32 @!p0 s3, s7;
	s7 =	simm.s32 @!p0 $0x108  }
0x21: {  	s3 =	sadd.s32 s3, s9;
	s6 =	sadd.s32 @!p0 $0x88, s6;
	s7 =	simm.s32 @p2 $0x1082  }
0x22: {  	[simem:s7], [sflag:s8] =	dma.local @!p0 [hbm:s6], $0xF7A  }
0x23: {  	s9 =	sor.u32 $0xD0000000, s2;
	s6 =	simm.s32 $0x108;
	_ =	swait.ge @!p0 [sflag:s8], $0x0  }
0x24: {  	s3 =	sadd.s32 $0x88, s3;
	s6 =	simm.s32 @!p1 $0x1082;
	[sflag:s4] =	ssyncset.s32 $0xFFFFF086  }
0x25: {  	[simem:s6], [sflag:s4] =	dma.local [hbm:s3], $0xF7A  }
0x26: {  	[smem:$0x3F9F] =	sst s1;
	(tag) =	ssettag s2;
	_ =	strace s9  }
0x27: {  	s1 =	sld [smem:$0x3FAF]  }
0x28: {  	s2 =	sld [smem:$0x3FB0]  }
0x29: {  	s4 =	sld [smem:$0x3FB2]  }
0x2a: {  	p0 =	seq.s32 s5, $0x0;
	s5 =	sld [smem:$0x3FB3]  }
0x2b: {  	s6 =	sld [smem:$0x3FB4]  }
0x2c: {  	s7 =	sld [smem:$0x3FB5]  }
0x2d: {  	s3 =	simm.s32 $0x108;
	s8 =	sld [smem:$0x3FB6]  }
0x2e: {  	s3 =	simm.s32 @!p0 $0x1082;
	s9 =	sld [smem:$0x3FB7]  }
0x2f: {  	lr =	sadd.s32 s0, s3;
	s0 =	sld [smem:$0x3FAE]  }
0x30: {  	s3 =	sld [smem:$0x3FB1]  }
0x31: {  	[smem:$0x3FBA] =	sst s10  }
0x32: {  	s10 =	sld [smem:$0x3FB8];
	_ =	sdelay $0x3  }
0x33: {  	p0 =	seq.s32 s10, $0x1;
	s10 =	sld [smem:$0x3FBA];
	_ =	sdelay $0x3  }
0x34: {  	[smem:$0x3FBA] =	sst s10  }
0x35: {  	s10 =	sld [smem:$0x3FB9];
	_ =	sdelay $0x3  }
0x36: {  	p1 =	seq.s32 s10, $0x1;
	s10 =	sld [smem:$0x3FBA];
	_ =	sdelay $0x3  }
0x37: {  	[smem:$0x3FBA] =	sst s10  }
0x38: {  	s10 =	sld [smem:$0x3FBB]  }
0x39: {  	_ = 	snop;
	(pc) =	sbr.ind lr, $3  }
0x3a: {  	_ = 	snop  }
0x3b: {  	_ = 	snop  }
0x3c: {  	p2 =	seq.s32 s10, $0x1;
	s10 =	sld [smem:$0x3FBA]  }
0x3d: {  	_ =	shalt  }
0x3e: {  	_ =	shalt  }
0x3f: {  	_ =	shalt  }
0x40: {  	_ =	shalt  }
0x41: {  	_ =	shalt  }
0x42: {  	_ =	shalt  }
0x43: {  	_ =	shalt  }
0x44: {  	_ =	shalt  }
0x45: {  	_ =	shalt  }
0x46: {  	_ =	shalt  }
0x47: {  	_ =	shalt  }
0x48: {  	_ =	shalt  }
0x49: {  	_ =	shalt  }
0x4a: {  	_ =	shalt  }
0x4b: {  	_ =	shalt  }
0x4c: {  	_ =	shalt  }
0x4d: {  	_ =	shalt  }
0x4e: {  	_ =	shalt  }
0x4f: {  	_ =	shalt  }
0x50: {  	_ =	shalt  }
0x51: {  	_ =	shalt  }
0x52: {  	_ =	shalt  }
0x53: {  	_ =	shalt  }
0x54: {  	_ =	shalt  }
0x55: {  	_ =	shalt  }
0x56: {  	_ =	shalt  }
0x57: {  	_ =	shalt  }
0x58: {  	_ =	shalt  }
0x59: {  	_ =	shalt  }
0x5a: {  	_ =	shalt  }
0x5b: {  	_ =	shalt  }
0x5c: {  	_ =	shalt  }
0x5d: {  	_ =	shalt  }
0x5e: {  	_ =	shalt  }
0x5f: {  	_ =	shalt  }
0x60: {  	_ =	shalt  }
0x61: {  	_ =	shalt  }
0x62: {  	_ =	shalt  }
0x63: {  	_ =	shalt  }
0x64: {  	_ =	shalt  }
0x65: {  	_ =	shalt  }
0x66: {  	_ =	shalt  }
0x67: {  	_ =	shalt  }
0x68: {  	_ =	shalt  }
0x69: {  	_ =	shalt  }
0x6a: {  	_ =	shalt  }
0x6b: {  	_ =	shalt  }
0x6c: {  	_ =	shalt  }
0x6d: {  	_ =	shalt  }
0x6e: {  	_ =	shalt  }
0x6f: {  	_ =	shalt  }
0x70: {  	_ =	shalt  }
0x71: {  	_ =	shalt  }
0x72: {  	_ =	shalt  }
0x73: {  	_ =	shalt  }
0x74: {  	_ =	shalt  }
0x75: {  	_ =	shalt  }
0x76: {  	_ =	shalt  }
0x77: {  	_ =	shalt  }
0x78: {  	_ =	shalt  }
0x79: {  	_ =	shalt  }
0x7a: {  	_ =	shalt  }
0x7b: {  	_ =	shalt  }
0x7c: {  	_ =	shalt  }
0x7d: {  	_ =	shalt  }
0x7e: {  	_ =	shalt  }
0x7f: {  	_ =	shalt  }
0x80: {  	_ =	shalt  }
0x81: {  	_ =	shalt  }
0x82: {  	_ =	shalt  }
0x83: {  	_ =	shalt  }
0x84: {  	_ =	shalt  }
0x85: {  	_ =	shalt  }
0x86: {  	_ =	shalt  }
0x87: {  	_ =	shalt  }
.Lfunc_end0:
.L_simem_size_0:
called_computation_lowered:
.L_overlay_start_0:
0x88: {  	s2 =	sld [smem:$0x3FD9]  }
0x89: {  	s3 =	sld [smem:$0x3FFE];
	_ =	sdelay $0x1  }
0x8a: {  	s1 =	srdreg.scid  }
0x8b: {  	s0 =	sand.u32 $0x1, s1  }
0x8c: {  	s17 =	sshll.u32 s0, $0xA;
	s2 =	sadd.s32 s3, s2  }
0x8d: {  	s2 =	sadd.s32 s2, s17  }
0x8e: {  	[smem:$0x3FC6] =	sst s2  }
0x8f: {  	_ = 	snop  }
0x90: {  	s2 =	sld [smem:$0x3FD0];
	(tm) =	ssettm $0x1  }
0x91: {  	s18 =	sld [smem:$0x3FFB];
	_ =	sdelay $0x3  }
0x92: {  	_ =	strace s18  }
0x93: {  	s3 =	sld [smem:$0x3FFC];
	_ =	sdelay $0x3  }
0x94: {  	_ =	strace s3  }
0x95: {  	s3 =	sld [smem:$0x3FFD];
	_ =	sdelay $0x3  }
0x96: {  	_ =	strace s3  }
0x97: {  	_ =	strace $0x8FFFFFFF  }
0x98: {  	s19 =	sld [smem:$0x3FDB];
	_ =	sdelay $0x1  }
0x99: {  	s4 =	simm.s32 $_scs_section_size  }
0x9a: {  	s5 =	simm.s32 $_size__tile_overlayer_lowered;
	s6 =	simm.s32 $_tile_overlayer_lowered  }
0x9b: {  	s22 =	simm.s32 $0x1BFF;
	s21 =	sshll.u32 s6, $0x1;
	s3 =	sadd.s32 s4, s19  }
0x9c: {  	s7 =	simm.s32 $0x0;
	s20 =	sshll.u32 s5, $0x1;
	s5 =	sadd.s32 s21, s3  }
0x9d: {  	[timem:s7], [sflag:s22] =	dma.local [hbm:s5], s20  }
0x9e: {  	_ =	swait.ge [sflag:s22], s20  }
0x9f: {  	s4 =	ssub.s32 $0x0, s20;
	[sflag:s22] =	ssyncset.done $0x0  }
0xa0: {  	[sflag:s22] =	ssyncadd.s32 s4;
	_ =	sdelay $0x1  }
0xa1: {  	s23 =	simm.s32 $0x1B8B  }
0xa2: {  	_ =	swait.ge [sflag:s23], $0x1  }
0xa3: {  	[sflag:s23] =	ssyncset.done $0x0  }
0xa4: {  	s25 =	simm.s32 $0x1B8E;
	s24 =	sld [smem:$0x3FFE];
	[sflag:s23] =	ssyncadd.s32 $0xFFFFFFFF  }
0xa5: {  	s26 =	simm.s32 $execute0_lowered;
	[smem:$0x3FD2] =	sst s25  }
0xa6: {  	s5 =	sshll.u32 s26, $0x1;
	_ =	strace $0x80000046;
	[dreg:$0x1] =	wrdreg $0xFFFFFFFF  }
0xa7: {  	s28 =	simm.s32 $_size_execute0_lowered;
	s3 =	sadd.s32 s3, s5;
	[dreg:$0x0] =	wrdreg $0x0  }
0xa8: {  	s5 =	sshll.u32 s28, $0x1;
	[dreg:$0x2] =	wrdreg s3  }
0xa9: {  	[dreg:$0x3] =	wrdreg s5  }
0xaa: {  	[dreg:$0x4] =	wrdreg $0xC0  }
0xab: {  	_ =	task [dreg:s7], $0x5FFFF  }
0xac: {  	[dreg:$0x1] =	wrdreg $0xFFFFFFFF  }
0xad: {  	[dreg:$0x0] =	wrdreg $0x60  }
0xae: {  	[dreg:$0x2] =	wrdreg s24  }
0xaf: {  	[dreg:$0x3] =	wrdreg s2  }
0xb0: {  	[dreg:$0x4] =	wrdreg $0x9  }
0xb1: {  	_ =	task.clear_ibuf [dreg:s7], $0x5FFFF;
	_ =	strace $0x90000046  }
0xb2: {  	s29 =	simm.s32 $0x9;
	_ =	strace $0x80000048  }
0xb3: {  	_ =	swait.ge [sflag:s29], $0x1  }
0xb4: {  	[sflag:s29] =	ssyncadd.s32 $0xFFFFFFFF  }
0xb5: {  	_ =	strace $0x90000048  }
0xb6: {  	_ =	sfence  }
0xb7: {  	s30 =	sld [smem:$0x0];
	_ =	sdelay $0x2  }
0xb8: {  	s31 =	sshll.u32 s1, $0xD;
	s1 =	sshrl.u32 s1, $0x2  }
0xb9: {  	s3 =	sand.u32 $0x4000, s31;
	s1 =	sadd.s32 s1, s30  }
0xba: {  	s0 =	sor.u32 s3, s0;
	s1 =	sshll.u32 s1, $0x11  }
0xbb: {  	s0 =	sor.u32 s1, s0  }
0xbc: {  	s0 =	sadd.s32 $0x8F2B, s0  }
0xbd: {  	[sflag:s0] =	ssyncadd.remote.s32 $0x1  }
0xbe: {  	_ =	sfence.sel $0xFFFF  }
0xbf: {  	[dreg:$0x0] =	wrdreg $0xFFFFFFFF;
	(pc) =	sbr.abs _section_cstart, $3  }
0xc0: {  	[dreg:$0x1] =	wrdreg $0xFFFFFFFF  }
0xc1: {  	_ =	task.clear_ibuf [dreg:s7], $0x2FFFF;
	_ =	strace $0x9FFFFFFF  }
0xc2: {  	(tm) =	ssettm $0x7FFFFFFF  }
0xc3: {  	_ =	shalt  }
tec
execute0_lowered:
.L_overlay_start_1:
0x0: {  	(tag) =	ssettag $0x1  }
0x1: {  	v0 =	vlaneseq.u32  }
0x2: {  	v0 =	vmul.u32 $0x20, v0;
	_ =	sdelay $0x1  }
0x3: {  	s0 =	srdreg.scid;
	s5 =	rddreg [dreg:$0x0];
	v1 =	vor.u32 $0x200, v0  }
0x4: {  	s1 =	stileid.u32;
	s2 =	rddreg [dreg:$0x1];
	s4 =	simm.s32 $0x0;
	v2 =	vor.u32 $0x400, v0;
	v3 =	vor.u32 $0x600, v0;
	v4 =	vor.u32 $0x800, v0  }
0x5: {  	s12 =	simm.s32 $0x200;
	s13 =	simm.s32 $0x6400;
	s14 =	simm.s32 $0x1;
	v5 =	vor.u32 $0xA00, v0;
	v6 =	vor.u32 $0xC00, v0;
	v7 =	vor.u32 $0xE00, v0  }
0x6: {  	s15 =	simm.s32 $0xA400;
	s0 =	sand.u32 $0x1, s0;
	s1 =	sshll.u32 s1, $0x1;
	v8 =	vor.u32 $0x1000, v0;
	v9 =	vor.u32 $0x1200, v0;
	v10 =	vor.u32 $0x1400, v0  }
0x7: {  	s20 =	simm.s32 $0x2;
	s24 =	simm.s32 $0x15400;
	s1 =	sor.u32 s0, s1;
	v11 =	vor.u32 $0x1600, v0;
	v12 =	vor.u32 $0x1800, v0;
	v13 =	vor.u32 $0x1A00, v0  }
0x8: {  	s26 =	simm.s32 $0x4;
	s0 =	ssub.s32 $0x2, s0;
	s3 =	smul.u32 $0x6400, s1;
	v14 =	vor.u32 $0x1C00, v0;
	v15 =	vor.u32 $0x1E00, v0;
	v16 =	vor.u32 $0x2000, v0  }
0x9: {  	[smem:$0x7FF] =	sst s4;
	s7 =	sadd.s32 $0x1000, s2;
	s6 =	sshrl.u32 s0, $0x1;
	v17 =	vor.u32 $0x2200, v0;
	v18 =	vor.u32 $0x2400, v0;
	v19 =	vor.u32 $0x2600, v0  }
0xa: {  	s8 =	sadd.s32 $0x2000, s2;
	v20 =	vor.u32 $0x2800, v0;
	v21 =	vor.u32 $0x2A00, v0;
	v22 =	vor.u32 $0x2C00, v0;
	s0 =	ssub.s32 s0, s6;
	s1 =	sshrl.u32 s3, $0x3  }
0xb: {  	s9 =	sadd.s32 $0x3000, s2;
	v23 =	vor.u32 $0x2E00, v0;
	v24 =	vor.u32 $0x3000, v0;
	v25 =	vor.u32 $0x3200, v0;
	s0 =	smax.u32 s0, $0x1;
	s1 =	sadd.s32 s1, s5  }
0xc: {  	_ =	strace $0x80000047;
	v26 =	vor.u32 $0x3400, v0;
	v27 =	vor.u32 $0x3600, v0;
	v28 =	vor.u32 $0x3800, v0;
	[dreg:$0x4] =	wrdreg s0;
	s1 =	sadd.s32 $0x600, s1  }
0xd: {  	v29 =	vor.u32 $0x3A00, v0;
	v30 =	vor.u32 $0x3C00, v0;
	v31 =	vor.u32 $0x3E00, v0;
	s5 =	sadd.s32 $0xF42A00, s5;
	[dreg:$0x3] =	wrdreg s1;
	s1 =	simm.s32 $0x0  }
.LBB2_1:
0xe: {  	[dreg:$0x5] =	wrdreg s1  }
0xf: {  	s0 =	rddreg [dreg:$0x3];
	s31 =	simm.s32 $0x5  }
0x10: {  	[tilespmem:s4], [sflag:$0x5] =	stream.linear.gather [hbm4b:s0+s4], $0x6400, $0x38;
	[tilespmem:$0x16400] =	vst v63  }
0x11: {  	_ =	swait.ge [sflag:s31], $0x6400  }
0x12: {  	[sflag:s31] =	ssyncset.done $0x0  }
0x13: {  	s29 =	simm.s32 $0x0;
	[sflag:s31] =	ssyncadd.s32 $0xFFFF9C00  }
0x14: {  	[tilespmem:s13], [sflag:$0x1] =	stream.indirect.gather [hbm4b:s5+s12], $0x20, s4, s12, $0xb8;
	[tilespmem:$0x16400] =	vst v63  }
.LBB2_2:
0x15: {  	s10 =	simm.s32 $0x3  }
0x16: {  	s6 =	simm.s32 $0x1;
	v32 =	vmov s10  }
0x17: {  	_ =	swait.ge [sflag:s14], $0x4000;
	v33 =	vmov s6;
	v32 =	vand.u32 $0x1F, v32  }
0x18: {  	s0 =	sshllo.u32 s29, $0x1;
	s11 =	simm.s32 $0x2;
	s16 =	simm.s32 $0x0;
	v33 =	vand.u32 $0x1D, v33;
	v41 =	vbroadcast v32, $0x0  }
0x19: {  	p0 =	seq.s32 s29, $0x0;
	[sflag:s14] =	ssyncset.done $0x0;
	s30 =	sshll.u32 s0, $0x9;
	v48 =	vmov s16;
	v39 =	vbroadcast v33, $0x0  }
0x1a: {  	s0 =	simm.s32 @!p0 $0x3;
	[sflag:s14] =	ssyncadd.s32 $0xFFFFC000;
	s1 =	sand.u32 $0x3FFFFE00, s30;
	v49 =	vand.u32 $0x1C, v48;
	v34 =	vor.u32 v0, v41  }
0x1b: {  	v47 =	vmov s11;
	[tilespmem:s15], [sflag:$0x2] =	stream.indirect.gather [hbm4b:s5+s12], $0x20, s1, s12, $0xb8;
	v37 =	vbroadcast v49, $0x0;
	v50 =	vor.u32 v0, v39;
	[tilespmem:$0x16400] =	vst v63  }
0x1c: {  	v32 =	vand.u32 $0x1E, v47;
	_ =	swait.ge @!p0 [sflag:s0], $0x4000  }
0x1d: {  	v38 =	vbroadcast v32, $0x0;
	[sflag:s0] =	ssyncset.done @!p0 $0x0;
	v35 =	vor.u32 v0, v37  }
0x1e: {  	[sflag:s0] =	ssyncadd.s32 @!p0 $0xFFFFC000  }
0x1f: {  	v51 =	vor.u32 v0, v38;
	v34 =	vld.idx.msk [tilespmem:v34+s13+$0x0], $0xffff  }
0x20: {  	v36 =	vor.u32 v1, v41;
	v33 =	vld.idx.msk [tilespmem:v50+s13+$0x0], $0xffff  }
0x21: {  	s17 =	simm.s32 $0x180;
	s1 =	sand.u32 $0x3000, s16;
	v40 =	vor.u32 v1, v39  }
0x22: {  	s18 =	simm.s32 $0x80;
	s1 =	sadd.s32 $0xE400, s1;
	s0 =	sand.u32 $0x380, s17;
	v35 =	vld.idx.msk [tilespmem:v35+s13+$0x0], $0xffff  }
0x23: {  	s6 =	sand.u32 $0x280, s18;
	v43 =	vor.u32 v1, v37;
	s17 =	sor.u32 s0, s1  }
0x24: {  	s10 =	simm.s32 $0x0;
	s25 =	sor.u32 s6, s1;
	v32 =	vld.idx.msk [tilespmem:v51+s13+$0x0], $0xffff;
	[tilespmem:s17+$0x0] =	vst v34  }
0x25: {  	s21 =	sand.u32 $0x200, s10;
	v42 =	vor.u32 v1, v38;
	[tilespmem:s25+$0x0] =	vst v33;
	v34 =	vld.idx.msk [tilespmem:v36+s13+$0x0], $0xffff  }
0x26: {  	s19 =	simm.s32 $0x100;
	v52 =	vor.u32 v2, v41;
	s11 =	sor.u32 s21, s1;
	v53 =	vld.idx.msk [tilespmem:v40+s13+$0x0], $0xffff  }
0x27: {  	v54 =	vor.u32 v2, v39;
	s0 =	sand.u32 $0x300, s19;
	[tilespmem:s11+$0x0] =	vst v35  }
0x28: {  	s10 =	sor.u32 s0, s1;
	v55 =	vld.idx.msk [tilespmem:v43+s13+$0x0], $0xffff  }
0x29: {  	v57 =	vor.u32 v2, v37;
	[tilespmem:s10+$0x0] =	vst v32  }
0x2a: {  	v32 =	vld.idx.msk [tilespmem:v42+s13+$0x0], $0xffff;
	[tilespmem:s17+$0x10] =	vst v34  }
0x2b: {  	v56 =	vor.u32 v2, v38;
	[tilespmem:s25+$0x10] =	vst v53;
	v33 =	vld.idx.msk [tilespmem:v52+s13+$0x0], $0xffff  }
0x2c: {  	v58 =	vor.u32 v3, v41;
	v35 =	vld.idx.msk [tilespmem:v54+s13+$0x0], $0xffff  }
0x2d: {  	v59 =	vor.u32 v3, v39;
	[tilespmem:s11+$0x10] =	vst v55  }
0x2e: {  	v40 =	vld.idx.msk [tilespmem:v57+s13+$0x0], $0xffff  }
0x2f: {  	v61 =	vor.u32 v3, v37;
	[tilespmem:s10+$0x10] =	vst v32  }
0x30: {  	v32 =	vld.idx.msk [tilespmem:v56+s13+$0x0], $0xffff;
	[tilespmem:s17+$0x20] =	vst v33  }
0x31: {  	v60 =	vor.u32 v3, v38;
	[tilespmem:s25+$0x20] =	vst v35;
	v33 =	vld.idx.msk [tilespmem:v58+s13+$0x0], $0xffff  }
0x32: {  	v62 =	vor.u32 v4, v41;
	v35 =	vld.idx.msk [tilespmem:v59+s13+$0x0], $0xffff  }
0x33: {  	v63 =	vor.u32 v4, v39;
	[tilespmem:s11+$0x20] =	vst v40  }
0x34: {  	v40 =	vld.idx.msk [tilespmem:v61+s13+$0x0], $0xffff  }
0x35: {  	v46 =	vor.u32 v4, v37;
	[tilespmem:s10+$0x20] =	vst v32  }
0x36: {  	v32 =	vld.idx.msk [tilespmem:v60+s13+$0x0], $0xffff;
	[tilespmem:s17+$0x30] =	vst v33  }
0x37: {  	v45 =	vor.u32 v4, v38;
	[tilespmem:s25+$0x30] =	vst v35;
	v33 =	vld.idx.msk [tilespmem:v62+s13+$0x0], $0xffff  }
0x38: {  	v47 =	vor.u32 v5, v41;
	v35 =	vld.idx.msk [tilespmem:v63+s13+$0x0], $0xffff  }
0x39: {  	v48 =	vor.u32 v5, v39;
	[tilespmem:s11+$0x30] =	vst v40  }
0x3a: {  	v40 =	vld.idx.msk [tilespmem:v46+s13+$0x0], $0xffff  }
0x3b: {  	v50 =	vor.u32 v5, v37;
	[tilespmem:s10+$0x30] =	vst v32  }
0x3c: {  	v32 =	vld.idx.msk [tilespmem:v45+s13+$0x0], $0xffff;
	[tilespmem:s17+$0x40] =	vst v33  }
0x3d: {  	v49 =	vor.u32 v5, v38;
	[tilespmem:s25+$0x40] =	vst v35;
	v33 =	vld.idx.msk [tilespmem:v47+s13+$0x0], $0xffff  }
0x3e: {  	v51 =	vor.u32 v6, v41;
	v35 =	vld.idx.msk [tilespmem:v48+s13+$0x0], $0xffff  }
0x3f: {  	v52 =	vor.u32 v6, v39;
	[tilespmem:s11+$0x40] =	vst v40  }
0x40: {  	v40 =	vld.idx.msk [tilespmem:v50+s13+$0x0], $0xffff  }
0x41: {  	v54 =	vor.u32 v6, v37;
	[tilespmem:s10+$0x40] =	vst v32  }
0x42: {  	v32 =	vld.idx.msk [tilespmem:v49+s13+$0x0], $0xffff;
	[tilespmem:s17+$0x50] =	vst v33  }
0x43: {  	v53 =	vor.u32 v6, v38;
	[tilespmem:s25+$0x50] =	vst v35;
	v33 =	vld.idx.msk [tilespmem:v51+s13+$0x0], $0xffff  }
0x44: {  	v55 =	vor.u32 v7, v41;
	v35 =	vld.idx.msk [tilespmem:v52+s13+$0x0], $0xffff  }
0x45: {  	v56 =	vor.u32 v7, v39;
	[tilespmem:s11+$0x50] =	vst v40  }
0x46: {  	v40 =	vld.idx.msk [tilespmem:v54+s13+$0x0], $0xffff  }
0x47: {  	v58 =	vor.u32 v7, v37;
	[tilespmem:s10+$0x50] =	vst v32  }
0x48: {  	v32 =	vld.idx.msk [tilespmem:v53+s13+$0x0], $0xffff;
	[tilespmem:s17+$0x60] =	vst v33  }
0x49: {  	v57 =	vor.u32 v7, v38;
	[tilespmem:s25+$0x60] =	vst v35;
	v33 =	vld.idx.msk [tilespmem:v55+s13+$0x0], $0xffff  }
0x4a: {  	v59 =	vor.u32 v8, v41;
	v35 =	vld.idx.msk [tilespmem:v56+s13+$0x0], $0xffff  }
0x4b: {  	v60 =	vor.u32 v8, v39;
	[tilespmem:s11+$0x60] =	vst v40  }
0x4c: {  	v40 =	vld.idx.msk [tilespmem:v58+s13+$0x0], $0xffff  }
0x4d: {  	v62 =	vor.u32 v8, v37;
	[tilespmem:s10+$0x60] =	vst v32  }
0x4e: {  	v32 =	vld.idx.msk [tilespmem:v57+s13+$0x0], $0xffff;
	[tilespmem:s17+$0x70] =	vst v33  }
0x4f: {  	v61 =	vor.u32 v8, v38;
	[tilespmem:s25+$0x70] =	vst v35;
	v33 =	vld.idx.msk [tilespmem:v59+s13+$0x0], $0xffff  }
0x50: {  	v63 =	vor.u32 v9, v41;
	v35 =	vld.idx.msk [tilespmem:v60+s13+$0x0], $0xffff  }
0x51: {  	v45 =	vor.u32 v9, v39;
	[tilespmem:s11+$0x70] =	vst v40  }
0x52: {  	v40 =	vld.idx.msk [tilespmem:v62+s13+$0x0], $0xffff  }
0x53: {  	v47 =	vor.u32 v9, v37;
	[tilespmem:s10+$0x70] =	vst v32  }
0x54: {  	v32 =	vld.idx.msk [tilespmem:v61+s13+$0x0], $0xffff;
	[tilespmem:s17+$0x400] =	vst v33  }
0x55: {  	v46 =	vor.u32 v9, v38;
	[tilespmem:s25+$0x400] =	vst v35;
	v33 =	vld.idx.msk [tilespmem:v63+s13+$0x0], $0xffff  }
0x56: {  	v48 =	vor.u32 v10, v41;
	v35 =	vld.idx.msk [tilespmem:v45+s13+$0x0], $0xffff  }
0x57: {  	v49 =	vor.u32 v10, v39;
	[tilespmem:s11+$0x400] =	vst v40  }
0x58: {  	v40 =	vld.idx.msk [tilespmem:v47+s13+$0x0], $0xffff  }
0x59: {  	v51 =	vor.u32 v10, v37;
	[tilespmem:s10+$0x400] =	vst v32  }
0x5a: {  	v32 =	vld.idx.msk [tilespmem:v46+s13+$0x0], $0xffff;
	[tilespmem:s17+$0x410] =	vst v33  }
0x5b: {  	v50 =	vor.u32 v10, v38;
	[tilespmem:s25+$0x410] =	vst v35;
	v33 =	vld.idx.msk [tilespmem:v48+s13+$0x0], $0xffff  }
0x5c: {  	v52 =	vor.u32 v11, v41;
	v35 =	vld.idx.msk [tilespmem:v49+s13+$0x0], $0xffff  }
0x5d: {  	v53 =	vor.u32 v11, v39;
	[tilespmem:s11+$0x410] =	vst v40  }
0x5e: {  	v40 =	vld.idx.msk [tilespmem:v51+s13+$0x0], $0xffff  }
0x5f: {  	v55 =	vor.u32 v11, v37;
	[tilespmem:s10+$0x410] =	vst v32  }
0x60: {  	v32 =	vld.idx.msk [tilespmem:v50+s13+$0x0], $0xffff;
	[tilespmem:s17+$0x420] =	vst v33  }
0x61: {  	v54 =	vor.u32 v11, v38;
	[tilespmem:s25+$0x420] =	vst v35;
	v33 =	vld.idx.msk [tilespmem:v52+s13+$0x0], $0xffff  }
0x62: {  	v56 =	vor.u32 v12, v41;
	v35 =	vld.idx.msk [tilespmem:v53+s13+$0x0], $0xffff  }
0x63: {  	v57 =	vor.u32 v12, v39;
	[tilespmem:s11+$0x420] =	vst v40  }
0x64: {  	v40 =	vld.idx.msk [tilespmem:v55+s13+$0x0], $0xffff  }
0x65: {  	v59 =	vor.u32 v12, v37;
	[tilespmem:s10+$0x420] =	vst v32  }
0x66: {  	v32 =	vld.idx.msk [tilespmem:v54+s13+$0x0], $0xffff;
	[tilespmem:s17+$0x430] =	vst v33  }
0x67: {  	v58 =	vor.u32 v12, v38;
	[tilespmem:s25+$0x430] =	vst v35;
	v33 =	vld.idx.msk [tilespmem:v56+s13+$0x0], $0xffff  }
0x68: {  	v60 =	vor.u32 v13, v41;
	v35 =	vld.idx.msk [tilespmem:v57+s13+$0x0], $0xffff  }
0x69: {  	v61 =	vor.u32 v13, v39;
	[tilespmem:s11+$0x430] =	vst v40  }
0x6a: {  	v40 =	vld.idx.msk [tilespmem:v59+s13+$0x0], $0xffff  }
0x6b: {  	v63 =	vor.u32 v13, v37;
	[tilespmem:s10+$0x430] =	vst v32  }
0x6c: {  	v32 =	vld.idx.msk [tilespmem:v58+s13+$0x0], $0xffff;
	[tilespmem:s17+$0x440] =	vst v33  }
0x6d: {  	v62 =	vor.u32 v13, v38;
	[tilespmem:s25+$0x440] =	vst v35;
	v33 =	vld.idx.msk [tilespmem:v60+s13+$0x0], $0xffff  }
0x6e: {  	v45 =	vor.u32 v14, v41;
	v35 =	vld.idx.msk [tilespmem:v61+s13+$0x0], $0xffff  }
0x6f: {  	v46 =	vor.u32 v14, v39;
	[tilespmem:s11+$0x440] =	vst v40  }
0x70: {  	v40 =	vld.idx.msk [tilespmem:v63+s13+$0x0], $0xffff  }
0x71: {  	v48 =	vor.u32 v14, v37;
	[tilespmem:s10+$0x440] =	vst v32  }
0x72: {  	v32 =	vld.idx.msk [tilespmem:v62+s13+$0x0], $0xffff;
	[tilespmem:s17+$0x450] =	vst v33  }
0x73: {  	v47 =	vor.u32 v14, v38;
	[tilespmem:s25+$0x450] =	vst v35;
	v33 =	vld.idx.msk [tilespmem:v45+s13+$0x0], $0xffff  }
0x74: {  	v49 =	vor.u32 v15, v41;
	v35 =	vld.idx.msk [tilespmem:v46+s13+$0x0], $0xffff  }
0x75: {  	v50 =	vor.u32 v15, v39;
	[tilespmem:s11+$0x450] =	vst v40  }
0x76: {  	v40 =	vld.idx.msk [tilespmem:v48+s13+$0x0], $0xffff  }
0x77: {  	v52 =	vor.u32 v15, v37;
	[tilespmem:s10+$0x450] =	vst v32  }
0x78: {  	v32 =	vld.idx.msk [tilespmem:v47+s13+$0x0], $0xffff;
	[tilespmem:s17+$0x460] =	vst v33  }
0x79: {  	v51 =	vor.u32 v15, v38;
	[tilespmem:s25+$0x460] =	vst v35;
	v33 =	vld.idx.msk [tilespmem:v49+s13+$0x0], $0xffff  }
0x7a: {  	v53 =	vor.u32 v16, v41;
	v35 =	vld.idx.msk [tilespmem:v50+s13+$0x0], $0xffff  }
0x7b: {  	s1 =	simm.s32 $0x7;
	v54 =	vor.u32 v16, v39;
	[tilespmem:s11+$0x460] =	vst v40  }
0x7c: {  	v63 =	vmov s1;
	v56 =	vld.idx.msk [tilespmem:v52+s13+$0x0], $0xffff  }
0x7d: {  	s22 =	simm.s32 $0x5;
	v44 =	vor.u32 v16, v37;
	v36 =	vand.u32 $0x1F, v63;
	[tilespmem:s10+$0x460] =	vst v32  }
0x7e: {  	v55 =	vmov s22;
	v36 =	vbroadcast v36, $0x0;
	v32 =	vld.idx.msk [tilespmem:v51+s13+$0x0], $0xffff;
	[tilespmem:s17+$0x470] =	vst v33  }
0x7f: {  	v57 =	vor.u32 v16, v38;
	v40 =	vand.u32 $0x1D, v55;
	[tilespmem:s25+$0x470] =	vst v35;
	v34 =	vld.idx.msk [tilespmem:v53+s13+$0x0], $0xffff  }
0x80: {  	v33 =	vbroadcast v40, $0x0;
	v46 =	vld.idx.msk [tilespmem:v54+s13+$0x0], $0xffff;
	v54 =	vor.u32 v0, v36  }
0x81: {  	s23 =	simm.s32 $0x6;
	v58 =	vor.u32 v17, v41;
	[tilespmem:s11+$0x470] =	vst v56  }
0x82: {  	v45 =	vmov s23;
	v44 =	vld.idx.msk [tilespmem:v44+s13+$0x0], $0xffff;
	v40 =	vor.u32 v0, v33  }
0x83: {  	v59 =	vand.u32 $0x1E, v45;
	v47 =	vor.u32 v17, v37;
	[tilespmem:s10+$0x470] =	vst v32  }
0x84: {  	v61 =	vor.u32 v17, v39;
	v32 =	vbroadcast v59, $0x0;
	v60 =	vld.idx.msk [tilespmem:v57+s13+$0x0], $0xffff  }
0x85: {  	v62 =	vor.u32 v17, v38;
	[tilespmem:s17+$0x800] =	vst v34;
	v42 =	vld.idx.msk [tilespmem:v54+s13+$0x0], $0xffff  }
0x86: {  	v48 =	vor.u32 v0, v32;
	v35 =	vld.idx.msk [tilespmem:v58+s13+$0x0], $0xffff  }
0x87: {  	s28 =	simm.s32 $0x800;
	s16 =	simm.s32 $0x9;
	v63 =	vor.u32 v1, v36;
	[tilespmem:s11+$0x800] =	vst v44;
	v49 =	vld.idx.msk [tilespmem:v40+s13+$0x0], $0xffff  }
0x88: {  	s18 =	sand.u32 $0x3000, s28;
	s6 =	simm.s32 $0x4;
	v52 =	vor.u32 v18, v41;
	[tilespmem:s25+$0x800] =	vst v46;
	v57 =	vld.idx.msk [tilespmem:v47+s13+$0x0], $0xffff;
	v58 =	vmov s16;
	s16 =	simm.s32 $0x380  }
0x89: {  	s18 =	sadd.s32 $0xE400, s18;
	v53 =	vmov s6;
	v43 =	vld.idx.msk [tilespmem:v61+s13+$0x0], $0xffff;
	[tilespmem:s10+$0x800] =	vst v60;
	v60 =	vor.u32 v18, v37;
	s19 =	sand.u32 $0x380, s16  }
0x8a: {  	v56 =	vor.u32 v18, v39;
	v34 =	vand.u32 $0x1C, v53;
	v55 =	vld.idx.msk [tilespmem:v62+s13+$0x0], $0xffff;
	s6 =	sor.u32 s19, s18  }
0x8b: {  	v53 =	vor.u32 v1, v33;
	v34 =	vbroadcast v34, $0x0;
	v48 =	vld.idx.msk [tilespmem:v48+s13+$0x0], $0xffff;
	[tilespmem:s6+$0x0] =	vst v42  }
0x8c: {  	s21 =	simm.s32 $0x280;
	v50 =	vor.u32 v18, v38;
	[tilespmem:s17+$0x810] =	vst v35;
	v42 =	vld.idx.msk [tilespmem:v63+s13+$0x0], $0xffff  }
0x8d: {  	s1 =	sand.u32 $0x280, s21;
	v59 =	vand.u32 $0x1D, v58;
	v51 =	vor.u32 v0, v34;
	[tilespmem:s11+$0x810] =	vst v57;
	v40 =	vld.idx.msk [tilespmem:v52+s13+$0x0], $0xffff  }
0x8e: {  	s22 =	simm.s32 $0x300;
	s0 =	sor.u32 s1, s18;
	v35 =	vbroadcast v59, $0x0;
	[tilespmem:s25+$0x810] =	vst v43;
	v47 =	vld.idx.msk [tilespmem:v60+s13+$0x0], $0xffff;
	v60 =	vor.u32 v2, v36  }
0x8f: {  	s31 =	sand.u32 $0x300, s22;
	v61 =	vor.u32 v19, v41;
	[tilespmem:s0+$0x0] =	vst v49;
	v45 =	vld.idx.msk [tilespmem:v56+s13+$0x0], $0xffff  }
0x90: {  	s1 =	sor.u32 s31, s18;
	[tilespmem:s10+$0x810] =	vst v55;
	v59 =	vld.idx.msk [tilespmem:v53+s13+$0x0], $0xffff;
	v62 =	vor.u32 v0, v35  }
0x91: {  	v54 =	vor.u32 v1, v32;
	[tilespmem:s1+$0x0] =	vst v48;
	v50 =	vld.idx.msk [tilespmem:v50+s13+$0x0], $0xffff  }
0x92: {  	v52 =	vor.u32 v19, v39;
	v51 =	vld.idx.msk [tilespmem:v51+s13+$0x0], $0xffff;
	[tilespmem:s6+$0x10] =	vst v42  }
0x93: {  	v56 =	vor.u32 v1, v34;
	[tilespmem:s17+$0x820] =	vst v40;
	v48 =	vld.idx.msk [tilespmem:v60+s13+$0x0], $0xffff  }
0x94: {  	s19 =	simm.s32 $0x200;
	v63 =	vor.u32 v2, v33;
	v43 =	vld.idx.msk [tilespmem:v61+s13+$0x0], $0xffff  }
0x95: {  	v58 =	vor.u32 v19, v38;
	s19 =	sand.u32 $0x200, s19;
	[tilespmem:s25+$0x820] =	vst v45;
	v40 =	vld.idx.msk [tilespmem:v62+s13+$0x0], $0xffff  }
0x96: {  	s31 =	sor.u32 s19, s18;
	[tilespmem:s11+$0x820] =	vst v47;
	v61 =	vld.idx.msk [tilespmem:v54+s13+$0x0], $0xffff;
	v62 =	vor.u32 v19, v37  }
0x97: {  	v57 =	vor.u32 v20, v41;
	v46 =	vld.idx.msk [tilespmem:v52+s13+$0x0], $0xffff;
	[tilespmem:s31+$0x0] =	vst v51  }
0x98: {  	[tilespmem:s0+$0x10] =	vst v59;
	v44 =	vld.idx.msk [tilespmem:v56+s13+$0x0], $0xffff;
	v56 =	vor.u32 v2, v32  }
0x99: {  	v59 =	vor.u32 v20, v39;
	[tilespmem:s10+$0x820] =	vst v50;
	v60 =	vld.idx.msk [tilespmem:v63+s13+$0x0], $0xffff  }
0x9a: {  	v63 =	vor.u32 v3, v33;
	v42 =	vld.idx.msk [tilespmem:v58+s13+$0x0], $0xffff;
	[tilespmem:s17+$0x830] =	vst v43  }
0x9b: {  	v49 =	vld.idx.msk [tilespmem:v62+s13+$0x0], $0xffff;
	[tilespmem:s1+$0x10] =	vst v61;
	v61 =	vor.u32 v3, v36  }
0x9c: {  	[tilespmem:s6+$0x20] =	vst v48;
	v62 =	vor.u32 v20, v38;
	v45 =	vld.idx.msk [tilespmem:v57+s13+$0x0], $0xffff  }
0x9d: {  	[tilespmem:s25+$0x830] =	vst v46;
	v57 =	vor.u32 v2, v34;
	v43 =	vld.idx.msk [tilespmem:v56+s13+$0x0], $0xffff  }
0x9e: {  	v58 =	vor.u32 v21, v41;
	[tilespmem:s0+$0x20] =	vst v60;
	v48 =	vld.idx.msk [tilespmem:v59+s13+$0x0], $0xffff  }
0x9f: {  	[tilespmem:s31+$0x10] =	vst v44;
	v56 =	vor.u32 v3, v32;
	v53 =	vld.idx.msk [tilespmem:v63+s13+$0x0], $0xffff  }
0xa0: {  	[tilespmem:s10+$0x830] =	vst v42;
	v63 =	vor.u32 v4, v33;
	v51 =	vld.idx.msk [tilespmem:v61+s13+$0x0], $0xffff  }
0xa1: {  	v60 =	vor.u32 v20, v37;
	v44 =	vld.idx.msk [tilespmem:v62+s13+$0x0], $0xffff;
	[tilespmem:s11+$0x830] =	vst v49  }
0xa2: {  	v61 =	vor.u32 v4, v36;
	v50 =	vld.idx.msk [tilespmem:v57+s13+$0x0], $0xffff;
	[tilespmem:s17+$0x840] =	vst v45  }
0xa3: {  	v62 =	vor.u32 v21, v39;
	[tilespmem:s1+$0x20] =	vst v43;
	v57 =	vld.idx.msk [tilespmem:v58+s13+$0x0], $0xffff  }
0xa4: {  	[tilespmem:s0+$0x30] =	vst v53;
	v58 =	vor.u32 v3, v34;
	v45 =	vld.idx.msk [tilespmem:v56+s13+$0x0], $0xffff  }
0xa5: {  	v59 =	vor.u32 v22, v41;
	[tilespmem:s25+$0x840] =	vst v48;
	v53 =	vld.idx.msk [tilespmem:v63+s13+$0x0], $0xffff  }
0xa6: {  	v63 =	vor.u32 v5, v33;
	[tilespmem:s6+$0x30] =	vst v51;
	v51 =	vld.idx.msk [tilespmem:v60+s13+$0x0], $0xffff  }
0xa7: {  	v60 =	vor.u32 v21, v38;
	[tilespmem:s31+$0x20] =	vst v50;
	v43 =	vld.idx.msk [tilespmem:v61+s13+$0x0], $0xffff  }
0xa8: {  	v50 =	vld.idx.msk [tilespmem:v62+s13+$0x0], $0xffff;
	[tilespmem:s17+$0x850] =	vst v57;
	v57 =	vor.u32 v4, v32  }
0xa9: {  	[tilespmem:s10+$0x840] =	vst v44;
	v61 =	vor.u32 v5, v36;
	v47 =	vld.idx.msk [tilespmem:v58+s13+$0x0], $0xffff  }
0xaa: {  	v62 =	vor.u32 v21, v37;
	[tilespmem:s0+$0x40] =	vst v53;
	v42 =	vld.idx.msk [tilespmem:v59+s13+$0x0], $0xffff  }
0xab: {  	v58 =	vor.u32 v4, v34;
	[tilespmem:s1+$0x30] =	vst v45;
	v53 =	vld.idx.msk [tilespmem:v63+s13+$0x0], $0xffff  }
0xac: {  	v59 =	vor.u32 v23, v41;
	[tilespmem:s6+$0x40] =	vst v43;
	v43 =	vld.idx.msk [tilespmem:v60+s13+$0x0], $0xffff  }
0xad: {  	v46 =	vld.idx.msk [tilespmem:v57+s13+$0x0], $0xffff  }
0xae: {  	[tilespmem:s11+$0x840] =	vst v51;
	v45 =	vld.idx.msk [tilespmem:v61+s13+$0x0], $0xffff;
	v61 =	vor.u32 v22, v39  }
0xaf: {  	[tilespmem:s31+$0x30] =	vst v47;
	v57 =	vor.u32 v5, v32;
	v47 =	vld.idx.msk [tilespmem:v62+s13+$0x0], $0xffff  }
0xb0: {  	v62 =	vor.u32 v6, v36;
	v49 =	vld.idx.msk [tilespmem:v58+s13+$0x0], $0xffff;
	[tilespmem:s17+$0x860] =	vst v42  }
0xb1: {  	v63 =	vor.u32 v22, v38;
	[tilespmem:s25+$0x850] =	vst v50;
	v58 =	vld.idx.msk [tilespmem:v59+s13+$0x0], $0xffff  }
0xb2: {  	v59 =	vor.u32 v5, v34;
	[tilespmem:s1+$0x40] =	vst v46  }
0xb3: {  	v60 =	vor.u32 v24, v41;
	[tilespmem:s6+$0x50] =	vst v45;
	v45 =	vld.idx.msk [tilespmem:v61+s13+$0x0], $0xffff  }
0xb4: {  	[tilespmem:s10+$0x850] =	vst v43;
	v42 =	vld.idx.msk [tilespmem:v57+s13+$0x0], $0xffff;
	v57 =	vor.u32 v6, v33  }
0xb5: {  	[tilespmem:s31+$0x40] =	vst v49;
	v46 =	vld.idx.msk [tilespmem:v62+s13+$0x0], $0xffff;
	v62 =	vor.u32 v22, v37  }
0xb6: {  	v49 =	vld.idx.msk [tilespmem:v63+s13+$0x0], $0xffff;
	[tilespmem:s17+$0x870] =	vst v58;
	v58 =	vor.u32 v6, v32  }
0xb7: {  	[tilespmem:s0+$0x50] =	vst v53;
	v63 =	vor.u32 v7, v36;
	v48 =	vld.idx.msk [tilespmem:v59+s13+$0x0], $0xffff  }
0xb8: {  	[tilespmem:s11+$0x850] =	vst v47;
	v59 =	vld.idx.msk [tilespmem:v60+s13+$0x0], $0xffff;
	v60 =	vor.u32 v6, v34  }
0xb9: {  	v61 =	vor.u32 v25, v41;
	v53 =	vld.idx.msk [tilespmem:v57+s13+$0x0], $0xffff;
	[tilespmem:s1+$0x50] =	vst v42  }
0xba: {  	v57 =	vor.u32 v23, v39;
	[tilespmem:s6+$0x60] =	vst v46;
	v46 =	vld.idx.msk [tilespmem:v62+s13+$0x0], $0xffff  }
0xbb: {  	[tilespmem:s25+$0x860] =	vst v45;
	v44 =	vld.idx.msk [tilespmem:v58+s13+$0x0], $0xffff;
	v58 =	vor.u32 v7, v33  }
0xbc: {  	v62 =	vor.u32 v23, v38;
	[tilespmem:s31+$0x50] =	vst v48;
	v42 =	vld.idx.msk [tilespmem:v63+s13+$0x0], $0xffff  }
0xbd: {  	v51 =	vld.idx.msk [tilespmem:v60+s13+$0x0], $0xffff;
	[tilespmem:s17+$0xC00] =	vst v59;
	v59 =	vor.u32 v7, v32  }
0xbe: {  	[tilespmem:s10+$0x860] =	vst v49;
	v63 =	vor.u32 v8, v36;
	v43 =	vld.idx.msk [tilespmem:v61+s13+$0x0], $0xffff  }
0xbf: {  	v60 =	vor.u32 v7, v34;
	[tilespmem:s0+$0x60] =	vst v53;
	v48 =	vld.idx.msk [tilespmem:v57+s13+$0x0], $0xffff  }
0xc0: {  	v61 =	vor.u32 v26, v41;
	v53 =	vld.idx.msk [tilespmem:v58+s13+$0x0], $0xffff;
	[tilespmem:s1+$0x60] =	vst v44  }
0xc1: {  	v57 =	vor.u32 v23, v37;
	[tilespmem:s6+$0x70] =	vst v42;
	v42 =	vld.idx.msk [tilespmem:v62+s13+$0x0], $0xffff  }
0xc2: {  	[tilespmem:s11+$0x860] =	vst v46;
	v58 =	vor.u32 v8, v33;
	v50 =	vld.idx.msk [tilespmem:v59+s13+$0x0], $0xffff  }
0xc3: {  	v62 =	vor.u32 v24, v39;
	[tilespmem:s31+$0x60] =	vst v51;
	v44 =	vld.idx.msk [tilespmem:v63+s13+$0x0], $0xffff  }
0xc4: {  	v59 =	vor.u32 v8, v32;
	v47 =	vld.idx.msk [tilespmem:v60+s13+$0x0], $0xffff;
	[tilespmem:s17+$0xC10] =	vst v43  }
0xc5: {  	v63 =	vor.u32 v9, v36;
	v45 =	vld.idx.msk [tilespmem:v61+s13+$0x0], $0xffff;
	[tilespmem:s25+$0x870] =	vst v48  }
0xc6: {  	v60 =	vor.u32 v8, v34;
	v51 =	vld.idx.msk [tilespmem:v57+s13+$0x0], $0xffff;
	[tilespmem:s0+$0x70] =	vst v53  }
0xc7: {  	v61 =	vor.u32 v27, v41;
	v53 =	vld.idx.msk [tilespmem:v58+s13+$0x0], $0xffff;
	[tilespmem:s1+$0x70] =	vst v50  }
0xc8: {  	v57 =	vor.u32 v24, v38;
	[tilespmem:s6+$0x400] =	vst v44;
	v44 =	vld.idx.msk [tilespmem:v62+s13+$0x0], $0xffff  }
0xc9: {  	[tilespmem:s10+$0x870] =	vst v42;
	v58 =	vor.u32 v9, v33;
	v43 =	vld.idx.msk [tilespmem:v59+s13+$0x0], $0xffff  }
0xca: {  	v62 =	vor.u32 v24, v37;
	[tilespmem:s31+$0x70] =	vst v47;
	v50 =	vld.idx.msk [tilespmem:v63+s13+$0x0], $0xffff  }
0xcb: {  	v59 =	vor.u32 v9, v32;
	v49 =	vld.idx.msk [tilespmem:v60+s13+$0x0], $0xffff;
	[tilespmem:s17+$0xC20] =	vst v45  }
0xcc: {  	v63 =	vor.u32 v10, v36;
	v46 =	vld.idx.msk [tilespmem:v61+s13+$0x0], $0xffff;
	[tilespmem:s11+$0x870] =	vst v51  }
0xcd: {  	v60 =	vor.u32 v9, v34;
	v47 =	vld.idx.msk [tilespmem:v57+s13+$0x0], $0xffff;
	[tilespmem:s0+$0x400] =	vst v53  }
0xce: {  	v57 =	vor.u32 v25, v39;
	v53 =	vld.idx.msk [tilespmem:v58+s13+$0x0], $0xffff;
	[tilespmem:s1+$0x400] =	vst v43  }
0xcf: {  	v61 =	vor.u32 v28, v41;
	[tilespmem:s6+$0x410] =	vst v50;
	v50 =	vld.idx.msk [tilespmem:v62+s13+$0x0], $0xffff  }
0xd0: {  	[tilespmem:s25+$0xC00] =	vst v44;
	v58 =	vor.u32 v10, v33;
	v45 =	vld.idx.msk [tilespmem:v59+s13+$0x0], $0xffff  }
0xd1: {  	v62 =	vor.u32 v25, v38;
	[tilespmem:s31+$0x400] =	vst v49;
	v43 =	vld.idx.msk [tilespmem:v63+s13+$0x0], $0xffff  }
0xd2: {  	v59 =	vor.u32 v10, v32;
	v48 =	vld.idx.msk [tilespmem:v60+s13+$0x0], $0xffff;
	[tilespmem:s17+$0xC30] =	vst v46  }
0xd3: {  	v63 =	vor.u32 v11, v36;
	v49 =	vld.idx.msk [tilespmem:v57+s13+$0x0], $0xffff;
	[tilespmem:s10+$0xC00] =	vst v47  }
0xd4: {  	v57 =	vor.u32 v25, v37;
	v42 =	vld.idx.msk [tilespmem:v61+s13+$0x0], $0xffff;
	[tilespmem:s0+$0x410] =	vst v53  }
0xd5: {  	v60 =	vor.u32 v10, v34;
	v53 =	vld.idx.msk [tilespmem:v58+s13+$0x0], $0xffff;
	[tilespmem:s1+$0x410] =	vst v45  }
0xd6: {  	v61 =	vor.u32 v29, v41;
	[tilespmem:s6+$0x420] =	vst v43;
	v43 =	vld.idx.msk [tilespmem:v62+s13+$0x0], $0xffff  }
0xd7: {  	[tilespmem:s11+$0xC00] =	vst v50;
	v58 =	vor.u32 v11, v33;
	v46 =	vld.idx.msk [tilespmem:v59+s13+$0x0], $0xffff  }
0xd8: {  	v62 =	vor.u32 v26, v39;
	[tilespmem:s31+$0x410] =	vst v48;
	v45 =	vld.idx.msk [tilespmem:v63+s13+$0x0], $0xffff  }
0xd9: {  	v59 =	vor.u32 v11, v32;
	v48 =	vld.idx.msk [tilespmem:v57+s13+$0x0], $0xffff;
	[tilespmem:s25+$0xC10] =	vst v49  }
0xda: {  	v63 =	vor.u32 v12, v36;
	v51 =	vld.idx.msk [tilespmem:v60+s13+$0x0], $0xffff;
	[tilespmem:s17+$0xC40] =	vst v42  }
0xdb: {  	v57 =	vor.u32 v26, v38;
	v44 =	vld.idx.msk [tilespmem:v61+s13+$0x0], $0xffff;
	[tilespmem:s0+$0x420] =	vst v53  }
0xdc: {  	v60 =	vor.u32 v11, v34;
	v53 =	vld.idx.msk [tilespmem:v58+s13+$0x0], $0xffff;
	[tilespmem:s1+$0x420] =	vst v46  }
0xdd: {  	v61 =	vor.u32 v30, v41;
	[tilespmem:s6+$0x430] =	vst v45;
	v45 =	vld.idx.msk [tilespmem:v62+s13+$0x0], $0xffff  }
0xde: {  	[tilespmem:s10+$0xC10] =	vst v43;
	v58 =	vor.u32 v12, v33;
	v42 =	vld.idx.msk [tilespmem:v59+s13+$0x0], $0xffff  }
0xdf: {  	v62 =	vor.u32 v26, v37;
	[tilespmem:s11+$0xC10] =	vst v48;
	v46 =	vld.idx.msk [tilespmem:v63+s13+$0x0], $0xffff  }
0xe0: {  	[tilespmem:s31+$0x420] =	vst v51;
	v59 =	vor.u32 v12, v32;
	v51 =	vld.idx.msk [tilespmem:v57+s13+$0x0], $0xffff  }
0xe1: {  	s23 =	simm.s32 $0xA;
	v63 =	vor.u32 v13, v36;
	v47 =	vld.idx.msk [tilespmem:v60+s13+$0x0], $0xffff;
	[tilespmem:s17+$0xC50] =	vst v44  }
0xe2: {  	v57 =	vmov s23;
	v60 =	vor.u32 v12, v34;
	v49 =	vld.idx.msk [tilespmem:v61+s13+$0x0], $0xffff;
	[tilespmem:s0+$0x430] =	vst v53  }
0xe3: {  	v61 =	vor.u32 v31, v41;
	v41 =	vand.u32 $0x1E, v57;
	v53 =	vld.idx.msk [tilespmem:v58+s13+$0x0], $0xffff;
	[tilespmem:s1+$0x430] =	vst v42  }
0xe4: {  	v41 =	vbroadcast v41, $0x0;
	v58 =	vor.u32 v27, v39;
	[tilespmem:s6+$0x440] =	vst v46;
	v46 =	vld.idx.msk [tilespmem:v62+s13+$0x0], $0xffff  }
0xe5: {  	[tilespmem:s25+$0xC20] =	vst v45;
	v44 =	vld.idx.msk [tilespmem:v59+s13+$0x0], $0xffff;
	v59 =	vor.u32 v13, v33  }
0xe6: {  	v62 =	vor.u32 v0, v41;
	[tilespmem:s31+$0x430] =	vst v47;
	v42 =	vld.idx.msk [tilespmem:v63+s13+$0x0], $0xffff  }
0xe7: {  	v50 =	vld.idx.msk [tilespmem:v60+s13+$0x0], $0xffff;
	[tilespmem:s17+$0xC60] =	vst v49;
	v60 =	vor.u32 v13, v32  }
0xe8: {  	v57 =	vor.u32 v14, v36;
	[tilespmem:s10+$0xC20] =	vst v51;
	v43 =	vld.idx.msk [tilespmem:v61+s13+$0x0], $0xffff  }
0xe9: {  	v61 =	vor.u32 v13, v34;
	[tilespmem:s0+$0x440] =	vst v53;
	v45 =	vld.idx.msk [tilespmem:v58+s13+$0x0], $0xffff  }
0xea: {  	v63 =	vor.u32 v27, v38;
	[tilespmem:s11+$0xC20] =	vst v46;
	v53 =	vld.idx.msk [tilespmem:v59+s13+$0x0], $0xffff  }
0xeb: {  	v58 =	vor.u32 v27, v37;
	[tilespmem:s1+$0x440] =	vst v44;
	v44 =	vld.idx.msk [tilespmem:v62+s13+$0x0], $0xffff  }
0xec: {  	[tilespmem:s6+$0x450] =	vst v42;
	v62 =	vor.u32 v28, v39;
	v49 =	vld.idx.msk [tilespmem:v60+s13+$0x0], $0xffff  }
0xed: {  	v55 =	vor.u32 v14, v33;
	[tilespmem:s31+$0x440] =	vst v50;
	v47 =	vld.idx.msk [tilespmem:v57+s13+$0x0], $0xffff  }
0xee: {  	v59 =	vor.u32 v14, v32;
	v48 =	vld.idx.msk [tilespmem:v61+s13+$0x0], $0xffff;
	[tilespmem:s17+$0xC70] =	vst v43  }
0xef: {  	v60 =	vor.u32 v14, v34;
	v61 =	vld.idx.msk [tilespmem:v63+s13+$0x0], $0xffff;
	[tilespmem:s25+$0xC30] =	vst v45  }
0xf0: {  	v57 =	vor.u32 v15, v36;
	v50 =	vld.idx.msk [tilespmem:v58+s13+$0x0], $0xffff;
	[tilespmem:s0+$0x450] =	vst v53  }
0xf1: {  	v63 =	vor.u32 v28, v38;
	v46 =	vld.idx.msk [tilespmem:v62+s13+$0x0], $0xffff;
	[tilespmem:s1+$0x450] =	vst v49  }
0xf2: {  	v58 =	vor.u32 v28, v37;
	v53 =	vld.idx.msk [tilespmem:v55+s13+$0x0], $0xffff;
	[tilespmem:s6+$0x460] =	vst v47  }
0xf3: {  	v62 =	vor.u32 v29, v39;
	[tilespmem:s31+$0x450] =	vst v48;
	v43 =	vld.idx.msk [tilespmem:v59+s13+$0x0], $0xffff  }
0xf4: {  	v59 =	vor.u32 v15, v33;
	[tilespmem:s10+$0xC30] =	vst v61;
	v51 =	vld.idx.msk [tilespmem:v60+s13+$0x0], $0xffff  }
0xf5: {  	v49 =	vld.idx.msk [tilespmem:v57+s13+$0x0], $0xffff;
	v60 =	vor.u32 v15, v32;
	[tilespmem:s11+$0xC30] =	vst v50  }
0xf6: {  	v47 =	vld.idx.msk [tilespmem:v63+s13+$0x0], $0xffff;
	v63 =	vor.u32 v16, v36;
	[tilespmem:s25+$0xC40] =	vst v46  }
0xf7: {  	v61 =	vor.u32 v15, v34;
	v48 =	vld.idx.msk [tilespmem:v58+s13+$0x0], $0xffff;
	[tilespmem:s0+$0x460] =	vst v53  }
0xf8: {  	v52 =	vor.u32 v29, v38;
	v56 =	vld.idx.msk [tilespmem:v62+s13+$0x0], $0xffff;
	[tilespmem:s1+$0x460] =	vst v43  }
0xf9: {  	v53 =	vld.idx.msk [tilespmem:v59+s13+$0x0], $0xffff;
	[tilespmem:s31+$0x460] =	vst v51;
	v51 =	vor.u32 v29, v37  }
0xfa: {  	[tilespmem:s6+$0x470] =	vst v49;
	v45 =	vld.idx.msk [tilespmem:v60+s13+$0x0], $0xffff;
	v60 =	vor.u32 v16, v33  }
0xfb: {  	v43 =	vld.idx.msk [tilespmem:v63+s13+$0x0], $0xffff;
	v63 =	vor.u32 v30, v39  }
0xfc: {  	[tilespmem:s10+$0xC40] =	vst v47;
	v42 =	vld.idx.msk [tilespmem:v61+s13+$0x0], $0xffff;
	v61 =	vor.u32 v16, v32  }
0xfd: {  	v62 =	vor.u32 v16, v34;
	v52 =	vld.idx.msk [tilespmem:v52+s13+$0x0], $0xffff;
	[tilespmem:s11+$0xC40] =	vst v48  }
0xfe: {  	v57 =	vor.u32 v30, v38;
	[tilespmem:s0+$0x470] =	vst v53;
	v53 =	vld.idx.msk [tilespmem:v51+s13+$0x0], $0xffff  }
0xff: {  	v55 =	vor.u32 v17, v36;
	[tilespmem:s25+$0xC50] =	vst v56;
	v51 =	vld.idx.msk [tilespmem:v60+s13+$0x0], $0xffff  }
0x100: {  	v54 =	vor.u32 v30, v37;
	[tilespmem:s1+$0x470] =	vst v45;
	v48 =	vld.idx.msk [tilespmem:v63+s13+$0x0], $0xffff  }
0x101: {  	v47 =	vor.u32 v17, v33;
	[tilespmem:s31+$0x470] =	vst v42;
	v49 =	vld.idx.msk [tilespmem:v61+s13+$0x0], $0xffff  }
0x102: {  	v46 =	vor.u32 v17, v32;
	[tilespmem:s10+$0xC50] =	vst v52;
	v50 =	vld.idx.msk [tilespmem:v62+s13+$0x0], $0xffff  }
0x103: {  	s19 =	simm.s32 $0xB;
	s18 =	simm.s32 $0xC;
	s17 =	simm.s32 $0x8;
	v45 =	vor.u32 v17, v34;
	[tilespmem:s6+$0x800] =	vst v43;
	v52 =	vld.idx.msk [tilespmem:v57+s13+$0x0], $0xffff  }
.LBB2_3:
0x104: {  	p0 =	slt.u32 s18, $0x1C;
	v42 =	vmov s19;
	v43 =	vld.idx.msk [tilespmem:v55+s13+$0x0], $0xffff;
	[tilespmem:s11+$0xC50] =	vst v53;
	v53 =	vor.u32 v31, v39;
	v39 =	vmovc v33;
	v33 =	vmov v35  }
0x105: {  	v35 =	vand.u32 $0x1F, v42;
	[tilespmem:s0+$0x800] =	vst v51;
	v42 =	vld.idx.msk [tilespmem:v54+s13+$0x0], $0xffff;
	v51 =	vor.u32 v31, v38;
	v38 =	vmovc v32;
	v32 =	vmov v41  }
0x106: {  	v41 =	vbroadcast v35, $0x0;
	v47 =	vld.idx.msk [tilespmem:v47+s13+$0x0], $0xffff;
	[tilespmem:s1+$0x800] =	vst v49;
	v35 =	vor.u32 v18, v36  }
0x107: {  	v49 =	vor.u32 v31, v37;
	v37 =	vmov v34;
	[tilespmem:s31+$0x800] =	vst v50;
	v46 =	vld.idx.msk [tilespmem:v46+s13+$0x0], $0xffff  }
0x108: {  	v34 =	vmov s17;
	s17 =	smov.u32 s18;
	v50 =	vor.u32 v0, v41;
	v45 =	vld.idx.msk [tilespmem:v45+s13+$0x0], $0xffff;
	[tilespmem:s25+$0xC60] =	vst v48  }
0x109: {  	s19 =	sadd.s32 $0x1, s18;
	v34 =	vand.u32 $0x1C, v34;
	v48 =	vor.u32 v18, v39;
	v53 =	vld.idx.msk [tilespmem:v53+s13+$0x0], $0xffff;
	[tilespmem:s10+$0xC60] =	vst v52  }
0x10a: {  	v54 =	vor.u32 v18, v38;
	v34 =	vbroadcast v34, $0x0;
	v52 =	vmov s19;
	[tilespmem:s6+$0x810] =	vst v43;
	v43 =	vld.idx.msk [tilespmem:v51+s13+$0x0], $0xffff  }
0x10b: {  	v51 =	vand.u32 $0x1D, v52;
	v52 =	vor.u32 v18, v37;
	v55 =	vld.idx.msk [tilespmem:v35+s13+$0x0], $0xffff;
	[tilespmem:s11+$0xC60] =	vst v42  }
0x10c: {  	v35 =	vbroadcast v51, $0x0;
	v42 =	vor.u32 v0, v34;
	[tilespmem:s0+$0x810] =	vst v47;
	v47 =	vld.idx.msk [tilespmem:v49+s13+$0x0], $0xffff  }
0x10d: {  	v49 =	vld.idx.msk [tilespmem:v50+s13+$0x0], $0xffff;
	[tilespmem:s1+$0x810] =	vst v46;
	v46 =	vor.u32 v19, v36  }
0x10e: {  	v50 =	vor.u32 v0, v35;
	[tilespmem:s31+$0x810] =	vst v45;
	v45 =	vld.idx.msk [tilespmem:v48+s13+$0x0], $0xffff  }
0x10f: {  	s28 =	sadd.s32 $0x800, s28;
	v48 =	vor.u32 v1, v41;
	v51 =	vld.idx.msk [tilespmem:v54+s13+$0x0], $0xffff;
	[tilespmem:s25+$0xC70] =	vst v53;
	s25 =	smov.u32 s0  }
0x110: {  	s16 =	sadd.s32 $0x200, s16;
	s0 =	sand.u32 $0x3000, s28;
	v53 =	vor.u32 v19, v39;
	v52 =	vld.idx.msk [tilespmem:v52+s13+$0x0], $0xffff;
	[tilespmem:s10+$0xC70] =	vst v43;
	s10 =	smov.u32 s1  }
0x111: {  	s1 =	sadd.s32 $0xFFFFFE80, s16;
	s21 =	sadd.s32 $0xE400, s0;
	v43 =	vor.u32 v1, v33;
	s0 =	sand.u32 $0x380, s16;
	v42 =	vld.idx.msk [tilespmem:v42+s13+$0x0], $0xffff;
	[tilespmem:s6+$0x820] =	vst v55  }
0x112: {  	s22 =	sadd.s32 $0xFFFFFF00, s16;
	s23 =	sadd.s32 $0xFFFFFF80, s16;
	v54 =	vor.u32 v1, v32;
	s19 =	sor.u32 s0, s21;
	v46 =	vld.idx.msk [tilespmem:v46+s13+$0x0], $0xffff;
	[tilespmem:s11+$0xC70] =	vst v47  }
0x113: {  	s0 =	sand.u32 $0x200, s1;
	s1 =	sand.u32 $0x280, s22;
	s11 =	sand.u32 $0x300, s23;
	v47 =	vld.idx.msk [tilespmem:v50+s13+$0x0], $0xffff;
	v50 =	vor.u32 v1, v34;
	[tilespmem:s19+$0x0] =	vst v49  }
0x114: {  	s22 =	sor.u32 s0, s21;
	s0 =	sor.u32 s1, s21;
	s1 =	sor.u32 s11, s21;
	v48 =	vld.idx.msk [tilespmem:v48+s13+$0x0], $0xffff;
	[tilespmem:s25+$0x820] =	vst v45;
	v45 =	vor.u32 v20, v36  }
0x115: {  	s11 =	smov.u32 s31;
	s31 =	smov.u32 s22;
	[tilespmem:s0+$0x0] =	vst v40;
	v49 =	vld.idx.msk [tilespmem:v53+s13+$0x0], $0xffff;
	v53 =	vor.u32 v19, v38  }
0x116: {  	v43 =	vld.idx.msk [tilespmem:v43+s13+$0x0], $0xffff;
	[tilespmem:s1+$0x0] =	vst v44;
	v44 =	vor.u32 v2, v41  }
0x117: {  	[tilespmem:s31+$0x0] =	vst v42;
	v42 =	vld.idx.msk [tilespmem:v54+s13+$0x0], $0xffff;
	v54 =	vor.u32 v19, v37  }
0x118: {  	v55 =	vor.u32 v2, v33;
	v50 =	vld.idx.msk [tilespmem:v50+s13+$0x0], $0xffff;
	[tilespmem:s6+$0x830] =	vst v46  }
0x119: {  	v46 =	vor.u32 v2, v32;
	v40 =	vmov v47;
	[tilespmem:s10+$0x820] =	vst v51;
	v45 =	vld.idx.msk [tilespmem:v45+s13+$0x0], $0xffff  }
0x11a: {  	v47 =	vor.u32 v2, v34;
	[tilespmem:s19+$0x10] =	vst v48;
	v48 =	vld.idx.msk [tilespmem:v53+s13+$0x0], $0xffff  }
0x11b: {  	v51 =	vor.u32 v21, v36;
	v44 =	vld.idx.msk [tilespmem:v44+s13+$0x0], $0xffff;
	[tilespmem:s11+$0x820] =	vst v52  }
0x11c: {  	v52 =	vor.u32 v20, v39;
	[tilespmem:s0+$0x10] =	vst v43;
	v43 =	vld.idx.msk [tilespmem:v54+s13+$0x0], $0xffff  }
0x11d: {  	v53 =	vld.idx.msk [tilespmem:v55+s13+$0x0], $0xffff;
	[tilespmem:s1+$0x10] =	vst v42;
	v42 =	vor.u32 v3, v41  }
0x11e: {  	[tilespmem:s31+$0x10] =	vst v50;
	v46 =	vld.idx.msk [tilespmem:v46+s13+$0x0], $0xffff;
	v50 =	vor.u32 v20, v38  }
0x11f: {  	v54 =	vor.u32 v3, v33;
	v47 =	vld.idx.msk [tilespmem:v47+s13+$0x0], $0xffff;
	[tilespmem:s6+$0x840] =	vst v45  }
0x120: {  	v45 =	vor.u32 v3, v32;
	[tilespmem:s25+$0x830] =	vst v49;
	v49 =	vld.idx.msk [tilespmem:v51+s13+$0x0], $0xffff  }
0x121: {  	v51 =	vor.u32 v3, v34;
	[tilespmem:s19+$0x20] =	vst v44;
	v44 =	vld.idx.msk [tilespmem:v52+s13+$0x0], $0xffff  }
0x122: {  	v42 =	vld.idx.msk [tilespmem:v42+s13+$0x0], $0xffff;
	[tilespmem:s10+$0x830] =	vst v48;
	v48 =	vor.u32 v22, v36  }
0x123: {  	v52 =	vor.u32 v20, v37;
	[tilespmem:s0+$0x20] =	vst v53;
	v50 =	vld.idx.msk [tilespmem:v50+s13+$0x0], $0xffff  }
0x124: {  	v53 =	vld.idx.msk [tilespmem:v54+s13+$0x0], $0xffff;
	[tilespmem:s1+$0x20] =	vst v46;
	v46 =	vor.u32 v4, v41  }
0x125: {  	[tilespmem:s31+$0x20] =	vst v47;
	v45 =	vld.idx.msk [tilespmem:v45+s13+$0x0], $0xffff;
	v47 =	vor.u32 v21, v39  }
0x126: {  	v54 =	vor.u32 v4, v33;
	v51 =	vld.idx.msk [tilespmem:v51+s13+$0x0], $0xffff;
	[tilespmem:s6+$0x850] =	vst v49  }
0x127: {  	v49 =	vor.u32 v4, v32;
	[tilespmem:s11+$0x830] =	vst v43;
	v43 =	vld.idx.msk [tilespmem:v48+s13+$0x0], $0xffff  }
0x128: {  	v48 =	vor.u32 v4, v34;
	[tilespmem:s19+$0x30] =	vst v42;
	v42 =	vld.idx.msk [tilespmem:v52+s13+$0x0], $0xffff  }
0x129: {  	v46 =	vld.idx.msk [tilespmem:v46+s13+$0x0], $0xffff;
	[tilespmem:s25+$0x840] =	vst v44;
	v44 =	vor.u32 v23, v36  }
0x12a: {  	v52 =	vor.u32 v21, v38;
	[tilespmem:s0+$0x30] =	vst v53;
	v47 =	vld.idx.msk [tilespmem:v47+s13+$0x0], $0xffff  }
0x12b: {  	v53 =	vld.idx.msk [tilespmem:v54+s13+$0x0], $0xffff;
	[tilespmem:s1+$0x30] =	vst v45;
	v45 =	vor.u32 v5, v41  }
0x12c: {  	[tilespmem:s31+$0x30] =	vst v51;
	v49 =	vld.idx.msk [tilespmem:v49+s13+$0x0], $0xffff;
	v51 =	vor.u32 v21, v37  }
0x12d: {  	v54 =	vor.u32 v5, v33;
	v48 =	vld.idx.msk [tilespmem:v48+s13+$0x0], $0xffff;
	[tilespmem:s6+$0x860] =	vst v43  }
0x12e: {  	v43 =	vor.u32 v5, v32;
	[tilespmem:s10+$0x840] =	vst v50;
	v44 =	vld.idx.msk [tilespmem:v44+s13+$0x0], $0xffff  }
0x12f: {  	v50 =	vor.u32 v5, v34;
	[tilespmem:s19+$0x40] =	vst v46;
	v46 =	vld.idx.msk [tilespmem:v52+s13+$0x0], $0xffff  }
0x130: {  	v45 =	vld.idx.msk [tilespmem:v45+s13+$0x0], $0xffff;
	[tilespmem:s11+$0x840] =	vst v42;
	v42 =	vor.u32 v24, v36  }
0x131: {  	v52 =	vor.u32 v22, v39;
	[tilespmem:s0+$0x40] =	vst v53;
	v51 =	vld.idx.msk [tilespmem:v51+s13+$0x0], $0xffff  }
0x132: {  	v53 =	vld.idx.msk [tilespmem:v54+s13+$0x0], $0xffff;
	[tilespmem:s1+$0x40] =	vst v49;
	v49 =	vor.u32 v6, v41  }
0x133: {  	[tilespmem:s31+$0x40] =	vst v48;
	v43 =	vld.idx.msk [tilespmem:v43+s13+$0x0], $0xffff;
	v48 =	vor.u32 v22, v38  }
0x134: {  	v54 =	vor.u32 v6, v33;
	v50 =	vld.idx.msk [tilespmem:v50+s13+$0x0], $0xffff;
	[tilespmem:s6+$0x870] =	vst v44  }
0x135: {  	v44 =	vor.u32 v6, v32;
	[tilespmem:s25+$0x850] =	vst v47;
	v42 =	vld.idx.msk [tilespmem:v42+s13+$0x0], $0xffff  }
0x136: {  	v47 =	vor.u32 v6, v34;
	[tilespmem:s19+$0x50] =	vst v45;
	v45 =	vld.idx.msk [tilespmem:v52+s13+$0x0], $0xffff  }
0x137: {  	v49 =	vld.idx.msk [tilespmem:v49+s13+$0x0], $0xffff;
	[tilespmem:s10+$0x850] =	vst v46;
	v46 =	vor.u32 v25, v36  }
0x138: {  	v52 =	vor.u32 v22, v37;
	[tilespmem:s0+$0x50] =	vst v53;
	v48 =	vld.idx.msk [tilespmem:v48+s13+$0x0], $0xffff  }
0x139: {  	v53 =	vld.idx.msk [tilespmem:v54+s13+$0x0], $0xffff;
	[tilespmem:s1+$0x50] =	vst v43;
	v43 =	vor.u32 v7, v41  }
0x13a: {  	[tilespmem:s31+$0x50] =	vst v50;
	v44 =	vld.idx.msk [tilespmem:v44+s13+$0x0], $0xffff;
	v50 =	vor.u32 v23, v39  }
0x13b: {  	v54 =	vor.u32 v7, v33;
	v47 =	vld.idx.msk [tilespmem:v47+s13+$0x0], $0xffff;
	[tilespmem:s6+$0xC00] =	vst v42  }
0x13c: {  	v42 =	vor.u32 v7, v32;
	[tilespmem:s11+$0x850] =	vst v51;
	v46 =	vld.idx.msk [tilespmem:v46+s13+$0x0], $0xffff  }
0x13d: {  	v51 =	vor.u32 v7, v34;
	[tilespmem:s19+$0x60] =	vst v49;
	v49 =	vld.idx.msk [tilespmem:v52+s13+$0x0], $0xffff  }
0x13e: {  	v43 =	vld.idx.msk [tilespmem:v43+s13+$0x0], $0xffff;
	[tilespmem:s25+$0x860] =	vst v45;
	v45 =	vor.u32 v26, v36  }
0x13f: {  	v52 =	vor.u32 v23, v38;
	[tilespmem:s0+$0x60] =	vst v53;
	v50 =	vld.idx.msk [tilespmem:v50+s13+$0x0], $0xffff  }
0x140: {  	v53 =	vld.idx.msk [tilespmem:v54+s13+$0x0], $0xffff;
	[tilespmem:s1+$0x60] =	vst v44;
	v44 =	vor.u32 v8, v41  }
0x141: {  	[tilespmem:s31+$0x60] =	vst v47;
	v42 =	vld.idx.msk [tilespmem:v42+s13+$0x0], $0xffff;
	v47 =	vor.u32 v23, v37  }
0x142: {  	v54 =	vor.u32 v8, v33;
	v51 =	vld.idx.msk [tilespmem:v51+s13+$0x0], $0xffff;
	[tilespmem:s6+$0xC10] =	vst v46  }
0x143: {  	v46 =	vor.u32 v8, v32;
	[tilespmem:s10+$0x860] =	vst v48;
	v45 =	vld.idx.msk [tilespmem:v45+s13+$0x0], $0xffff  }
0x144: {  	v48 =	vor.u32 v8, v34;
	[tilespmem:s19+$0x70] =	vst v43;
	v43 =	vld.idx.msk [tilespmem:v52+s13+$0x0], $0xffff  }
0x145: {  	v44 =	vld.idx.msk [tilespmem:v44+s13+$0x0], $0xffff;
	[tilespmem:s11+$0x860] =	vst v49;
	v49 =	vor.u32 v27, v36  }
0x146: {  	v52 =	vor.u32 v24, v39;
	[tilespmem:s0+$0x70] =	vst v53;
	v47 =	vld.idx.msk [tilespmem:v47+s13+$0x0], $0xffff  }
0x147: {  	v53 =	vld.idx.msk [tilespmem:v54+s13+$0x0], $0xffff;
	[tilespmem:s1+$0x70] =	vst v42;
	v42 =	vor.u32 v9, v41  }
0x148: {  	[tilespmem:s31+$0x70] =	vst v51;
	v46 =	vld.idx.msk [tilespmem:v46+s13+$0x0], $0xffff;
	v51 =	vor.u32 v24, v38  }
0x149: {  	v54 =	vor.u32 v9, v33;
	v48 =	vld.idx.msk [tilespmem:v48+s13+$0x0], $0xffff;
	[tilespmem:s6+$0xC20] =	vst v45  }
0x14a: {  	v45 =	vor.u32 v9, v32;
	[tilespmem:s25+$0x870] =	vst v50;
	v49 =	vld.idx.msk [tilespmem:v49+s13+$0x0], $0xffff  }
0x14b: {  	v50 =	vor.u32 v9, v34;
	[tilespmem:s19+$0x400] =	vst v44;
	v44 =	vld.idx.msk [tilespmem:v52+s13+$0x0], $0xffff  }
0x14c: {  	v42 =	vld.idx.msk [tilespmem:v42+s13+$0x0], $0xffff;
	[tilespmem:s10+$0x870] =	vst v43;
	v43 =	vor.u32 v28, v36  }
0x14d: {  	v52 =	vor.u32 v24, v37;
	[tilespmem:s0+$0x400] =	vst v53;
	v51 =	vld.idx.msk [tilespmem:v51+s13+$0x0], $0xffff  }
0x14e: {  	v53 =	vld.idx.msk [tilespmem:v54+s13+$0x0], $0xffff;
	[tilespmem:s1+$0x400] =	vst v46;
	v46 =	vor.u32 v10, v41  }
0x14f: {  	[tilespmem:s31+$0x400] =	vst v48;
	v45 =	vld.idx.msk [tilespmem:v45+s13+$0x0], $0xffff;
	v48 =	vor.u32 v25, v39  }
0x150: {  	v54 =	vor.u32 v10, v33;
	v50 =	vld.idx.msk [tilespmem:v50+s13+$0x0], $0xffff;
	[tilespmem:s6+$0xC30] =	vst v49  }
0x151: {  	v49 =	vor.u32 v10, v32;
	[tilespmem:s11+$0x870] =	vst v47;
	v43 =	vld.idx.msk [tilespmem:v43+s13+$0x0], $0xffff  }
0x152: {  	v47 =	vor.u32 v10, v34;
	[tilespmem:s19+$0x410] =	vst v42;
	v42 =	vld.idx.msk [tilespmem:v52+s13+$0x0], $0xffff  }
0x153: {  	v46 =	vld.idx.msk [tilespmem:v46+s13+$0x0], $0xffff;
	[tilespmem:s25+$0xC00] =	vst v44;
	v44 =	vor.u32 v29, v36  }
0x154: {  	v52 =	vor.u32 v25, v38;
	[tilespmem:s0+$0x410] =	vst v53;
	v48 =	vld.idx.msk [tilespmem:v48+s13+$0x0], $0xffff  }
0x155: {  	v53 =	vld.idx.msk [tilespmem:v54+s13+$0x0], $0xffff;
	[tilespmem:s1+$0x410] =	vst v45;
	v45 =	vor.u32 v11, v41  }
0x156: {  	[tilespmem:s31+$0x410] =	vst v50;
	v49 =	vld.idx.msk [tilespmem:v49+s13+$0x0], $0xffff;
	v50 =	vor.u32 v25, v37  }
0x157: {  	v54 =	vor.u32 v11, v33;
	v47 =	vld.idx.msk [tilespmem:v47+s13+$0x0], $0xffff;
	[tilespmem:s6+$0xC40] =	vst v43  }
0x158: {  	v43 =	vor.u32 v11, v32;
	[tilespmem:s10+$0xC00] =	vst v51;
	v44 =	vld.idx.msk [tilespmem:v44+s13+$0x0], $0xffff  }
0x159: {  	v51 =	vor.u32 v11, v34;
	[tilespmem:s19+$0x420] =	vst v46;
	v46 =	vld.idx.msk [tilespmem:v52+s13+$0x0], $0xffff  }
0x15a: {  	v45 =	vld.idx.msk [tilespmem:v45+s13+$0x0], $0xffff;
	[tilespmem:s11+$0xC00] =	vst v42;
	v42 =	vor.u32 v30, v36  }
0x15b: {  	v52 =	vor.u32 v26, v39;
	[tilespmem:s0+$0x420] =	vst v53;
	v50 =	vld.idx.msk [tilespmem:v50+s13+$0x0], $0xffff  }
0x15c: {  	v53 =	vld.idx.msk [tilespmem:v54+s13+$0x0], $0xffff;
	[tilespmem:s1+$0x420] =	vst v49;
	v49 =	vor.u32 v12, v41  }
0x15d: {  	[tilespmem:s31+$0x420] =	vst v47;
	v43 =	vld.idx.msk [tilespmem:v43+s13+$0x0], $0xffff;
	v47 =	vor.u32 v26, v38  }
0x15e: {  	v54 =	vor.u32 v12, v33;
	v51 =	vld.idx.msk [tilespmem:v51+s13+$0x0], $0xffff;
	[tilespmem:s6+$0xC50] =	vst v44  }
0x15f: {  	v44 =	vor.u32 v12, v32;
	[tilespmem:s25+$0xC10] =	vst v48;
	v42 =	vld.idx.msk [tilespmem:v42+s13+$0x0], $0xffff  }
0x160: {  	v48 =	vor.u32 v12, v34;
	[tilespmem:s19+$0x430] =	vst v45;
	v45 =	vld.idx.msk [tilespmem:v52+s13+$0x0], $0xffff  }
0x161: {  	v49 =	vld.idx.msk [tilespmem:v49+s13+$0x0], $0xffff;
	[tilespmem:s10+$0xC10] =	vst v46;
	v46 =	vor.u32 v31, v36;
	v36 =	vmov v41  }
0x162: {  	v52 =	vor.u32 v26, v37;
	[tilespmem:s0+$0x430] =	vst v53;
	v47 =	vld.idx.msk [tilespmem:v47+s13+$0x0], $0xffff  }
0x163: {  	s21 =	sadd.s32 $0x2, s18;
	v53 =	vld.idx.msk [tilespmem:v54+s13+$0x0], $0xffff;
	[tilespmem:s1+$0x430] =	vst v43;
	v43 =	vor.u32 v13, v36  }
0x164: {  	v41 =	vmov s21;
	[tilespmem:s31+$0x430] =	vst v51;
	v44 =	vld.idx.msk [tilespmem:v44+s13+$0x0], $0xffff;
	v51 =	vor.u32 v27, v39  }
0x165: {  	v41 =	vand.u32 $0x1E, v41;
	v54 =	vor.u32 v13, v33;
	v48 =	vld.idx.msk [tilespmem:v48+s13+$0x0], $0xffff;
	[tilespmem:s6+$0xC60] =	vst v42  }
0x166: {  	v41 =	vbroadcast v41, $0x0;
	v42 =	vor.u32 v13, v32;
	[tilespmem:s11+$0xC10] =	vst v50;
	v46 =	vld.idx.msk [tilespmem:v46+s13+$0x0], $0xffff  }
0x167: {  	v50 =	vor.u32 v13, v34;
	[tilespmem:s19+$0x440] =	vst v49;
	v49 =	vld.idx.msk [tilespmem:v52+s13+$0x0], $0xffff  }
0x168: {  	v52 =	vor.u32 v0, v41;
	v43 =	vld.idx.msk [tilespmem:v43+s13+$0x0], $0xffff;
	[tilespmem:s25+$0xC20] =	vst v45  }
0x169: {  	[tilespmem:s0+$0x440] =	vst v53;
	v45 =	vld.idx.msk [tilespmem:v51+s13+$0x0], $0xffff;
	v51 =	vor.u32 v27, v38  }
0x16a: {  	v53 =	vld.idx.msk [tilespmem:v54+s13+$0x0], $0xffff;
	[tilespmem:s1+$0x440] =	vst v44;
	v54 =	vor.u32 v14, v36  }
0x16b: {  	[tilespmem:s31+$0x440] =	vst v48;
	v42 =	vld.idx.msk [tilespmem:v42+s13+$0x0], $0xffff;
	v48 =	vor.u32 v27, v37  }
0x16c: {  	v55 =	vor.u32 v14, v33;
	v50 =	vld.idx.msk [tilespmem:v50+s13+$0x0], $0xffff;
	[tilespmem:s6+$0xC70] =	vst v46;
	s6 =	smov.u32 s19  }
0x16d: {  	v46 =	vor.u32 v14, v32;
	v44 =	vld.idx.msk [tilespmem:v52+s13+$0x0], $0xffff;
	[tilespmem:s10+$0xC20] =	vst v47  }
0x16e: {  	v47 =	vor.u32 v14, v34;
	[tilespmem:s6+$0x450] =	vst v43;
	v43 =	vld.idx.msk [tilespmem:v51+s13+$0x0], $0xffff  }
0x16f: {  	v51 =	vld.idx.msk [tilespmem:v54+s13+$0x0], $0xffff;
	[tilespmem:s11+$0xC20] =	vst v49;
	v49 =	vor.u32 v28, v39  }
0x170: {  	v52 =	vor.u32 v28, v38;
	[tilespmem:s0+$0x450] =	vst v53;
	v48 =	vld.idx.msk [tilespmem:v48+s13+$0x0], $0xffff  }
0x171: {  	v53 =	vld.idx.msk [tilespmem:v55+s13+$0x0], $0xffff;
	[tilespmem:s1+$0x450] =	vst v42;
	v42 =	vor.u32 v15, v36  }
0x172: {  	[tilespmem:s31+$0x450] =	vst v50;
	v46 =	vld.idx.msk [tilespmem:v46+s13+$0x0], $0xffff;
	v50 =	vor.u32 v28, v37  }
0x173: {  	v54 =	vor.u32 v15, v33;
	v47 =	vld.idx.msk [tilespmem:v47+s13+$0x0], $0xffff;
	[tilespmem:s25+$0xC30] =	vst v45  }
0x174: {  	v45 =	vor.u32 v15, v32;
	v49 =	vld.idx.msk [tilespmem:v49+s13+$0x0], $0xffff;
	[tilespmem:s10+$0xC30] =	vst v43  }
0x175: {  	v43 =	vor.u32 v15, v34;
	[tilespmem:s6+$0x460] =	vst v51;
	v51 =	vld.idx.msk [tilespmem:v52+s13+$0x0], $0xffff  }
0x176: {  	v42 =	vld.idx.msk [tilespmem:v42+s13+$0x0], $0xffff;
	[tilespmem:s11+$0xC30] =	vst v48;
	v48 =	vor.u32 v29, v39  }
0x177: {  	v52 =	vor.u32 v29, v38;
	[tilespmem:s0+$0x460] =	vst v53;
	v50 =	vld.idx.msk [tilespmem:v50+s13+$0x0], $0xffff  }
0x178: {  	v53 =	vld.idx.msk [tilespmem:v54+s13+$0x0], $0xffff;
	[tilespmem:s1+$0x460] =	vst v46;
	v46 =	vor.u32 v16, v36  }
0x179: {  	[tilespmem:s31+$0x460] =	vst v47;
	v45 =	vld.idx.msk [tilespmem:v45+s13+$0x0], $0xffff;
	v47 =	vor.u32 v29, v37  }
0x17a: {  	v54 =	vor.u32 v16, v33;
	v43 =	vld.idx.msk [tilespmem:v43+s13+$0x0], $0xffff;
	[tilespmem:s25+$0xC40] =	vst v49  }
0x17b: {  	v49 =	vor.u32 v16, v32;
	v48 =	vld.idx.msk [tilespmem:v48+s13+$0x0], $0xffff;
	[tilespmem:s10+$0xC40] =	vst v51  }
0x17c: {  	v56 =	vor.u32 v16, v34;
	[tilespmem:s6+$0x470] =	vst v42;
	v42 =	vld.idx.msk [tilespmem:v52+s13+$0x0], $0xffff  }
0x17d: {  	v57 =	vor.u32 v30, v39;
	v52 =	vld.idx.msk [tilespmem:v46+s13+$0x0], $0xffff;
	[tilespmem:s11+$0xC40] =	vst v50  }
0x17e: {  	v58 =	vor.u32 v30, v38;
	[tilespmem:s0+$0x470] =	vst v53;
	v53 =	vld.idx.msk [tilespmem:v47+s13+$0x0], $0xffff  }
.Ltmp0:
0x17f: {  	v55 =	vor.u32 v17, v36;
	v51 =	vld.idx.msk [tilespmem:v54+s13+$0x0], $0xffff;
	[tilespmem:s1+$0x470] =	vst v45;
	(pc) =	sbr.rel @p0 .LBB2_3-.Ltmp0, $4  }
0x180: {  	v54 =	vor.u32 v30, v37;
	[tilespmem:s31+$0x470] =	vst v43;
	v49 =	vld.idx.msk [tilespmem:v49+s13+$0x0], $0xffff  }
0x181: {  	v47 =	vor.u32 v17, v33;
	v50 =	vld.idx.msk [tilespmem:v56+s13+$0x0], $0xffff;
	[tilespmem:s25+$0xC50] =	vst v48  }
0x182: {  	v46 =	vor.u32 v17, v32;
	v48 =	vld.idx.msk [tilespmem:v57+s13+$0x0], $0xffff;
	[tilespmem:s10+$0xC50] =	vst v42  }
0x183: {  	s18 =	sadd.s32 $0x4, s18;
	s19 =	sadd.s32 $0x3, s17;
	v45 =	vor.u32 v17, v34;
	[tilespmem:s6+$0x800] =	vst v52;
	v52 =	vld.idx.msk [tilespmem:v58+s13+$0x0], $0xffff  }
0x184: {  	v42 =	vmov s19  }
0x185: {  	v42 =	vand.u32 $0x1F, v42  }
0x186: {  	v43 =	vbroadcast v42, $0x0  }
0x187: {  	v62 =	vmov s17  }
0x188: {  	v42 =	vand.u32 $0x1C, v62;
	v56 =	vor.u32 v0, v43  }
0x189: {  	v42 =	vbroadcast v42, $0x0  }
0x18a: {  	[tilespmem:s11+$0xC50] =	vst v53  }
0x18b: {  	[tilespmem:s0+$0x800] =	vst v51;
	v57 =	vor.u32 v0, v42  }
0x18c: {  	v63 =	vld.idx.msk [tilespmem:v55+s13+$0x0], $0xffff;
	s21 =	sadd.s32 $0x800, s28;
	s18 =	sadd.s32 $0x200, s16;
	[tilespmem:s1+$0x800] =	vst v49  }
0x18d: {  	s17 =	sand.u32 $0x3000, s21;
	s22 =	sadd.s32 $0xFFFFFF00, s18;
	[tilespmem:s31+$0x800] =	vst v50;
	v59 =	vld.idx.msk [tilespmem:v56+s13+$0x0], $0xffff  }
0x18e: {  	v58 =	vld.idx.msk [tilespmem:v54+s13+$0x0], $0xffff;
	s19 =	sadd.s32 $0xE400, s17;
	s17 =	sand.u32 $0x280, s22;
	[tilespmem:s25+$0xC60] =	vst v48;
	v60 =	vor.u32 v1, v43  }
0x18f: {  	v61 =	vor.u32 v1, v35;
	v47 =	vld.idx.msk [tilespmem:v47+s13+$0x0], $0xffff;
	s17 =	sor.u32 s17, s19;
	[tilespmem:s10+$0xC60] =	vst v52  }
0x190: {  	s16 =	sand.u32 $0x380, s18;
	s21 =	sadd.s32 $0xFFFFFF80, s18;
	v62 =	vor.u32 v1, v41;
	[tilespmem:s17+$0x0] =	vst v40;
	v51 =	vld.idx.msk [tilespmem:v57+s13+$0x0], $0xffff  }
0x191: {  	v46 =	vld.idx.msk [tilespmem:v46+s13+$0x0], $0xffff;
	s21 =	sand.u32 $0x300, s21;
	s16 =	sor.u32 s16, s19;
	[tilespmem:s6+$0x810] =	vst v63;
	v63 =	vor.u32 v1, v42  }
0x192: {  	v39 =	vor.u32 v31, v39;
	s18 =	sadd.s32 $0xFFFFFE80, s18;
	s23 =	sor.u32 s21, s19;
	v45 =	vld.idx.msk [tilespmem:v45+s13+$0x0], $0xffff;
	[tilespmem:s16+$0x0] =	vst v59  }
0x193: {  	v38 =	vor.u32 v31, v38;
	s22 =	sand.u32 $0x200, s18;
	[tilespmem:s23+$0x0] =	vst v44;
	v48 =	vld.idx.msk [tilespmem:v60+s13+$0x0], $0xffff  }
0x194: {  	s28 =	sor.u32 s22, s19;
	v54 =	vor.u32 v2, v43;
	v40 =	vld.idx.msk [tilespmem:v61+s13+$0x0], $0xffff;
	[tilespmem:s11+$0xC60] =	vst v58  }
0x195: {  	v55 =	vld.idx.msk [tilespmem:v62+s13+$0x0], $0xffff;
	v56 =	vor.u32 v2, v35;
	[tilespmem:s28+$0x0] =	vst v51  }
0x196: {  	[tilespmem:s0+$0x810] =	vst v47;
	v58 =	vor.u32 v2, v41;
	v57 =	vld.idx.msk [tilespmem:v63+s13+$0x0], $0xffff  }
0x197: {  	v39 =	vld.idx.msk [tilespmem:v39+s13+$0x0], $0xffff;
	[tilespmem:s1+$0x810] =	vst v46;
	v59 =	vor.u32 v2, v42  }
0x198: {  	v37 =	vor.u32 v31, v37;
	v38 =	vld.idx.msk [tilespmem:v38+s13+$0x0], $0xffff;
	[tilespmem:s16+$0x10] =	vst v48  }
0x199: {  	[tilespmem:s17+$0x10] =	vst v40;
	v60 =	vor.u32 v18, v36;
	v44 =	vld.idx.msk [tilespmem:v54+s13+$0x0], $0xffff  }
0x19a: {  	v61 =	vor.u32 v3, v43;
	[tilespmem:s23+$0x10] =	vst v55;
	v40 =	vld.idx.msk [tilespmem:v56+s13+$0x0], $0xffff  }
0x19b: {  	v62 =	vld.idx.msk [tilespmem:v58+s13+$0x0], $0xffff;
	v63 =	vor.u32 v3, v35;
	[tilespmem:s28+$0x10] =	vst v57  }
0x19c: {  	v53 =	vor.u32 v3, v41;
	[tilespmem:s31+$0x810] =	vst v45;
	v52 =	vld.idx.msk [tilespmem:v59+s13+$0x0], $0xffff  }
0x19d: {  	v37 =	vld.idx.msk [tilespmem:v37+s13+$0x0], $0xffff;
	[tilespmem:s25+$0xC70] =	vst v39;
	v54 =	vor.u32 v3, v42  }
0x19e: {  	v48 =	vld.idx.msk [tilespmem:v60+s13+$0x0], $0xffff;
	[tilespmem:s16+$0x20] =	vst v44  }
0x19f: {  	v55 =	vor.u32 v18, v33;
	[tilespmem:s17+$0x20] =	vst v40;
	v50 =	vld.idx.msk [tilespmem:v61+s13+$0x0], $0xffff  }
0x1a0: {  	v56 =	vor.u32 v4, v43;
	[tilespmem:s23+$0x20] =	vst v62;
	v40 =	vld.idx.msk [tilespmem:v63+s13+$0x0], $0xffff  }
0x1a1: {  	v58 =	vor.u32 v4, v35;
	v57 =	vld.idx.msk [tilespmem:v53+s13+$0x0], $0xffff;
	[tilespmem:s28+$0x20] =	vst v52  }
0x1a2: {  	[tilespmem:s10+$0xC70] =	vst v38;
	v60 =	vor.u32 v4, v41;
	v59 =	vld.idx.msk [tilespmem:v54+s13+$0x0], $0xffff  }
0x1a3: {  	[tilespmem:s11+$0xC70] =	vst v37;
	v61 =	vor.u32 v4, v42  }
0x1a4: {  	v62 =	vor.u32 v19, v36;
	v44 =	vld.idx.msk [tilespmem:v55+s13+$0x0], $0xffff;
	[tilespmem:s16+$0x30] =	vst v50  }
0x1a5: {  	v63 =	vor.u32 v18, v32;
	[tilespmem:s17+$0x30] =	vst v40;
	v47 =	vld.idx.msk [tilespmem:v56+s13+$0x0], $0xffff  }
0x1a6: {  	[tilespmem:s23+$0x30] =	vst v57;
	v40 =	vld.idx.msk [tilespmem:v58+s13+$0x0], $0xffff;
	v52 =	vor.u32 v5, v43  }
0x1a7: {  	v53 =	vld.idx.msk [tilespmem:v60+s13+$0x0], $0xffff;
	v54 =	vor.u32 v5, v35;
	[tilespmem:s28+$0x30] =	vst v59  }
0x1a8: {  	[tilespmem:s6+$0x820] =	vst v48;
	v56 =	vor.u32 v5, v41;
	v55 =	vld.idx.msk [tilespmem:v61+s13+$0x0], $0xffff  }
0x1a9: {  	v57 =	vld.idx.msk [tilespmem:v62+s13+$0x0], $0xffff;
	v58 =	vor.u32 v5, v42;
	[tilespmem:s0+$0x820] =	vst v44  }
0x1aa: {  	v50 =	vld.idx.msk [tilespmem:v63+s13+$0x0], $0xffff;
	v59 =	vor.u32 v18, v34;
	[tilespmem:s16+$0x40] =	vst v47  }
0x1ab: {  	v60 =	vor.u32 v20, v36;
	[tilespmem:s17+$0x40] =	vst v40;
	v45 =	vld.idx.msk [tilespmem:v52+s13+$0x0], $0xffff  }
0x1ac: {  	[tilespmem:s23+$0x40] =	vst v53;
	v39 =	vld.idx.msk [tilespmem:v54+s13+$0x0], $0xffff;
	v61 =	vor.u32 v6, v43  }
0x1ad: {  	v63 =	vor.u32 v6, v35;
	v62 =	vld.idx.msk [tilespmem:v56+s13+$0x0], $0xffff;
	[tilespmem:s28+$0x40] =	vst v55  }
0x1ae: {  	[tilespmem:s6+$0x830] =	vst v57;
	v52 =	vor.u32 v6, v41;
	v44 =	vld.idx.msk [tilespmem:v58+s13+$0x0], $0xffff  }
0x1af: {  	v54 =	vor.u32 v6, v42;
	[tilespmem:s1+$0x820] =	vst v50;
	v53 =	vld.idx.msk [tilespmem:v59+s13+$0x0], $0xffff  }
0x1b0: {  	v47 =	vld.idx.msk [tilespmem:v60+s13+$0x0], $0xffff;
	v55 =	vor.u32 v19, v33;
	[tilespmem:s16+$0x50] =	vst v45  }
0x1b1: {  	v56 =	vor.u32 v19, v32;
	[tilespmem:s17+$0x50] =	vst v39;
	v38 =	vld.idx.msk [tilespmem:v61+s13+$0x0], $0xffff  }
0x1b2: {  	v57 =	vor.u32 v7, v43;
	v39 =	vld.idx.msk [tilespmem:v63+s13+$0x0], $0xffff;
	[tilespmem:s23+$0x50] =	vst v62  }
0x1b3: {  	v59 =	vor.u32 v7, v35;
	v58 =	vld.idx.msk [tilespmem:v52+s13+$0x0], $0xffff;
	[tilespmem:s28+$0x50] =	vst v44  }
0x1b4: {  	[tilespmem:s31+$0x820] =	vst v53;
	v61 =	vor.u32 v7, v41;
	v60 =	vld.idx.msk [tilespmem:v54+s13+$0x0], $0xffff  }
0x1b5: {  	v63 =	vor.u32 v7, v42;
	[tilespmem:s6+$0x840] =	vst v47;
	v62 =	vld.idx.msk [tilespmem:v55+s13+$0x0], $0xffff  }
0x1b6: {  	v45 =	vld.idx.msk [tilespmem:v56+s13+$0x0], $0xffff;
	v52 =	vor.u32 v21, v36;
	[tilespmem:s16+$0x60] =	vst v38  }
0x1b7: {  	v53 =	vor.u32 v19, v34;
	[tilespmem:s17+$0x60] =	vst v39;
	v37 =	vld.idx.msk [tilespmem:v57+s13+$0x0], $0xffff  }
0x1b8: {  	v39 =	vld.idx.msk [tilespmem:v59+s13+$0x0], $0xffff;
	v54 =	vor.u32 v8, v43;
	[tilespmem:s23+$0x60] =	vst v58  }
0x1b9: {  	v56 =	vor.u32 v8, v35;
	v55 =	vld.idx.msk [tilespmem:v61+s13+$0x0], $0xffff;
	[tilespmem:s28+$0x60] =	vst v60  }
0x1ba: {  	[tilespmem:s0+$0x830] =	vst v62;
	v57 =	vor.u32 v8, v41;
	v47 =	vld.idx.msk [tilespmem:v63+s13+$0x0], $0xffff  }
0x1bb: {  	v59 =	vor.u32 v8, v42;
	v58 =	vld.idx.msk [tilespmem:v52+s13+$0x0], $0xffff;
	[tilespmem:s1+$0x830] =	vst v45  }
0x1bc: {  	v38 =	vld.idx.msk [tilespmem:v53+s13+$0x0], $0xffff;
	v61 =	vor.u32 v22, v36;
	[tilespmem:s16+$0x70] =	vst v37  }
0x1bd: {  	[tilespmem:s17+$0x70] =	vst v39;
	v60 =	vor.u32 v20, v33;
	v40 =	vld.idx.msk [tilespmem:v54+s13+$0x0], $0xffff  }
0x1be: {  	v62 =	vor.u32 v9, v43;
	v39 =	vld.idx.msk [tilespmem:v56+s13+$0x0], $0xffff;
	[tilespmem:s23+$0x70] =	vst v55  }
0x1bf: {  	v52 =	vor.u32 v9, v35;
	v63 =	vld.idx.msk [tilespmem:v57+s13+$0x0], $0xffff;
	[tilespmem:s28+$0x70] =	vst v47  }
0x1c0: {  	v53 =	vor.u32 v9, v41;
	[tilespmem:s6+$0x850] =	vst v58;
	v45 =	vld.idx.msk [tilespmem:v59+s13+$0x0], $0xffff  }
0x1c1: {  	[tilespmem:s31+$0x830] =	vst v38;
	v55 =	vor.u32 v9, v42;
	v37 =	vld.idx.msk [tilespmem:v61+s13+$0x0], $0xffff  }
0x1c2: {  	v57 =	vor.u32 v20, v34;
	v54 =	vld.idx.msk [tilespmem:v60+s13+$0x0], $0xffff;
	[tilespmem:s16+$0x400] =	vst v40  }
0x1c3: {  	v56 =	vor.u32 v20, v32;
	[tilespmem:s17+$0x400] =	vst v39;
	v44 =	vld.idx.msk [tilespmem:v62+s13+$0x0], $0xffff  }
0x1c4: {  	v58 =	vor.u32 v10, v43;
	v39 =	vld.idx.msk [tilespmem:v52+s13+$0x0], $0xffff;
	[tilespmem:s23+$0x400] =	vst v63  }
0x1c5: {  	v60 =	vor.u32 v10, v35;
	v59 =	vld.idx.msk [tilespmem:v53+s13+$0x0], $0xffff;
	[tilespmem:s28+$0x400] =	vst v45  }
0x1c6: {  	v61 =	vor.u32 v10, v41;
	[tilespmem:s6+$0x860] =	vst v37;
	v38 =	vld.idx.msk [tilespmem:v55+s13+$0x0], $0xffff  }
0x1c7: {  	v63 =	vor.u32 v10, v42;
	[tilespmem:s0+$0x840] =	vst v54;
	v40 =	vld.idx.msk [tilespmem:v57+s13+$0x0], $0xffff  }
0x1c8: {  	v53 =	vor.u32 v21, v33;
	v62 =	vld.idx.msk [tilespmem:v56+s13+$0x0], $0xffff;
	[tilespmem:s16+$0x410] =	vst v44  }
0x1c9: {  	v52 =	vor.u32 v23, v36;
	[tilespmem:s17+$0x410] =	vst v39;
	v46 =	vld.idx.msk [tilespmem:v58+s13+$0x0], $0xffff  }
0x1ca: {  	v54 =	vor.u32 v11, v43;
	v39 =	vld.idx.msk [tilespmem:v60+s13+$0x0], $0xffff;
	[tilespmem:s23+$0x410] =	vst v59  }
0x1cb: {  	v56 =	vor.u32 v11, v35;
	v55 =	vld.idx.msk [tilespmem:v61+s13+$0x0], $0xffff;
	[tilespmem:s28+$0x410] =	vst v38  }
0x1cc: {  	v57 =	vor.u32 v11, v41;
	[tilespmem:s31+$0x840] =	vst v40;
	v37 =	vld.idx.msk [tilespmem:v63+s13+$0x0], $0xffff  }
0x1cd: {  	v59 =	vor.u32 v11, v42;
	[tilespmem:s1+$0x840] =	vst v62;
	v44 =	vld.idx.msk [tilespmem:v53+s13+$0x0], $0xffff  }
0x1ce: {  	v60 =	vor.u32 v21, v32;
	v58 =	vld.idx.msk [tilespmem:v52+s13+$0x0], $0xffff;
	[tilespmem:s16+$0x420] =	vst v46  }
0x1cf: {  	v61 =	vor.u32 v24, v36;
	[tilespmem:s17+$0x420] =	vst v39;
	v45 =	vld.idx.msk [tilespmem:v54+s13+$0x0], $0xffff  }
0x1d0: {  	v62 =	vor.u32 v12, v43;
	v39 =	vld.idx.msk [tilespmem:v56+s13+$0x0], $0xffff;
	[tilespmem:s23+$0x420] =	vst v55  }
0x1d1: {  	v52 =	vor.u32 v12, v35;
	v63 =	vld.idx.msk [tilespmem:v57+s13+$0x0], $0xffff;
	[tilespmem:s28+$0x420] =	vst v37  }
0x1d2: {  	v53 =	vor.u32 v12, v41;
	[tilespmem:s0+$0x850] =	vst v44;
	v40 =	vld.idx.msk [tilespmem:v59+s13+$0x0], $0xffff  }
0x1d3: {  	v55 =	vor.u32 v12, v42;
	[tilespmem:s6+$0x870] =	vst v58;
	v54 =	vld.idx.msk [tilespmem:v60+s13+$0x0], $0xffff  }
0x1d4: {  	v57 =	vor.u32 v22, v33;
	v46 =	vld.idx.msk [tilespmem:v61+s13+$0x0], $0xffff;
	[tilespmem:s16+$0x430] =	vst v45  }
0x1d5: {  	v56 =	vor.u32 v21, v34;
	[tilespmem:s17+$0x430] =	vst v39;
	v38 =	vld.idx.msk [tilespmem:v62+s13+$0x0], $0xffff  }
0x1d6: {  	v58 =	vor.u32 v13, v43;
	v39 =	vld.idx.msk [tilespmem:v52+s13+$0x0], $0xffff;
	[tilespmem:s23+$0x430] =	vst v63  }
0x1d7: {  	v60 =	vor.u32 v13, v35;
	v59 =	vld.idx.msk [tilespmem:v53+s13+$0x0], $0xffff;
	[tilespmem:s28+$0x430] =	vst v40  }
0x1d8: {  	v61 =	vor.u32 v13, v41;
	[tilespmem:s1+$0x850] =	vst v54;
	v44 =	vld.idx.msk [tilespmem:v55+s13+$0x0], $0xffff  }
0x1d9: {  	v63 =	vor.u32 v13, v42;
	[tilespmem:s6+$0xC00] =	vst v46;
	v45 =	vld.idx.msk [tilespmem:v57+s13+$0x0], $0xffff  }
0x1da: {  	v53 =	vor.u32 v22, v32;
	v62 =	vld.idx.msk [tilespmem:v56+s13+$0x0], $0xffff;
	[tilespmem:s16+$0x440] =	vst v38  }
0x1db: {  	v52 =	vor.u32 v25, v36;
	[tilespmem:s17+$0x440] =	vst v39;
	v37 =	vld.idx.msk [tilespmem:v58+s13+$0x0], $0xffff  }
0x1dc: {  	v54 =	vor.u32 v14, v43;
	v39 =	vld.idx.msk [tilespmem:v60+s13+$0x0], $0xffff;
	[tilespmem:s23+$0x440] =	vst v59  }
0x1dd: {  	v56 =	vor.u32 v14, v35;
	v55 =	vld.idx.msk [tilespmem:v61+s13+$0x0], $0xffff;
	[tilespmem:s28+$0x440] =	vst v44  }
0x1de: {  	v57 =	vor.u32 v14, v41;
	[tilespmem:s0+$0x860] =	vst v45;
	v46 =	vld.idx.msk [tilespmem:v63+s13+$0x0], $0xffff  }
0x1df: {  	v59 =	vor.u32 v14, v42;
	[tilespmem:s31+$0x850] =	vst v62;
	v38 =	vld.idx.msk [tilespmem:v53+s13+$0x0], $0xffff  }
0x1e0: {  	v60 =	vor.u32 v22, v34;
	v58 =	vld.idx.msk [tilespmem:v52+s13+$0x0], $0xffff;
	[tilespmem:s16+$0x450] =	vst v37  }
0x1e1: {  	v61 =	vor.u32 v26, v36;
	[tilespmem:s17+$0x450] =	vst v39;
	v40 =	vld.idx.msk [tilespmem:v54+s13+$0x0], $0xffff  }
0x1e2: {  	v62 =	vor.u32 v15, v43;
	v39 =	vld.idx.msk [tilespmem:v56+s13+$0x0], $0xffff;
	[tilespmem:s23+$0x450] =	vst v55  }
0x1e3: {  	v52 =	vor.u32 v15, v35;
	v63 =	vld.idx.msk [tilespmem:v57+s13+$0x0], $0xffff;
	[tilespmem:s28+$0x450] =	vst v46  }
0x1e4: {  	v53 =	vor.u32 v15, v41;
	[tilespmem:s1+$0x860] =	vst v38;
	v45 =	vld.idx.msk [tilespmem:v59+s13+$0x0], $0xffff  }
0x1e5: {  	v55 =	vor.u32 v15, v42;
	[tilespmem:s6+$0xC10] =	vst v58;
	v54 =	vld.idx.msk [tilespmem:v60+s13+$0x0], $0xffff  }
0x1e6: {  	v57 =	vor.u32 v23, v32;
	v37 =	vld.idx.msk [tilespmem:v61+s13+$0x0], $0xffff;
	[tilespmem:s16+$0x460] =	vst v40  }
0x1e7: {  	v56 =	vor.u32 v23, v33;
	[tilespmem:s17+$0x460] =	vst v39;
	v44 =	vld.idx.msk [tilespmem:v62+s13+$0x0], $0xffff  }
0x1e8: {  	v58 =	vor.u32 v16, v43;
	v39 =	vld.idx.msk [tilespmem:v52+s13+$0x0], $0xffff;
	[tilespmem:s23+$0x460] =	vst v63  }
0x1e9: {  	v60 =	vor.u32 v16, v35;
	v59 =	vld.idx.msk [tilespmem:v53+s13+$0x0], $0xffff;
	[tilespmem:s28+$0x460] =	vst v45  }
0x1ea: {  	v61 =	vor.u32 v16, v41;
	[tilespmem:s31+$0x860] =	vst v54;
	v38 =	vld.idx.msk [tilespmem:v55+s13+$0x0], $0xffff  }
0x1eb: {  	v63 =	vor.u32 v16, v42;
	[tilespmem:s6+$0xC20] =	vst v37;
	v40 =	vld.idx.msk [tilespmem:v57+s13+$0x0], $0xffff  }
0x1ec: {  	v53 =	vor.u32 v23, v34;
	v62 =	vld.idx.msk [tilespmem:v56+s13+$0x0], $0xffff;
	[tilespmem:s16+$0x470] =	vst v44  }
0x1ed: {  	v52 =	vor.u32 v27, v36;
	[tilespmem:s17+$0x470] =	vst v39;
	v46 =	vld.idx.msk [tilespmem:v58+s13+$0x0], $0xffff  }
0x1ee: {  	v54 =	vor.u32 v17, v43;
	v39 =	vld.idx.msk [tilespmem:v60+s13+$0x0], $0xffff;
	[tilespmem:s23+$0x470] =	vst v59  }
0x1ef: {  	v56 =	vor.u32 v17, v35;
	v55 =	vld.idx.msk [tilespmem:v61+s13+$0x0], $0xffff;
	[tilespmem:s28+$0x470] =	vst v38  }
0x1f0: {  	v57 =	vor.u32 v17, v41;
	[tilespmem:s1+$0x870] =	vst v40;
	v37 =	vld.idx.msk [tilespmem:v63+s13+$0x0], $0xffff  }
0x1f1: {  	v59 =	vor.u32 v17, v42;
	[tilespmem:s0+$0x870] =	vst v62;
	v44 =	vld.idx.msk [tilespmem:v53+s13+$0x0], $0xffff  }
0x1f2: {  	v60 =	vor.u32 v24, v33;
	v58 =	vld.idx.msk [tilespmem:v52+s13+$0x0], $0xffff;
	[tilespmem:s16+$0x800] =	vst v46  }
0x1f3: {  	v61 =	vor.u32 v28, v36;
	[tilespmem:s17+$0x800] =	vst v39;
	v45 =	vld.idx.msk [tilespmem:v54+s13+$0x0], $0xffff  }
0x1f4: {  	v62 =	vor.u32 v18, v43;
	v39 =	vld.idx.msk [tilespmem:v56+s13+$0x0], $0xffff;
	[tilespmem:s23+$0x800] =	vst v55  }
0x1f5: {  	v52 =	vor.u32 v18, v35;
	v63 =	vld.idx.msk [tilespmem:v57+s13+$0x0], $0xffff;
	[tilespmem:s28+$0x800] =	vst v37  }
0x1f6: {  	v53 =	vor.u32 v18, v41;
	[tilespmem:s31+$0x870] =	vst v44;
	v40 =	vld.idx.msk [tilespmem:v59+s13+$0x0], $0xffff  }
0x1f7: {  	v55 =	vor.u32 v18, v42;
	[tilespmem:s6+$0xC30] =	vst v58;
	v54 =	vld.idx.msk [tilespmem:v60+s13+$0x0], $0xffff  }
0x1f8: {  	v57 =	vor.u32 v24, v34;
	v46 =	vld.idx.msk [tilespmem:v61+s13+$0x0], $0xffff;
	[tilespmem:s16+$0x810] =	vst v45  }
0x1f9: {  	v56 =	vor.u32 v24, v32;
	[tilespmem:s17+$0x810] =	vst v39;
	v38 =	vld.idx.msk [tilespmem:v62+s13+$0x0], $0xffff  }
0x1fa: {  	v58 =	vor.u32 v19, v43;
	v39 =	vld.idx.msk [tilespmem:v52+s13+$0x0], $0xffff;
	[tilespmem:s23+$0x810] =	vst v63  }
0x1fb: {  	v60 =	vor.u32 v19, v35;
	v59 =	vld.idx.msk [tilespmem:v53+s13+$0x0], $0xffff;
	[tilespmem:s28+$0x810] =	vst v40  }
0x1fc: {  	v61 =	vor.u32 v19, v41;
	[tilespmem:s0+$0xC00] =	vst v54;
	v44 =	vld.idx.msk [tilespmem:v55+s13+$0x0], $0xffff  }
0x1fd: {  	v63 =	vor.u32 v19, v42;
	[tilespmem:s6+$0xC40] =	vst v46;
	v45 =	vld.idx.msk [tilespmem:v57+s13+$0x0], $0xffff  }
0x1fe: {  	v52 =	vor.u32 v29, v36;
	v62 =	vld.idx.msk [tilespmem:v56+s13+$0x0], $0xffff;
	[tilespmem:s16+$0x820] =	vst v38  }
0x1ff: {  	v53 =	vor.u32 v25, v33;
	[tilespmem:s17+$0x820] =	vst v39;
	v37 =	vld.idx.msk [tilespmem:v58+s13+$0x0], $0xffff  }
0x200: {  	v54 =	vor.u32 v20, v43;
	v47 =	vld.idx.msk [tilespmem:v60+s13+$0x0], $0xffff;
	[tilespmem:s23+$0x820] =	vst v59  }
0x201: {  	v55 =	vor.u32 v20, v35;
	v40 =	vld.idx.msk [tilespmem:v61+s13+$0x0], $0xffff;
	[tilespmem:s28+$0x820] =	vst v44  }
0x202: {  	v56 =	vor.u32 v20, v41;
	[tilespmem:s31+$0xC00] =	vst v45;
	v46 =	vld.idx.msk [tilespmem:v63+s13+$0x0], $0xffff  }
0x203: {  	v57 =	vld.idx.msk [tilespmem:v52+s13+$0x0], $0xffff;
	[tilespmem:s1+$0xC00] =	vst v62;
	v58 =	vor.u32 v20, v42  }
0x204: {  	v59 =	vor.u32 v25, v32;
	v38 =	vld.idx.msk [tilespmem:v53+s13+$0x0], $0xffff;
	[tilespmem:s16+$0x830] =	vst v37  }
0x205: {  	v60 =	vor.u32 v30, v36;
	[tilespmem:s17+$0x830] =	vst v47;
	v39 =	vld.idx.msk [tilespmem:v54+s13+$0x0], $0xffff  }
0x206: {  	v61 =	vor.u32 v21, v43;
	v44 =	vld.idx.msk [tilespmem:v55+s13+$0x0], $0xffff;
	[tilespmem:s23+$0x830] =	vst v40  }
0x207: {  	v62 =	vor.u32 v21, v35;
	v40 =	vld.idx.msk [tilespmem:v56+s13+$0x0], $0xffff;
	[tilespmem:s28+$0x830] =	vst v46  }
0x208: {  	[tilespmem:s6+$0xC50] =	vst v57;
	v63 =	vor.u32 v21, v41;
	v45 =	vld.idx.msk [tilespmem:v58+s13+$0x0], $0xffff  }
0x209: {  	v53 =	vor.u32 v21, v42;
	v52 =	vld.idx.msk [tilespmem:v59+s13+$0x0], $0xffff;
	[tilespmem:s0+$0xC10] =	vst v38  }
0x20a: {  	v37 =	vld.idx.msk [tilespmem:v60+s13+$0x0], $0xffff;
	v54 =	vor.u32 v25, v34;
	[tilespmem:s16+$0x840] =	vst v39  }
0x20b: {  	v55 =	vor.u32 v26, v33;
	[tilespmem:s17+$0x840] =	vst v44;
	v47 =	vld.idx.msk [tilespmem:v61+s13+$0x0], $0xffff  }
0x20c: {  	v56 =	vor.u32 v22, v43;
	v48 =	vld.idx.msk [tilespmem:v62+s13+$0x0], $0xffff;
	[tilespmem:s23+$0x840] =	vst v40  }
0x20d: {  	v57 =	vor.u32 v22, v35;
	v40 =	vld.idx.msk [tilespmem:v63+s13+$0x0], $0xffff;
	[tilespmem:s28+$0x840] =	vst v45  }
0x20e: {  	v58 =	vor.u32 v22, v41;
	[tilespmem:s1+$0xC10] =	vst v52;
	v38 =	vld.idx.msk [tilespmem:v53+s13+$0x0], $0xffff  }
0x20f: {  	v60 =	vor.u32 v22, v42;
	[tilespmem:s6+$0xC60] =	vst v37;
	v59 =	vld.idx.msk [tilespmem:v54+s13+$0x0], $0xffff  }
0x210: {  	v39 =	vld.idx.msk [tilespmem:v55+s13+$0x0], $0xffff;
	v61 =	vor.u32 v31, v36;
	[tilespmem:s16+$0x850] =	vst v47  }
0x211: {  	v62 =	vor.u32 v26, v32;
	[tilespmem:s17+$0x850] =	vst v48;
	v44 =	vld.idx.msk [tilespmem:v56+s13+$0x0], $0xffff  }
0x212: {  	v63 =	vor.u32 v23, v43;
	v45 =	vld.idx.msk [tilespmem:v57+s13+$0x0], $0xffff;
	[tilespmem:s23+$0x850] =	vst v40  }
0x213: {  	v52 =	vor.u32 v23, v35;
	v40 =	vld.idx.msk [tilespmem:v58+s13+$0x0], $0xffff;
	[tilespmem:s28+$0x850] =	vst v38  }
0x214: {  	v53 =	vor.u32 v23, v41;
	[tilespmem:s31+$0xC10] =	vst v59;
	v37 =	vld.idx.msk [tilespmem:v60+s13+$0x0], $0xffff  }
0x215: {  	v54 =	vor.u32 v23, v42;
	[tilespmem:s0+$0xC20] =	vst v39;
	v36 =	vld.idx.msk [tilespmem:v61+s13+$0x0], $0xffff  }
0x216: {  	v55 =	vor.u32 v26, v34;
	v47 =	vld.idx.msk [tilespmem:v62+s13+$0x0], $0xffff;
	[tilespmem:s16+$0x860] =	vst v44  }
0x217: {  	v56 =	vor.u32 v27, v33;
	[tilespmem:s17+$0x860] =	vst v45;
	v48 =	vld.idx.msk [tilespmem:v63+s13+$0x0], $0xffff  }
0x218: {  	v57 =	vor.u32 v24, v43;
	v46 =	vld.idx.msk [tilespmem:v52+s13+$0x0], $0xffff;
	[tilespmem:s23+$0x860] =	vst v40  }
0x219: {  	v58 =	vor.u32 v24, v35;
	v38 =	vld.idx.msk [tilespmem:v53+s13+$0x0], $0xffff;
	[tilespmem:s28+$0x860] =	vst v37  }
0x21a: {  	v60 =	vor.u32 v24, v41;
	[tilespmem:s6+$0xC70] =	vst v36;
	v59 =	vld.idx.msk [tilespmem:v54+s13+$0x0], $0xffff  }
0x21b: {  	v61 =	vld.idx.msk [tilespmem:v55+s13+$0x0], $0xffff;
	v62 =	vor.u32 v24, v42;
	[tilespmem:s1+$0xC20] =	vst v47  }
0x21c: {  	v44 =	vld.idx.msk [tilespmem:v56+s13+$0x0], $0xffff;
	v63 =	vor.u32 v27, v32;
	[tilespmem:s16+$0x870] =	vst v48  }
0x21d: {  	v52 =	vor.u32 v27, v34;
	[tilespmem:s17+$0x870] =	vst v46;
	v45 =	vld.idx.msk [tilespmem:v57+s13+$0x0], $0xffff  }
0x21e: {  	v53 =	vor.u32 v25, v43;
	v37 =	vld.idx.msk [tilespmem:v58+s13+$0x0], $0xffff;
	[tilespmem:s23+$0x870] =	vst v38  }
0x21f: {  	v54 =	vor.u32 v25, v35;
	v38 =	vld.idx.msk [tilespmem:v60+s13+$0x0], $0xffff;
	[tilespmem:s28+$0x870] =	vst v59  }
0x220: {  	v55 =	vor.u32 v25, v41;
	[tilespmem:s31+$0xC20] =	vst v61;
	v36 =	vld.idx.msk [tilespmem:v62+s13+$0x0], $0xffff  }
0x221: {  	[tilespmem:s0+$0xC30] =	vst v44;
	v56 =	vld.idx.msk [tilespmem:v63+s13+$0x0], $0xffff;
	v57 =	vor.u32 v25, v42  }
0x222: {  	v58 =	vor.u32 v28, v33;
	v48 =	vld.idx.msk [tilespmem:v52+s13+$0x0], $0xffff;
	[tilespmem:s16+$0xC00] =	vst v45  }
0x223: {  	v59 =	vor.u32 v28, v32;
	[tilespmem:s17+$0xC00] =	vst v37;
	v46 =	vld.idx.msk [tilespmem:v53+s13+$0x0], $0xffff  }
0x224: {  	v60 =	vor.u32 v26, v43;
	v39 =	vld.idx.msk [tilespmem:v54+s13+$0x0], $0xffff;
	[tilespmem:s23+$0xC00] =	vst v38  }
0x225: {  	v61 =	vor.u32 v26, v35;
	v38 =	vld.idx.msk [tilespmem:v55+s13+$0x0], $0xffff;
	[tilespmem:s28+$0xC00] =	vst v36  }
0x226: {  	v63 =	vor.u32 v26, v41;
	[tilespmem:s1+$0xC30] =	vst v56;
	v62 =	vld.idx.msk [tilespmem:v57+s13+$0x0], $0xffff  }
0x227: {  	v52 =	vld.idx.msk [tilespmem:v58+s13+$0x0], $0xffff;
	[tilespmem:s31+$0xC30] =	vst v48;
	v53 =	vor.u32 v26, v42  }
0x228: {  	v54 =	vor.u32 v28, v34;
	v45 =	vld.idx.msk [tilespmem:v59+s13+$0x0], $0xffff;
	[tilespmem:s16+$0xC10] =	vst v46  }
0x229: {  	v55 =	vor.u32 v29, v33;
	[tilespmem:s17+$0xC10] =	vst v39;
	v37 =	vld.idx.msk [tilespmem:v60+s13+$0x0], $0xffff  }
0x22a: {  	v56 =	vor.u32 v27, v43;
	v36 =	vld.idx.msk [tilespmem:v61+s13+$0x0], $0xffff;
	[tilespmem:s23+$0xC10] =	vst v38  }
0x22b: {  	v57 =	vor.u32 v27, v35;
	v38 =	vld.idx.msk [tilespmem:v63+s13+$0x0], $0xffff;
	[tilespmem:s28+$0xC10] =	vst v62  }
0x22c: {  	v58 =	vor.u32 v27, v41;
	[tilespmem:s0+$0xC40] =	vst v52;
	v40 =	vld.idx.msk [tilespmem:v53+s13+$0x0], $0xffff  }
0x22d: {  	v59 =	vld.idx.msk [tilespmem:v54+s13+$0x0], $0xffff;
	[tilespmem:s1+$0xC40] =	vst v45;
	v60 =	vor.u32 v27, v42  }
0x22e: {  	v61 =	vor.u32 v29, v32;
	v46 =	vld.idx.msk [tilespmem:v55+s13+$0x0], $0xffff;
	[tilespmem:s16+$0xC20] =	vst v37  }
0x22f: {  	v62 =	vor.u32 v29, v34;
	[tilespmem:s17+$0xC20] =	vst v36;
	v39 =	vld.idx.msk [tilespmem:v56+s13+$0x0], $0xffff  }
0x230: {  	v63 =	vor.u32 v28, v43;
	v44 =	vld.idx.msk [tilespmem:v57+s13+$0x0], $0xffff;
	[tilespmem:s23+$0xC20] =	vst v38  }
0x231: {  	v52 =	vor.u32 v28, v35;
	v38 =	vld.idx.msk [tilespmem:v58+s13+$0x0], $0xffff;
	[tilespmem:s28+$0xC20] =	vst v40  }
0x232: {  	[tilespmem:s31+$0xC40] =	vst v59;
	v53 =	vor.u32 v28, v41;
	v45 =	vld.idx.msk [tilespmem:v60+s13+$0x0], $0xffff  }
0x233: {  	v55 =	vor.u32 v28, v42;
	v54 =	vld.idx.msk [tilespmem:v61+s13+$0x0], $0xffff;
	[tilespmem:s0+$0xC50] =	vst v46  }
0x234: {  	v37 =	vld.idx.msk [tilespmem:v62+s13+$0x0], $0xffff;
	v56 =	vor.u32 v30, v33;
	[tilespmem:s16+$0xC30] =	vst v39  }
0x235: {  	v57 =	vor.u32 v30, v32;
	[tilespmem:s17+$0xC30] =	vst v44;
	v36 =	vld.idx.msk [tilespmem:v63+s13+$0x0], $0xffff  }
0x236: {  	v58 =	vor.u32 v29, v43;
	v40 =	vld.idx.msk [tilespmem:v52+s13+$0x0], $0xffff;
	[tilespmem:s23+$0xC30] =	vst v38  }
0x237: {  	v59 =	vor.u32 v29, v35;
	v38 =	vld.idx.msk [tilespmem:v53+s13+$0x0], $0xffff;
	[tilespmem:s28+$0xC30] =	vst v45  }
0x238: {  	[tilespmem:s1+$0xC50] =	vst v54;
	v60 =	vor.u32 v29, v41;
	v46 =	vld.idx.msk [tilespmem:v55+s13+$0x0], $0xffff  }
0x239: {  	v62 =	vor.u32 v29, v42;
	[tilespmem:s31+$0xC50] =	vst v37;
	v61 =	vld.idx.msk [tilespmem:v56+s13+$0x0], $0xffff  }
0x23a: {  	v39 =	vld.idx.msk [tilespmem:v57+s13+$0x0], $0xffff;
	v63 =	vor.u32 v30, v34;
	[tilespmem:s16+$0xC40] =	vst v36  }
0x23b: {  	v50 =	vor.u32 v31, v33;
	[tilespmem:s17+$0xC40] =	vst v40;
	v36 =	vld.idx.msk [tilespmem:v58+s13+$0x0], $0xffff  }
0x23c: {  	v51 =	vor.u32 v30, v43;
	v52 =	vld.idx.msk [tilespmem:v59+s13+$0x0], $0xffff;
	[tilespmem:s23+$0xC40] =	vst v38  }
0x23d: {  	v53 =	vor.u32 v30, v35;
	v38 =	vld.idx.msk [tilespmem:v60+s13+$0x0], $0xffff;
	[tilespmem:s28+$0xC40] =	vst v46  }
0x23e: {  	v54 =	vor.u32 v30, v41;
	[tilespmem:s0+$0xC60] =	vst v61;
	v37 =	vld.idx.msk [tilespmem:v62+s13+$0x0], $0xffff  }
0x23f: {  	v56 =	vor.u32 v30, v42;
	[tilespmem:s1+$0xC60] =	vst v39;
	v55 =	vld.idx.msk [tilespmem:v63+s13+$0x0], $0xffff  }
0x240: {  	v57 =	vor.u32 v31, v32;
	v33 =	vld.idx.msk [tilespmem:v50+s13+$0x0], $0xffff;
	[tilespmem:s16+$0xC50] =	vst v36  }
0x241: {  	v58 =	vor.u32 v31, v34;
	[tilespmem:s17+$0xC50] =	vst v52;
	v36 =	vld.idx.msk [tilespmem:v51+s13+$0x0], $0xffff  }
0x242: {  	v59 =	vor.u32 v31, v43;
	v60 =	vld.idx.msk [tilespmem:v53+s13+$0x0], $0xffff;
	[tilespmem:s23+$0xC50] =	vst v38  }
0x243: {  	v61 =	vor.u32 v31, v35;
	v38 =	vld.idx.msk [tilespmem:v54+s13+$0x0], $0xffff;
	[tilespmem:s28+$0xC50] =	vst v37  }
0x244: {  	v62 =	vor.u32 v31, v41;
	[tilespmem:s31+$0xC60] =	vst v55;
	v37 =	vld.idx.msk [tilespmem:v56+s13+$0x0], $0xffff  }
0x245: {  	v32 =	vld.idx.msk [tilespmem:v57+s13+$0x0], $0xffff;
	v63 =	vor.u32 v31, v42;
	[tilespmem:s0+$0xC70] =	vst v33  }
0x246: {  	v34 =	vld.idx.msk [tilespmem:v58+s13+$0x0], $0xffff;
	[tilespmem:s16+$0xC60] =	vst v36  }
0x247: {  	[tilespmem:s17+$0xC60] =	vst v60;
	v36 =	vld.idx.msk [tilespmem:v59+s13+$0x0], $0xffff  }
0x248: {  	v35 =	vld.idx.msk [tilespmem:v61+s13+$0x0], $0xffff;
	[tilespmem:s23+$0xC60] =	vst v38  }
0x249: {  	v38 =	vld.idx.msk [tilespmem:v62+s13+$0x0], $0xffff;
	[tilespmem:s28+$0xC60] =	vst v37  }
0x24a: {  	s11 =	sshll.u32 s29, $0xA;
	[tilespmem:s1+$0xC70] =	vst v32;
	v37 =	vld.idx.msk [tilespmem:v63+s13+$0x0], $0xffff  }
0x24b: {  	s0 =	sadd.s32 s3, s11;
	[tilespmem:s31+$0xC70] =	vst v34  }
0x24c: {  	[tilespmem:s16+$0xC70] =	vst v36;
	s16 =	sshll.u32 s0, $0x2  }
0x24d: {  	[tilespmem:s17+$0xC70] =	vst v35;
	s0 =	sand.u32 $0xC00, s0;
	s1 =	sand.u32 $0x7FFFC000, s16  }
0x24e: {  	p0 =	seq.s32 s29, $0x18;
	[tilespmem:s23+$0xC70] =	vst v38;
	s0 =	sor.u32 s0, s1  }
0x24f: {  	p1 =	seq.s32 @!p0 s29, $0x0;
	s19 =	simm.s32 $0xE400;
	[tilespmem:s28+$0xC70] =	vst v37;
	s1 =	sadd.s32 s2, s0  }
0x250: {  	[hbm4b:s1+s4] =	stream.linear.scatter [tilespmem:s19], [sflag:$0x3], $0x1000, $0x38;
	[tilespmem:$0x16400] =	vst v63  }
0x251: {  	s22 =	simm.s32 $0xF400;
	s25 =	simm.s32 $0x10400;
	s21 =	sadd.s32 s0, s7  }
0x252: {  	[hbm4b:s21+s4] =	stream.linear.scatter [tilespmem:s22], [sflag:$0x3], $0x1000, $0x38;
	[tilespmem:$0x16400] =	vst v63  }
0x253: {  	s10 =	simm.s32 $0x3;
	s6 =	simm.s32 $0x11400;
	s23 =	sadd.s32 s0, s8  }
0x254: {  	[hbm4b:s23+s4] =	stream.linear.scatter [tilespmem:s25], [sflag:$0x3], $0x1000, $0x38;
	[tilespmem:$0x16400] =	vst v63  }
0x255: {  	s11 =	simm.s32 $0x1;
	s17 =	simm.s32 $0x0;
	s0 =	sadd.s32 s0, s9  }
0x256: {  	v38 =	vmov s10;
	[hbm4b:s0+s4] =	stream.linear.scatter [tilespmem:s6], [sflag:$0x3], $0x1000, $0x38;
	[tilespmem:$0x16400] =	vst v63  }
0x257: {  	v39 =	vmov s11;
	v32 =	vand.u32 $0x1F, v38;
	s16 =	simm.s32 $0x2;
	s0 =	sshll.u32 @!p0 s29, $0xA;
	_ =	swait.ge [sflag:s20], $0x4000  }
0x258: {  	v33 =	vand.u32 $0x1D, v39;
	v41 =	vbroadcast v32, $0x0;
	s1 =	simm.s32 @!p0 $0x200;
	s0 =	sand.u32 @!p0 $0x3FFFFC00, s0;
	[sflag:s20] =	ssyncset.done $0x0  }
0x259: {  	v39 =	vbroadcast v33, $0x0;
	v40 =	vmov s16;
	s6 =	simm.s32 @!p0 $0x6400;
	s0 =	sadd.s32 @!p0 $0x400, s0;
	[sflag:s20] =	ssyncadd.s32 $0xFFFFC000  }
0x25a: {  	v42 =	vmov s17;
	v32 =	vand.u32 $0x1E, v40;
	v43 =	vor.u32 v0, v41;
	[tilespmem:s6], [sflag:$0x1] =	stream.indirect.gather @!p0 [hbm4b:s5+s1], $0x20, s0, s1, $0xb8;
	[tilespmem:$0x16400] =	vst v63  }
0x25b: {  	v44 =	vand.u32 $0x1C, v42;
	v38 =	vbroadcast v32, $0x0;
	p0 =	por p0, !p1  }
0x25c: {  	v45 =	vor.u32 v0, v39;
	v37 =	vbroadcast v44, $0x0;
	_ =	swait.ge @p0 [sflag:s26], $0x4000  }
0x25d: {  	v46 =	vor.u32 v0, v38;
	[sflag:s26] =	ssyncset.done @p0 $0x0  }
0x25e: {  	v47 =	vor.u32 v0, v37;
	[sflag:s26] =	ssyncadd.s32 @p0 $0xFFFFC000  }
0x25f: {  	v34 =	vld.idx.msk [tilespmem:v43+s15+$0x0], $0xffff  }
0x260: {  	v48 =	vor.u32 v1, v41  }
0x261: {  	s18 =	simm.s32 $0x180;
	s1 =	sand.u32 $0x3000, s17;
	v33 =	vld.idx.msk [tilespmem:v45+s15+$0x0], $0xffff  }
0x262: {  	v49 =	vor.u32 v1, v39;
	s0 =	sand.u32 $0x380, s18;
	s1 =	sadd.s32 $0x12400, s1;
	v32 =	vld.idx.msk [tilespmem:v46+s15+$0x0], $0xffff  }
0x263: {  	s19 =	simm.s32 $0x80;
	v50 =	vor.u32 v1, v38;
	s17 =	sor.u32 s0, s1;
	v35 =	vld.idx.msk [tilespmem:v47+s15+$0x0], $0xffff  }
0x264: {  	v51 =	vor.u32 v1, v37;
	s21 =	simm.s32 $0x100;
	s6 =	sand.u32 $0x280, s19;
	[tilespmem:s17+$0x0] =	vst v34  }
0x265: {  	s22 =	simm.s32 $0x0;
	s0 =	sand.u32 $0x300, s21;
	s25 =	sor.u32 s6, s1;
	v34 =	vld.idx.msk [tilespmem:v48+s15+$0x0], $0xffff  }
0x266: {  	v52 =	vor.u32 v2, v41;
	s23 =	sand.u32 $0x200, s22;
	s10 =	sor.u32 s0, s1;
	[tilespmem:s25+$0x0] =	vst v33  }
0x267: {  	s11 =	sor.u32 s23, s1;
	[tilespmem:s10+$0x0] =	vst v32;
	v53 =	vld.idx.msk [tilespmem:v49+s15+$0x0], $0xffff  }
0x268: {  	v54 =	vor.u32 v2, v39;
	[tilespmem:s11+$0x0] =	vst v35;
	v32 =	vld.idx.msk [tilespmem:v50+s15+$0x0], $0xffff  }
0x269: {  	v56 =	vor.u32 v2, v38;
	v55 =	vld.idx.msk [tilespmem:v51+s15+$0x0], $0xffff  }
0x26a: {  	v57 =	vor.u32 v2, v37;
	[tilespmem:s17+$0x10] =	vst v34  }
0x26b: {  	v33 =	vld.idx.msk [tilespmem:v52+s15+$0x0], $0xffff  }
0x26c: {  	v58 =	vor.u32 v3, v41;
	[tilespmem:s25+$0x10] =	vst v53  }
0x26d: {  	[tilespmem:s10+$0x10] =	vst v32;
	v35 =	vld.idx.msk [tilespmem:v54+s15+$0x0], $0xffff  }
0x26e: {  	v59 =	vor.u32 v3, v39;
	[tilespmem:s11+$0x10] =	vst v55;
	v32 =	vld.idx.msk [tilespmem:v56+s15+$0x0], $0xffff  }
0x26f: {  	v60 =	vor.u32 v3, v38;
	v40 =	vld.idx.msk [tilespmem:v57+s15+$0x0], $0xffff  }
0x270: {  	v61 =	vor.u32 v3, v37;
	[tilespmem:s17+$0x20] =	vst v33  }
0x271: {  	v33 =	vld.idx.msk [tilespmem:v58+s15+$0x0], $0xffff  }
0x272: {  	v62 =	vor.u32 v4, v41;
	[tilespmem:s25+$0x20] =	vst v35  }
0x273: {  	[tilespmem:s10+$0x20] =	vst v32;
	v35 =	vld.idx.msk [tilespmem:v59+s15+$0x0], $0xffff  }
0x274: {  	v63 =	vor.u32 v4, v39;
	[tilespmem:s11+$0x20] =	vst v40;
	v32 =	vld.idx.msk [tilespmem:v60+s15+$0x0], $0xffff  }
0x275: {  	v45 =	vor.u32 v4, v38;
	v40 =	vld.idx.msk [tilespmem:v61+s15+$0x0], $0xffff  }
0x276: {  	v46 =	vor.u32 v4, v37;
	[tilespmem:s17+$0x30] =	vst v33  }
0x277: {  	v33 =	vld.idx.msk [tilespmem:v62+s15+$0x0], $0xffff  }
0x278: {  	v47 =	vor.u32 v5, v41;
	[tilespmem:s25+$0x30] =	vst v35  }
0x279: {  	[tilespmem:s10+$0x30] =	vst v32;
	v35 =	vld.idx.msk [tilespmem:v63+s15+$0x0], $0xffff  }
0x27a: {  	v48 =	vor.u32 v5, v39;
	[tilespmem:s11+$0x30] =	vst v40;
	v32 =	vld.idx.msk [tilespmem:v45+s15+$0x0], $0xffff  }
0x27b: {  	v49 =	vor.u32 v5, v38;
	v40 =	vld.idx.msk [tilespmem:v46+s15+$0x0], $0xffff  }
0x27c: {  	v50 =	vor.u32 v5, v37;
	[tilespmem:s17+$0x40] =	vst v33  }
0x27d: {  	v33 =	vld.idx.msk [tilespmem:v47+s15+$0x0], $0xffff  }
0x27e: {  	v51 =	vor.u32 v6, v41;
	[tilespmem:s25+$0x40] =	vst v35  }
0x27f: {  	[tilespmem:s10+$0x40] =	vst v32;
	v35 =	vld.idx.msk [tilespmem:v48+s15+$0x0], $0xffff  }
0x280: {  	v52 =	vor.u32 v6, v39;
	[tilespmem:s11+$0x40] =	vst v40;
	v32 =	vld.idx.msk [tilespmem:v49+s15+$0x0], $0xffff  }
0x281: {  	v53 =	vor.u32 v6, v38;
	v40 =	vld.idx.msk [tilespmem:v50+s15+$0x0], $0xffff  }
0x282: {  	v54 =	vor.u32 v6, v37;
	[tilespmem:s17+$0x50] =	vst v33  }
0x283: {  	v33 =	vld.idx.msk [tilespmem:v51+s15+$0x0], $0xffff  }
0x284: {  	v55 =	vor.u32 v7, v41;
	[tilespmem:s25+$0x50] =	vst v35  }
0x285: {  	[tilespmem:s10+$0x50] =	vst v32;
	v35 =	vld.idx.msk [tilespmem:v52+s15+$0x0], $0xffff  }
0x286: {  	v56 =	vor.u32 v7, v39;
	[tilespmem:s11+$0x50] =	vst v40;
	v32 =	vld.idx.msk [tilespmem:v53+s15+$0x0], $0xffff  }
0x287: {  	v57 =	vor.u32 v7, v38;
	v40 =	vld.idx.msk [tilespmem:v54+s15+$0x0], $0xffff  }
0x288: {  	v58 =	vor.u32 v7, v37;
	[tilespmem:s17+$0x60] =	vst v33  }
0x289: {  	v33 =	vld.idx.msk [tilespmem:v55+s15+$0x0], $0xffff  }
0x28a: {  	v59 =	vor.u32 v8, v41;
	[tilespmem:s25+$0x60] =	vst v35  }
0x28b: {  	[tilespmem:s10+$0x60] =	vst v32;
	v35 =	vld.idx.msk [tilespmem:v56+s15+$0x0], $0xffff  }
0x28c: {  	v60 =	vor.u32 v8, v39;
	[tilespmem:s11+$0x60] =	vst v40;
	v32 =	vld.idx.msk [tilespmem:v57+s15+$0x0], $0xffff  }
0x28d: {  	v61 =	vor.u32 v8, v38;
	v40 =	vld.idx.msk [tilespmem:v58+s15+$0x0], $0xffff  }
0x28e: {  	v62 =	vor.u32 v8, v37;
	[tilespmem:s17+$0x70] =	vst v33  }
0x28f: {  	v33 =	vld.idx.msk [tilespmem:v59+s15+$0x0], $0xffff  }
0x290: {  	v63 =	vor.u32 v9, v41;
	[tilespmem:s25+$0x70] =	vst v35  }
0x291: {  	[tilespmem:s10+$0x70] =	vst v32;
	v35 =	vld.idx.msk [tilespmem:v60+s15+$0x0], $0xffff  }
0x292: {  	v45 =	vor.u32 v9, v39;
	[tilespmem:s11+$0x70] =	vst v40;
	v32 =	vld.idx.msk [tilespmem:v61+s15+$0x0], $0xffff  }
0x293: {  	v46 =	vor.u32 v9, v38;
	v40 =	vld.idx.msk [tilespmem:v62+s15+$0x0], $0xffff  }
0x294: {  	v47 =	vor.u32 v9, v37;
	[tilespmem:s17+$0x400] =	vst v33  }
0x295: {  	v33 =	vld.idx.msk [tilespmem:v63+s15+$0x0], $0xffff  }
0x296: {  	v48 =	vor.u32 v10, v41;
	[tilespmem:s25+$0x400] =	vst v35  }
0x297: {  	[tilespmem:s10+$0x400] =	vst v32;
	v35 =	vld.idx.msk [tilespmem:v45+s15+$0x0], $0xffff  }
0x298: {  	v49 =	vor.u32 v10, v39;
	[tilespmem:s11+$0x400] =	vst v40;
	v32 =	vld.idx.msk [tilespmem:v46+s15+$0x0], $0xffff  }
0x299: {  	v50 =	vor.u32 v10, v38;
	v40 =	vld.idx.msk [tilespmem:v47+s15+$0x0], $0xffff  }
0x29a: {  	v51 =	vor.u32 v10, v37;
	[tilespmem:s17+$0x410] =	vst v33  }
0x29b: {  	v33 =	vld.idx.msk [tilespmem:v48+s15+$0x0], $0xffff  }
0x29c: {  	v52 =	vor.u32 v11, v41;
	[tilespmem:s25+$0x410] =	vst v35  }
0x29d: {  	[tilespmem:s10+$0x410] =	vst v32;
	v35 =	vld.idx.msk [tilespmem:v49+s15+$0x0], $0xffff  }
0x29e: {  	v53 =	vor.u32 v11, v39;
	[tilespmem:s11+$0x410] =	vst v40;
	v32 =	vld.idx.msk [tilespmem:v50+s15+$0x0], $0xffff  }
0x29f: {  	v54 =	vor.u32 v11, v38;
	v40 =	vld.idx.msk [tilespmem:v51+s15+$0x0], $0xffff  }
0x2a0: {  	v55 =	vor.u32 v11, v37;
	[tilespmem:s17+$0x420] =	vst v33  }
0x2a1: {  	v33 =	vld.idx.msk [tilespmem:v52+s15+$0x0], $0xffff  }
0x2a2: {  	v56 =	vor.u32 v12, v41;
	[tilespmem:s25+$0x420] =	vst v35  }
0x2a3: {  	[tilespmem:s10+$0x420] =	vst v32;
	v35 =	vld.idx.msk [tilespmem:v53+s15+$0x0], $0xffff  }
0x2a4: {  	v57 =	vor.u32 v12, v39;
	[tilespmem:s11+$0x420] =	vst v40;
	v32 =	vld.idx.msk [tilespmem:v54+s15+$0x0], $0xffff  }
0x2a5: {  	v58 =	vor.u32 v12, v38;
	v40 =	vld.idx.msk [tilespmem:v55+s15+$0x0], $0xffff  }
0x2a6: {  	v59 =	vor.u32 v12, v37;
	[tilespmem:s17+$0x430] =	vst v33  }
0x2a7: {  	v33 =	vld.idx.msk [tilespmem:v56+s15+$0x0], $0xffff  }
0x2a8: {  	v60 =	vor.u32 v13, v41;
	[tilespmem:s25+$0x430] =	vst v35  }
0x2a9: {  	[tilespmem:s10+$0x430] =	vst v32;
	v35 =	vld.idx.msk [tilespmem:v57+s15+$0x0], $0xffff  }
0x2aa: {  	v61 =	vor.u32 v13, v39;
	[tilespmem:s11+$0x430] =	vst v40;
	v32 =	vld.idx.msk [tilespmem:v58+s15+$0x0], $0xffff  }
0x2ab: {  	v62 =	vor.u32 v13, v38;
	v40 =	vld.idx.msk [tilespmem:v59+s15+$0x0], $0xffff  }
0x2ac: {  	v63 =	vor.u32 v13, v37;
	[tilespmem:s17+$0x440] =	vst v33  }
0x2ad: {  	v33 =	vld.idx.msk [tilespmem:v60+s15+$0x0], $0xffff  }
0x2ae: {  	v45 =	vor.u32 v14, v41;
	[tilespmem:s25+$0x440] =	vst v35  }
0x2af: {  	[tilespmem:s10+$0x440] =	vst v32;
	v35 =	vld.idx.msk [tilespmem:v61+s15+$0x0], $0xffff  }
0x2b0: {  	v46 =	vor.u32 v14, v39;
	[tilespmem:s11+$0x440] =	vst v40;
	v32 =	vld.idx.msk [tilespmem:v62+s15+$0x0], $0xffff  }
0x2b1: {  	v47 =	vor.u32 v14, v38;
	v40 =	vld.idx.msk [tilespmem:v63+s15+$0x0], $0xffff  }
0x2b2: {  	v48 =	vor.u32 v14, v37;
	[tilespmem:s17+$0x450] =	vst v33  }
0x2b3: {  	v33 =	vld.idx.msk [tilespmem:v45+s15+$0x0], $0xffff  }
0x2b4: {  	v49 =	vor.u32 v15, v41;
	[tilespmem:s25+$0x450] =	vst v35  }
0x2b5: {  	[tilespmem:s10+$0x450] =	vst v32;
	v35 =	vld.idx.msk [tilespmem:v46+s15+$0x0], $0xffff  }
0x2b6: {  	v50 =	vor.u32 v15, v39;
	[tilespmem:s11+$0x450] =	vst v40;
	v32 =	vld.idx.msk [tilespmem:v47+s15+$0x0], $0xffff  }
0x2b7: {  	v51 =	vor.u32 v15, v38;
	v40 =	vld.idx.msk [tilespmem:v48+s15+$0x0], $0xffff  }
0x2b8: {  	v52 =	vor.u32 v15, v37;
	[tilespmem:s17+$0x460] =	vst v33  }
0x2b9: {  	v33 =	vld.idx.msk [tilespmem:v49+s15+$0x0], $0xffff  }
0x2ba: {  	v53 =	vor.u32 v16, v41;
	[tilespmem:s25+$0x460] =	vst v35  }
0x2bb: {  	[tilespmem:s10+$0x460] =	vst v32;
	v35 =	vld.idx.msk [tilespmem:v50+s15+$0x0], $0xffff  }
0x2bc: {  	s1 =	simm.s32 $0x5;
	v54 =	vor.u32 v16, v39;
	[tilespmem:s11+$0x460] =	vst v40;
	v32 =	vld.idx.msk [tilespmem:v51+s15+$0x0], $0xffff  }
0x2bd: {  	v55 =	vmov s1;
	v57 =	vor.u32 v16, v38;
	v56 =	vld.idx.msk [tilespmem:v52+s15+$0x0], $0xffff  }
0x2be: {  	v58 =	vor.u32 v16, v37;
	v40 =	vand.u32 $0x1D, v55;
	[tilespmem:s17+$0x470] =	vst v33  }
0x2bf: {  	v33 =	vbroadcast v40, $0x0;
	v34 =	vld.idx.msk [tilespmem:v53+s15+$0x0], $0xffff  }
0x2c0: {  	s6 =	simm.s32 $0x6;
	v59 =	vor.u32 v17, v41;
	[tilespmem:s25+$0x470] =	vst v35  }
0x2c1: {  	s16 =	simm.s32 $0x7;
	v60 =	vmov s6;
	[tilespmem:s10+$0x470] =	vst v32;
	v61 =	vld.idx.msk [tilespmem:v54+s15+$0x0], $0xffff;
	v40 =	vor.u32 v0, v33  }
0x2c2: {  	v62 =	vand.u32 $0x1E, v60;
	v52 =	vor.u32 v17, v39;
	[tilespmem:s11+$0x470] =	vst v56;
	v63 =	vld.idx.msk [tilespmem:v57+s15+$0x0], $0xffff;
	v54 =	vmov s16  }
0x2c3: {  	v32 =	vbroadcast v62, $0x0;
	v44 =	vld.idx.msk [tilespmem:v58+s15+$0x0], $0xffff;
	v53 =	vor.u32 v17, v38;
	v56 =	vand.u32 $0x1F, v54  }
0x2c4: {  	v55 =	vor.u32 v17, v37;
	v36 =	vbroadcast v56, $0x0;
	[tilespmem:s17+$0x800] =	vst v34  }
0x2c5: {  	v57 =	vor.u32 v0, v32;
	v35 =	vld.idx.msk [tilespmem:v59+s15+$0x0], $0xffff  }
0x2c6: {  	s18 =	simm.s32 $0x4;
	v60 =	vor.u32 v0, v36;
	[tilespmem:s25+$0x800] =	vst v61;
	v49 =	vld.idx.msk [tilespmem:v40+s15+$0x0], $0xffff  }
0x2c7: {  	v58 =	vor.u32 v18, v41;
	[tilespmem:s10+$0x800] =	vst v63;
	v43 =	vld.idx.msk [tilespmem:v52+s15+$0x0], $0xffff;
	v59 =	vmov s18  }
0x2c8: {  	v62 =	vor.u32 v18, v39;
	[tilespmem:s11+$0x800] =	vst v44;
	v61 =	vld.idx.msk [tilespmem:v53+s15+$0x0], $0xffff;
	v34 =	vand.u32 $0x1C, v59  }
0x2c9: {  	s19 =	simm.s32 $0x9;
	v54 =	vor.u32 v18, v38;
	v63 =	vld.idx.msk [tilespmem:v55+s15+$0x0], $0xffff;
	v34 =	vbroadcast v34, $0x0  }
0x2ca: {  	v56 =	vor.u32 v18, v37;
	v53 =	vmov s19;
	v48 =	vld.idx.msk [tilespmem:v57+s15+$0x0], $0xffff  }
0x2cb: {  	v55 =	vand.u32 $0x1D, v53;
	v42 =	vld.idx.msk [tilespmem:v60+s15+$0x0], $0xffff;
	v57 =	vor.u32 v0, v34;
	[tilespmem:s17+$0x810] =	vst v35  }
0x2cc: {  	s28 =	simm.s32 $0x800;
	v60 =	vor.u32 v1, v36;
	v35 =	vbroadcast v55, $0x0;
	[tilespmem:s25+$0x810] =	vst v43;
	v40 =	vld.idx.msk [tilespmem:v58+s15+$0x0], $0xffff  }
0x2cd: {  	s21 =	sand.u32 $0x3000, s28;
	s16 =	simm.s32 $0x380;
	[tilespmem:s10+$0x810] =	vst v61;
	v58 =	vor.u32 v19, v41;
	v45 =	vld.idx.msk [tilespmem:v62+s15+$0x0], $0xffff  }
0x2ce: {  	s22 =	sand.u32 $0x380, s16;
	s18 =	sadd.s32 $0x12400, s21;
	[tilespmem:s11+$0x810] =	vst v63;
	v50 =	vld.idx.msk [tilespmem:v54+s15+$0x0], $0xffff;
	v59 =	vor.u32 v0, v35  }
0x2cf: {  	s6 =	sor.u32 s22, s18;
	v61 =	vor.u32 v19, v39;
	v47 =	vld.idx.msk [tilespmem:v56+s15+$0x0], $0xffff  }
0x2d0: {  	v62 =	vor.u32 v1, v33;
	[tilespmem:s6+$0x0] =	vst v42;
	v51 =	vld.idx.msk [tilespmem:v57+s15+$0x0], $0xffff  }
0x2d1: {  	s23 =	simm.s32 $0x280;
	v63 =	vor.u32 v1, v32;
	v42 =	vld.idx.msk [tilespmem:v60+s15+$0x0], $0xffff;
	[tilespmem:s17+$0x820] =	vst v40  }
0x2d2: {  	s1 =	sand.u32 $0x280, s23;
	s19 =	simm.s32 $0x300;
	v43 =	vld.idx.msk [tilespmem:v58+s15+$0x0], $0xffff  }
0x2d3: {  	s22 =	sand.u32 $0x300, s19;
	s0 =	sor.u32 s1, s18;
	v56 =	vor.u32 v1, v34;
	[tilespmem:s25+$0x820] =	vst v45;
	v40 =	vld.idx.msk [tilespmem:v59+s15+$0x0], $0xffff  }
0x2d4: {  	s21 =	simm.s32 $0x200;
	s1 =	sor.u32 s22, s18;
	[tilespmem:s0+$0x0] =	vst v49;
	v60 =	vor.u32 v2, v36;
	v46 =	vld.idx.msk [tilespmem:v61+s15+$0x0], $0xffff  }
0x2d5: {  	s19 =	sand.u32 $0x200, s21;
	[tilespmem:s1+$0x0] =	vst v48;
	v58 =	vor.u32 v19, v38;
	v59 =	vld.idx.msk [tilespmem:v62+s15+$0x0], $0xffff  }
0x2d6: {  	s31 =	sor.u32 s19, s18;
	v57 =	vor.u32 v20, v41;
	[tilespmem:s10+$0x820] =	vst v50;
	v61 =	vld.idx.msk [tilespmem:v63+s15+$0x0], $0xffff  }
0x2d7: {  	v63 =	vor.u32 v2, v33;
	[tilespmem:s31+$0x0] =	vst v51  }
0x2d8: {  	v62 =	vor.u32 v19, v37;
	[tilespmem:s6+$0x10] =	vst v42;
	v44 =	vld.idx.msk [tilespmem:v56+s15+$0x0], $0xffff  }
0x2d9: {  	v56 =	vor.u32 v2, v32;
	v48 =	vld.idx.msk [tilespmem:v60+s15+$0x0], $0xffff;
	[tilespmem:s17+$0x830] =	vst v43  }
0x2da: {  	v42 =	vld.idx.msk [tilespmem:v58+s15+$0x0], $0xffff;
	[tilespmem:s0+$0x10] =	vst v59;
	v59 =	vor.u32 v20, v39  }
0x2db: {  	[tilespmem:s1+$0x10] =	vst v61;
	v61 =	vor.u32 v3, v36;
	v45 =	vld.idx.msk [tilespmem:v57+s15+$0x0], $0xffff  }
0x2dc: {  	[tilespmem:s11+$0x820] =	vst v47;
	v57 =	vor.u32 v2, v34;
	v60 =	vld.idx.msk [tilespmem:v63+s15+$0x0], $0xffff  }
0x2dd: {  	v49 =	vld.idx.msk [tilespmem:v62+s15+$0x0], $0xffff;
	v62 =	vor.u32 v20, v38;
	[tilespmem:s25+$0x830] =	vst v46  }
0x2de: {  	v58 =	vor.u32 v21, v41;
	[tilespmem:s31+$0x10] =	vst v44;
	v43 =	vld.idx.msk [tilespmem:v56+s15+$0x0], $0xffff  }
0x2df: {  	v63 =	vor.u32 v3, v33;
	[tilespmem:s6+$0x20] =	vst v48;
	v48 =	vld.idx.msk [tilespmem:v59+s15+$0x0], $0xffff  }
0x2e0: {  	v56 =	vor.u32 v3, v32;
	v51 =	vld.idx.msk [tilespmem:v61+s15+$0x0], $0xffff;
	[tilespmem:s10+$0x830] =	vst v42  }
0x2e1: {  	v50 =	vld.idx.msk [tilespmem:v57+s15+$0x0], $0xffff;
	[tilespmem:s0+$0x20] =	vst v60;
	v60 =	vor.u32 v20, v37  }
0x2e2: {  	v61 =	vor.u32 v4, v36;
	[tilespmem:s17+$0x840] =	vst v45;
	v44 =	vld.idx.msk [tilespmem:v62+s15+$0x0], $0xffff  }
0x2e3: {  	[tilespmem:s11+$0x830] =	vst v49;
	v62 =	vor.u32 v21, v39;
	v57 =	vld.idx.msk [tilespmem:v58+s15+$0x0], $0xffff  }
0x2e4: {  	v58 =	vor.u32 v3, v34;
	v53 =	vld.idx.msk [tilespmem:v63+s15+$0x0], $0xffff;
	[tilespmem:s1+$0x20] =	vst v43  }
0x2e5: {  	v59 =	vor.u32 v22, v41;
	v45 =	vld.idx.msk [tilespmem:v56+s15+$0x0], $0xffff;
	[tilespmem:s6+$0x30] =	vst v51  }
0x2e6: {  	v63 =	vor.u32 v4, v33;
	[tilespmem:s25+$0x840] =	vst v48;
	v51 =	vld.idx.msk [tilespmem:v60+s15+$0x0], $0xffff  }
0x2e7: {  	[tilespmem:s31+$0x20] =	vst v50;
	v43 =	vld.idx.msk [tilespmem:v61+s15+$0x0], $0xffff;
	v60 =	vor.u32 v21, v38  }
0x2e8: {  	v50 =	vld.idx.msk [tilespmem:v62+s15+$0x0], $0xffff;
	[tilespmem:s17+$0x850] =	vst v57;
	v57 =	vor.u32 v4, v32  }
0x2e9: {  	v61 =	vor.u32 v5, v36;
	[tilespmem:s10+$0x840] =	vst v44;
	v47 =	vld.idx.msk [tilespmem:v58+s15+$0x0], $0xffff  }
0x2ea: {  	v62 =	vor.u32 v21, v37;
	[tilespmem:s0+$0x30] =	vst v53;
	v42 =	vld.idx.msk [tilespmem:v59+s15+$0x0], $0xffff  }
0x2eb: {  	v58 =	vor.u32 v4, v34;
	v53 =	vld.idx.msk [tilespmem:v63+s15+$0x0], $0xffff;
	[tilespmem:s1+$0x30] =	vst v45  }
0x2ec: {  	v59 =	vor.u32 v23, v41;
	[tilespmem:s6+$0x40] =	vst v43;
	v43 =	vld.idx.msk [tilespmem:v60+s15+$0x0], $0xffff  }
0x2ed: {  	v63 =	vor.u32 v5, v33;
	[tilespmem:s11+$0x840] =	vst v51;
	v46 =	vld.idx.msk [tilespmem:v57+s15+$0x0], $0xffff  }
0x2ee: {  	v60 =	vor.u32 v22, v39;
	[tilespmem:s25+$0x850] =	vst v50;
	v45 =	vld.idx.msk [tilespmem:v61+s15+$0x0], $0xffff  }
0x2ef: {  	v56 =	vor.u32 v5, v32;
	[tilespmem:s31+$0x30] =	vst v47;
	v47 =	vld.idx.msk [tilespmem:v62+s15+$0x0], $0xffff  }
0x2f0: {  	v61 =	vor.u32 v6, v36;
	v49 =	vld.idx.msk [tilespmem:v58+s15+$0x0], $0xffff;
	[tilespmem:s17+$0x860] =	vst v42  }
0x2f1: {  	v62 =	vor.u32 v22, v38;
	[tilespmem:s0+$0x40] =	vst v53;
	v57 =	vld.idx.msk [tilespmem:v59+s15+$0x0], $0xffff  }
0x2f2: {  	v58 =	vor.u32 v5, v34;
	v53 =	vld.idx.msk [tilespmem:v63+s15+$0x0], $0xffff;
	[tilespmem:s1+$0x40] =	vst v46  }
0x2f3: {  	v59 =	vor.u32 v24, v41;
	[tilespmem:s6+$0x50] =	vst v45;
	v45 =	vld.idx.msk [tilespmem:v60+s15+$0x0], $0xffff  }
0x2f4: {  	v63 =	vor.u32 v6, v33;
	[tilespmem:s10+$0x850] =	vst v43;
	v42 =	vld.idx.msk [tilespmem:v56+s15+$0x0], $0xffff  }
0x2f5: {  	[tilespmem:s31+$0x40] =	vst v49;
	v46 =	vld.idx.msk [tilespmem:v61+s15+$0x0], $0xffff;
	v61 =	vor.u32 v22, v37  }
0x2f6: {  	v49 =	vld.idx.msk [tilespmem:v62+s15+$0x0], $0xffff;
	[tilespmem:s17+$0x870] =	vst v57;
	v57 =	vor.u32 v6, v32  }
0x2f7: {  	[tilespmem:s11+$0x850] =	vst v47;
	v62 =	vor.u32 v7, v36;
	v48 =	vld.idx.msk [tilespmem:v58+s15+$0x0], $0xffff  }
0x2f8: {  	[tilespmem:s0+$0x50] =	vst v53;
	v58 =	vld.idx.msk [tilespmem:v59+s15+$0x0], $0xffff;
	v59 =	vor.u32 v6, v34  }
0x2f9: {  	v53 =	vld.idx.msk [tilespmem:v63+s15+$0x0], $0xffff;
	v63 =	vor.u32 v23, v39;
	[tilespmem:s1+$0x50] =	vst v42  }
0x2fa: {  	v60 =	vor.u32 v25, v41;
	[tilespmem:s6+$0x60] =	vst v46;
	v46 =	vld.idx.msk [tilespmem:v61+s15+$0x0], $0xffff  }
0x2fb: {  	[tilespmem:s25+$0x860] =	vst v45;
	v44 =	vld.idx.msk [tilespmem:v57+s15+$0x0], $0xffff;
	v57 =	vor.u32 v7, v33  }
0x2fc: {  	v61 =	vor.u32 v23, v38;
	[tilespmem:s31+$0x50] =	vst v48;
	v42 =	vld.idx.msk [tilespmem:v62+s15+$0x0], $0xffff  }
0x2fd: {  	v51 =	vld.idx.msk [tilespmem:v59+s15+$0x0], $0xffff;
	[tilespmem:s17+$0xC00] =	vst v58;
	v58 =	vor.u32 v7, v32  }
0x2fe: {  	[tilespmem:s10+$0x860] =	vst v49;
	v62 =	vor.u32 v8, v36;
	v48 =	vld.idx.msk [tilespmem:v63+s15+$0x0], $0xffff  }
0x2ff: {  	[tilespmem:s0+$0x60] =	vst v53;
	v63 =	vor.u32 v23, v37;
	v43 =	vld.idx.msk [tilespmem:v60+s15+$0x0], $0xffff  }
0x300: {  	v59 =	vor.u32 v7, v34;
	v53 =	vld.idx.msk [tilespmem:v57+s15+$0x0], $0xffff;
	[tilespmem:s1+$0x60] =	vst v44  }
0x301: {  	v60 =	vor.u32 v26, v41;
	[tilespmem:s6+$0x70] =	vst v42;
	v42 =	vld.idx.msk [tilespmem:v61+s15+$0x0], $0xffff  }
0x302: {  	[tilespmem:s11+$0x860] =	vst v46;
	v57 =	vor.u32 v8, v33;
	v50 =	vld.idx.msk [tilespmem:v58+s15+$0x0], $0xffff  }
0x303: {  	v61 =	vor.u32 v24, v39;
	[tilespmem:s31+$0x60] =	vst v51;
	v44 =	vld.idx.msk [tilespmem:v62+s15+$0x0], $0xffff  }
0x304: {  	v58 =	vor.u32 v8, v32;
	v51 =	vld.idx.msk [tilespmem:v63+s15+$0x0], $0xffff;
	[tilespmem:s25+$0x870] =	vst v48  }
0x305: {  	v62 =	vor.u32 v9, v36;
	v47 =	vld.idx.msk [tilespmem:v59+s15+$0x0], $0xffff;
	[tilespmem:s17+$0xC10] =	vst v43  }
0x306: {  	v63 =	vor.u32 v24, v38;
	v45 =	vld.idx.msk [tilespmem:v60+s15+$0x0], $0xffff;
	[tilespmem:s0+$0x70] =	vst v53  }
0x307: {  	v59 =	vor.u32 v8, v34;
	v53 =	vld.idx.msk [tilespmem:v57+s15+$0x0], $0xffff;
	[tilespmem:s1+$0x70] =	vst v50  }
0x308: {  	v60 =	vor.u32 v27, v41;
	[tilespmem:s6+$0x400] =	vst v44;
	v44 =	vld.idx.msk [tilespmem:v61+s15+$0x0], $0xffff  }
0x309: {  	[tilespmem:s10+$0x870] =	vst v42;
	v57 =	vor.u32 v9, v33;
	v43 =	vld.idx.msk [tilespmem:v58+s15+$0x0], $0xffff  }
0x30a: {  	v61 =	vor.u32 v24, v37;
	[tilespmem:s11+$0x870] =	vst v51;
	v50 =	vld.idx.msk [tilespmem:v62+s15+$0x0], $0xffff  }
0x30b: {  	[tilespmem:s31+$0x70] =	vst v47;
	v58 =	vor.u32 v9, v32;
	v47 =	vld.idx.msk [tilespmem:v63+s15+$0x0], $0xffff  }
0x30c: {  	v62 =	vor.u32 v10, v36;
	v49 =	vld.idx.msk [tilespmem:v59+s15+$0x0], $0xffff;
	[tilespmem:s17+$0xC20] =	vst v45  }
0x30d: {  	v63 =	vor.u32 v25, v39;
	v46 =	vld.idx.msk [tilespmem:v60+s15+$0x0], $0xffff;
	[tilespmem:s0+$0x400] =	vst v53  }
0x30e: {  	v59 =	vor.u32 v9, v34;
	v53 =	vld.idx.msk [tilespmem:v57+s15+$0x0], $0xffff;
	[tilespmem:s1+$0x400] =	vst v43  }
0x30f: {  	v60 =	vor.u32 v28, v41;
	[tilespmem:s6+$0x410] =	vst v50;
	v50 =	vld.idx.msk [tilespmem:v61+s15+$0x0], $0xffff  }
0x310: {  	[tilespmem:s25+$0xC00] =	vst v44;
	v57 =	vor.u32 v10, v33;
	v45 =	vld.idx.msk [tilespmem:v58+s15+$0x0], $0xffff  }
0x311: {  	v61 =	vor.u32 v25, v38;
	[tilespmem:s10+$0xC00] =	vst v47;
	v43 =	vld.idx.msk [tilespmem:v62+s15+$0x0], $0xffff  }
0x312: {  	[tilespmem:s31+$0x400] =	vst v49;
	v58 =	vor.u32 v10, v32;
	v49 =	vld.idx.msk [tilespmem:v63+s15+$0x0], $0xffff  }
0x313: {  	v62 =	vor.u32 v11, v36;
	v48 =	vld.idx.msk [tilespmem:v59+s15+$0x0], $0xffff;
	[tilespmem:s17+$0xC30] =	vst v46  }
0x314: {  	v63 =	vor.u32 v25, v37;
	v42 =	vld.idx.msk [tilespmem:v60+s15+$0x0], $0xffff;
	[tilespmem:s0+$0x410] =	vst v53  }
0x315: {  	v59 =	vor.u32 v10, v34;
	v53 =	vld.idx.msk [tilespmem:v57+s15+$0x0], $0xffff;
	[tilespmem:s1+$0x410] =	vst v45  }
0x316: {  	v60 =	vor.u32 v29, v41;
	[tilespmem:s6+$0x420] =	vst v43;
	v43 =	vld.idx.msk [tilespmem:v61+s15+$0x0], $0xffff  }
0x317: {  	[tilespmem:s11+$0xC00] =	vst v50;
	v57 =	vor.u32 v11, v33;
	v46 =	vld.idx.msk [tilespmem:v58+s15+$0x0], $0xffff  }
0x318: {  	v61 =	vor.u32 v26, v39;
	[tilespmem:s25+$0xC10] =	vst v49;
	v45 =	vld.idx.msk [tilespmem:v62+s15+$0x0], $0xffff  }
0x319: {  	[tilespmem:s31+$0x410] =	vst v48;
	v58 =	vor.u32 v11, v32;
	v48 =	vld.idx.msk [tilespmem:v63+s15+$0x0], $0xffff  }
0x31a: {  	v62 =	vor.u32 v12, v36;
	v51 =	vld.idx.msk [tilespmem:v59+s15+$0x0], $0xffff;
	[tilespmem:s17+$0xC40] =	vst v42  }
0x31b: {  	v59 =	vor.u32 v11, v34;
	v44 =	vld.idx.msk [tilespmem:v60+s15+$0x0], $0xffff;
	[tilespmem:s0+$0x420] =	vst v53  }
0x31c: {  	v60 =	vor.u32 v30, v41;
	v53 =	vld.idx.msk [tilespmem:v57+s15+$0x0], $0xffff;
	[tilespmem:s1+$0x420] =	vst v46  }
0x31d: {  	v63 =	vor.u32 v26, v38;
	[tilespmem:s6+$0x430] =	vst v45;
	v45 =	vld.idx.msk [tilespmem:v61+s15+$0x0], $0xffff  }
0x31e: {  	[tilespmem:s10+$0xC10] =	vst v43;
	v57 =	vor.u32 v12, v33;
	v42 =	vld.idx.msk [tilespmem:v58+s15+$0x0], $0xffff  }
0x31f: {  	[tilespmem:s31+$0x420] =	vst v51;
	v46 =	vld.idx.msk [tilespmem:v62+s15+$0x0], $0xffff;
	v62 =	vor.u32 v26, v37  }
0x320: {  	v58 =	vor.u32 v12, v32;
	v47 =	vld.idx.msk [tilespmem:v59+s15+$0x0], $0xffff;
	[tilespmem:s17+$0xC50] =	vst v44  }
0x321: {  	[tilespmem:s11+$0xC10] =	vst v48;
	v59 =	vld.idx.msk [tilespmem:v60+s15+$0x0], $0xffff;
	v60 =	vor.u32 v12, v34  }
0x322: {  	v51 =	vld.idx.msk [tilespmem:v63+s15+$0x0], $0xffff;
	v63 =	vor.u32 v13, v36;
	[tilespmem:s0+$0x430] =	vst v53  }
0x323: {  	s23 =	simm.s32 $0xA;
	v61 =	vor.u32 v31, v41;
	v53 =	vld.idx.msk [tilespmem:v57+s15+$0x0], $0xffff;
	[tilespmem:s1+$0x430] =	vst v42  }
0x324: {  	v56 =	vmov s23;
	v57 =	vor.u32 v27, v39;
	[tilespmem:s6+$0x440] =	vst v46;
	v46 =	vld.idx.msk [tilespmem:v62+s15+$0x0], $0xffff  }
0x325: {  	v41 =	vand.u32 $0x1E, v56;
	[tilespmem:s31+$0x430] =	vst v47;
	v44 =	vld.idx.msk [tilespmem:v58+s15+$0x0], $0xffff;
	v58 =	vor.u32 v13, v33  }
0x326: {  	v41 =	vbroadcast v41, $0x0;
	v50 =	vld.idx.msk [tilespmem:v60+s15+$0x0], $0xffff;
	[tilespmem:s17+$0xC60] =	vst v59;
	v59 =	vor.u32 v13, v32  }
0x327: {  	v42 =	vld.idx.msk [tilespmem:v63+s15+$0x0], $0xffff;
	v60 =	vor.u32 v13, v34  }
0x328: {  	[tilespmem:s25+$0xC20] =	vst v45;
	v43 =	vld.idx.msk [tilespmem:v61+s15+$0x0], $0xffff;
	v61 =	vor.u32 v0, v41  }
0x329: {  	v62 =	vor.u32 v27, v38;
	[tilespmem:s0+$0x440] =	vst v53;
	v45 =	vld.idx.msk [tilespmem:v57+s15+$0x0], $0xffff  }
0x32a: {  	v63 =	vor.u32 v14, v36;
	v53 =	vld.idx.msk [tilespmem:v58+s15+$0x0], $0xffff;
	[tilespmem:s1+$0x440] =	vst v44  }
0x32b: {  	v57 =	vor.u32 v27, v37;
	[tilespmem:s31+$0x440] =	vst v50;
	v49 =	vld.idx.msk [tilespmem:v59+s15+$0x0], $0xffff  }
0x32c: {  	[tilespmem:s10+$0xC20] =	vst v51;
	v58 =	vor.u32 v14, v33;
	v48 =	vld.idx.msk [tilespmem:v60+s15+$0x0], $0xffff  }
0x32d: {  	[tilespmem:s11+$0xC20] =	vst v46;
	v59 =	vor.u32 v14, v32;
	v44 =	vld.idx.msk [tilespmem:v61+s15+$0x0], $0xffff  }
0x32e: {  	[tilespmem:s6+$0x450] =	vst v42;
	v61 =	vld.idx.msk [tilespmem:v62+s15+$0x0], $0xffff;
	v62 =	vor.u32 v28, v39  }
0x32f: {  	v47 =	vld.idx.msk [tilespmem:v63+s15+$0x0], $0xffff;
	[tilespmem:s17+$0xC70] =	vst v43;
	v60 =	vor.u32 v14, v34  }
0x330: {  	v63 =	vor.u32 v28, v38;
	v50 =	vld.idx.msk [tilespmem:v57+s15+$0x0], $0xffff;
	[tilespmem:s0+$0x450] =	vst v53  }
0x331: {  	v57 =	vor.u32 v15, v36;
	v53 =	vld.idx.msk [tilespmem:v58+s15+$0x0], $0xffff;
	[tilespmem:s1+$0x450] =	vst v49  }
0x332: {  	[tilespmem:s25+$0xC30] =	vst v45;
	v58 =	vor.u32 v28, v37;
	v43 =	vld.idx.msk [tilespmem:v59+s15+$0x0], $0xffff  }
0x333: {  	[tilespmem:s31+$0x450] =	vst v48;
	v59 =	vor.u32 v15, v33;
	v46 =	vld.idx.msk [tilespmem:v62+s15+$0x0], $0xffff  }
0x334: {  	[tilespmem:s10+$0xC30] =	vst v61;
	v51 =	vld.idx.msk [tilespmem:v60+s15+$0x0], $0xffff;
	v60 =	vor.u32 v15, v32  }
0x335: {  	[tilespmem:s6+$0x460] =	vst v47;
	v61 =	vor.u32 v15, v34;
	v47 =	vld.idx.msk [tilespmem:v63+s15+$0x0], $0xffff  }
0x336: {  	v62 =	vor.u32 v29, v39;
	v49 =	vld.idx.msk [tilespmem:v57+s15+$0x0], $0xffff;
	[tilespmem:s11+$0xC30] =	vst v50  }
0x337: {  	v52 =	vor.u32 v29, v38;
	[tilespmem:s0+$0x460] =	vst v53;
	v48 =	vld.idx.msk [tilespmem:v58+s15+$0x0], $0xffff  }
0x338: {  	v63 =	vor.u32 v16, v36;
	v53 =	vld.idx.msk [tilespmem:v59+s15+$0x0], $0xffff;
	[tilespmem:s1+$0x460] =	vst v43  }
0x339: {  	[tilespmem:s31+$0x460] =	vst v51;
	v45 =	vld.idx.msk [tilespmem:v60+s15+$0x0], $0xffff;
	v51 =	vor.u32 v29, v37  }
0x33a: {  	v54 =	vor.u32 v16, v33;
	[tilespmem:s25+$0xC40] =	vst v46;
	v42 =	vld.idx.msk [tilespmem:v61+s15+$0x0], $0xffff  }
0x33b: {  	v60 =	vor.u32 v16, v32;
	[tilespmem:s10+$0xC40] =	vst v47;
	v61 =	vld.idx.msk [tilespmem:v62+s15+$0x0], $0xffff  }
0x33c: {  	v62 =	vor.u32 v16, v34;
	[tilespmem:s6+$0x470] =	vst v49;
	v52 =	vld.idx.msk [tilespmem:v52+s15+$0x0], $0xffff  }
0x33d: {  	v43 =	vld.idx.msk [tilespmem:v63+s15+$0x0], $0xffff;
	v63 =	vor.u32 v30, v39;
	[tilespmem:s11+$0xC40] =	vst v48  }
0x33e: {  	v57 =	vor.u32 v30, v38;
	[tilespmem:s0+$0x470] =	vst v53;
	v53 =	vld.idx.msk [tilespmem:v51+s15+$0x0], $0xffff  }
0x33f: {  	v55 =	vor.u32 v17, v36;
	v51 =	vld.idx.msk [tilespmem:v54+s15+$0x0], $0xffff;
	[tilespmem:s1+$0x470] =	vst v45  }
0x340: {  	v54 =	vor.u32 v30, v37;
	[tilespmem:s31+$0x470] =	vst v42;
	v49 =	vld.idx.msk [tilespmem:v60+s15+$0x0], $0xffff  }
0x341: {  	v47 =	vor.u32 v17, v33;
	[tilespmem:s25+$0xC50] =	vst v61;
	v50 =	vld.idx.msk [tilespmem:v62+s15+$0x0], $0xffff  }
0x342: {  	v46 =	vor.u32 v17, v32;
	[tilespmem:s10+$0xC50] =	vst v52;
	v48 =	vld.idx.msk [tilespmem:v63+s15+$0x0], $0xffff  }
0x343: {  	s19 =	simm.s32 $0xB;
	s18 =	simm.s32 $0xC;
	s17 =	simm.s32 $0x8;
	v45 =	vor.u32 v17, v34;
	[tilespmem:s6+$0x800] =	vst v43;
	v52 =	vld.idx.msk [tilespmem:v57+s15+$0x0], $0xffff  }
.LBB2_5:
0x344: {  	p0 =	slt.u32 s18, $0x1C;
	v42 =	vmov s19;
	v43 =	vld.idx.msk [tilespmem:v55+s15+$0x0], $0xffff;
	[tilespmem:s11+$0xC50] =	vst v53;
	v53 =	vor.u32 v31, v39;
	v39 =	vmovc v33;
	v33 =	vmov v35  }
0x345: {  	v35 =	vand.u32 $0x1F, v42;
	[tilespmem:s0+$0x800] =	vst v51;
	v42 =	vld.idx.msk [tilespmem:v54+s15+$0x0], $0xffff;
	v51 =	vor.u32 v31, v38;
	v38 =	vmovc v32;
	v32 =	vmov v41  }
0x346: {  	v41 =	vbroadcast v35, $0x0;
	v47 =	vld.idx.msk [tilespmem:v47+s15+$0x0], $0xffff;
	[tilespmem:s1+$0x800] =	vst v49;
	v35 =	vor.u32 v18, v36  }
0x347: {  	v49 =	vor.u32 v31, v37;
	v37 =	vmov v34;
	[tilespmem:s31+$0x800] =	vst v50;
	v46 =	vld.idx.msk [tilespmem:v46+s15+$0x0], $0xffff  }
0x348: {  	v34 =	vmov s17;
	s17 =	smov.u32 s18;
	v50 =	vor.u32 v0, v41;
	v45 =	vld.idx.msk [tilespmem:v45+s15+$0x0], $0xffff;
	[tilespmem:s25+$0xC60] =	vst v48  }
0x349: {  	s19 =	sadd.s32 $0x1, s18;
	v34 =	vand.u32 $0x1C, v34;
	v48 =	vor.u32 v18, v39;
	v53 =	vld.idx.msk [tilespmem:v53+s15+$0x0], $0xffff;
	[tilespmem:s10+$0xC60] =	vst v52  }
0x34a: {  	v54 =	vor.u32 v18, v38;
	v34 =	vbroadcast v34, $0x0;
	v52 =	vmov s19;
	[tilespmem:s6+$0x810] =	vst v43;
	v43 =	vld.idx.msk [tilespmem:v51+s15+$0x0], $0xffff  }
0x34b: {  	v51 =	vand.u32 $0x1D, v52;
	v52 =	vor.u32 v18, v37;
	v55 =	vld.idx.msk [tilespmem:v35+s15+$0x0], $0xffff;
	[tilespmem:s11+$0xC60] =	vst v42  }
0x34c: {  	v35 =	vbroadcast v51, $0x0;
	v42 =	vor.u32 v0, v34;
	[tilespmem:s0+$0x810] =	vst v47;
	v47 =	vld.idx.msk [tilespmem:v49+s15+$0x0], $0xffff  }
0x34d: {  	v49 =	vld.idx.msk [tilespmem:v50+s15+$0x0], $0xffff;
	[tilespmem:s1+$0x810] =	vst v46;
	v46 =	vor.u32 v19, v36  }
0x34e: {  	v50 =	vor.u32 v0, v35;
	[tilespmem:s31+$0x810] =	vst v45;
	v45 =	vld.idx.msk [tilespmem:v48+s15+$0x0], $0xffff  }
0x34f: {  	s28 =	sadd.s32 $0x800, s28;
	v48 =	vor.u32 v1, v41;
	v51 =	vld.idx.msk [tilespmem:v54+s15+$0x0], $0xffff;
	[tilespmem:s25+$0xC70] =	vst v53;
	s25 =	smov.u32 s0  }
0x350: {  	s16 =	sadd.s32 $0x200, s16;
	s0 =	sand.u32 $0x3000, s28;
	v53 =	vor.u32 v19, v39;
	v52 =	vld.idx.msk [tilespmem:v52+s15+$0x0], $0xffff;
	[tilespmem:s10+$0xC70] =	vst v43;
	s10 =	smov.u32 s1  }
0x351: {  	s1 =	sadd.s32 $0xFFFFFE80, s16;
	s21 =	sadd.s32 $0x12400, s0;
	v43 =	vor.u32 v1, v33;
	s0 =	sand.u32 $0x380, s16;
	v42 =	vld.idx.msk [tilespmem:v42+s15+$0x0], $0xffff;
	[tilespmem:s6+$0x820] =	vst v55  }
0x352: {  	s22 =	sadd.s32 $0xFFFFFF00, s16;
	s23 =	sadd.s32 $0xFFFFFF80, s16;
	v54 =	vor.u32 v1, v32;
	s19 =	sor.u32 s0, s21;
	v46 =	vld.idx.msk [tilespmem:v46+s15+$0x0], $0xffff;
	[tilespmem:s11+$0xC70] =	vst v47  }
0x353: {  	s0 =	sand.u32 $0x200, s1;
	s1 =	sand.u32 $0x280, s22;
	s11 =	sand.u32 $0x300, s23;
	v47 =	vld.idx.msk [tilespmem:v50+s15+$0x0], $0xffff;
	v50 =	vor.u32 v1, v34;
	[tilespmem:s19+$0x0] =	vst v49  }
0x354: {  	s22 =	sor.u32 s0, s21;
	s0 =	sor.u32 s1, s21;
	s1 =	sor.u32 s11, s21;
	v48 =	vld.idx.msk [tilespmem:v48+s15+$0x0], $0xffff;
	[tilespmem:s25+$0x820] =	vst v45;
	v45 =	vor.u32 v20, v36  }
0x355: {  	s11 =	smov.u32 s31;
	s31 =	smov.u32 s22;
	[tilespmem:s0+$0x0] =	vst v40;
	v49 =	vld.idx.msk [tilespmem:v53+s15+$0x0], $0xffff;
	v53 =	vor.u32 v19, v38  }
0x356: {  	v43 =	vld.idx.msk [tilespmem:v43+s15+$0x0], $0xffff;
	[tilespmem:s1+$0x0] =	vst v44;
	v44 =	vor.u32 v2, v41  }
0x357: {  	[tilespmem:s31+$0x0] =	vst v42;
	v42 =	vld.idx.msk [tilespmem:v54+s15+$0x0], $0xffff;
	v54 =	vor.u32 v19, v37  }
0x358: {  	v55 =	vor.u32 v2, v33;
	v50 =	vld.idx.msk [tilespmem:v50+s15+$0x0], $0xffff;
	[tilespmem:s6+$0x830] =	vst v46  }
0x359: {  	v46 =	vor.u32 v2, v32;
	v40 =	vmov v47;
	[tilespmem:s10+$0x820] =	vst v51;
	v45 =	vld.idx.msk [tilespmem:v45+s15+$0x0], $0xffff  }
0x35a: {  	v47 =	vor.u32 v2, v34;
	[tilespmem:s19+$0x10] =	vst v48;
	v48 =	vld.idx.msk [tilespmem:v53+s15+$0x0], $0xffff  }
0x35b: {  	v51 =	vor.u32 v21, v36;
	v44 =	vld.idx.msk [tilespmem:v44+s15+$0x0], $0xffff;
	[tilespmem:s11+$0x820] =	vst v52  }
0x35c: {  	v52 =	vor.u32 v20, v39;
	[tilespmem:s0+$0x10] =	vst v43;
	v43 =	vld.idx.msk [tilespmem:v54+s15+$0x0], $0xffff  }
0x35d: {  	v53 =	vld.idx.msk [tilespmem:v55+s15+$0x0], $0xffff;
	[tilespmem:s1+$0x10] =	vst v42;
	v42 =	vor.u32 v3, v41  }
0x35e: {  	[tilespmem:s31+$0x10] =	vst v50;
	v46 =	vld.idx.msk [tilespmem:v46+s15+$0x0], $0xffff;
	v50 =	vor.u32 v20, v38  }
0x35f: {  	v54 =	vor.u32 v3, v33;
	v47 =	vld.idx.msk [tilespmem:v47+s15+$0x0], $0xffff;
	[tilespmem:s6+$0x840] =	vst v45  }
0x360: {  	v45 =	vor.u32 v3, v32;
	[tilespmem:s25+$0x830] =	vst v49;
	v49 =	vld.idx.msk [tilespmem:v51+s15+$0x0], $0xffff  }
0x361: {  	v51 =	vor.u32 v3, v34;
	[tilespmem:s19+$0x20] =	vst v44;
	v44 =	vld.idx.msk [tilespmem:v52+s15+$0x0], $0xffff  }
0x362: {  	v42 =	vld.idx.msk [tilespmem:v42+s15+$0x0], $0xffff;
	[tilespmem:s10+$0x830] =	vst v48;
	v48 =	vor.u32 v22, v36  }
0x363: {  	v52 =	vor.u32 v20, v37;
	[tilespmem:s0+$0x20] =	vst v53;
	v50 =	vld.idx.msk [tilespmem:v50+s15+$0x0], $0xffff  }
0x364: {  	v53 =	vld.idx.msk [tilespmem:v54+s15+$0x0], $0xffff;
	[tilespmem:s1+$0x20] =	vst v46;
	v46 =	vor.u32 v4, v41  }
0x365: {  	[tilespmem:s31+$0x20] =	vst v47;
	v45 =	vld.idx.msk [tilespmem:v45+s15+$0x0], $0xffff;
	v47 =	vor.u32 v21, v39  }
0x366: {  	v54 =	vor.u32 v4, v33;
	v51 =	vld.idx.msk [tilespmem:v51+s15+$0x0], $0xffff;
	[tilespmem:s6+$0x850] =	vst v49  }
0x367: {  	v49 =	vor.u32 v4, v32;
	[tilespmem:s11+$0x830] =	vst v43;
	v43 =	vld.idx.msk [tilespmem:v48+s15+$0x0], $0xffff  }
0x368: {  	v48 =	vor.u32 v4, v34;
	[tilespmem:s19+$0x30] =	vst v42;
	v42 =	vld.idx.msk [tilespmem:v52+s15+$0x0], $0xffff  }
0x369: {  	v46 =	vld.idx.msk [tilespmem:v46+s15+$0x0], $0xffff;
	[tilespmem:s25+$0x840] =	vst v44;
	v44 =	vor.u32 v23, v36  }
0x36a: {  	v52 =	vor.u32 v21, v38;
	[tilespmem:s0+$0x30] =	vst v53;
	v47 =	vld.idx.msk [tilespmem:v47+s15+$0x0], $0xffff  }
0x36b: {  	v53 =	vld.idx.msk [tilespmem:v54+s15+$0x0], $0xffff;
	[tilespmem:s1+$0x30] =	vst v45;
	v45 =	vor.u32 v5, v41  }
0x36c: {  	[tilespmem:s31+$0x30] =	vst v51;
	v49 =	vld.idx.msk [tilespmem:v49+s15+$0x0], $0xffff;
	v51 =	vor.u32 v21, v37  }
0x36d: {  	v54 =	vor.u32 v5, v33;
	v48 =	vld.idx.msk [tilespmem:v48+s15+$0x0], $0xffff;
	[tilespmem:s6+$0x860] =	vst v43  }
0x36e: {  	v43 =	vor.u32 v5, v32;
	[tilespmem:s10+$0x840] =	vst v50;
	v44 =	vld.idx.msk [tilespmem:v44+s15+$0x0], $0xffff  }
0x36f: {  	v50 =	vor.u32 v5, v34;
	[tilespmem:s19+$0x40] =	vst v46;
	v46 =	vld.idx.msk [tilespmem:v52+s15+$0x0], $0xffff  }
0x370: {  	v45 =	vld.idx.msk [tilespmem:v45+s15+$0x0], $0xffff;
	[tilespmem:s11+$0x840] =	vst v42;
	v42 =	vor.u32 v24, v36  }
0x371: {  	v52 =	vor.u32 v22, v39;
	[tilespmem:s0+$0x40] =	vst v53;
	v51 =	vld.idx.msk [tilespmem:v51+s15+$0x0], $0xffff  }
0x372: {  	v53 =	vld.idx.msk [tilespmem:v54+s15+$0x0], $0xffff;
	[tilespmem:s1+$0x40] =	vst v49;
	v49 =	vor.u32 v6, v41  }
0x373: {  	[tilespmem:s31+$0x40] =	vst v48;
	v43 =	vld.idx.msk [tilespmem:v43+s15+$0x0], $0xffff;
	v48 =	vor.u32 v22, v38  }
0x374: {  	v54 =	vor.u32 v6, v33;
	v50 =	vld.idx.msk [tilespmem:v50+s15+$0x0], $0xffff;
	[tilespmem:s6+$0x870] =	vst v44  }
0x375: {  	v44 =	vor.u32 v6, v32;
	[tilespmem:s25+$0x850] =	vst v47;
	v42 =	vld.idx.msk [tilespmem:v42+s15+$0x0], $0xffff  }
0x376: {  	v47 =	vor.u32 v6, v34;
	[tilespmem:s19+$0x50] =	vst v45;
	v45 =	vld.idx.msk [tilespmem:v52+s15+$0x0], $0xffff  }
0x377: {  	v49 =	vld.idx.msk [tilespmem:v49+s15+$0x0], $0xffff;
	[tilespmem:s10+$0x850] =	vst v46;
	v46 =	vor.u32 v25, v36  }
0x378: {  	v52 =	vor.u32 v22, v37;
	[tilespmem:s0+$0x50] =	vst v53;
	v48 =	vld.idx.msk [tilespmem:v48+s15+$0x0], $0xffff  }
0x379: {  	v53 =	vld.idx.msk [tilespmem:v54+s15+$0x0], $0xffff;
	[tilespmem:s1+$0x50] =	vst v43;
	v43 =	vor.u32 v7, v41  }
0x37a: {  	[tilespmem:s31+$0x50] =	vst v50;
	v44 =	vld.idx.msk [tilespmem:v44+s15+$0x0], $0xffff;
	v50 =	vor.u32 v23, v39  }
0x37b: {  	v54 =	vor.u32 v7, v33;
	v47 =	vld.idx.msk [tilespmem:v47+s15+$0x0], $0xffff;
	[tilespmem:s6+$0xC00] =	vst v42  }
0x37c: {  	v42 =	vor.u32 v7, v32;
	[tilespmem:s11+$0x850] =	vst v51;
	v46 =	vld.idx.msk [tilespmem:v46+s15+$0x0], $0xffff  }
0x37d: {  	v51 =	vor.u32 v7, v34;
	[tilespmem:s19+$0x60] =	vst v49;
	v49 =	vld.idx.msk [tilespmem:v52+s15+$0x0], $0xffff  }
0x37e: {  	v43 =	vld.idx.msk [tilespmem:v43+s15+$0x0], $0xffff;
	[tilespmem:s25+$0x860] =	vst v45;
	v45 =	vor.u32 v26, v36  }
0x37f: {  	v52 =	vor.u32 v23, v38;
	[tilespmem:s0+$0x60] =	vst v53;
	v50 =	vld.idx.msk [tilespmem:v50+s15+$0x0], $0xffff  }
0x380: {  	v53 =	vld.idx.msk [tilespmem:v54+s15+$0x0], $0xffff;
	[tilespmem:s1+$0x60] =	vst v44;
	v44 =	vor.u32 v8, v41  }
0x381: {  	[tilespmem:s31+$0x60] =	vst v47;
	v42 =	vld.idx.msk [tilespmem:v42+s15+$0x0], $0xffff;
	v47 =	vor.u32 v23, v37  }
0x382: {  	v54 =	vor.u32 v8, v33;
	v51 =	vld.idx.msk [tilespmem:v51+s15+$0x0], $0xffff;
	[tilespmem:s6+$0xC10] =	vst v46  }
0x383: {  	v46 =	vor.u32 v8, v32;
	[tilespmem:s10+$0x860] =	vst v48;
	v45 =	vld.idx.msk [tilespmem:v45+s15+$0x0], $0xffff  }
0x384: {  	v48 =	vor.u32 v8, v34;
	[tilespmem:s19+$0x70] =	vst v43;
	v43 =	vld.idx.msk [tilespmem:v52+s15+$0x0], $0xffff  }
0x385: {  	v44 =	vld.idx.msk [tilespmem:v44+s15+$0x0], $0xffff;
	[tilespmem:s11+$0x860] =	vst v49;
	v49 =	vor.u32 v27, v36  }
0x386: {  	v52 =	vor.u32 v24, v39;
	[tilespmem:s0+$0x70] =	vst v53;
	v47 =	vld.idx.msk [tilespmem:v47+s15+$0x0], $0xffff  }
0x387: {  	v53 =	vld.idx.msk [tilespmem:v54+s15+$0x0], $0xffff;
	[tilespmem:s1+$0x70] =	vst v42;
	v42 =	vor.u32 v9, v41  }
0x388: {  	[tilespmem:s31+$0x70] =	vst v51;
	v46 =	vld.idx.msk [tilespmem:v46+s15+$0x0], $0xffff;
	v51 =	vor.u32 v24, v38  }
0x389: {  	v54 =	vor.u32 v9, v33;
	v48 =	vld.idx.msk [tilespmem:v48+s15+$0x0], $0xffff;
	[tilespmem:s6+$0xC20] =	vst v45  }
0x38a: {  	v45 =	vor.u32 v9, v32;
	[tilespmem:s25+$0x870] =	vst v50;
	v49 =	vld.idx.msk [tilespmem:v49+s15+$0x0], $0xffff  }
0x38b: {  	v50 =	vor.u32 v9, v34;
	[tilespmem:s19+$0x400] =	vst v44;
	v44 =	vld.idx.msk [tilespmem:v52+s15+$0x0], $0xffff  }
0x38c: {  	v42 =	vld.idx.msk [tilespmem:v42+s15+$0x0], $0xffff;
	[tilespmem:s10+$0x870] =	vst v43;
	v43 =	vor.u32 v28, v36  }
0x38d: {  	v52 =	vor.u32 v24, v37;
	[tilespmem:s0+$0x400] =	vst v53;
	v51 =	vld.idx.msk [tilespmem:v51+s15+$0x0], $0xffff  }
0x38e: {  	v53 =	vld.idx.msk [tilespmem:v54+s15+$0x0], $0xffff;
	[tilespmem:s1+$0x400] =	vst v46;
	v46 =	vor.u32 v10, v41  }
0x38f: {  	[tilespmem:s31+$0x400] =	vst v48;
	v45 =	vld.idx.msk [tilespmem:v45+s15+$0x0], $0xffff;
	v48 =	vor.u32 v25, v39  }
0x390: {  	v54 =	vor.u32 v10, v33;
	v50 =	vld.idx.msk [tilespmem:v50+s15+$0x0], $0xffff;
	[tilespmem:s6+$0xC30] =	vst v49  }
0x391: {  	v49 =	vor.u32 v10, v32;
	[tilespmem:s11+$0x870] =	vst v47;
	v43 =	vld.idx.msk [tilespmem:v43+s15+$0x0], $0xffff  }
0x392: {  	v47 =	vor.u32 v10, v34;
	[tilespmem:s19+$0x410] =	vst v42;
	v42 =	vld.idx.msk [tilespmem:v52+s15+$0x0], $0xffff  }
0x393: {  	v46 =	vld.idx.msk [tilespmem:v46+s15+$0x0], $0xffff;
	[tilespmem:s25+$0xC00] =	vst v44;
	v44 =	vor.u32 v29, v36  }
0x394: {  	v52 =	vor.u32 v25, v38;
	[tilespmem:s0+$0x410] =	vst v53;
	v48 =	vld.idx.msk [tilespmem:v48+s15+$0x0], $0xffff  }
0x395: {  	v53 =	vld.idx.msk [tilespmem:v54+s15+$0x0], $0xffff;
	[tilespmem:s1+$0x410] =	vst v45;
	v45 =	vor.u32 v11, v41  }
0x396: {  	[tilespmem:s31+$0x410] =	vst v50;
	v49 =	vld.idx.msk [tilespmem:v49+s15+$0x0], $0xffff;
	v50 =	vor.u32 v25, v37  }
0x397: {  	v54 =	vor.u32 v11, v33;
	v47 =	vld.idx.msk [tilespmem:v47+s15+$0x0], $0xffff;
	[tilespmem:s6+$0xC40] =	vst v43  }
0x398: {  	v43 =	vor.u32 v11, v32;
	[tilespmem:s10+$0xC00] =	vst v51;
	v44 =	vld.idx.msk [tilespmem:v44+s15+$0x0], $0xffff  }
0x399: {  	v51 =	vor.u32 v11, v34;
	[tilespmem:s19+$0x420] =	vst v46;
	v46 =	vld.idx.msk [tilespmem:v52+s15+$0x0], $0xffff  }
0x39a: {  	v45 =	vld.idx.msk [tilespmem:v45+s15+$0x0], $0xffff;
	[tilespmem:s11+$0xC00] =	vst v42;
	v42 =	vor.u32 v30, v36  }
0x39b: {  	v52 =	vor.u32 v26, v39;
	[tilespmem:s0+$0x420] =	vst v53;
	v50 =	vld.idx.msk [tilespmem:v50+s15+$0x0], $0xffff  }
0x39c: {  	v53 =	vld.idx.msk [tilespmem:v54+s15+$0x0], $0xffff;
	[tilespmem:s1+$0x420] =	vst v49;
	v49 =	vor.u32 v12, v41  }
0x39d: {  	[tilespmem:s31+$0x420] =	vst v47;
	v43 =	vld.idx.msk [tilespmem:v43+s15+$0x0], $0xffff;
	v47 =	vor.u32 v26, v38  }
0x39e: {  	v54 =	vor.u32 v12, v33;
	v51 =	vld.idx.msk [tilespmem:v51+s15+$0x0], $0xffff;
	[tilespmem:s6+$0xC50] =	vst v44  }
0x39f: {  	v44 =	vor.u32 v12, v32;
	[tilespmem:s25+$0xC10] =	vst v48;
	v42 =	vld.idx.msk [tilespmem:v42+s15+$0x0], $0xffff  }
0x3a0: {  	v48 =	vor.u32 v12, v34;
	[tilespmem:s19+$0x430] =	vst v45;
	v45 =	vld.idx.msk [tilespmem:v52+s15+$0x0], $0xffff  }
0x3a1: {  	v49 =	vld.idx.msk [tilespmem:v49+s15+$0x0], $0xffff;
	[tilespmem:s10+$0xC10] =	vst v46;
	v46 =	vor.u32 v31, v36;
	v36 =	vmov v41  }
0x3a2: {  	v52 =	vor.u32 v26, v37;
	[tilespmem:s0+$0x430] =	vst v53;
	v47 =	vld.idx.msk [tilespmem:v47+s15+$0x0], $0xffff  }
0x3a3: {  	s21 =	sadd.s32 $0x2, s18;
	v53 =	vld.idx.msk [tilespmem:v54+s15+$0x0], $0xffff;
	[tilespmem:s1+$0x430] =	vst v43;
	v43 =	vor.u32 v13, v36  }
0x3a4: {  	v41 =	vmov s21;
	[tilespmem:s31+$0x430] =	vst v51;
	v44 =	vld.idx.msk [tilespmem:v44+s15+$0x0], $0xffff;
	v51 =	vor.u32 v27, v39  }
0x3a5: {  	v41 =	vand.u32 $0x1E, v41;
	v54 =	vor.u32 v13, v33;
	v48 =	vld.idx.msk [tilespmem:v48+s15+$0x0], $0xffff;
	[tilespmem:s6+$0xC60] =	vst v42  }
0x3a6: {  	v41 =	vbroadcast v41, $0x0;
	v42 =	vor.u32 v13, v32;
	[tilespmem:s11+$0xC10] =	vst v50;
	v46 =	vld.idx.msk [tilespmem:v46+s15+$0x0], $0xffff  }
0x3a7: {  	v50 =	vor.u32 v13, v34;
	[tilespmem:s19+$0x440] =	vst v49;
	v49 =	vld.idx.msk [tilespmem:v52+s15+$0x0], $0xffff  }
0x3a8: {  	v52 =	vor.u32 v0, v41;
	v43 =	vld.idx.msk [tilespmem:v43+s15+$0x0], $0xffff;
	[tilespmem:s25+$0xC20] =	vst v45  }
0x3a9: {  	[tilespmem:s0+$0x440] =	vst v53;
	v45 =	vld.idx.msk [tilespmem:v51+s15+$0x0], $0xffff;
	v51 =	vor.u32 v27, v38  }
0x3aa: {  	v53 =	vld.idx.msk [tilespmem:v54+s15+$0x0], $0xffff;
	[tilespmem:s1+$0x440] =	vst v44;
	v54 =	vor.u32 v14, v36  }
0x3ab: {  	[tilespmem:s31+$0x440] =	vst v48;
	v42 =	vld.idx.msk [tilespmem:v42+s15+$0x0], $0xffff;
	v48 =	vor.u32 v27, v37  }
0x3ac: {  	v55 =	vor.u32 v14, v33;
	v50 =	vld.idx.msk [tilespmem:v50+s15+$0x0], $0xffff;
	[tilespmem:s6+$0xC70] =	vst v46;
	s6 =	smov.u32 s19  }
0x3ad: {  	v46 =	vor.u32 v14, v32;
	v44 =	vld.idx.msk [tilespmem:v52+s15+$0x0], $0xffff;
	[tilespmem:s10+$0xC20] =	vst v47  }
0x3ae: {  	v47 =	vor.u32 v14, v34;
	[tilespmem:s6+$0x450] =	vst v43;
	v43 =	vld.idx.msk [tilespmem:v51+s15+$0x0], $0xffff  }
0x3af: {  	v51 =	vld.idx.msk [tilespmem:v54+s15+$0x0], $0xffff;
	[tilespmem:s11+$0xC20] =	vst v49;
	v49 =	vor.u32 v28, v39  }
0x3b0: {  	v52 =	vor.u32 v28, v38;
	[tilespmem:s0+$0x450] =	vst v53;
	v48 =	vld.idx.msk [tilespmem:v48+s15+$0x0], $0xffff  }
0x3b1: {  	v53 =	vld.idx.msk [tilespmem:v55+s15+$0x0], $0xffff;
	[tilespmem:s1+$0x450] =	vst v42;
	v42 =	vor.u32 v15, v36  }
0x3b2: {  	[tilespmem:s31+$0x450] =	vst v50;
	v46 =	vld.idx.msk [tilespmem:v46+s15+$0x0], $0xffff;
	v50 =	vor.u32 v28, v37  }
0x3b3: {  	v54 =	vor.u32 v15, v33;
	v47 =	vld.idx.msk [tilespmem:v47+s15+$0x0], $0xffff;
	[tilespmem:s25+$0xC30] =	vst v45  }
0x3b4: {  	v45 =	vor.u32 v15, v32;
	v49 =	vld.idx.msk [tilespmem:v49+s15+$0x0], $0xffff;
	[tilespmem:s10+$0xC30] =	vst v43  }
0x3b5: {  	v43 =	vor.u32 v15, v34;
	[tilespmem:s6+$0x460] =	vst v51;
	v51 =	vld.idx.msk [tilespmem:v52+s15+$0x0], $0xffff  }
0x3b6: {  	v42 =	vld.idx.msk [tilespmem:v42+s15+$0x0], $0xffff;
	[tilespmem:s11+$0xC30] =	vst v48;
	v48 =	vor.u32 v29, v39  }
0x3b7: {  	v52 =	vor.u32 v29, v38;
	[tilespmem:s0+$0x460] =	vst v53;
	v50 =	vld.idx.msk [tilespmem:v50+s15+$0x0], $0xffff  }
0x3b8: {  	v53 =	vld.idx.msk [tilespmem:v54+s15+$0x0], $0xffff;
	[tilespmem:s1+$0x460] =	vst v46;
	v46 =	vor.u32 v16, v36  }
0x3b9: {  	[tilespmem:s31+$0x460] =	vst v47;
	v45 =	vld.idx.msk [tilespmem:v45+s15+$0x0], $0xffff;
	v47 =	vor.u32 v29, v37  }
0x3ba: {  	v54 =	vor.u32 v16, v33;
	v43 =	vld.idx.msk [tilespmem:v43+s15+$0x0], $0xffff;
	[tilespmem:s25+$0xC40] =	vst v49  }
0x3bb: {  	v49 =	vor.u32 v16, v32;
	v48 =	vld.idx.msk [tilespmem:v48+s15+$0x0], $0xffff;
	[tilespmem:s10+$0xC40] =	vst v51  }
0x3bc: {  	v56 =	vor.u32 v16, v34;
	[tilespmem:s6+$0x470] =	vst v42;
	v42 =	vld.idx.msk [tilespmem:v52+s15+$0x0], $0xffff  }
0x3bd: {  	v57 =	vor.u32 v30, v39;
	v52 =	vld.idx.msk [tilespmem:v46+s15+$0x0], $0xffff;
	[tilespmem:s11+$0xC40] =	vst v50  }
0x3be: {  	v58 =	vor.u32 v30, v38;
	[tilespmem:s0+$0x470] =	vst v53;
	v53 =	vld.idx.msk [tilespmem:v47+s15+$0x0], $0xffff  }
.Ltmp1:
0x3bf: {  	v55 =	vor.u32 v17, v36;
	v51 =	vld.idx.msk [tilespmem:v54+s15+$0x0], $0xffff;
	[tilespmem:s1+$0x470] =	vst v45;
	(pc) =	sbr.rel @p0 .LBB2_5-.Ltmp1, $4  }
0x3c0: {  	v54 =	vor.u32 v30, v37;
	[tilespmem:s31+$0x470] =	vst v43;
	v49 =	vld.idx.msk [tilespmem:v49+s15+$0x0], $0xffff  }
0x3c1: {  	v47 =	vor.u32 v17, v33;
	v50 =	vld.idx.msk [tilespmem:v56+s15+$0x0], $0xffff;
	[tilespmem:s25+$0xC50] =	vst v48  }
0x3c2: {  	v46 =	vor.u32 v17, v32;
	v48 =	vld.idx.msk [tilespmem:v57+s15+$0x0], $0xffff;
	[tilespmem:s10+$0xC50] =	vst v42  }
0x3c3: {  	s18 =	sadd.s32 $0x4, s18;
	s19 =	sadd.s32 $0x3, s17;
	v45 =	vor.u32 v17, v34;
	[tilespmem:s6+$0x800] =	vst v52;
	v52 =	vld.idx.msk [tilespmem:v58+s15+$0x0], $0xffff  }
0x3c4: {  	v42 =	vmov s19  }
0x3c5: {  	v61 =	vmov s17;
	v42 =	vand.u32 $0x1F, v42  }
0x3c6: {  	v43 =	vbroadcast v42, $0x0;
	v42 =	vand.u32 $0x1C, v61  }
0x3c7: {  	v42 =	vbroadcast v42, $0x0  }
0x3c8: {  	[tilespmem:s11+$0xC50] =	vst v53;
	v56 =	vor.u32 v0, v43  }
0x3c9: {  	[tilespmem:s0+$0x800] =	vst v51;
	v63 =	vor.u32 v0, v42  }
0x3ca: {  	v62 =	vld.idx.msk [tilespmem:v55+s15+$0x0], $0xffff;
	s23 =	sadd.s32 $0x800, s28;
	s18 =	sadd.s32 $0x200, s16;
	[tilespmem:s1+$0x800] =	vst v49  }
0x3cb: {  	v57 =	vld.idx.msk [tilespmem:v54+s15+$0x0], $0xffff;
	s17 =	sand.u32 $0x3000, s23;
	s22 =	sadd.s32 $0xFFFFFF00, s18;
	[tilespmem:s31+$0x800] =	vst v50  }
0x3cc: {  	v60 =	vor.u32 v1, v35;
	v47 =	vld.idx.msk [tilespmem:v47+s15+$0x0], $0xffff;
	s28 =	sadd.s32 $0x12400, s17;
	s17 =	sand.u32 $0x280, s22;
	[tilespmem:s25+$0xC60] =	vst v48  }
0x3cd: {  	s21 =	sadd.s32 $0xFFFFFF80, s18;
	v61 =	vor.u32 v1, v41;
	s17 =	sor.u32 s17, s28;
	[tilespmem:s10+$0xC60] =	vst v52;
	v58 =	vld.idx.msk [tilespmem:v56+s15+$0x0], $0xffff  }
0x3ce: {  	s21 =	sand.u32 $0x300, s21;
	v59 =	vor.u32 v1, v43;
	[tilespmem:s17+$0x0] =	vst v40;
	v51 =	vld.idx.msk [tilespmem:v63+s15+$0x0], $0xffff  }
0x3cf: {  	v46 =	vld.idx.msk [tilespmem:v46+s15+$0x0], $0xffff;
	s23 =	sor.u32 s21, s28;
	[tilespmem:s6+$0x810] =	vst v62;
	v62 =	vor.u32 v1, v42  }
0x3d0: {  	v39 =	vor.u32 v31, v39;
	s16 =	sand.u32 $0x380, s18;
	s18 =	sadd.s32 $0xFFFFFE80, s18;
	v45 =	vld.idx.msk [tilespmem:v45+s15+$0x0], $0xffff;
	[tilespmem:s23+$0x0] =	vst v44  }
0x3d1: {  	v38 =	vor.u32 v31, v38;
	s22 =	sand.u32 $0x200, s18;
	s16 =	sor.u32 s16, s28;
	v40 =	vld.idx.msk [tilespmem:v60+s15+$0x0], $0xffff;
	[tilespmem:s11+$0xC60] =	vst v57  }
0x3d2: {  	v55 =	vor.u32 v2, v35;
	s19 =	sor.u32 s22, s28;
	v54 =	vld.idx.msk [tilespmem:v61+s15+$0x0], $0xffff;
	[tilespmem:s16+$0x0] =	vst v58  }
0x3d3: {  	v57 =	vor.u32 v2, v41;
	v48 =	vld.idx.msk [tilespmem:v59+s15+$0x0], $0xffff;
	[tilespmem:s19+$0x0] =	vst v51  }
0x3d4: {  	[tilespmem:s0+$0x810] =	vst v47;
	v63 =	vor.u32 v2, v43;
	v56 =	vld.idx.msk [tilespmem:v62+s15+$0x0], $0xffff  }
0x3d5: {  	v39 =	vld.idx.msk [tilespmem:v39+s15+$0x0], $0xffff;
	[tilespmem:s1+$0x810] =	vst v46;
	v58 =	vor.u32 v2, v42  }
0x3d6: {  	v37 =	vor.u32 v31, v37;
	v38 =	vld.idx.msk [tilespmem:v38+s15+$0x0], $0xffff;
	[tilespmem:s17+$0x10] =	vst v40  }
0x3d7: {  	v40 =	vld.idx.msk [tilespmem:v55+s15+$0x0], $0xffff;
	[tilespmem:s23+$0x10] =	vst v54;
	v59 =	vor.u32 v18, v36  }
0x3d8: {  	v61 =	vld.idx.msk [tilespmem:v57+s15+$0x0], $0xffff;
	v62 =	vor.u32 v3, v35;
	[tilespmem:s16+$0x10] =	vst v48  }
0x3d9: {  	v52 =	vor.u32 v3, v41;
	v44 =	vld.idx.msk [tilespmem:v63+s15+$0x0], $0xffff;
	[tilespmem:s19+$0x10] =	vst v56  }
0x3da: {  	v60 =	vor.u32 v3, v43;
	[tilespmem:s31+$0x810] =	vst v45;
	v63 =	vld.idx.msk [tilespmem:v58+s15+$0x0], $0xffff  }
0x3db: {  	v53 =	vor.u32 v3, v42;
	v37 =	vld.idx.msk [tilespmem:v37+s15+$0x0], $0xffff;
	[tilespmem:s25+$0xC70] =	vst v39  }
0x3dc: {  	[tilespmem:s17+$0x20] =	vst v40;
	v48 =	vld.idx.msk [tilespmem:v59+s15+$0x0], $0xffff  }
0x3dd: {  	v54 =	vor.u32 v18, v33;
	[tilespmem:s23+$0x20] =	vst v61;
	v40 =	vld.idx.msk [tilespmem:v62+s15+$0x0], $0xffff  }
0x3de: {  	v57 =	vor.u32 v4, v35;
	v56 =	vld.idx.msk [tilespmem:v52+s15+$0x0], $0xffff;
	[tilespmem:s16+$0x20] =	vst v44  }
0x3df: {  	v59 =	vor.u32 v4, v41;
	v50 =	vld.idx.msk [tilespmem:v60+s15+$0x0], $0xffff;
	[tilespmem:s19+$0x20] =	vst v63  }
0x3e0: {  	[tilespmem:s10+$0xC70] =	vst v38;
	v55 =	vor.u32 v4, v43;
	v58 =	vld.idx.msk [tilespmem:v53+s15+$0x0], $0xffff  }
0x3e1: {  	[tilespmem:s11+$0xC70] =	vst v37;
	v60 =	vor.u32 v4, v42  }
0x3e2: {  	v61 =	vor.u32 v19, v36;
	v44 =	vld.idx.msk [tilespmem:v54+s15+$0x0], $0xffff;
	[tilespmem:s17+$0x30] =	vst v40  }
0x3e3: {  	v62 =	vor.u32 v18, v32;
	[tilespmem:s23+$0x30] =	vst v56;
	v40 =	vld.idx.msk [tilespmem:v57+s15+$0x0], $0xffff  }
0x3e4: {  	v52 =	vld.idx.msk [tilespmem:v59+s15+$0x0], $0xffff;
	v53 =	vor.u32 v5, v35;
	[tilespmem:s16+$0x30] =	vst v50  }
0x3e5: {  	v47 =	vld.idx.msk [tilespmem:v55+s15+$0x0], $0xffff;
	[tilespmem:s19+$0x30] =	vst v58;
	v55 =	vor.u32 v5, v41  }
0x3e6: {  	[tilespmem:s6+$0x820] =	vst v48;
	v63 =	vor.u32 v5, v43;
	v54 =	vld.idx.msk [tilespmem:v60+s15+$0x0], $0xffff  }
0x3e7: {  	v56 =	vld.idx.msk [tilespmem:v61+s15+$0x0], $0xffff;
	v57 =	vor.u32 v5, v42;
	[tilespmem:s0+$0x820] =	vst v44  }
0x3e8: {  	v50 =	vld.idx.msk [tilespmem:v62+s15+$0x0], $0xffff;
	[tilespmem:s17+$0x40] =	vst v40;
	v58 =	vor.u32 v18, v34  }
0x3e9: {  	v59 =	vor.u32 v20, v36;
	[tilespmem:s23+$0x40] =	vst v52;
	v39 =	vld.idx.msk [tilespmem:v53+s15+$0x0], $0xffff  }
0x3ea: {  	v62 =	vor.u32 v6, v35;
	[tilespmem:s16+$0x40] =	vst v47;
	v61 =	vld.idx.msk [tilespmem:v55+s15+$0x0], $0xffff  }
0x3eb: {  	v45 =	vld.idx.msk [tilespmem:v63+s15+$0x0], $0xffff;
	[tilespmem:s19+$0x40] =	vst v54;
	v63 =	vor.u32 v6, v41  }
0x3ec: {  	[tilespmem:s6+$0x830] =	vst v56;
	v60 =	vor.u32 v6, v43;
	v44 =	vld.idx.msk [tilespmem:v57+s15+$0x0], $0xffff  }
0x3ed: {  	v53 =	vor.u32 v6, v42;
	[tilespmem:s1+$0x820] =	vst v50;
	v52 =	vld.idx.msk [tilespmem:v58+s15+$0x0], $0xffff  }
0x3ee: {  	v47 =	vld.idx.msk [tilespmem:v59+s15+$0x0], $0xffff;
	[tilespmem:s17+$0x50] =	vst v39;
	v54 =	vor.u32 v19, v33  }
0x3ef: {  	v55 =	vor.u32 v19, v32;
	v39 =	vld.idx.msk [tilespmem:v62+s15+$0x0], $0xffff;
	[tilespmem:s23+$0x50] =	vst v61  }
0x3f0: {  	v58 =	vor.u32 v7, v35;
	[tilespmem:s16+$0x50] =	vst v45;
	v57 =	vld.idx.msk [tilespmem:v63+s15+$0x0], $0xffff  }
0x3f1: {  	v38 =	vld.idx.msk [tilespmem:v60+s15+$0x0], $0xffff;
	[tilespmem:s19+$0x50] =	vst v44;
	v60 =	vor.u32 v7, v41  }
0x3f2: {  	v56 =	vor.u32 v7, v43;
	[tilespmem:s31+$0x820] =	vst v52;
	v59 =	vld.idx.msk [tilespmem:v53+s15+$0x0], $0xffff  }
0x3f3: {  	v62 =	vor.u32 v7, v42;
	[tilespmem:s6+$0x840] =	vst v47;
	v61 =	vld.idx.msk [tilespmem:v54+s15+$0x0], $0xffff  }
0x3f4: {  	v45 =	vld.idx.msk [tilespmem:v55+s15+$0x0], $0xffff;
	v63 =	vor.u32 v21, v36;
	[tilespmem:s17+$0x60] =	vst v39  }
0x3f5: {  	v52 =	vor.u32 v19, v34;
	v39 =	vld.idx.msk [tilespmem:v58+s15+$0x0], $0xffff;
	[tilespmem:s23+$0x60] =	vst v57  }
0x3f6: {  	v55 =	vor.u32 v8, v35;
	[tilespmem:s16+$0x60] =	vst v38;
	v54 =	vld.idx.msk [tilespmem:v60+s15+$0x0], $0xffff  }
0x3f7: {  	v37 =	vld.idx.msk [tilespmem:v56+s15+$0x0], $0xffff;
	[tilespmem:s19+$0x60] =	vst v59;
	v56 =	vor.u32 v8, v41  }
0x3f8: {  	v53 =	vor.u32 v8, v43;
	[tilespmem:s0+$0x830] =	vst v61;
	v47 =	vld.idx.msk [tilespmem:v62+s15+$0x0], $0xffff  }
0x3f9: {  	v58 =	vor.u32 v8, v42;
	v57 =	vld.idx.msk [tilespmem:v63+s15+$0x0], $0xffff;
	[tilespmem:s1+$0x830] =	vst v45  }
0x3fa: {  	v38 =	vld.idx.msk [tilespmem:v52+s15+$0x0], $0xffff;
	v60 =	vor.u32 v22, v36;
	[tilespmem:s17+$0x70] =	vst v39  }
0x3fb: {  	v59 =	vor.u32 v20, v33;
	v39 =	vld.idx.msk [tilespmem:v55+s15+$0x0], $0xffff;
	[tilespmem:s23+$0x70] =	vst v54  }
0x3fc: {  	v63 =	vor.u32 v9, v35;
	[tilespmem:s16+$0x70] =	vst v37;
	v62 =	vld.idx.msk [tilespmem:v56+s15+$0x0], $0xffff  }
0x3fd: {  	v52 =	vor.u32 v9, v41;
	v40 =	vld.idx.msk [tilespmem:v53+s15+$0x0], $0xffff;
	[tilespmem:s19+$0x70] =	vst v47  }
0x3fe: {  	v61 =	vor.u32 v9, v43;
	[tilespmem:s6+$0x850] =	vst v57;
	v45 =	vld.idx.msk [tilespmem:v58+s15+$0x0], $0xffff  }
0x3ff: {  	[tilespmem:s31+$0x830] =	vst v38;
	v54 =	vor.u32 v9, v42;
	v37 =	vld.idx.msk [tilespmem:v60+s15+$0x0], $0xffff  }
0x400: {  	v56 =	vor.u32 v20, v34;
	[tilespmem:s17+$0x400] =	vst v39;
	v53 =	vld.idx.msk [tilespmem:v59+s15+$0x0], $0xffff  }
0x401: {  	v55 =	vor.u32 v20, v32;
	v39 =	vld.idx.msk [tilespmem:v63+s15+$0x0], $0xffff;
	[tilespmem:s23+$0x400] =	vst v62  }
0x402: {  	v59 =	vor.u32 v10, v35;
	[tilespmem:s16+$0x400] =	vst v40;
	v58 =	vld.idx.msk [tilespmem:v52+s15+$0x0], $0xffff  }
0x403: {  	v60 =	vor.u32 v10, v41;
	v44 =	vld.idx.msk [tilespmem:v61+s15+$0x0], $0xffff;
	[tilespmem:s19+$0x400] =	vst v45  }
0x404: {  	v57 =	vor.u32 v10, v43;
	[tilespmem:s6+$0x860] =	vst v37;
	v38 =	vld.idx.msk [tilespmem:v54+s15+$0x0], $0xffff  }
0x405: {  	v62 =	vor.u32 v10, v42;
	[tilespmem:s0+$0x840] =	vst v53;
	v40 =	vld.idx.msk [tilespmem:v56+s15+$0x0], $0xffff  }
0x406: {  	v52 =	vor.u32 v21, v33;
	[tilespmem:s17+$0x410] =	vst v39;
	v61 =	vld.idx.msk [tilespmem:v55+s15+$0x0], $0xffff  }
0x407: {  	v63 =	vor.u32 v23, v36;
	v39 =	vld.idx.msk [tilespmem:v59+s15+$0x0], $0xffff;
	[tilespmem:s23+$0x410] =	vst v58  }
0x408: {  	v55 =	vor.u32 v11, v35;
	[tilespmem:s16+$0x410] =	vst v44;
	v54 =	vld.idx.msk [tilespmem:v60+s15+$0x0], $0xffff  }
0x409: {  	v56 =	vor.u32 v11, v41;
	v46 =	vld.idx.msk [tilespmem:v57+s15+$0x0], $0xffff;
	[tilespmem:s19+$0x410] =	vst v38  }
0x40a: {  	v53 =	vor.u32 v11, v43;
	[tilespmem:s31+$0x840] =	vst v40;
	v37 =	vld.idx.msk [tilespmem:v62+s15+$0x0], $0xffff  }
0x40b: {  	v58 =	vor.u32 v11, v42;
	[tilespmem:s1+$0x840] =	vst v61;
	v44 =	vld.idx.msk [tilespmem:v52+s15+$0x0], $0xffff  }
0x40c: {  	v59 =	vor.u32 v21, v32;
	[tilespmem:s17+$0x420] =	vst v39;
	v57 =	vld.idx.msk [tilespmem:v63+s15+$0x0], $0xffff  }
0x40d: {  	v60 =	vor.u32 v24, v36;
	v39 =	vld.idx.msk [tilespmem:v55+s15+$0x0], $0xffff;
	[tilespmem:s23+$0x420] =	vst v54  }
0x40e: {  	v63 =	vor.u32 v12, v35;
	[tilespmem:s16+$0x420] =	vst v46;
	v62 =	vld.idx.msk [tilespmem:v56+s15+$0x0], $0xffff  }
0x40f: {  	v52 =	vor.u32 v12, v41;
	v45 =	vld.idx.msk [tilespmem:v53+s15+$0x0], $0xffff;
	[tilespmem:s19+$0x420] =	vst v37  }
0x410: {  	v61 =	vor.u32 v12, v43;
	[tilespmem:s0+$0x850] =	vst v44;
	v40 =	vld.idx.msk [tilespmem:v58+s15+$0x0], $0xffff  }
0x411: {  	v54 =	vor.u32 v12, v42;
	[tilespmem:s6+$0x870] =	vst v57;
	v53 =	vld.idx.msk [tilespmem:v59+s15+$0x0], $0xffff  }
0x412: {  	v56 =	vor.u32 v22, v33;
	[tilespmem:s17+$0x430] =	vst v39;
	v46 =	vld.idx.msk [tilespmem:v60+s15+$0x0], $0xffff  }
0x413: {  	v55 =	vor.u32 v21, v34;
	v39 =	vld.idx.msk [tilespmem:v63+s15+$0x0], $0xffff;
	[tilespmem:s23+$0x430] =	vst v62  }
0x414: {  	v59 =	vor.u32 v13, v35;
	[tilespmem:s16+$0x430] =	vst v45;
	v58 =	vld.idx.msk [tilespmem:v52+s15+$0x0], $0xffff  }
0x415: {  	v60 =	vor.u32 v13, v41;
	v38 =	vld.idx.msk [tilespmem:v61+s15+$0x0], $0xffff;
	[tilespmem:s19+$0x430] =	vst v40  }
0x416: {  	v57 =	vor.u32 v13, v43;
	[tilespmem:s1+$0x850] =	vst v53;
	v44 =	vld.idx.msk [tilespmem:v54+s15+$0x0], $0xffff  }
0x417: {  	v62 =	vor.u32 v13, v42;
	[tilespmem:s6+$0xC00] =	vst v46;
	v45 =	vld.idx.msk [tilespmem:v56+s15+$0x0], $0xffff  }
0x418: {  	v52 =	vor.u32 v22, v32;
	[tilespmem:s17+$0x440] =	vst v39;
	v61 =	vld.idx.msk [tilespmem:v55+s15+$0x0], $0xffff  }
0x419: {  	v63 =	vor.u32 v25, v36;
	v39 =	vld.idx.msk [tilespmem:v59+s15+$0x0], $0xffff;
	[tilespmem:s23+$0x440] =	vst v58  }
0x41a: {  	v55 =	vor.u32 v14, v35;
	[tilespmem:s16+$0x440] =	vst v38;
	v54 =	vld.idx.msk [tilespmem:v60+s15+$0x0], $0xffff  }
0x41b: {  	v56 =	vor.u32 v14, v41;
	v37 =	vld.idx.msk [tilespmem:v57+s15+$0x0], $0xffff;
	[tilespmem:s19+$0x440] =	vst v44  }
0x41c: {  	v53 =	vor.u32 v14, v43;
	[tilespmem:s0+$0x860] =	vst v45;
	v46 =	vld.idx.msk [tilespmem:v62+s15+$0x0], $0xffff  }
0x41d: {  	v58 =	vor.u32 v14, v42;
	[tilespmem:s31+$0x850] =	vst v61;
	v38 =	vld.idx.msk [tilespmem:v52+s15+$0x0], $0xffff  }
0x41e: {  	v59 =	vor.u32 v22, v34;
	[tilespmem:s17+$0x450] =	vst v39;
	v57 =	vld.idx.msk [tilespmem:v63+s15+$0x0], $0xffff  }
0x41f: {  	v60 =	vor.u32 v26, v36;
	v39 =	vld.idx.msk [tilespmem:v55+s15+$0x0], $0xffff;
	[tilespmem:s23+$0x450] =	vst v54  }
0x420: {  	v63 =	vor.u32 v15, v35;
	[tilespmem:s16+$0x450] =	vst v37;
	v62 =	vld.idx.msk [tilespmem:v56+s15+$0x0], $0xffff  }
0x421: {  	v52 =	vor.u32 v15, v41;
	v40 =	vld.idx.msk [tilespmem:v53+s15+$0x0], $0xffff;
	[tilespmem:s19+$0x450] =	vst v46  }
0x422: {  	v61 =	vor.u32 v15, v43;
	[tilespmem:s1+$0x860] =	vst v38;
	v45 =	vld.idx.msk [tilespmem:v58+s15+$0x0], $0xffff  }
0x423: {  	v54 =	vor.u32 v15, v42;
	[tilespmem:s6+$0xC10] =	vst v57;
	v53 =	vld.idx.msk [tilespmem:v59+s15+$0x0], $0xffff  }
0x424: {  	v56 =	vor.u32 v23, v32;
	[tilespmem:s17+$0x460] =	vst v39;
	v37 =	vld.idx.msk [tilespmem:v60+s15+$0x0], $0xffff  }
0x425: {  	v55 =	vor.u32 v23, v33;
	v39 =	vld.idx.msk [tilespmem:v63+s15+$0x0], $0xffff;
	[tilespmem:s23+$0x460] =	vst v62  }
0x426: {  	v59 =	vor.u32 v16, v35;
	[tilespmem:s16+$0x460] =	vst v40;
	v58 =	vld.idx.msk [tilespmem:v52+s15+$0x0], $0xffff  }
0x427: {  	v60 =	vor.u32 v16, v41;
	v44 =	vld.idx.msk [tilespmem:v61+s15+$0x0], $0xffff;
	[tilespmem:s19+$0x460] =	vst v45  }
0x428: {  	v57 =	vor.u32 v16, v43;
	[tilespmem:s31+$0x860] =	vst v53;
	v38 =	vld.idx.msk [tilespmem:v54+s15+$0x0], $0xffff  }
0x429: {  	v62 =	vor.u32 v16, v42;
	[tilespmem:s6+$0xC20] =	vst v37;
	v40 =	vld.idx.msk [tilespmem:v56+s15+$0x0], $0xffff  }
0x42a: {  	v52 =	vor.u32 v23, v34;
	[tilespmem:s17+$0x470] =	vst v39;
	v61 =	vld.idx.msk [tilespmem:v55+s15+$0x0], $0xffff  }
0x42b: {  	v63 =	vor.u32 v27, v36;
	v39 =	vld.idx.msk [tilespmem:v59+s15+$0x0], $0xffff;
	[tilespmem:s23+$0x470] =	vst v58  }
0x42c: {  	v55 =	vor.u32 v17, v35;
	[tilespmem:s16+$0x470] =	vst v44;
	v54 =	vld.idx.msk [tilespmem:v60+s15+$0x0], $0xffff  }
0x42d: {  	v56 =	vor.u32 v17, v41;
	v46 =	vld.idx.msk [tilespmem:v57+s15+$0x0], $0xffff;
	[tilespmem:s19+$0x470] =	vst v38  }
0x42e: {  	v53 =	vor.u32 v17, v43;
	[tilespmem:s1+$0x870] =	vst v40;
	v37 =	vld.idx.msk [tilespmem:v62+s15+$0x0], $0xffff  }
0x42f: {  	v58 =	vor.u32 v17, v42;
	[tilespmem:s0+$0x870] =	vst v61;
	v44 =	vld.idx.msk [tilespmem:v52+s15+$0x0], $0xffff  }
0x430: {  	v59 =	vor.u32 v24, v33;
	[tilespmem:s17+$0x800] =	vst v39;
	v57 =	vld.idx.msk [tilespmem:v63+s15+$0x0], $0xffff  }
0x431: {  	v60 =	vor.u32 v28, v36;
	v39 =	vld.idx.msk [tilespmem:v55+s15+$0x0], $0xffff;
	[tilespmem:s23+$0x800] =	vst v54  }
0x432: {  	v63 =	vor.u32 v18, v35;
	[tilespmem:s16+$0x800] =	vst v46;
	v62 =	vld.idx.msk [tilespmem:v56+s15+$0x0], $0xffff  }
0x433: {  	v52 =	vor.u32 v18, v41;
	v45 =	vld.idx.msk [tilespmem:v53+s15+$0x0], $0xffff;
	[tilespmem:s19+$0x800] =	vst v37  }
0x434: {  	v61 =	vor.u32 v18, v43;
	[tilespmem:s31+$0x870] =	vst v44;
	v40 =	vld.idx.msk [tilespmem:v58+s15+$0x0], $0xffff  }
0x435: {  	v54 =	vor.u32 v18, v42;
	[tilespmem:s6+$0xC30] =	vst v57;
	v53 =	vld.idx.msk [tilespmem:v59+s15+$0x0], $0xffff  }
0x436: {  	v56 =	vor.u32 v24, v34;
	[tilespmem:s17+$0x810] =	vst v39;
	v46 =	vld.idx.msk [tilespmem:v60+s15+$0x0], $0xffff  }
0x437: {  	v55 =	vor.u32 v24, v32;
	v39 =	vld.idx.msk [tilespmem:v63+s15+$0x0], $0xffff;
	[tilespmem:s23+$0x810] =	vst v62  }
0x438: {  	v59 =	vor.u32 v19, v35;
	[tilespmem:s16+$0x810] =	vst v45;
	v58 =	vld.idx.msk [tilespmem:v52+s15+$0x0], $0xffff  }
0x439: {  	v60 =	vor.u32 v19, v41;
	v38 =	vld.idx.msk [tilespmem:v61+s15+$0x0], $0xffff;
	[tilespmem:s19+$0x810] =	vst v40  }
0x43a: {  	v57 =	vor.u32 v19, v43;
	[tilespmem:s0+$0xC00] =	vst v53;
	v44 =	vld.idx.msk [tilespmem:v54+s15+$0x0], $0xffff  }
0x43b: {  	v62 =	vor.u32 v19, v42;
	[tilespmem:s6+$0xC40] =	vst v46;
	v45 =	vld.idx.msk [tilespmem:v56+s15+$0x0], $0xffff  }
0x43c: {  	v63 =	vor.u32 v29, v36;
	[tilespmem:s17+$0x820] =	vst v39;
	v61 =	vld.idx.msk [tilespmem:v55+s15+$0x0], $0xffff  }
0x43d: {  	v52 =	vor.u32 v25, v33;
	v47 =	vld.idx.msk [tilespmem:v59+s15+$0x0], $0xffff;
	[tilespmem:s23+$0x820] =	vst v58  }
0x43e: {  	v54 =	vor.u32 v20, v35;
	[tilespmem:s16+$0x820] =	vst v38;
	v40 =	vld.idx.msk [tilespmem:v60+s15+$0x0], $0xffff  }
0x43f: {  	v55 =	vor.u32 v20, v41;
	v37 =	vld.idx.msk [tilespmem:v57+s15+$0x0], $0xffff;
	[tilespmem:s19+$0x820] =	vst v44  }
0x440: {  	v53 =	vor.u32 v20, v43;
	[tilespmem:s31+$0xC00] =	vst v45;
	v46 =	vld.idx.msk [tilespmem:v62+s15+$0x0], $0xffff  }
0x441: {  	v56 =	vld.idx.msk [tilespmem:v63+s15+$0x0], $0xffff;
	[tilespmem:s1+$0xC00] =	vst v61;
	v57 =	vor.u32 v20, v42  }
0x442: {  	v58 =	vor.u32 v25, v32;
	v38 =	vld.idx.msk [tilespmem:v52+s15+$0x0], $0xffff;
	[tilespmem:s17+$0x830] =	vst v47  }
0x443: {  	v59 =	vor.u32 v30, v36;
	v44 =	vld.idx.msk [tilespmem:v54+s15+$0x0], $0xffff;
	[tilespmem:s23+$0x830] =	vst v40  }
0x444: {  	v61 =	vor.u32 v21, v35;
	[tilespmem:s16+$0x830] =	vst v37;
	v40 =	vld.idx.msk [tilespmem:v55+s15+$0x0], $0xffff  }
0x445: {  	v62 =	vor.u32 v21, v41;
	v39 =	vld.idx.msk [tilespmem:v53+s15+$0x0], $0xffff;
	[tilespmem:s19+$0x830] =	vst v46  }
0x446: {  	v60 =	vor.u32 v21, v43;
	[tilespmem:s6+$0xC50] =	vst v56;
	v45 =	vld.idx.msk [tilespmem:v57+s15+$0x0], $0xffff  }
0x447: {  	v52 =	vor.u32 v21, v42;
	v63 =	vld.idx.msk [tilespmem:v58+s15+$0x0], $0xffff;
	[tilespmem:s0+$0xC10] =	vst v38  }
0x448: {  	v37 =	vld.idx.msk [tilespmem:v59+s15+$0x0], $0xffff;
	[tilespmem:s17+$0x840] =	vst v44;
	v53 =	vor.u32 v25, v34  }
0x449: {  	v54 =	vor.u32 v26, v33;
	v48 =	vld.idx.msk [tilespmem:v61+s15+$0x0], $0xffff;
	[tilespmem:s23+$0x840] =	vst v40  }
0x44a: {  	v56 =	vor.u32 v22, v35;
	[tilespmem:s16+$0x840] =	vst v39;
	v40 =	vld.idx.msk [tilespmem:v62+s15+$0x0], $0xffff  }
0x44b: {  	v57 =	vor.u32 v22, v41;
	v47 =	vld.idx.msk [tilespmem:v60+s15+$0x0], $0xffff;
	[tilespmem:s19+$0x840] =	vst v45  }
0x44c: {  	v55 =	vor.u32 v22, v43;
	[tilespmem:s1+$0xC10] =	vst v63;
	v38 =	vld.idx.msk [tilespmem:v52+s15+$0x0], $0xffff  }
0x44d: {  	v59 =	vor.u32 v22, v42;
	[tilespmem:s6+$0xC60] =	vst v37;
	v58 =	vld.idx.msk [tilespmem:v53+s15+$0x0], $0xffff  }
0x44e: {  	v39 =	vld.idx.msk [tilespmem:v54+s15+$0x0], $0xffff;
	[tilespmem:s17+$0x850] =	vst v48;
	v60 =	vor.u32 v31, v36  }
0x44f: {  	v61 =	vor.u32 v26, v32;
	v45 =	vld.idx.msk [tilespmem:v56+s15+$0x0], $0xffff;
	[tilespmem:s23+$0x850] =	vst v40  }
0x450: {  	v63 =	vor.u32 v23, v35;
	[tilespmem:s16+$0x850] =	vst v47;
	v40 =	vld.idx.msk [tilespmem:v57+s15+$0x0], $0xffff  }
0x451: {  	v52 =	vor.u32 v23, v41;
	v44 =	vld.idx.msk [tilespmem:v55+s15+$0x0], $0xffff;
	[tilespmem:s19+$0x850] =	vst v38  }
0x452: {  	v62 =	vor.u32 v23, v43;
	[tilespmem:s31+$0xC10] =	vst v58;
	v37 =	vld.idx.msk [tilespmem:v59+s15+$0x0], $0xffff  }
0x453: {  	v53 =	vor.u32 v23, v42;
	[tilespmem:s0+$0xC20] =	vst v39;
	v36 =	vld.idx.msk [tilespmem:v60+s15+$0x0], $0xffff  }
0x454: {  	v54 =	vor.u32 v26, v34;
	v47 =	vld.idx.msk [tilespmem:v61+s15+$0x0], $0xffff;
	[tilespmem:s17+$0x860] =	vst v45  }
0x455: {  	v55 =	vor.u32 v27, v33;
	v46 =	vld.idx.msk [tilespmem:v63+s15+$0x0], $0xffff;
	[tilespmem:s23+$0x860] =	vst v40  }
0x456: {  	v57 =	vor.u32 v24, v35;
	[tilespmem:s16+$0x860] =	vst v44;
	v38 =	vld.idx.msk [tilespmem:v52+s15+$0x0], $0xffff  }
0x457: {  	v59 =	vor.u32 v24, v41;
	v48 =	vld.idx.msk [tilespmem:v62+s15+$0x0], $0xffff;
	[tilespmem:s19+$0x860] =	vst v37  }
0x458: {  	v56 =	vor.u32 v24, v43;
	[tilespmem:s6+$0xC70] =	vst v36;
	v58 =	vld.idx.msk [tilespmem:v53+s15+$0x0], $0xffff  }
0x459: {  	v60 =	vld.idx.msk [tilespmem:v54+s15+$0x0], $0xffff;
	v61 =	vor.u32 v24, v42;
	[tilespmem:s1+$0xC20] =	vst v47  }
0x45a: {  	v44 =	vld.idx.msk [tilespmem:v55+s15+$0x0], $0xffff;
	[tilespmem:s17+$0x870] =	vst v46;
	v62 =	vor.u32 v27, v32  }
0x45b: {  	v63 =	vor.u32 v27, v34;
	v37 =	vld.idx.msk [tilespmem:v57+s15+$0x0], $0xffff;
	[tilespmem:s23+$0x870] =	vst v38  }
0x45c: {  	v53 =	vor.u32 v25, v35;
	[tilespmem:s16+$0x870] =	vst v48;
	v38 =	vld.idx.msk [tilespmem:v59+s15+$0x0], $0xffff  }
0x45d: {  	v54 =	vor.u32 v25, v41;
	v45 =	vld.idx.msk [tilespmem:v56+s15+$0x0], $0xffff;
	[tilespmem:s19+$0x870] =	vst v58  }
0x45e: {  	[tilespmem:s31+$0xC20] =	vst v60;
	v52 =	vor.u32 v25, v43;
	v36 =	vld.idx.msk [tilespmem:v61+s15+$0x0], $0xffff  }
0x45f: {  	[tilespmem:s0+$0xC30] =	vst v44;
	v55 =	vld.idx.msk [tilespmem:v62+s15+$0x0], $0xffff;
	v56 =	vor.u32 v25, v42  }
0x460: {  	v57 =	vor.u32 v28, v33;
	v48 =	vld.idx.msk [tilespmem:v63+s15+$0x0], $0xffff;
	[tilespmem:s17+$0xC00] =	vst v37  }
0x461: {  	v58 =	vor.u32 v28, v32;
	v39 =	vld.idx.msk [tilespmem:v53+s15+$0x0], $0xffff;
	[tilespmem:s23+$0xC00] =	vst v38  }
0x462: {  	v60 =	vor.u32 v26, v35;
	[tilespmem:s16+$0xC00] =	vst v45;
	v38 =	vld.idx.msk [tilespmem:v54+s15+$0x0], $0xffff  }
0x463: {  	v62 =	vor.u32 v26, v41;
	v46 =	vld.idx.msk [tilespmem:v52+s15+$0x0], $0xffff;
	[tilespmem:s19+$0xC00] =	vst v36  }
0x464: {  	v59 =	vor.u32 v26, v43;
	[tilespmem:s1+$0xC30] =	vst v55;
	v61 =	vld.idx.msk [tilespmem:v56+s15+$0x0], $0xffff  }
0x465: {  	v63 =	vld.idx.msk [tilespmem:v57+s15+$0x0], $0xffff;
	[tilespmem:s31+$0xC30] =	vst v48;
	v52 =	vor.u32 v26, v42  }
0x466: {  	v53 =	vor.u32 v28, v34;
	v45 =	vld.idx.msk [tilespmem:v58+s15+$0x0], $0xffff;
	[tilespmem:s17+$0xC10] =	vst v39  }
0x467: {  	v54 =	vor.u32 v29, v33;
	v36 =	vld.idx.msk [tilespmem:v60+s15+$0x0], $0xffff;
	[tilespmem:s23+$0xC10] =	vst v38  }
0x468: {  	v56 =	vor.u32 v27, v35;
	[tilespmem:s16+$0xC10] =	vst v46;
	v38 =	vld.idx.msk [tilespmem:v62+s15+$0x0], $0xffff  }
0x469: {  	v57 =	vor.u32 v27, v41;
	v37 =	vld.idx.msk [tilespmem:v59+s15+$0x0], $0xffff;
	[tilespmem:s19+$0xC10] =	vst v61  }
0x46a: {  	v55 =	vor.u32 v27, v43;
	[tilespmem:s0+$0xC40] =	vst v63;
	v40 =	vld.idx.msk [tilespmem:v52+s15+$0x0], $0xffff  }
0x46b: {  	v58 =	vld.idx.msk [tilespmem:v53+s15+$0x0], $0xffff;
	[tilespmem:s1+$0xC40] =	vst v45;
	v59 =	vor.u32 v27, v42  }
0x46c: {  	v60 =	vor.u32 v29, v32;
	v46 =	vld.idx.msk [tilespmem:v54+s15+$0x0], $0xffff;
	[tilespmem:s17+$0xC20] =	vst v36  }
0x46d: {  	v61 =	vor.u32 v29, v34;
	v44 =	vld.idx.msk [tilespmem:v56+s15+$0x0], $0xffff;
	[tilespmem:s23+$0xC20] =	vst v38  }
0x46e: {  	v63 =	vor.u32 v28, v35;
	[tilespmem:s16+$0xC20] =	vst v37;
	v38 =	vld.idx.msk [tilespmem:v57+s15+$0x0], $0xffff  }
0x46f: {  	v52 =	vor.u32 v28, v41;
	v39 =	vld.idx.msk [tilespmem:v55+s15+$0x0], $0xffff;
	[tilespmem:s19+$0xC20] =	vst v40  }
0x470: {  	[tilespmem:s31+$0xC40] =	vst v58;
	v62 =	vor.u32 v28, v43;
	v45 =	vld.idx.msk [tilespmem:v59+s15+$0x0], $0xffff  }
0x471: {  	v53 =	vld.idx.msk [tilespmem:v60+s15+$0x0], $0xffff;
	v54 =	vor.u32 v28, v42;
	[tilespmem:s0+$0xC50] =	vst v46  }
0x472: {  	v37 =	vld.idx.msk [tilespmem:v61+s15+$0x0], $0xffff;
	[tilespmem:s17+$0xC30] =	vst v44;
	v55 =	vor.u32 v30, v33  }
0x473: {  	v56 =	vor.u32 v30, v32;
	v40 =	vld.idx.msk [tilespmem:v63+s15+$0x0], $0xffff;
	[tilespmem:s23+$0xC30] =	vst v38  }
0x474: {  	v58 =	vor.u32 v29, v35;
	[tilespmem:s16+$0xC30] =	vst v39;
	v38 =	vld.idx.msk [tilespmem:v52+s15+$0x0], $0xffff  }
0x475: {  	v59 =	vor.u32 v29, v41;
	v36 =	vld.idx.msk [tilespmem:v62+s15+$0x0], $0xffff;
	[tilespmem:s19+$0xC30] =	vst v45  }
0x476: {  	[tilespmem:s1+$0xC50] =	vst v53;
	v57 =	vor.u32 v29, v43;
	v46 =	vld.idx.msk [tilespmem:v54+s15+$0x0], $0xffff  }
0x477: {  	v61 =	vor.u32 v29, v42;
	[tilespmem:s31+$0xC50] =	vst v37;
	v60 =	vld.idx.msk [tilespmem:v55+s15+$0x0], $0xffff  }
0x478: {  	v39 =	vld.idx.msk [tilespmem:v56+s15+$0x0], $0xffff;
	[tilespmem:s17+$0xC40] =	vst v40;
	v62 =	vor.u32 v30, v34  }
0x479: {  	v63 =	vor.u32 v31, v33;
	v51 =	vld.idx.msk [tilespmem:v58+s15+$0x0], $0xffff;
	[tilespmem:s23+$0xC40] =	vst v38  }
0x47a: {  	v52 =	vor.u32 v30, v35;
	[tilespmem:s16+$0xC40] =	vst v36;
	v38 =	vld.idx.msk [tilespmem:v59+s15+$0x0], $0xffff  }
0x47b: {  	v53 =	vor.u32 v30, v41;
	v36 =	vld.idx.msk [tilespmem:v57+s15+$0x0], $0xffff;
	[tilespmem:s19+$0xC40] =	vst v46  }
0x47c: {  	v50 =	vor.u32 v30, v43;
	[tilespmem:s0+$0xC60] =	vst v60;
	v37 =	vld.idx.msk [tilespmem:v61+s15+$0x0], $0xffff  }
0x47d: {  	v55 =	vor.u32 v30, v42;
	[tilespmem:s1+$0xC60] =	vst v39;
	v54 =	vld.idx.msk [tilespmem:v62+s15+$0x0], $0xffff  }
0x47e: {  	v56 =	vor.u32 v31, v32;
	v33 =	vld.idx.msk [tilespmem:v63+s15+$0x0], $0xffff;
	[tilespmem:s17+$0xC50] =	vst v51  }
0x47f: {  	v57 =	vor.u32 v31, v34;
	v59 =	vld.idx.msk [tilespmem:v52+s15+$0x0], $0xffff;
	[tilespmem:s23+$0xC50] =	vst v38  }
0x480: {  	v60 =	vor.u32 v31, v35;
	[tilespmem:s16+$0xC50] =	vst v36;
	v38 =	vld.idx.msk [tilespmem:v53+s15+$0x0], $0xffff  }
0x481: {  	v61 =	vor.u32 v31, v41;
	v36 =	vld.idx.msk [tilespmem:v50+s15+$0x0], $0xffff;
	[tilespmem:s19+$0xC50] =	vst v37  }
0x482: {  	v58 =	vor.u32 v31, v43;
	[tilespmem:s31+$0xC60] =	vst v54;
	v37 =	vld.idx.msk [tilespmem:v55+s15+$0x0], $0xffff  }
0x483: {  	v32 =	vld.idx.msk [tilespmem:v56+s15+$0x0], $0xffff;
	v62 =	vor.u32 v31, v42;
	[tilespmem:s0+$0xC70] =	vst v33  }
0x484: {  	v34 =	vld.idx.msk [tilespmem:v57+s15+$0x0], $0xffff;
	[tilespmem:s17+$0xC60] =	vst v59  }
0x485: {  	v35 =	vld.idx.msk [tilespmem:v60+s15+$0x0], $0xffff;
	[tilespmem:s23+$0xC60] =	vst v38  }
0x486: {  	[tilespmem:s16+$0xC60] =	vst v36;
	v38 =	vld.idx.msk [tilespmem:v61+s15+$0x0], $0xffff  }
0x487: {  	v36 =	vld.idx.msk [tilespmem:v58+s15+$0x0], $0xffff;
	[tilespmem:s19+$0xC60] =	vst v37  }
0x488: {  	[tilespmem:s1+$0xC70] =	vst v32;
	v63 =	vld.idx.msk [tilespmem:v62+s15+$0x0], $0xffff  }
0x489: {  	s21 =	sadd.s32 s3, s30;
	[tilespmem:s31+$0xC70] =	vst v34  }
0x48a: {  	s22 =	sshll.u32 s21, $0x2;
	[tilespmem:s17+$0xC70] =	vst v35  }
0x48b: {  	s0 =	sand.u32 $0xE00, s21;
	s1 =	sand.u32 $0x7FFFC000, s22;
	[tilespmem:s23+$0xC70] =	vst v38  }
0x48c: {  	s0 =	sor.u32 s0, s1;
	[tilespmem:s16+$0xC70] =	vst v36  }
0x48d: {  	s29 =	sadd.s32 $0x1, s29;
	s1 =	sadd.s32 s2, s0;
	s23 =	simm.s32 $0x12400;
	[tilespmem:s19+$0xC70] =	vst v63  }
0x48e: {  	[hbm4b:s1+s4] =	stream.linear.scatter [tilespmem:s23], [sflag:$0x4], $0x1000, $0x38;
	[tilespmem:$0x16400] =	vst v63  }
0x48f: {  	p0 =	sne.s32 s29, $0x19;
	s28 =	simm.s32 $0x13400;
	s25 =	sadd.s32 s0, s7  }
0x490: {  	[hbm4b:s25+s4] =	stream.linear.scatter [tilespmem:s28], [sflag:$0x4], $0x1000, $0x38;
	[tilespmem:$0x16400] =	vst v63  }
.Ltmp2:
0x491: {  	_ = 	snop;
	(pc) =	sbr.rel @p0 .LBB2_2-.Ltmp2, $4  }
0x492: {  	s30 =	sadd.s32 s0, s8;
	s31 =	simm.s32 $0x14400  }
0x493: {  	[hbm4b:s30+s4] =	stream.linear.scatter [tilespmem:s31], [sflag:$0x4], $0x1000, $0x38;
	[tilespmem:$0x16400] =	vst v63  }
0x494: {  	s0 =	sadd.s32 s0, s9  }
0x495: {  	[hbm4b:s0+s4] =	stream.linear.scatter [tilespmem:s24], [sflag:$0x4], $0x1000, $0x38;
	[tilespmem:$0x16400] =	vst v63  }
0x496: {  	s0 =	simm.s32 $0x3  }
0x497: {  	_ =	swait.ge [sflag:s0], $0x4000  }
0x498: {  	[sflag:s0] =	ssyncset.done $0x0  }
0x499: {  	[sflag:s0] =	ssyncadd.s32 $0xFFFFC000  }
0x49a: {  	_ =	swait.ge [sflag:s26], $0x4000  }
0x49b: {  	s1 =	rddreg [dreg:$0x5]  }
0x49c: {  	s31 =	rddreg [dreg:$0x4];
	s1 =	sadd.s32 $0x1, s1  }
0x49d: {  	p0 =	sne.s32 s1, s31  }
.Ltmp3:
0x49e: {  	_ = 	snop;
	(pc) =	sbr.rel @p0 .LBB2_1-.Ltmp3, $3  }
0x49f: {  	_ =	sdelay $0x1  }
0x4a0: {  	[sflag:s26] =	ssyncset.done $0x0  }
0x4a1: {  	[sflag:s26] =	ssyncadd.s32 $0xFFFFC000  }
0x4a2: {  	_ =	sfence.sel $0x180000  }
0x4a3: {  	[bflag:$0x0] =	sbarrier.arrive $0xFFFF  }
0x4a4: {  	_ =	strace $0x90000047  }
0x4a5: {  	s0 =	stileid.u32;
	[bflag:$0x2] =	sbarrier.arrive $0xFFFF  }
0x4a6: {  	p0 =	sne.s32 s0, $0x0;
	s0 =	rddreg [dreg:$0x2]  }
0x4a7: {  	s0 =	sadd.s32 @!p0 $0x100000, s0  }
0x4a8: {  	[sflag:s0] =	ssyncadd.tile.s32 @!p0 $0x1;
	_ =	shalt  }
.Lfunc_end2:
_tile_overlayer_lowered:
.L_overlay_start_2:
0x4a9: {  	(tag) =	ssettag $0x2  }
0x4aa: {  	s0 =	rddreg [dreg:$0x0];
	s2 =	stileid.u32  }
0x4ab: {  	s1 =	rddreg [dreg:$0x1];
	p0 =	sne.s32 s2, $0x0  }
0x4ac: {  	s3 =	rddreg [dreg:$0x2];
	[bflag:$0x3] =	sbarrier.arrive $0xFFFF;
	s2 =	simm.s32 @!p0 $0x1C05  }
0x4ad: {  	[timem:s3], [sflag:s2] =	dma.local @!p0 [hbm:s0], s1  }
0x4ae: {  	s0 =	simm.s32 @!p0 $0x5  }
0x4af: {  	_ =	swait.ge @!p0 [sflag:s0], s1  }
0x4b0: {  	s1 =	ssub.s32 @!p0 $0x0, s1;
	[sflag:s0] =	ssyncset.done @!p0 $0x0  }
0x4b1: {  	[sflag:s0] =	ssyncadd.s32 @!p0 s1  }
0x4b2: {  	[bflag:$0x3] =	sbarrier.arrive $0xFFFF  }
0x4b3: {  	_ =	shalt  }

</sc_bundles>
